<compile_context>
chip_gen: v7x
topology: tpu7x:2x2x1
jax: 0.10.2.dev20260603
libtpu: 0.0.44.dev20260713+nightly
codegen_flags: <defaults>
</compile_context>

<pallas_src>
import jax
import jax.numpy as jnp
from jax import lax
from jax.experimental import pallas as pl
from jax.experimental.pallas import tpu as pltpu
from jax.experimental.pallas import tpu_sc as plsc

N = 10000
NP = 10240
E = 320000
D = 128
CH = 128
NCH = E // CH
NWORK = 32
HALF = NP // 2
KMAX = -(-NCH // 16)
BN = 2048
BE = 12800


def _node_body(x_ref, nt_ref, hw_ref, hb_ref, wl_ref, wai_ref, waj_ref,
               xh_ref, m_ref, sd_ref, ss_ref):
    xb = x_ref[...]
    nt = nt_ref[...]
    acc = jnp.zeros((BN, D), dtype=jnp.float32)
    for t in range(3):
        pt = jnp.dot(xb, hw_ref[t], preferred_element_type=jnp.float32)
        pt = pt + hb_ref[pl.ds(t, 1), :]
        acc = jnp.where(nt == t, pt, acc)
    xh_ref[...] = acc
    m_ref[...] = jnp.dot(acc, wl_ref[...], preferred_element_type=jnp.float32)
    sd_ref[...] = jnp.dot(acc, wai_ref[...], preferred_element_type=jnp.float32)
    ss_ref[...] = jnp.dot(acc, waj_ref[...], preferred_element_type=jnp.float32)


def _node_stage(x_p, nt_p, hetero_W, hetero_b, wl_top, wa_i, wa_j):
    grid = (NP // BN,)
    return pl.pallas_call(
        _node_body,
        grid=grid,
        in_specs=[
            pl.BlockSpec((BN, D), lambda i: (i, 0)),
            pl.BlockSpec((BN, 1), lambda i: (i, 0)),
            pl.BlockSpec((3, D, D), lambda i: (0, 0, 0)),
            pl.BlockSpec((3, D), lambda i: (0, 0)),
            pl.BlockSpec((D, D), lambda i: (0, 0)),
            pl.BlockSpec((D, 1), lambda i: (0, 0)),
            pl.BlockSpec((D, 1), lambda i: (0, 0)),
        ],
        out_specs=[
            pl.BlockSpec((BN, D), lambda i: (i, 0)),
            pl.BlockSpec((BN, D), lambda i: (i, 0)),
            pl.BlockSpec((BN, 1), lambda i: (i, 0)),
            pl.BlockSpec((BN, 1), lambda i: (i, 0)),
        ],
        out_shape=[
            jax.ShapeDtypeStruct((NP, D), jnp.float32),
            jax.ShapeDtypeStruct((NP, D), jnp.float32),
            jax.ShapeDtypeStruct((NP, 1), jnp.float32),
            jax.ShapeDtypeStruct((NP, 1), jnp.float32),
        ],
    )(x_p, nt_p, hetero_W, hetero_b, wl_top, wa_i, wa_j)


def _edge_body(attrp_ref, w128_ref, wc_ref, ea_ref, c_ref):
    v = jnp.dot(attrp_ref[...], w128_ref[...],
                preferred_element_type=jnp.float32)
    eab = jnp.where(v >= 0, v, 0.2 * v)
    ea_ref[...] = eab
    c_ref[...] = jnp.dot(eab, wc_ref[...], preferred_element_type=jnp.float32)


def _edge_stage(attrp, w128, wc):
    grid = (E // BE,)
    return pl.pallas_call(
        _edge_body,
        grid=grid,
        in_specs=[
            pl.BlockSpec((BE // 8, 128), lambda i: (i, 0)),
            pl.BlockSpec((128, 128), lambda i: (0, 0)),
            pl.BlockSpec((128, 128), lambda i: (0, 0)),
        ],
        out_specs=[
            pl.BlockSpec((BE // 8, 128), lambda i: (i, 0)),
            pl.BlockSpec((BE // 8, 128), lambda i: (i, 0)),
        ],
        out_shape=[
            jax.ShapeDtypeStruct((E // 8, 128), jnp.float32),
            jax.ShapeDtypeStruct((E // 8, 128), jnp.float32),
        ],
    )(attrp, w128, wc)


def _sc_body(src_h, dst_h, et_h, c_h, ea_h, m_h, sd_h, ss_h, t5_h,
             outm_o, agg_o, den_o,
             sd_v, ss_v, den_v, t5_v, *bufs):
    (src0, dst0, et0, c0, sg0, dl0, ex0, eal0, eas0, mv0,
     src1, dst1, et1, c1, sg1, dl1, ex1, eal1, eas1, mv1,
     outm_sh, agg_sh,
     ls0, gs0, ms0, as0, ls1, gs1, ms1, as1) = bufs
    SRC = (src0, src1)
    DST = (dst0, dst1)
    ET = (et0, et1)
    CV = (c0, c1)
    SG = (sg0, sg1)
    DL = (dl0, dl1)
    EX = (ex0, ex1)
    EAL = (eal0, eal1)
    EAS = (eas0, eas1)
    MV = (mv0, mv1)
    LSEM = (ls0, ls1)
    GSEM = (gs0, gs1)
    MSEM = (ms0, ms1)
    ASEM = (as0, as1)

    cid = lax.axis_index("c")
    sid = lax.axis_index("s")
    wid = sid * 2 + cid
    lo = cid * HALF
    cnt = (NCH - sid + 15) // 16
    z16v = jnp.zeros((16,), jnp.float32)

    def zrow(i, _):
        for kk in range(D // 16):
            mv0[i, pl.ds(kk * 16, 16)] = z16v
        eas0[i, :] = z16v
        return 0

    lax.fori_loop(0, CH, zrow, 0)

    def zden(i, _):
        den_v[i, :] = z16v
        return 0

    lax.fori_loop(0, NP // 16, zden, 0)

    rpm = HALF // 16
    RB = 64
    for j in range(rpm // RB):
        r0 = sid * rpm + j * RB
        pltpu.sync_copy(mv0.at[pl.ds(0, RB), :],
                        outm_sh.at[pl.ds(r0, RB), :])
        pltpu.sync_copy(eas0.at[pl.ds(0, RB), :],
                        agg_sh.at[pl.ds(r0, RB), :])
    pltpu.sync_copy(sd_h, sd_v)
    pltpu.sync_copy(ss_h, ss_v)
    pltpu.sync_copy(t5_h, t5_v)
    plsc.subcore_barrier()

    def fire_loads(k, b):
        ci = sid + k * 16
        base = ci * CH
        pltpu.async_copy(src_h.at[pl.ds(base, CH)], SRC[b], LSEM[b])
        pltpu.async_copy(dst_h.at[pl.ds(base, CH)], DST[b], LSEM[b])
        pltpu.async_copy(et_h.at[pl.ds(base, CH)], ET[b], LSEM[b])
        pltpu.async_copy(c_h.at[pl.ds(ci * (CH // 8), CH // 8), :],
                         CV[b], LSEM[b])
        pltpu.async_copy(ea_h.at[pl.ds(ci * (CH // 8), CH // 8), :],
                         EAL[b], LSEM[b])

    def wait_loads(k, b):
        ci = sid + k * 16
        base = ci * CH
        pltpu.make_async_copy(src_h.at[pl.ds(base, CH)], SRC[b],
                              LSEM[b]).wait()
        pltpu.make_async_copy(dst_h.at[pl.ds(base, CH)], DST[b],
                              LSEM[b]).wait()
        pltpu.make_async_copy(et_h.at[pl.ds(base, CH)], ET[b],
                              LSEM[b]).wait()
        pltpu.make_async_copy(c_h.at[pl.ds(ci * (CH // 8), CH // 8), :],
                              CV[b], LSEM[b]).wait()
        pltpu.make_async_copy(ea_h.at[pl.ds(ci * (CH // 8), CH // 8), :],
                              EAL[b], LSEM[b]).wait()

    fire_loads(0, 0)

    def step(k, b):
        prev = 1 - b

        @pl.when(k + 1 < cnt)
        def _():
            fire_loads(k + 1, prev)

        @pl.when((k >= 2) & (k - 2 < cnt))
        def _():
            pltpu.make_async_copy(
                MV[b], outm_sh.at[plsc.Indices(DL[b], ignored_value=-1)],
                MSEM[b]).wait()
            pltpu.make_async_copy(
                EAS[b], agg_sh.at[plsc.Indices(DL[b], ignored_value=-1)],
                ASEM[b]).wait()

        @pl.when(k < cnt)
        def _():
            wait_loads(k, b)
            for g in range(CH // 16):
                sl = pl.ds(g * 16, 16)
                s16 = SRC[b][sl]
                dloc = DST[b][sl] - lo
                inh = (dloc >= 0) & (dloc < HALF)
                neg1 = jnp.zeros((16,), jnp.int32) - 1
                SG[b][sl] = jnp.where(inh, s16, neg1)
                DL[b][sl] = jnp.where(inh, dloc, neg1)
            pltpu.async_copy(
                m_h.at[plsc.Indices(SG[b], ignored_value=-1)], MV[b],
                GSEM[b])
            for g in range(CH // 16):
                sl = pl.ds(g * 16, 16)
                s16 = SRC[b][sl]
                d16 = DST[b][sl]
                inh = (d16 - lo >= 0) & (d16 - lo < HALF)
                iot = jax.lax.iota(jnp.int32, 16)
                c16 = plsc.load_gather(
                    CV[b], [2 * g + lax.shift_right_logical(iot, 3),
                            lax.bitwise_and(iot, 7) * 16])
                z = (plsc.load_gather(sd_v, [d16]) +
                     plsc.load_gather(ss_v, [s16]) +
                     plsc.load_gather(t5_v, [ET[b][sl]]) + c16)
                z = jnp.where(z >= 0, z, 0.2 * z)
                ex = jnp.exp(z)
                EX[b][sl] = ex
                plsc.addupdate_scatter(
                    den_v, [lax.shift_right_logical(d16, 4),
                            lax.bitwise_and(d16, 15)], ex, mask=inh)

            def ea_row(r, _):
                for q in range(8):
                    i = r * 8 + q
                    s = plsc.load_gather(
                        EX[b], [jnp.zeros((16,), jnp.int32) + i])
                    EAS[b][i, :] = EAL[b][r, pl.ds(q * 16, 16)] * s
                return 0

            lax.fori_loop(0, CH // 8, ea_row, 0)
            pltpu.async_copy(
                EAS[b], agg_sh.at[plsc.Indices(DL[b], ignored_value=-1)],
                ASEM[b], add=True)

        @pl.when((k >= 1) & (k - 1 < cnt))
        def _():
            pltpu.make_async_copy(
                m_h.at[plsc.Indices(SG[prev], ignored_value=-1)], MV[prev],
                GSEM[prev]).wait()

            def m_row(r, _):
                for u in range(4):
                    i = 4 * r + u
                    s = plsc.load_gather(EX[prev],
                                         [jnp.zeros((16,), jnp.int32) + i])
                    for kk in range(D // 16):
                        rsl = pl.ds(kk * 16, 16)
                        MV[prev][i, rsl] = MV[prev][i, rsl] * s
                return 0

            lax.fori_loop(0, CH // 4, m_row, 0)
            pltpu.async_copy(
                MV[prev], outm_sh.at[plsc.Indices(DL[prev],
                                                  ignored_value=-1)],
                MSEM[prev], add=True)

    def pair_body(kk, _):
        step(2 * kk, 0)
        step(2 * kk + 1, 1)
        return 0

    lax.fori_loop(0, (KMAX + 3) // 2, pair_body, 0)

    pltpu.sync_copy(den_v, den_o.at[wid])
    plsc.subcore_barrier()

    for j in range(rpm // RB):
        r0 = sid * rpm + j * RB
        pltpu.sync_copy(outm_sh.at[pl.ds(r0, RB), :], mv0.at[pl.ds(0, RB), :])
        pltpu.sync_copy(mv0.at[pl.ds(0, RB), :],
                        outm_o.at[cid, pl.ds(r0, RB), :])
        pltpu.sync_copy(agg_sh.at[pl.ds(r0, RB), :], eas0.at[pl.ds(0, RB), :])
        pltpu.sync_copy(eas0.at[pl.ds(0, RB), :],
                        agg_o.at[cid, pl.ds(r0, RB), :])


def _sc_stage(srcA, dstA, etA, cp, eap, m, sd, ss, t5_pad):
    mesh = plsc.VectorSubcoreMesh(core_axis_name="c", subcore_axis_name="s")
    fn = pl.kernel(
        _sc_body,
        out_type=[
            jax.ShapeDtypeStruct((2, HALF, D), jnp.float32),
            jax.ShapeDtypeStruct((2, HALF, 16), jnp.float32),
            jax.ShapeDtypeStruct((NWORK, NP // 16, 16), jnp.float32),
        ],
        mesh=mesh,
        compiler_params=pltpu.CompilerParams(
            needs_layout_passes=False, use_tc_tiling_on_sc=False),
        scratch_types=[
            pltpu.VMEM((NP,), jnp.float32),
            pltpu.VMEM((NP,), jnp.float32),
            pltpu.VMEM((NP // 16, 16), jnp.float32),
            pltpu.VMEM((16,), jnp.float32),
        ] + 2 * [
            pltpu.VMEM((CH,), jnp.int32),
            pltpu.VMEM((CH,), jnp.int32),
            pltpu.VMEM((CH,), jnp.int32),
            pltpu.VMEM((CH // 8, 128), jnp.float32),
            pltpu.VMEM((CH,), jnp.int32),
            pltpu.VMEM((CH,), jnp.int32),
            pltpu.VMEM((CH,), jnp.float32),
            pltpu.VMEM((CH // 8, 128), jnp.float32),
            pltpu.VMEM((CH, 16), jnp.float32),
            pltpu.VMEM((CH, D), jnp.float32),
        ] + [
            pltpu.VMEM_SHARED((HALF, D), jnp.float32),
            pltpu.VMEM_SHARED((HALF, 16), jnp.float32),
        ] + 8 * [pltpu.SemaphoreType.DMA],
    )
    return fn(srcA, dstA, etA, cp, eap, m, sd, ss, t5_pad)


def _den_body(den_ref, inv_ref, suma_ref):
    dsum = jnp.sum(den_ref[...], axis=0)
    inv = 1.0 / (dsum + 1e-16)
    inv_ref[...] = inv
    suma_ref[...] = dsum * inv


def _den_stage(den_p):
    return pl.pallas_call(
        _den_body,
        out_shape=[
            jax.ShapeDtypeStruct((NP // 16, 16), jnp.float32),
            jax.ShapeDtypeStruct((NP // 16, 16), jnp.float32),
        ],
    )(den_p)


def _comb_body(outm_ref, agg_ref, xh_ref, inv_ref, suma_ref, wb_ref, bl_ref,
               out_ref):
    core = outm_ref[...] + jnp.dot(
        agg_ref[...], wb_ref[...], preferred_element_type=jnp.float32)
    out_ref[...] = (core * inv_ref[...] + suma_ref[...] * bl_ref[...]
                    + xh_ref[...])


def _combine(outm_f, agg_f, xh, inv_col, suma_col, wb, bl_row):
    BC = 2000
    grid = (N // BC,)
    return pl.pallas_call(
        _comb_body,
        grid=grid,
        in_specs=[
            pl.BlockSpec((BC, D), lambda i: (i, 0)),
            pl.BlockSpec((BC, 16), lambda i: (i, 0)),
            pl.BlockSpec((BC, D), lambda i: (i, 0)),
            pl.BlockSpec((BC, 1), lambda i: (i, 0)),
            pl.BlockSpec((BC, 1), lambda i: (i, 0)),
            pl.BlockSpec((16, D), lambda i: (0, 0)),
            pl.BlockSpec((1, D), lambda i: (0, 0)),
        ],
        out_specs=pl.BlockSpec((BC, D), lambda i: (i, 0)),
        out_shape=jax.ShapeDtypeStruct((N, D), jnp.float32),
    )(outm_f, agg_f, xh, inv_col, suma_col, wb, bl_row)


def kernel(x, edge_index, node_type, edge_type, edge_attr, hetero_W,
           hetero_b, edge_type_emb_table, W_edge_attr, W_att, W_lin, b_lin):
    f32 = jnp.float32
    x_p = jnp.pad(x, ((0, NP - N), (0, 0)))
    nt_p = jnp.pad(node_type, (0, NP - N)).reshape(NP, 1)
    wa_i = W_att[:D, :1]
    wa_j = W_att[D:2 * D, :1]
    wa_a = W_att[2 * D + 16:, :1]
    wa_t = W_att[2 * D:2 * D + 16, 0]
    wl_top = W_lin[:D, :]
    wb = W_lin[D:, :]

    xh, m, sd2, ss2 = _node_stage(x_p, nt_p, hetero_W, hetero_b,
                                  wl_top, wa_i, wa_j)

    ete = edge_type_emb_table
    ete_l = jnp.where(ete >= 0, ete, 0.2 * ete)
    t5 = ete_l @ wa_t
    t5_pad = jnp.pad(t5, (0, 11)).astype(f32)

    attrp = edge_attr.reshape(E // 8, 128)
    eye8 = jnp.eye(8, dtype=f32)
    w128 = jnp.kron(eye8, W_edge_attr)
    wc = jnp.kron(eye8, wa_a @ jnp.ones((1, 16), f32))
    eap, cp = _edge_stage(attrp, w128, wc)

    srcA = edge_index[0]
    dstA = edge_index[1]
    sd = sd2.reshape(NP)
    ss = ss2.reshape(NP)
    outm_p, agg_p, den_p = _sc_stage(srcA, dstA, edge_type, cp, eap,
                                     m, sd, ss, t5_pad)

    outm_f = outm_p.reshape(NP, D)
    agg_f = agg_p.reshape(NP, 16)
    inv2, suma2 = _den_stage(den_p)
    inv_col = inv2.reshape(NP, 1)
    suma_col = suma2.reshape(NP, 1)
    bl_row = b_lin.reshape(1, D)
    return _combine(outm_f, agg_f, xh, inv_col, suma_col, wb, bl_row)

# --- scband reference (transcript-rebuilt; emitter-appended) ---
"""Pipeline reference for scband-heat-57775900066118 (READ-ONLY COPY).

The authoritative reference and input builder live on the scoring server;
editing this copy changes nothing except your own understanding.
"""

import jax, jax.numpy as jnp
import numpy as np

N = 10000
E = 320000
D_IN = 128
D_OUT = 128
T_NODE = 3
T_EDGE = 5
ETE_DIM = 16
EDGE_DIM = 16
EAE_DIM = 16
HEADS = 1
NEG = 0.2


def _lrelu(v):
    return jnp.where(v >= 0, v, NEG * v)


def setup_inputs(seed: int = 0):
    key = jax.random.key(seed)
    ks = jax.random.split(key, 12)
    x = jax.random.normal(ks[0], (N, D_IN), dtype=jnp.float32)
    edge_index = jax.random.randint(ks[1], (2, E), 0, N, dtype=jnp.int32)
    node_type = jax.random.randint(ks[2], (N,), 0, T_NODE, dtype=jnp.int32)
    edge_type = jax.random.randint(ks[3], (E,), 0, T_EDGE, dtype=jnp.int32)
    edge_attr = jax.random.normal(ks[4], (E, EDGE_DIM), dtype=jnp.float32)
    hetero_W = jax.random.normal(ks[5], (T_NODE, D_IN, D_OUT), dtype=jnp.float32) / np.sqrt(D_IN)
    hetero_b = jnp.zeros((T_NODE, D_OUT), dtype=jnp.float32)
    edge_type_emb_table = jax.random.normal(ks[6], (T_EDGE, ETE_DIM), dtype=jnp.float32)
    W_edge_attr = jax.random.normal(ks[7], (EDGE_DIM, EAE_DIM), dtype=jnp.float32) / np.sqrt(EDGE_DIM)
    W_att = jax.random.normal(ks[8], (2 * D_OUT + ETE_DIM + EAE_DIM, HEADS), dtype=jnp.float32) / np.sqrt(2 * D_OUT + ETE_DIM + EAE_DIM)
    W_lin = jax.random.normal(ks[9], (D_OUT + EAE_DIM, D_OUT), dtype=jnp.float32) / np.sqrt(D_OUT + EAE_DIM)
    b_lin = jnp.zeros((D_OUT,), dtype=jnp.float32)
    return {"x": x, "edge_index": edge_index, "node_type": node_type, "edge_type": edge_type, "edge_attr": edge_attr, "hetero_W": hetero_W, "hetero_b": hetero_b, "edge_type_emb_table": edge_type_emb_table, "W_edge_attr": W_edge_attr, "W_att": W_att, "W_lin": W_lin, "b_lin": b_lin}


def reference(x, edge_index, node_type, edge_type, edge_attr, hetero_W, hetero_b, edge_type_emb_table, W_edge_attr, W_att, W_lin, b_lin):
    # HeteroLinear: per-node-type projection, then select by node_type
    all_t = jnp.einsum('ni,tio->nto', x, hetero_W)
    xh = jnp.take_along_axis(all_t, node_type[:, None, None], axis=1)[:, 0, :] + hetero_b[node_type]
    # edge type embedding (leaky relu)
    ete = _lrelu(jnp.take(edge_type_emb_table, edge_type, axis=0))
    src = edge_index[0]
    dst = edge_index[1]
    x_j = jnp.take(xh, src, axis=0)
    x_i = jnp.take(xh, dst, axis=0)
    # edge attribute embedding (leaky relu)
    ea = _lrelu(edge_attr @ W_edge_attr)
    # attention logits per edge
    alpha = _lrelu(jnp.concatenate([x_i, x_j, ete, ea], axis=-1) @ W_att)  # [E, H]
    # segment softmax over destination nodes
    amax = jax.ops.segment_max(alpha, dst, num_segments=N)
    amax = jnp.where(jnp.isfinite(amax), amax, 0.0)
    ex = jnp.exp(alpha - jax.lax.stop_gradient(amax)[dst])
    denom = jax.ops.segment_sum(ex, dst, num_segments=N)
    alpha = ex / (denom[dst] + 1e-16)
    # message = lin([x_j, ea]) * alpha, scatter-add to dst
    msg = (jnp.concatenate([x_j, ea], axis=-1) @ W_lin + b_lin)[:, None, :] * alpha[:, :, None]  # [E, H, O]
    out = jax.ops.segment_sum(msg, dst, num_segments=N)  # [N, H, O]
    # concat=True, root_weight=True
    out = out + xh[:, None, :]
    return out.reshape(N, HEADS * D_OUT)

if __name__ == "__main__":
    import jax
    _d = setup_inputs()
    print(jax.jit(kernel)(*tuple(_d.values())))

</pallas_src>

<mosaic_0001>
#map = affine_map<(d0, d1) -> (0)>
#map1 = affine_map<(d0, d1) -> (0, 0)>
#map2 = affine_map<(d0, d1) -> (0, 0, 0)>
module attributes {stable_mosaic.version = 14 : i64} {
  func.func @_sc_body(%arg0: i32, %arg1: i32, %arg2: memref<320000xi32, #tpu.memory_space<hbm>>, %arg3: memref<320000xi32, #tpu.memory_space<hbm>>, %arg4: memref<320000xi32, #tpu.memory_space<hbm>>, %arg5: memref<40000x128xf32, #tpu.memory_space<hbm>>, %arg6: memref<40000x128xf32, #tpu.memory_space<hbm>>, %arg7: memref<10240x128xf32, #tpu.memory_space<hbm>>, %arg8: memref<10240xf32, #tpu.memory_space<hbm>>, %arg9: memref<10240xf32, #tpu.memory_space<hbm>>, %arg10: memref<16xf32, #tpu.memory_space<hbm>>, %arg11: memref<2x5120x128xf32, #tpu.memory_space<hbm>>, %arg12: memref<2x5120x16xf32, #tpu.memory_space<hbm>>, %arg13: memref<32x640x16xf32, #tpu.memory_space<hbm>>, %arg14: memref<10240xf32, #tpu.memory_space<vmem>>, %arg15: memref<10240xf32, #tpu.memory_space<vmem>>, %arg16: memref<640x16xf32, #tpu.memory_space<vmem>>, %arg17: memref<16xf32, #tpu.memory_space<vmem>>, %arg18: memref<128xi32, #tpu.memory_space<vmem>>, %arg19: memref<128xi32, #tpu.memory_space<vmem>>, %arg20: memref<128xi32, #tpu.memory_space<vmem>>, %arg21: memref<16x128xf32, #tpu.memory_space<vmem>>, %arg22: memref<128xi32, #tpu.memory_space<vmem>>, %arg23: memref<128xi32, #tpu.memory_space<vmem>>, %arg24: memref<128xf32, #tpu.memory_space<vmem>>, %arg25: memref<16x128xf32, #tpu.memory_space<vmem>>, %arg26: memref<128x16xf32, #tpu.memory_space<vmem>>, %arg27: memref<128x128xf32, #tpu.memory_space<vmem>>, %arg28: memref<128xi32, #tpu.memory_space<vmem>>, %arg29: memref<128xi32, #tpu.memory_space<vmem>>, %arg30: memref<128xi32, #tpu.memory_space<vmem>>, %arg31: memref<16x128xf32, #tpu.memory_space<vmem>>, %arg32: memref<128xi32, #tpu.memory_space<vmem>>, %arg33: memref<128xi32, #tpu.memory_space<vmem>>, %arg34: memref<128xf32, #tpu.memory_space<vmem>>, %arg35: memref<16x128xf32, #tpu.memory_space<vmem>>, %arg36: memref<128x16xf32, #tpu.memory_space<vmem>>, %arg37: memref<128x128xf32, #tpu.memory_space<vmem>>, %arg38: memref<5120x128xf32, #tpu.memory_space<vmem_shared>>, %arg39: memref<5120x16xf32, #tpu.memory_space<vmem_shared>>, %arg40: memref<!tpu.dma_semaphore, #tpu.memory_space<semaphore_mem>>, %arg41: memref<!tpu.dma_semaphore, #tpu.memory_space<semaphore_mem>>, %arg42: memref<!tpu.dma_semaphore, #tpu.memory_space<semaphore_mem>>, %arg43: memref<!tpu.dma_semaphore, #tpu.memory_space<semaphore_mem>>, %arg44: memref<!tpu.dma_semaphore, #tpu.memory_space<semaphore_mem>>, %arg45: memref<!tpu.dma_semaphore, #tpu.memory_space<semaphore_mem>>, %arg46: memref<!tpu.dma_semaphore, #tpu.memory_space<semaphore_mem>>, %arg47: memref<!tpu.dma_semaphore, #tpu.memory_space<semaphore_mem>>) attributes {dimension_semantics = [#tpu.dimension_semantics<core_parallel>, #tpu.dimension_semantics<subcore_parallel>], iteration_bounds = array<i64: 2, 16>, scalar_prefetch = 0 : i64, scratch_operands = 34 : i64, tpu.core_type = #tpu.core_type<sc_vector_subcore>, window_params = [{transform_indices = #map}, {transform_indices = #map}, {transform_indices = #map}, {transform_indices = #map1}, {transform_indices = #map1}, {transform_indices = #map1}, {transform_indices = #map}, {transform_indices = #map}, {transform_indices = #map}, {transform_indices = #map2}, {transform_indices = #map2}, {transform_indices = #map2}]} {
    %mul3A = arith.constant 2 : i32
    %mul3A_0 = arith.muli %arg1, %mul3A : i32
    %add3A = arith.addi %mul3A_0, %arg0 : i32
    %mul3A_1 = arith.constant 5120 : i32
    %mul3A_2 = arith.muli %arg0, %mul3A_1 : i32
    %sub3A = arith.constant 2500 : i32
    %sub3A_3 = arith.subi %sub3A, %arg1 : i32
    %add3A_4 = arith.constant 15 : i32
    %add3A_5 = arith.addi %sub3A_3, %add3A_4 : i32
    %jit3A = arith.constant 16 : i32
    %div3A = arith.divsi %add3A_5, %jit3A : i32
    %sign3A = arith.constant 0 : i32
    %sign3A_6 = arith.cmpi sgt, %add3A_5, %sign3A : i32
    %sign3A_7 = arith.extui %sign3A_6 : i1 to i32
    %sign3A_8 = arith.constant 0 : i32
    %sign3A_9 = arith.cmpi slt, %add3A_5, %sign3A_8 : i32
    %sign3A_10 = arith.extui %sign3A_9 : i1 to i32
    %sign3A_11 = arith.subi %sign3A_7, %sign3A_10 : i32
    %sign3A_12 = arith.constant 0 : i32
    %sign3A_13 = arith.cmpi sgt, %jit3A, %sign3A_12 : i32
    %sign3A_14 = arith.extui %sign3A_13 : i1 to i32
    %sign3A_15 = arith.constant 0 : i32
    %sign3A_16 = arith.cmpi slt, %jit3A, %sign3A_15 : i32
    %sign3A_17 = arith.extui %sign3A_16 : i1 to i32
    %sign3A_18 = arith.subi %sign3A_14, %sign3A_17 : i32
    %ne3A = arith.cmpi ne, %sign3A_11, %sign3A_18 : i32
    %rem3A = arith.remsi %add3A_5, %jit3A : i32
    %ne3A_19 = arith.constant 0 : i32
    %ne3A_20 = arith.cmpi ne, %rem3A, %ne3A_19 : i32
    %and3A = arith.andi %ne3A, %ne3A_20 : i1
    %sub3A_21 = arith.constant 1 : i32
    %sub3A_22 = arith.subi %div3A, %sub3A_21 : i32
    %select_n3A = arith.select %and3A, %sub3A_22, %div3A : i32
    %broadcast_in_dim3A = arith.constant 0.000000e+00 : f32
    %broadcast_in_dim3A_23 = vector.broadcast %broadcast_in_dim3A : f32 to vector<16xf32>
    %scan3A = arith.constant 0 : i32
    %scan3A_24 = arith.constant 0 : i32
    %scan3A_25 = arith.constant 128 : i32
    %scan3A_26 = arith.addi %scan3A_24, %scan3A_25 : i32
    %scan3A_27 = arith.constant 1 : i32
    %scan3A_28 = scf.for %scan3A_106 = %scan3A_24 to %scan3A_26 step %scan3A_27 iter_args(%scan3A_107 = %scan3A) -> (i32)  : i32 {
      %swap3A = arith.index_cast %scan3A_106 : i32 to index
      %swap3A_108 = arith.constant 0 : index
      %swap3A_109 = tpu.vector_load %arg27[%swap3A, %swap3A_108] {strides = array<i32>} : memref<128x128xf32, #tpu.memory_space<vmem>>, vector<16xf32>,
      tpu.vector_store %arg27[%swap3A, %swap3A_108], %broadcast_in_dim3A_23 {strides = array<i32>} : memref<128x128xf32, #tpu.memory_space<vmem>>, vector<16xf32>,
      %swap3A_110 = arith.index_cast %scan3A_106 : i32 to index
      %swap3A_111 = arith.constant 16 : index
      %swap3A_112 = tpu.vector_load %arg27[%swap3A_110, %swap3A_111] {strides = array<i32>} : memref<128x128xf32, #tpu.memory_space<vmem>>, vector<16xf32>,
      tpu.vector_store %arg27[%swap3A_110, %swap3A_111], %broadcast_in_dim3A_23 {strides = array<i32>} : memref<128x128xf32, #tpu.memory_space<vmem>>, vector<16xf32>,
      %swap3A_113 = arith.index_cast %scan3A_106 : i32 to index
      %swap3A_114 = arith.constant 32 : index
      %swap3A_115 = tpu.vector_load %arg27[%swap3A_113, %swap3A_114] {strides = array<i32>} : memref<128x128xf32, #tpu.memory_space<vmem>>, vector<16xf32>,
      tpu.vector_store %arg27[%swap3A_113, %swap3A_114], %broadcast_in_dim3A_23 {strides = array<i32>} : memref<128x128xf32, #tpu.memory_space<vmem>>, vector<16xf32>,
      %swap3A_116 = arith.index_cast %scan3A_106 : i32 to index
      %swap3A_117 = arith.constant 48 : index
      %swap3A_118 = tpu.vector_load %arg27[%swap3A_116, %swap3A_117] {strides = array<i32>} : memref<128x128xf32, #tpu.memory_space<vmem>>, vector<16xf32>,
      tpu.vector_store %arg27[%swap3A_116, %swap3A_117], %broadcast_in_dim3A_23 {strides = array<i32>} : memref<128x128xf32, #tpu.memory_space<vmem>>, vector<16xf32>,
      %swap3A_119 = arith.index_cast %scan3A_106 : i32 to index
      %swap3A_120 = arith.constant 64 : index
      %swap3A_121 = tpu.vector_load %arg27[%swap3A_119, %swap3A_120] {strides = array<i32>} : memref<128x128xf32, #tpu.memory_space<vmem>>, vector<16xf32>,
      tpu.vector_store %arg27[%swap3A_119, %swap3A_120], %broadcast_in_dim3A_23 {strides = array<i32>} : memref<128x128xf32, #tpu.memory_space<vmem>>, vector<16xf32>,
      %swap3A_122 = arith.index_cast %scan3A_106 : i32 to index
      %swap3A_123 = arith.constant 80 : index
      %swap3A_124 = tpu.vector_load %arg27[%swap3A_122, %swap3A_123] {strides = array<i32>} : memref<128x128xf32, #tpu.memory_space<vmem>>, vector<16xf32>,
      tpu.vector_store %arg27[%swap3A_122, %swap3A_123], %broadcast_in_dim3A_23 {strides = array<i32>} : memref<128x128xf32, #tpu.memory_space<vmem>>, vector<16xf32>,
      %swap3A_125 = arith.index_cast %scan3A_106 : i32 to index
      %swap3A_126 = arith.constant 96 : index
      %swap3A_127 = tpu.vector_load %arg27[%swap3A_125, %swap3A_126] {strides = array<i32>} : memref<128x128xf32, #tpu.memory_space<vmem>>, vector<16xf32>,
      tpu.vector_store %arg27[%swap3A_125, %swap3A_126], %broadcast_in_dim3A_23 {strides = array<i32>} : memref<128x128xf32, #tpu.memory_space<vmem>>, vector<16xf32>,
      %swap3A_128 = arith.index_cast %scan3A_106 : i32 to index
      %swap3A_129 = arith.constant 112 : index
      %swap3A_130 = tpu.vector_load %arg27[%swap3A_128, %swap3A_129] {strides = array<i32>} : memref<128x128xf32, #tpu.memory_space<vmem>>, vector<16xf32>,
      tpu.vector_store %arg27[%swap3A_128, %swap3A_129], %broadcast_in_dim3A_23 {strides = array<i32>} : memref<128x128xf32, #tpu.memory_space<vmem>>, vector<16xf32>,
      %swap3A_131 = arith.index_cast %scan3A_106 : i32 to index
      %swap3A_132 = arith.constant 0 : index
      %swap3A_133 = tpu.vector_load %arg26[%swap3A_131, %swap3A_132] {strides = array<i32>} : memref<128x16xf32, #tpu.memory_space<vmem>>, vector<16xf32>,
      tpu.vector_store %arg26[%swap3A_131, %swap3A_132], %broadcast_in_dim3A_23 {strides = array<i32>} : memref<128x16xf32, #tpu.memory_space<vmem>>, vector<16xf32>,
      %scan3A_134 = arith.constant 0 : i32
      scf.yield %scan3A_134 : i32
    }
    %scan3A_29 = arith.constant 128 : i32
    %scan3A_30 = arith.constant 0 : i32
    %scan3A_31 = arith.constant 0 : i32
    %scan3A_32 = arith.constant 640 : i32
    %scan3A_33 = arith.addi %scan3A_31, %scan3A_32 : i32
    %scan3A_34 = arith.constant 1 : i32
    %scan3A_35 = scf.for %scan3A_106 = %scan3A_31 to %scan3A_33 step %scan3A_34 iter_args(%scan3A_107 = %scan3A_30) -> (i32)  : i32 {
      %swap3A = arith.index_cast %scan3A_106 : i32 to index
      %swap3A_108 = arith.constant 0 : index
      %swap3A_109 = tpu.vector_load %arg16[%swap3A, %swap3A_108] {strides = array<i32>} : memref<640x16xf32, #tpu.memory_space<vmem>>, vector<16xf32>,
      tpu.vector_store %arg16[%swap3A, %swap3A_108], %broadcast_in_dim3A_23 {strides = array<i32>} : memref<640x16xf32, #tpu.memory_space<vmem>>, vector<16xf32>,
      %scan3A_110 = arith.constant 0 : i32
      scf.yield %scan3A_110 : i32
    }
    %scan3A_36 = arith.constant 640 : i32
    %mul3A_37 = arith.constant 320 : i32
    %mul3A_38 = arith.muli %arg1, %mul3A_37 : i32
    %add3A_39 = arith.constant 0 : i32
    %add3A_40 = arith.addi %mul3A_38, %add3A_39 : i32
    "tpu.region"() ({
      %run_scoped3A = tpu.sem_alloc : memref<!tpu.dma_semaphore, #tpu.memory_space<semaphore_mem>>
      %dma_start3A_106 = arith.constant 0 : i32
      %dma_start3A_107 = arith.constant 0 : i32
      %dma_start3A_108 = tpu.memref_slice %arg27[%dma_start3A_106, %dma_start3A_107] : memref<128x128xf32, #tpu.memory_space<vmem>> -> memref<64x128xf32, #tpu.memory_space<vmem>>
      %dma_start3A_109 = arith.constant 0 : i32
      %dma_start3A_110 = tpu.memref_slice %arg38[%add3A_40, %dma_start3A_109] : memref<5120x128xf32, #tpu.memory_space<vmem_shared>> -> memref<64x128xf32, #tpu.memory_space<vmem_shared>>
      %dma_start3A_111 = arith.constant 0 : i32
      %dma_start3A_112 = tpu.memref_slice %arg38[%add3A_40, %dma_start3A_111] : memref<5120x128xf32, #tpu.memory_space<vmem_shared>> -> memref<64x128xf32, #tpu.memory_space<vmem_shared>>
      %dma_start3A_113 = arith.constant 0 : i32
      %dma_start3A_114 = arith.constant 0 : i32
      %dma_start3A_115 = tpu.memref_slice %arg27[%dma_start3A_113, %dma_start3A_114] : memref<128x128xf32, #tpu.memory_space<vmem>> -> memref<64x128xf32, #tpu.memory_space<vmem>>
      tpu.enqueue_dma source(%dma_start3A_115 : memref<64x128xf32, #tpu.memory_space<vmem>>) target(%dma_start3A_112 : memref<64x128xf32, #tpu.memory_space<vmem_shared>>) target_semaphore(%run_scoped3A : memref<!tpu.dma_semaphore, #tpu.memory_space<semaphore_mem>>)
      %dma_wait3A = arith.constant 0 : i32
      %dma_wait3A_116 = arith.constant 0 : i32
      %dma_wait3A_117 = tpu.memref_slice %arg27[%dma_wait3A, %dma_wait3A_116] : memref<128x128xf32, #tpu.memory_space<vmem>> -> memref<64x128xf32, #tpu.memory_space<vmem>>
      %dma_wait3A_118 = arith.constant 0 : i32
      %dma_wait3A_119 = tpu.memref_slice %arg38[%add3A_40, %dma_wait3A_118] : memref<5120x128xf32, #tpu.memory_space<vmem_shared>> -> memref<64x128xf32, #tpu.memory_space<vmem_shared>>
      %dma_wait3A_120 = arith.constant 0 : i32
      %dma_wait3A_121 = tpu.memref_slice %arg38[%add3A_40, %dma_wait3A_120] : memref<5120x128xf32, #tpu.memory_space<vmem_shared>> -> memref<64x128xf32, #tpu.memory_space<vmem_shared>>
      %dma_wait3A_122 = arith.constant 0 : i32
      %dma_wait3A_123 = arith.constant 0 : i32
      %dma_wait3A_124 = tpu.memref_slice %arg27[%dma_wait3A_122, %dma_wait3A_123] : memref<128x128xf32, #tpu.memory_space<vmem>> -> memref<64x128xf32, #tpu.memory_space<vmem>>
      tpu.wait_dma2 semaphore(%run_scoped3A : memref<!tpu.dma_semaphore, #tpu.memory_space<semaphore_mem>>) src(%dma_wait3A_124 : memref<64x128xf32, #tpu.memory_space<vmem>>) dst(%dma_wait3A_121 : memref<64x128xf32, #tpu.memory_space<vmem_shared>>)
      tpu.yield
    }) : () -> ()
    "tpu.region"() ({
      %run_scoped3A = tpu.sem_alloc : memref<!tpu.dma_semaphore, #tpu.memory_space<semaphore_mem>>
      %dma_start3A_106 = arith.constant 0 : i32
      %dma_start3A_107 = arith.constant 0 : i32
      %dma_start3A_108 = tpu.memref_slice %arg26[%dma_start3A_106, %dma_start3A_107] : memref<128x16xf32, #tpu.memory_space<vmem>> -> memref<64x16xf32, #tpu.memory_space<vmem>>
      %dma_start3A_109 = arith.constant 0 : i32
      %dma_start3A_110 = tpu.memref_slice %arg39[%add3A_40, %dma_start3A_109] : memref<5120x16xf32, #tpu.memory_space<vmem_shared>> -> memref<64x16xf32, #tpu.memory_space<vmem_shared>>
      %dma_start3A_111 = arith.constant 0 : i32
      %dma_start3A_112 = tpu.memref_slice %arg39[%add3A_40, %dma_start3A_111] : memref<5120x16xf32, #tpu.memory_space<vmem_shared>> -> memref<64x16xf32, #tpu.memory_space<vmem_shared>>
      %dma_start3A_113 = arith.constant 0 : i32
      %dma_start3A_114 = arith.constant 0 : i32
      %dma_start3A_115 = tpu.memref_slice %arg26[%dma_start3A_113, %dma_start3A_114] : memref<128x16xf32, #tpu.memory_space<vmem>> -> memref<64x16xf32, #tpu.memory_space<vmem>>
      tpu.enqueue_dma source(%dma_start3A_115 : memref<64x16xf32, #tpu.memory_space<vmem>>) target(%dma_start3A_112 : memref<64x16xf32, #tpu.memory_space<vmem_shared>>) target_semaphore(%run_scoped3A : memref<!tpu.dma_semaphore, #tpu.memory_space<semaphore_mem>>)
      %dma_wait3A = arith.constant 0 : i32
      %dma_wait3A_116 = arith.constant 0 : i32
      %dma_wait3A_117 = tpu.memref_slice %arg26[%dma_wait3A, %dma_wait3A_116] : memref<128x16xf32, #tpu.memory_space<vmem>> -> memref<64x16xf32, #tpu.memory_space<vmem>>
      %dma_wait3A_118 = arith.constant 0 : i32
      %dma_wait3A_119 = tpu.memref_slice %arg39[%add3A_40, %dma_wait3A_118] : memref<5120x16xf32, #tpu.memory_space<vmem_shared>> -> memref<64x16xf32, #tpu.memory_space<vmem_shared>>
      %dma_wait3A_120 = arith.constant 0 : i32
      %dma_wait3A_121 = tpu.memref_slice %arg39[%add3A_40, %dma_wait3A_120] : memref<5120x16xf32, #tpu.memory_space<vmem_shared>> -> memref<64x16xf32, #tpu.memory_space<vmem_shared>>
      %dma_wait3A_122 = arith.constant 0 : i32
      %dma_wait3A_123 = arith.constant 0 : i32
      %dma_wait3A_124 = tpu.memref_slice %arg26[%dma_wait3A_122, %dma_wait3A_123] : memref<128x16xf32, #tpu.memory_space<vmem>> -> memref<64x16xf32, #tpu.memory_space<vmem>>
      tpu.wait_dma2 semaphore(%run_scoped3A : memref<!tpu.dma_semaphore, #tpu.memory_space<semaphore_mem>>) src(%dma_wait3A_124 : memref<64x16xf32, #tpu.memory_space<vmem>>) dst(%dma_wait3A_121 : memref<64x16xf32, #tpu.memory_space<vmem_shared>>)
      tpu.yield
    }) : () -> ()
    %mul3A_41 = arith.constant 320 : i32
    %mul3A_42 = arith.muli %arg1, %mul3A_41 : i32
    %add3A_43 = arith.constant 64 : i32
    %add3A_44 = arith.addi %mul3A_42, %add3A_43 : i32
    "tpu.region"() ({
      %run_scoped3A = tpu.sem_alloc : memref<!tpu.dma_semaphore, #tpu.memory_space<semaphore_mem>>
      %dma_start3A_106 = arith.constant 0 : i32
      %dma_start3A_107 = arith.constant 0 : i32
      %dma_start3A_108 = tpu.memref_slice %arg27[%dma_start3A_106, %dma_start3A_107] : memref<128x128xf32, #tpu.memory_space<vmem>> -> memref<64x128xf32, #tpu.memory_space<vmem>>
      %dma_start3A_109 = arith.constant 0 : i32
      %dma_start3A_110 = tpu.memref_slice %arg38[%add3A_44, %dma_start3A_109] : memref<5120x128xf32, #tpu.memory_space<vmem_shared>> -> memref<64x128xf32, #tpu.memory_space<vmem_shared>>
      %dma_start3A_111 = arith.constant 0 : i32
      %dma_start3A_112 = tpu.memref_slice %arg38[%add3A_44, %dma_start3A_111] : memref<5120x128xf32, #tpu.memory_space<vmem_shared>> -> memref<64x128xf32, #tpu.memory_space<vmem_shared>>
      %dma_start3A_113 = arith.constant 0 : i32
      %dma_start3A_114 = arith.constant 0 : i32
      %dma_start3A_115 = tpu.memref_slice %arg27[%dma_start3A_113, %dma_start3A_114] : memref<128x128xf32, #tpu.memory_space<vmem>> -> memref<64x128xf32, #tpu.memory_space<vmem>>
      tpu.enqueue_dma source(%dma_start3A_115 : memref<64x128xf32, #tpu.memory_space<vmem>>) target(%dma_start3A_112 : memref<64x128xf32, #tpu.memory_space<vmem_shared>>) target_semaphore(%run_scoped3A : memref<!tpu.dma_semaphore, #tpu.memory_space<semaphore_mem>>)
      %dma_wait3A = arith.constant 0 : i32
      %dma_wait3A_116 = arith.constant 0 : i32
      %dma_wait3A_117 = tpu.memref_slice %arg27[%dma_wait3A, %dma_wait3A_116] : memref<128x128xf32, #tpu.memory_space<vmem>> -> memref<64x128xf32, #tpu.memory_space<vmem>>
      %dma_wait3A_118 = arith.constant 0 : i32
      %dma_wait3A_119 = tpu.memref_slice %arg38[%add3A_44, %dma_wait3A_118] : memref<5120x128xf32, #tpu.memory_space<vmem_shared>> -> memref<64x128xf32, #tpu.memory_space<vmem_shared>>
      %dma_wait3A_120 = arith.constant 0 : i32
      %dma_wait3A_121 = tpu.memref_slice %arg38[%add3A_44, %dma_wait3A_120] : memref<5120x128xf32, #tpu.memory_space<vmem_shared>> -> memref<64x128xf32, #tpu.memory_space<vmem_shared>>
      %dma_wait3A_122 = arith.constant 0 : i32
      %dma_wait3A_123 = arith.constant 0 : i32
      %dma_wait3A_124 = tpu.memref_slice %arg27[%dma_wait3A_122, %dma_wait3A_123] : memref<128x128xf32, #tpu.memory_space<vmem>> -> memref<64x128xf32, #tpu.memory_space<vmem>>
      tpu.wait_dma2 semaphore(%run_scoped3A : memref<!tpu.dma_semaphore, #tpu.memory_space<semaphore_mem>>) src(%dma_wait3A_124 : memref<64x128xf32, #tpu.memory_space<vmem>>) dst(%dma_wait3A_121 : memref<64x128xf32, #tpu.memory_space<vmem_shared>>)
      tpu.yield
    }) : () -> ()
    "tpu.region"() ({
      %run_scoped3A = tpu.sem_alloc : memref<!tpu.dma_semaphore, #tpu.memory_space<semaphore_mem>>
      %dma_start3A_106 = arith.constant 0 : i32
      %dma_start3A_107 = arith.constant 0 : i32
      %dma_start3A_108 = tpu.memref_slice %arg26[%dma_start3A_106, %dma_start3A_107] : memref<128x16xf32, #tpu.memory_space<vmem>> -> memref<64x16xf32, #tpu.memory_space<vmem>>
      %dma_start3A_109 = arith.constant 0 : i32
      %dma_start3A_110 = tpu.memref_slice %arg39[%add3A_44, %dma_start3A_109] : memref<5120x16xf32, #tpu.memory_space<vmem_shared>> -> memref<64x16xf32, #tpu.memory_space<vmem_shared>>
      %dma_start3A_111 = arith.constant 0 : i32
      %dma_start3A_112 = tpu.memref_slice %arg39[%add3A_44, %dma_start3A_111] : memref<5120x16xf32, #tpu.memory_space<vmem_shared>> -> memref<64x16xf32, #tpu.memory_space<vmem_shared>>
      %dma_start3A_113 = arith.constant 0 : i32
      %dma_start3A_114 = arith.constant 0 : i32
      %dma_start3A_115 = tpu.memref_slice %arg26[%dma_start3A_113, %dma_start3A_114] : memref<128x16xf32, #tpu.memory_space<vmem>> -> memref<64x16xf32, #tpu.memory_space<vmem>>
      tpu.enqueue_dma source(%dma_start3A_115 : memref<64x16xf32, #tpu.memory_space<vmem>>) target(%dma_start3A_112 : memref<64x16xf32, #tpu.memory_space<vmem_shared>>) target_semaphore(%run_scoped3A : memref<!tpu.dma_semaphore, #tpu.memory_space<semaphore_mem>>)
      %dma_wait3A = arith.constant 0 : i32
      %dma_wait3A_116 = arith.constant 0 : i32
      %dma_wait3A_117 = tpu.memref_slice %arg26[%dma_wait3A, %dma_wait3A_116] : memref<128x16xf32, #tpu.memory_space<vmem>> -> memref<64x16xf32, #tpu.memory_space<vmem>>
      %dma_wait3A_118 = arith.constant 0 : i32
      %dma_wait3A_119 = tpu.memref_slice %arg39[%add3A_44, %dma_wait3A_118] : memref<5120x16xf32, #tpu.memory_space<vmem_shared>> -> memref<64x16xf32, #tpu.memory_space<vmem_shared>>
      %dma_wait3A_120 = arith.constant 0 : i32
      %dma_wait3A_121 = tpu.memref_slice %arg39[%add3A_44, %dma_wait3A_120] : memref<5120x16xf32, #tpu.memory_space<vmem_shared>> -> memref<64x16xf32, #tpu.memory_space<vmem_shared>>
      %dma_wait3A_122 = arith.constant 0 : i32
      %dma_wait3A_123 = arith.constant 0 : i32
      %dma_wait3A_124 = tpu.memref_slice %arg26[%dma_wait3A_122, %dma_wait3A_123] : memref<128x16xf32, #tpu.memory_space<vmem>> -> memref<64x16xf32, #tpu.memory_space<vmem>>
      tpu.wait_dma2 semaphore(%run_scoped3A : memref<!tpu.dma_semaphore, #tpu.memory_space<semaphore_mem>>) src(%dma_wait3A_124 : memref<64x16xf32, #tpu.memory_space<vmem>>) dst(%dma_wait3A_121 : memref<64x16xf32, #tpu.memory_space<vmem_shared>>)
      tpu.yield
    }) : () -> ()
    %mul3A_45 = arith.constant 320 : i32
    %mul3A_46 = arith.muli %arg1, %mul3A_45 : i32
    %add3A_47 = arith.constant 128 : i32
    %add3A_48 = arith.addi %mul3A_46, %add3A_47 : i32
    "tpu.region"() ({
      %run_scoped3A = tpu.sem_alloc : memref<!tpu.dma_semaphore, #tpu.memory_space<semaphore_mem>>
      %dma_start3A_106 = arith.constant 0 : i32
      %dma_start3A_107 = arith.constant 0 : i32
      %dma_start3A_108 = tpu.memref_slice %arg27[%dma_start3A_106, %dma_start3A_107] : memref<128x128xf32, #tpu.memory_space<vmem>> -> memref<64x128xf32, #tpu.memory_space<vmem>>
      %dma_start3A_109 = arith.constant 0 : i32
      %dma_start3A_110 = tpu.memref_slice %arg38[%add3A_48, %dma_start3A_109] : memref<5120x128xf32, #tpu.memory_space<vmem_shared>> -> memref<64x128xf32, #tpu.memory_space<vmem_shared>>
      %dma_start3A_111 = arith.constant 0 : i32
      %dma_start3A_112 = tpu.memref_slice %arg38[%add3A_48, %dma_start3A_111] : memref<5120x128xf32, #tpu.memory_space<vmem_shared>> -> memref<64x128xf32, #tpu.memory_space<vmem_shared>>
      %dma_start3A_113 = arith.constant 0 : i32
      %dma_start3A_114 = arith.constant 0 : i32
      %dma_start3A_115 = tpu.memref_slice %arg27[%dma_start3A_113, %dma_start3A_114] : memref<128x128xf32, #tpu.memory_space<vmem>> -> memref<64x128xf32, #tpu.memory_space<vmem>>
      tpu.enqueue_dma source(%dma_start3A_115 : memref<64x128xf32, #tpu.memory_space<vmem>>) target(%dma_start3A_112 : memref<64x128xf32, #tpu.memory_space<vmem_shared>>) target_semaphore(%run_scoped3A : memref<!tpu.dma_semaphore, #tpu.memory_space<semaphore_mem>>)
      %dma_wait3A = arith.constant 0 : i32
      %dma_wait3A_116 = arith.constant 0 : i32
      %dma_wait3A_117 = tpu.memref_slice %arg27[%dma_wait3A, %dma_wait3A_116] : memref<128x128xf32, #tpu.memory_space<vmem>> -> memref<64x128xf32, #tpu.memory_space<vmem>>
      %dma_wait3A_118 = arith.constant 0 : i32
      %dma_wait3A_119 = tpu.memref_slice %arg38[%add3A_48, %dma_wait3A_118] : memref<5120x128xf32, #tpu.memory_space<vmem_shared>> -> memref<64x128xf32, #tpu.memory_space<vmem_shared>>
      %dma_wait3A_120 = arith.constant 0 : i32
      %dma_wait3A_121 = tpu.memref_slice %arg38[%add3A_48, %dma_wait3A_120] : memref<5120x128xf32, #tpu.memory_space<vmem_shared>> -> memref<64x128xf32, #tpu.memory_space<vmem_shared>>
      %dma_wait3A_122 = arith.constant 0 : i32
      %dma_wait3A_123 = arith.constant 0 : i32
      %dma_wait3A_124 = tpu.memref_slice %arg27[%dma_wait3A_122, %dma_wait3A_123] : memref<128x128xf32, #tpu.memory_space<vmem>> -> memref<64x128xf32, #tpu.memory_space<vmem>>
      tpu.wait_dma2 semaphore(%run_scoped3A : memref<!tpu.dma_semaphore, #tpu.memory_space<semaphore_mem>>) src(%dma_wait3A_124 : memref<64x128xf32, #tpu.memory_space<vmem>>) dst(%dma_wait3A_121 : memref<64x128xf32, #tpu.memory_space<vmem_shared>>)
      tpu.yield
    }) : () -> ()
    "tpu.region"() ({
      %run_scoped3A = tpu.sem_alloc : memref<!tpu.dma_semaphore, #tpu.memory_space<semaphore_mem>>
      %dma_start3A_106 = arith.constant 0 : i32
      %dma_start3A_107 = arith.constant 0 : i32
      %dma_start3A_108 = tpu.memref_slice %arg26[%dma_start3A_106, %dma_start3A_107] : memref<128x16xf32, #tpu.memory_space<vmem>> -> memref<64x16xf32, #tpu.memory_space<vmem>>
      %dma_start3A_109 = arith.constant 0 : i32
      %dma_start3A_110 = tpu.memref_slice %arg39[%add3A_48, %dma_start3A_109] : memref<5120x16xf32, #tpu.memory_space<vmem_shared>> -> memref<64x16xf32, #tpu.memory_space<vmem_shared>>
      %dma_start3A_111 = arith.constant 0 : i32
      %dma_start3A_112 = tpu.memref_slice %arg39[%add3A_48, %dma_start3A_111] : memref<5120x16xf32, #tpu.memory_space<vmem_shared>> -> memref<64x16xf32, #tpu.memory_space<vmem_shared>>
      %dma_start3A_113 = arith.constant 0 : i32
      %dma_start3A_114 = arith.constant 0 : i32
      %dma_start3A_115 = tpu.memref_slice %arg26[%dma_start3A_113, %dma_start3A_114] : memref<128x16xf32, #tpu.memory_space<vmem>> -> memref<64x16xf32, #tpu.memory_space<vmem>>
      tpu.enqueue_dma source(%dma_start3A_115 : memref<64x16xf32, #tpu.memory_space<vmem>>) target(%dma_start3A_112 : memref<64x16xf32, #tpu.memory_space<vmem_shared>>) target_semaphore(%run_scoped3A : memref<!tpu.dma_semaphore, #tpu.memory_space<semaphore_mem>>)
      %dma_wait3A = arith.constant 0 : i32
      %dma_wait3A_116 = arith.constant 0 : i32
      %dma_wait3A_117 = tpu.memref_slice %arg26[%dma_wait3A, %dma_wait3A_116] : memref<128x16xf32, #tpu.memory_space<vmem>> -> memref<64x16xf32, #tpu.memory_space<vmem>>
      %dma_wait3A_118 = arith.constant 0 : i32
      %dma_wait3A_119 = tpu.memref_slice %arg39[%add3A_48, %dma_wait3A_118] : memref<5120x16xf32, #tpu.memory_space<vmem_shared>> -> memref<64x16xf32, #tpu.memory_space<vmem_shared>>
      %dma_wait3A_120 = arith.constant 0 : i32
      %dma_wait3A_121 = tpu.memref_slice %arg39[%add3A_48, %dma_wait3A_120] : memref<5120x16xf32, #tpu.memory_space<vmem_shared>> -> memref<64x16xf32, #tpu.memory_space<vmem_shared>>
      %dma_wait3A_122 = arith.constant 0 : i32
      %dma_wait3A_123 = arith.constant 0 : i32
      %dma_wait3A_124 = tpu.memref_slice %arg26[%dma_wait3A_122, %dma_wait3A_123] : memref<128x16xf32, #tpu.memory_space<vmem>> -> memref<64x16xf32, #tpu.memory_space<vmem>>
      tpu.wait_dma2 semaphore(%run_scoped3A : memref<!tpu.dma_semaphore, #tpu.memory_space<semaphore_mem>>) src(%dma_wait3A_124 : memref<64x16xf32, #tpu.memory_space<vmem>>) dst(%dma_wait3A_121 : memref<64x16xf32, #tpu.memory_space<vmem_shared>>)
      tpu.yield
    }) : () -> ()
    %mul3A_49 = arith.constant 320 : i32
    %mul3A_50 = arith.muli %arg1, %mul3A_49 : i32
    %add3A_51 = arith.constant 192 : i32
    %add3A_52 = arith.addi %mul3A_50, %add3A_51 : i32
    "tpu.region"() ({
      %run_scoped3A = tpu.sem_alloc : memref<!tpu.dma_semaphore, #tpu.memory_space<semaphore_mem>>
      %dma_start3A_106 = arith.constant 0 : i32
      %dma_start3A_107 = arith.constant 0 : i32
      %dma_start3A_108 = tpu.memref_slice %arg27[%dma_start3A_106, %dma_start3A_107] : memref<128x128xf32, #tpu.memory_space<vmem>> -> memref<64x128xf32, #tpu.memory_space<vmem>>
      %dma_start3A_109 = arith.constant 0 : i32
      %dma_start3A_110 = tpu.memref_slice %arg38[%add3A_52, %dma_start3A_109] : memref<5120x128xf32, #tpu.memory_space<vmem_shared>> -> memref<64x128xf32, #tpu.memory_space<vmem_shared>>
      %dma_start3A_111 = arith.constant 0 : i32
      %dma_start3A_112 = tpu.memref_slice %arg38[%add3A_52, %dma_start3A_111] : memref<5120x128xf32, #tpu.memory_space<vmem_shared>> -> memref<64x128xf32, #tpu.memory_space<vmem_shared>>
      %dma_start3A_113 = arith.constant 0 : i32
      %dma_start3A_114 = arith.constant 0 : i32
      %dma_start3A_115 = tpu.memref_slice %arg27[%dma_start3A_113, %dma_start3A_114] : memref<128x128xf32, #tpu.memory_space<vmem>> -> memref<64x128xf32, #tpu.memory_space<vmem>>
      tpu.enqueue_dma source(%dma_start3A_115 : memref<64x128xf32, #tpu.memory_space<vmem>>) target(%dma_start3A_112 : memref<64x128xf32, #tpu.memory_space<vmem_shared>>) target_semaphore(%run_scoped3A : memref<!tpu.dma_semaphore, #tpu.memory_space<semaphore_mem>>)
      %dma_wait3A = arith.constant 0 : i32
      %dma_wait3A_116 = arith.constant 0 : i32
      %dma_wait3A_117 = tpu.memref_slice %arg27[%dma_wait3A, %dma_wait3A_116] : memref<128x128xf32, #tpu.memory_space<vmem>> -> memref<64x128xf32, #tpu.memory_space<vmem>>
      %dma_wait3A_118 = arith.constant 0 : i32
      %dma_wait3A_119 = tpu.memref_slice %arg38[%add3A_52, %dma_wait3A_118] : memref<5120x128xf32, #tpu.memory_space<vmem_shared>> -> memref<64x128xf32, #tpu.memory_space<vmem_shared>>
      %dma_wait3A_120 = arith.constant 0 : i32
      %dma_wait3A_121 = tpu.memref_slice %arg38[%add3A_52, %dma_wait3A_120] : memref<5120x128xf32, #tpu.memory_space<vmem_shared>> -> memref<64x128xf32, #tpu.memory_space<vmem_shared>>
      %dma_wait3A_122 = arith.constant 0 : i32
      %dma_wait3A_123 = arith.constant 0 : i32
      %dma_wait3A_124 = tpu.memref_slice %arg27[%dma_wait3A_122, %dma_wait3A_123] : memref<128x128xf32, #tpu.memory_space<vmem>> -> memref<64x128xf32, #tpu.memory_space<vmem>>
      tpu.wait_dma2 semaphore(%run_scoped3A : memref<!tpu.dma_semaphore, #tpu.memory_space<semaphore_mem>>) src(%dma_wait3A_124 : memref<64x128xf32, #tpu.memory_space<vmem>>) dst(%dma_wait3A_121 : memref<64x128xf32, #tpu.memory_space<vmem_shared>>)
      tpu.yield
    }) : () -> ()
    "tpu.region"() ({
      %run_scoped3A = tpu.sem_alloc : memref<!tpu.dma_semaphore, #tpu.memory_space<semaphore_mem>>
      %dma_start3A_106 = arith.constant 0 : i32
      %dma_start3A_107 = arith.constant 0 : i32
      %dma_start3A_108 = tpu.memref_slice %arg26[%dma_start3A_106, %dma_start3A_107] : memref<128x16xf32, #tpu.memory_space<vmem>> -> memref<64x16xf32, #tpu.memory_space<vmem>>
      %dma_start3A_109 = arith.constant 0 : i32
      %dma_start3A_110 = tpu.memref_slice %arg39[%add3A_52, %dma_start3A_109] : memref<5120x16xf32, #tpu.memory_space<vmem_shared>> -> memref<64x16xf32, #tpu.memory_space<vmem_shared>>
      %dma_start3A_111 = arith.constant 0 : i32
      %dma_start3A_112 = tpu.memref_slice %arg39[%add3A_52, %dma_start3A_111] : memref<5120x16xf32, #tpu.memory_space<vmem_shared>> -> memref<64x16xf32, #tpu.memory_space<vmem_shared>>
      %dma_start3A_113 = arith.constant 0 : i32
      %dma_start3A_114 = arith.constant 0 : i32
      %dma_start3A_115 = tpu.memref_slice %arg26[%dma_start3A_113, %dma_start3A_114] : memref<128x16xf32, #tpu.memory_space<vmem>> -> memref<64x16xf32, #tpu.memory_space<vmem>>
      tpu.enqueue_dma source(%dma_start3A_115 : memref<64x16xf32, #tpu.memory_space<vmem>>) target(%dma_start3A_112 : memref<64x16xf32, #tpu.memory_space<vmem_shared>>) target_semaphore(%run_scoped3A : memref<!tpu.dma_semaphore, #tpu.memory_space<semaphore_mem>>)
      %dma_wait3A = arith.constant 0 : i32
      %dma_wait3A_116 = arith.constant 0 : i32
      %dma_wait3A_117 = tpu.memref_slice %arg26[%dma_wait3A, %dma_wait3A_116] : memref<128x16xf32, #tpu.memory_space<vmem>> -> memref<64x16xf32, #tpu.memory_space<vmem>>
      %dma_wait3A_118 = arith.constant 0 : i32
      %dma_wait3A_119 = tpu.memref_slice %arg39[%add3A_52, %dma_wait3A_118] : memref<5120x16xf32, #tpu.memory_space<vmem_shared>> -> memref<64x16xf32, #tpu.memory_space<vmem_shared>>
      %dma_wait3A_120 = arith.constant 0 : i32
      %dma_wait3A_121 = tpu.memref_slice %arg39[%add3A_52, %dma_wait3A_120] : memref<5120x16xf32, #tpu.memory_space<vmem_shared>> -> memref<64x16xf32, #tpu.memory_space<vmem_shared>>
      %dma_wait3A_122 = arith.constant 0 : i32
      %dma_wait3A_123 = arith.constant 0 : i32
      %dma_wait3A_124 = tpu.memref_slice %arg26[%dma_wait3A_122, %dma_wait3A_123] : memref<128x16xf32, #tpu.memory_space<vmem>> -> memref<64x16xf32, #tpu.memory_space<vmem>>
      tpu.wait_dma2 semaphore(%run_scoped3A : memref<!tpu.dma_semaphore, #tpu.memory_space<semaphore_mem>>) src(%dma_wait3A_124 : memref<64x16xf32, #tpu.memory_space<vmem>>) dst(%dma_wait3A_121 : memref<64x16xf32, #tpu.memory_space<vmem_shared>>)
      tpu.yield
    }) : () -> ()
    %mul3A_53 = arith.constant 320 : i32
    %mul3A_54 = arith.muli %arg1, %mul3A_53 : i32
    %add3A_55 = arith.constant 256 : i32
    %add3A_56 = arith.addi %mul3A_54, %add3A_55 : i32
    "tpu.region"() ({
      %run_scoped3A = tpu.sem_alloc : memref<!tpu.dma_semaphore, #tpu.memory_space<semaphore_mem>>
      %dma_start3A_106 = arith.constant 0 : i32
      %dma_start3A_107 = arith.constant 0 : i32
      %dma_start3A_108 = tpu.memref_slice %arg27[%dma_start3A_106, %dma_start3A_107] : memref<128x128xf32, #tpu.memory_space<vmem>> -> memref<64x128xf32, #tpu.memory_space<vmem>>
      %dma_start3A_109 = arith.constant 0 : i32
      %dma_start3A_110 = tpu.memref_slice %arg38[%add3A_56, %dma_start3A_109] : memref<5120x128xf32, #tpu.memory_space<vmem_shared>> -> memref<64x128xf32, #tpu.memory_space<vmem_shared>>
      %dma_start3A_111 = arith.constant 0 : i32
      %dma_start3A_112 = tpu.memref_slice %arg38[%add3A_56, %dma_start3A_111] : memref<5120x128xf32, #tpu.memory_space<vmem_shared>> -> memref<64x128xf32, #tpu.memory_space<vmem_shared>>
      %dma_start3A_113 = arith.constant 0 : i32
      %dma_start3A_114 = arith.constant 0 : i32
      %dma_start3A_115 = tpu.memref_slice %arg27[%dma_start3A_113, %dma_start3A_114] : memref<128x128xf32, #tpu.memory_space<vmem>> -> memref<64x128xf32, #tpu.memory_space<vmem>>
      tpu.enqueue_dma source(%dma_start3A_115 : memref<64x128xf32, #tpu.memory_space<vmem>>) target(%dma_start3A_112 : memref<64x128xf32, #tpu.memory_space<vmem_shared>>) target_semaphore(%run_scoped3A : memref<!tpu.dma_semaphore, #tpu.memory_space<semaphore_mem>>)
      %dma_wait3A = arith.constant 0 : i32
      %dma_wait3A_116 = arith.constant 0 : i32
      %dma_wait3A_117 = tpu.memref_slice %arg27[%dma_wait3A, %dma_wait3A_116] : memref<128x128xf32, #tpu.memory_space<vmem>> -> memref<64x128xf32, #tpu.memory_space<vmem>>
      %dma_wait3A_118 = arith.constant 0 : i32
      %dma_wait3A_119 = tpu.memref_slice %arg38[%add3A_56, %dma_wait3A_118] : memref<5120x128xf32, #tpu.memory_space<vmem_shared>> -> memref<64x128xf32, #tpu.memory_space<vmem_shared>>
      %dma_wait3A_120 = arith.constant 0 : i32
      %dma_wait3A_121 = tpu.memref_slice %arg38[%add3A_56, %dma_wait3A_120] : memref<5120x128xf32, #tpu.memory_space<vmem_shared>> -> memref<64x128xf32, #tpu.memory_space<vmem_shared>>
      %dma_wait3A_122 = arith.constant 0 : i32
      %dma_wait3A_123 = arith.constant 0 : i32
      %dma_wait3A_124 = tpu.memref_slice %arg27[%dma_wait3A_122, %dma_wait3A_123] : memref<128x128xf32, #tpu.memory_space<vmem>> -> memref<64x128xf32, #tpu.memory_space<vmem>>
      tpu.wait_dma2 semaphore(%run_scoped3A : memref<!tpu.dma_semaphore, #tpu.memory_space<semaphore_mem>>) src(%dma_wait3A_124 : memref<64x128xf32, #tpu.memory_space<vmem>>) dst(%dma_wait3A_121 : memref<64x128xf32, #tpu.memory_space<vmem_shared>>)
      tpu.yield
    }) : () -> ()
    "tpu.region"() ({
      %run_scoped3A = tpu.sem_alloc : memref<!tpu.dma_semaphore, #tpu.memory_space<semaphore_mem>>
      %dma_start3A_106 = arith.constant 0 : i32
      %dma_start3A_107 = arith.constant 0 : i32
      %dma_start3A_108 = tpu.memref_slice %arg26[%dma_start3A_106, %dma_start3A_107] : memref<128x16xf32, #tpu.memory_space<vmem>> -> memref<64x16xf32, #tpu.memory_space<vmem>>
      %dma_start3A_109 = arith.constant 0 : i32
      %dma_start3A_110 = tpu.memref_slice %arg39[%add3A_56, %dma_start3A_109] : memref<5120x16xf32, #tpu.memory_space<vmem_shared>> -> memref<64x16xf32, #tpu.memory_space<vmem_shared>>
      %dma_start3A_111 = arith.constant 0 : i32
      %dma_start3A_112 = tpu.memref_slice %arg39[%add3A_56, %dma_start3A_111] : memref<5120x16xf32, #tpu.memory_space<vmem_shared>> -> memref<64x16xf32, #tpu.memory_space<vmem_shared>>
      %dma_start3A_113 = arith.constant 0 : i32
      %dma_start3A_114 = arith.constant 0 : i32
      %dma_start3A_115 = tpu.memref_slice %arg26[%dma_start3A_113, %dma_start3A_114] : memref<128x16xf32, #tpu.memory_space<vmem>> -> memref<64x16xf32, #tpu.memory_space<vmem>>
      tpu.enqueue_dma source(%dma_start3A_115 : memref<64x16xf32, #tpu.memory_space<vmem>>) target(%dma_start3A_112 : memref<64x16xf32, #tpu.memory_space<vmem_shared>>) target_semaphore(%run_scoped3A : memref<!tpu.dma_semaphore, #tpu.memory_space<semaphore_mem>>)
      %dma_wait3A = arith.constant 0 : i32
      %dma_wait3A_116 = arith.constant 0 : i32
      %dma_wait3A_117 = tpu.memref_slice %arg26[%dma_wait3A, %dma_wait3A_116] : memref<128x16xf32, #tpu.memory_space<vmem>> -> memref<64x16xf32, #tpu.memory_space<vmem>>
      %dma_wait3A_118 = arith.constant 0 : i32
      %dma_wait3A_119 = tpu.memref_slice %arg39[%add3A_56, %dma_wait3A_118] : memref<5120x16xf32, #tpu.memory_space<vmem_shared>> -> memref<64x16xf32, #tpu.memory_space<vmem_shared>>
      %dma_wait3A_120 = arith.constant 0 : i32
      %dma_wait3A_121 = tpu.memref_slice %arg39[%add3A_56, %dma_wait3A_120] : memref<5120x16xf32, #tpu.memory_space<vmem_shared>> -> memref<64x16xf32, #tpu.memory_space<vmem_shared>>
      %dma_wait3A_122 = arith.constant 0 : i32
      %dma_wait3A_123 = arith.constant 0 : i32
      %dma_wait3A_124 = tpu.memref_slice %arg26[%dma_wait3A_122, %dma_wait3A_123] : memref<128x16xf32, #tpu.memory_space<vmem>> -> memref<64x16xf32, #tpu.memory_space<vmem>>
      tpu.wait_dma2 semaphore(%run_scoped3A : memref<!tpu.dma_semaphore, #tpu.memory_space<semaphore_mem>>) src(%dma_wait3A_124 : memref<64x16xf32, #tpu.memory_space<vmem>>) dst(%dma_wait3A_121 : memref<64x16xf32, #tpu.memory_space<vmem_shared>>)
      tpu.yield
    }) : () -> ()
    "tpu.region"() ({
      %run_scoped3A = tpu.sem_alloc : memref<!tpu.dma_semaphore, #tpu.memory_space<semaphore_mem>>
      tpu.enqueue_dma source(%arg8 : memref<10240xf32, #tpu.memory_space<hbm>>) target(%arg14 : memref<10240xf32, #tpu.memory_space<vmem>>) target_semaphore(%run_scoped3A : memref<!tpu.dma_semaphore, #tpu.memory_space<semaphore_mem>>)
      tpu.wait_dma2 semaphore(%run_scoped3A : memref<!tpu.dma_semaphore, #tpu.memory_space<semaphore_mem>>) src(%arg8 : memref<10240xf32, #tpu.memory_space<hbm>>) dst(%arg14 : memref<10240xf32, #tpu.memory_space<vmem>>)
      tpu.yield
    }) : () -> ()
    "tpu.region"() ({
      %run_scoped3A = tpu.sem_alloc : memref<!tpu.dma_semaphore, #tpu.memory_space<semaphore_mem>>
      tpu.enqueue_dma source(%arg9 : memref<10240xf32, #tpu.memory_space<hbm>>) target(%arg15 : memref<10240xf32, #tpu.memory_space<vmem>>) target_semaphore(%run_scoped3A : memref<!tpu.dma_semaphore, #tpu.memory_space<semaphore_mem>>)
      tpu.wait_dma2 semaphore(%run_scoped3A : memref<!tpu.dma_semaphore, #tpu.memory_space<semaphore_mem>>) src(%arg9 : memref<10240xf32, #tpu.memory_space<hbm>>) dst(%arg15 : memref<10240xf32, #tpu.memory_space<vmem>>)
      tpu.yield
    }) : () -> ()
    "tpu.region"() ({
      %run_scoped3A = tpu.sem_alloc : memref<!tpu.dma_semaphore, #tpu.memory_space<semaphore_mem>>
      tpu.enqueue_dma source(%arg10 : memref<16xf32, #tpu.memory_space<hbm>>) target(%arg17 : memref<16xf32, #tpu.memory_space<vmem>>) target_semaphore(%run_scoped3A : memref<!tpu.dma_semaphore, #tpu.memory_space<semaphore_mem>>)
      tpu.wait_dma2 semaphore(%run_scoped3A : memref<!tpu.dma_semaphore, #tpu.memory_space<semaphore_mem>>) src(%arg10 : memref<16xf32, #tpu.memory_space<hbm>>) dst(%arg17 : memref<16xf32, #tpu.memory_space<vmem>>)
      tpu.yield
    }) : () -> ()
    %barrier3A = arith.constant 0 : index
    tpu.barrier barrier_id(%barrier3A)
    %add3A_57 = arith.constant 0 : i32
    %add3A_58 = arith.addi %arg1, %add3A_57 : i32
    %mul3A_59 = arith.constant 128 : i32
    %mul3A_60 = arith.muli %add3A_58, %mul3A_59 : i32
    %dma_start3A = tpu.memref_slice %arg2[%mul3A_60] : memref<320000xi32, #tpu.memory_space<hbm>> -> memref<128xi32, #tpu.memory_space<hbm>>
    %dma_start3A_61 = tpu.memref_slice %arg2[%mul3A_60] : memref<320000xi32, #tpu.memory_space<hbm>> -> memref<128xi32, #tpu.memory_space<hbm>>
    tpu.enqueue_dma source(%dma_start3A_61 : memref<128xi32, #tpu.memory_space<hbm>>) target(%arg18 : memref<128xi32, #tpu.memory_space<vmem>>) target_semaphore(%arg40 : memref<!tpu.dma_semaphore, #tpu.memory_space<semaphore_mem>>)
    %dma_start3A_62 = tpu.memref_slice %arg3[%mul3A_60] : memref<320000xi32, #tpu.memory_space<hbm>> -> memref<128xi32, #tpu.memory_space<hbm>>
    %dma_start3A_63 = tpu.memref_slice %arg3[%mul3A_60] : memref<320000xi32, #tpu.memory_space<hbm>> -> memref<128xi32, #tpu.memory_space<hbm>>
    tpu.enqueue_dma source(%dma_start3A_63 : memref<128xi32, #tpu.memory_space<hbm>>) target(%arg19 : memref<128xi32, #tpu.memory_space<vmem>>) target_semaphore(%arg40 : memref<!tpu.dma_semaphore, #tpu.memory_space<semaphore_mem>>)
    %dma_start3A_64 = tpu.memref_slice %arg4[%mul3A_60] : memref<320000xi32, #tpu.memory_space<hbm>> -> memref<128xi32, #tpu.memory_space<hbm>>
    %dma_start3A_65 = tpu.memref_slice %arg4[%mul3A_60] : memref<320000xi32, #tpu.memory_space<hbm>> -> memref<128xi32, #tpu.memory_space<hbm>>
    tpu.enqueue_dma source(%dma_start3A_65 : memref<128xi32, #tpu.memory_space<hbm>>) target(%arg20 : memref<128xi32, #tpu.memory_space<vmem>>) target_semaphore(%arg40 : memref<!tpu.dma_semaphore, #tpu.memory_space<semaphore_mem>>)
    %mul3A_66 = arith.constant 16 : i32
    %mul3A_67 = arith.muli %add3A_58, %mul3A_66 : i32
    %dma_start3A_68 = arith.constant 0 : i32
    %dma_start3A_69 = tpu.memref_slice %arg5[%mul3A_67, %dma_start3A_68] : memref<40000x128xf32, #tpu.memory_space<hbm>> -> memref<16x128xf32, #tpu.memory_space<hbm>>
    %dma_start3A_70 = arith.constant 0 : i32
    %dma_start3A_71 = tpu.memref_slice %arg5[%mul3A_67, %dma_start3A_70] : memref<40000x128xf32, #tpu.memory_space<hbm>> -> memref<16x128xf32, #tpu.memory_space<hbm>>
    tpu.enqueue_dma source(%dma_start3A_71 : memref<16x128xf32, #tpu.memory_space<hbm>>) target(%arg21 : memref<16x128xf32, #tpu.memory_space<vmem>>) target_semaphore(%arg40 : memref<!tpu.dma_semaphore, #tpu.memory_space<semaphore_mem>>)
    %mul3A_72 = arith.constant 16 : i32
    %mul3A_73 = arith.muli %add3A_58, %mul3A_72 : i32
    %dma_start3A_74 = arith.constant 0 : i32
    %dma_start3A_75 = tpu.memref_slice %arg6[%mul3A_73, %dma_start3A_74] : memref<40000x128xf32, #tpu.memory_space<hbm>> -> memref<16x128xf32, #tpu.memory_space<hbm>>
    %dma_start3A_76 = arith.constant 0 : i32
    %dma_start3A_77 = tpu.memref_slice %arg6[%mul3A_73, %dma_start3A_76] : memref<40000x128xf32, #tpu.memory_space<hbm>> -> memref<16x128xf32, #tpu.memory_space<hbm>>
    tpu.enqueue_dma source(%dma_start3A_77 : memref<16x128xf32, #tpu.memory_space<hbm>>) target(%arg25 : memref<16x128xf32, #tpu.memory_space<vmem>>) target_semaphore(%arg40 : memref<!tpu.dma_semaphore, #tpu.memory_space<semaphore_mem>>)
    %scan3A_78 = arith.constant 0 : i32
    %scan3A_79 = arith.constant 0 : i32
    %scan3A_80 = arith.constant 80 : i32
    %scan3A_81 = arith.addi %scan3A_79, %scan3A_80 : i32
    %scan3A_82 = arith.constant 1 : i32
    %scan3A_83 = scf.for %scan3A_106 = %scan3A_79 to %scan3A_81 step %scan3A_82 iter_args(%scan3A_107 = %scan3A_78) -> (i32)  : i32 {
      %mul3A_108 = arith.constant 2 : i32
      %mul3A_109 = arith.muli %mul3A_108, %scan3A_106 : i32
      %add3A_110 = arith.constant 1 : i32
      %add3A_111 = arith.addi %mul3A_109, %add3A_110 : i32
      %lt3A = arith.cmpi slt, %add3A_111, %select_n3A : i32
      %convert_element_type3A = arith.extui %lt3A : i1 to i32
      %cond3A = arith.constant 0 : i32
      %cond3A_112 = arith.cmpi ne, %convert_element_type3A, %cond3A : i32
      scf.if %cond3A_112 {
        %add3A_167 = arith.constant 1 : i32
        %add3A_168 = arith.addi %mul3A_109, %add3A_167 : i32
        %mul3A_169 = arith.constant 16 : i32
        %mul3A_170 = arith.muli %add3A_168, %mul3A_169 : i32
        %add3A_171 = arith.addi %arg1, %mul3A_170 : i32
        %mul3A_172 = arith.constant 128 : i32
        %mul3A_173 = arith.muli %add3A_171, %mul3A_172 : i32
        %dma_start3A_174 = tpu.memref_slice %arg2[%mul3A_173] : memref<320000xi32, #tpu.memory_space<hbm>> -> memref<128xi32, #tpu.memory_space<hbm>>
        %dma_start3A_175 = tpu.memref_slice %arg2[%mul3A_173] : memref<320000xi32, #tpu.memory_space<hbm>> -> memref<128xi32, #tpu.memory_space<hbm>>
        tpu.enqueue_dma source(%dma_start3A_175 : memref<128xi32, #tpu.memory_space<hbm>>) target(%arg28 : memref<128xi32, #tpu.memory_space<vmem>>) target_semaphore(%arg44 : memref<!tpu.dma_semaphore, #tpu.memory_space<semaphore_mem>>)
        %dma_start3A_176 = tpu.memref_slice %arg3[%mul3A_173] : memref<320000xi32, #tpu.memory_space<hbm>> -> memref<128xi32, #tpu.memory_space<hbm>>
        %dma_start3A_177 = tpu.memref_slice %arg3[%mul3A_173] : memref<320000xi32, #tpu.memory_space<hbm>> -> memref<128xi32, #tpu.memory_space<hbm>>
        tpu.enqueue_dma source(%dma_start3A_177 : memref<128xi32, #tpu.memory_space<hbm>>) target(%arg29 : memref<128xi32, #tpu.memory_space<vmem>>) target_semaphore(%arg44 : memref<!tpu.dma_semaphore, #tpu.memory_space<semaphore_mem>>)
        %dma_start3A_178 = tpu.memref_slice %arg4[%mul3A_173] : memref<320000xi32, #tpu.memory_space<hbm>> -> memref<128xi32, #tpu.memory_space<hbm>>
        %dma_start3A_179 = tpu.memref_slice %arg4[%mul3A_173] : memref<320000xi32, #tpu.memory_space<hbm>> -> memref<128xi32, #tpu.memory_space<hbm>>
        tpu.enqueue_dma source(%dma_start3A_179 : memref<128xi32, #tpu.memory_space<hbm>>) target(%arg30 : memref<128xi32, #tpu.memory_space<vmem>>) target_semaphore(%arg44 : memref<!tpu.dma_semaphore, #tpu.memory_space<semaphore_mem>>)
        %mul3A_180 = arith.constant 16 : i32
        %mul3A_181 = arith.muli %add3A_171, %mul3A_180 : i32
        %dma_start3A_182 = arith.constant 0 : i32
        %dma_start3A_183 = tpu.memref_slice %arg5[%mul3A_181, %dma_start3A_182] : memref<40000x128xf32, #tpu.memory_space<hbm>> -> memref<16x128xf32, #tpu.memory_space<hbm>>
        %dma_start3A_184 = arith.constant 0 : i32
        %dma_start3A_185 = tpu.memref_slice %arg5[%mul3A_181, %dma_start3A_184] : memref<40000x128xf32, #tpu.memory_space<hbm>> -> memref<16x128xf32, #tpu.memory_space<hbm>>
        tpu.enqueue_dma source(%dma_start3A_185 : memref<16x128xf32, #tpu.memory_space<hbm>>) target(%arg31 : memref<16x128xf32, #tpu.memory_space<vmem>>) target_semaphore(%arg44 : memref<!tpu.dma_semaphore, #tpu.memory_space<semaphore_mem>>)
        %mul3A_186 = arith.constant 16 : i32
        %mul3A_187 = arith.muli %add3A_171, %mul3A_186 : i32
        %dma_start3A_188 = arith.constant 0 : i32
        %dma_start3A_189 = tpu.memref_slice %arg6[%mul3A_187, %dma_start3A_188] : memref<40000x128xf32, #tpu.memory_space<hbm>> -> memref<16x128xf32, #tpu.memory_space<hbm>>
        %dma_start3A_190 = arith.constant 0 : i32
        %dma_start3A_191 = tpu.memref_slice %arg6[%mul3A_187, %dma_start3A_190] : memref<40000x128xf32, #tpu.memory_space<hbm>> -> memref<16x128xf32, #tpu.memory_space<hbm>>
        tpu.enqueue_dma source(%dma_start3A_191 : memref<16x128xf32, #tpu.memory_space<hbm>>) target(%arg35 : memref<16x128xf32, #tpu.memory_space<vmem>>) target_semaphore(%arg44 : memref<!tpu.dma_semaphore, #tpu.memory_space<semaphore_mem>>)
      } else {
      }
      %ge3A = arith.constant 2 : i32
      %ge3A_113 = arith.cmpi sge, %mul3A_109, %ge3A : i32
      %sub3A_114 = arith.constant 2 : i32
      %sub3A_115 = arith.subi %mul3A_109, %sub3A_114 : i32
      %lt3A_116 = arith.cmpi slt, %sub3A_115, %select_n3A : i32
      %and3A_117 = arith.andi %ge3A_113, %lt3A_116 : i1
      %convert_element_type3A_118 = arith.extui %and3A_117 : i1 to i32
      %cond3A_119 = arith.constant 0 : i32
      %cond3A_120 = arith.cmpi ne, %convert_element_type3A_118, %cond3A_119 : i32
      scf.if %cond3A_120 {
        %dma_wait3A = arith.constant 0 : i32
        %dma_wait3A_167 = arith.constant 0 : i32
        %dma_wait3A_168 = tpu.memref_slice %arg38[%dma_wait3A, %dma_wait3A_167] : memref<5120x128xf32, #tpu.memory_space<vmem_shared>> -> memref<5120x128xf32, #tpu.memory_space<vmem_shared>>
        tpu.wait_indirect_dma semaphore(%arg42 : memref<!tpu.dma_semaphore, #tpu.memory_space<semaphore_mem>>) src(%arg27 : memref<128x128xf32, #tpu.memory_space<vmem>>) dst(%dma_wait3A_168 : memref<5120x128xf32, #tpu.memory_space<vmem_shared>>)
        %dma_wait3A_169 = arith.constant 0 : i32
        %dma_wait3A_170 = arith.constant 0 : i32
        %dma_wait3A_171 = tpu.memref_slice %arg39[%dma_wait3A_169, %dma_wait3A_170] : memref<5120x16xf32, #tpu.memory_space<vmem_shared>> -> memref<5120x16xf32, #tpu.memory_space<vmem_shared>>
        tpu.wait_indirect_dma semaphore(%arg43 : memref<!tpu.dma_semaphore, #tpu.memory_space<semaphore_mem>>) src(%arg26 : memref<128x16xf32, #tpu.memory_space<vmem>>) dst(%dma_wait3A_171 : memref<5120x16xf32, #tpu.memory_space<vmem_shared>>)
      } else {
      }
      %lt3A_121 = arith.cmpi slt, %mul3A_109, %select_n3A : i32
      %convert_element_type3A_122 = arith.extui %lt3A_121 : i1 to i32
      %cond3A_123 = arith.constant 0 : i32
      %cond3A_124 = arith.cmpi ne, %convert_element_type3A_122, %cond3A_123 : i32
      scf.if %cond3A_124 {
        %mul3A_167 = arith.constant 16 : i32
        %mul3A_168 = arith.muli %mul3A_109, %mul3A_167 : i32
        %add3A_169 = arith.addi %arg1, %mul3A_168 : i32
        %mul3A_170 = arith.constant 128 : i32
        %mul3A_171 = arith.muli %add3A_169, %mul3A_170 : i32
        %dma_wait3A = tpu.memref_slice %arg2[%mul3A_171] : memref<320000xi32, #tpu.memory_space<hbm>> -> memref<128xi32, #tpu.memory_space<hbm>>
        %dma_wait3A_172 = tpu.memref_slice %arg2[%mul3A_171] : memref<320000xi32, #tpu.memory_space<hbm>> -> memref<128xi32, #tpu.memory_space<hbm>>
        tpu.wait_dma2 semaphore(%arg40 : memref<!tpu.dma_semaphore, #tpu.memory_space<semaphore_mem>>) src(%dma_wait3A_172 : memref<128xi32, #tpu.memory_space<hbm>>) dst(%arg18 : memref<128xi32, #tpu.memory_space<vmem>>)
        %dma_wait3A_173 = tpu.memref_slice %arg3[%mul3A_171] : memref<320000xi32, #tpu.memory_space<hbm>> -> memref<128xi32, #tpu.memory_space<hbm>>
        %dma_wait3A_174 = tpu.memref_slice %arg3[%mul3A_171] : memref<320000xi32, #tpu.memory_space<hbm>> -> memref<128xi32, #tpu.memory_space<hbm>>
        tpu.wait_dma2 semaphore(%arg40 : memref<!tpu.dma_semaphore, #tpu.memory_space<semaphore_mem>>) src(%dma_wait3A_174 : memref<128xi32, #tpu.memory_space<hbm>>) dst(%arg19 : memref<128xi32, #tpu.memory_space<vmem>>)
        %dma_wait3A_175 = tpu.memref_slice %arg4[%mul3A_171] : memref<320000xi32, #tpu.memory_space<hbm>> -> memref<128xi32, #tpu.memory_space<hbm>>
        %dma_wait3A_176 = tpu.memref_slice %arg4[%mul3A_171] : memref<320000xi32, #tpu.memory_space<hbm>> -> memref<128xi32, #tpu.memory_space<hbm>>
        tpu.wait_dma2 semaphore(%arg40 : memref<!tpu.dma_semaphore, #tpu.memory_space<semaphore_mem>>) src(%dma_wait3A_176 : memref<128xi32, #tpu.memory_space<hbm>>) dst(%arg20 : memref<128xi32, #tpu.memory_space<vmem>>)
        %mul3A_177 = arith.constant 16 : i32
        %mul3A_178 = arith.muli %add3A_169, %mul3A_177 : i32
        %dma_wait3A_179 = arith.constant 0 : i32
        %dma_wait3A_180 = tpu.memref_slice %arg5[%mul3A_178, %dma_wait3A_179] : memref<40000x128xf32, #tpu.memory_space<hbm>> -> memref<16x128xf32, #tpu.memory_space<hbm>>
        %dma_wait3A_181 = arith.constant 0 : i32
        %dma_wait3A_182 = tpu.memref_slice %arg5[%mul3A_178, %dma_wait3A_181] : memref<40000x128xf32, #tpu.memory_space<hbm>> -> memref<16x128xf32, #tpu.memory_space<hbm>>
        tpu.wait_dma2 semaphore(%arg40 : memref<!tpu.dma_semaphore, #tpu.memory_space<semaphore_mem>>) src(%dma_wait3A_182 : memref<16x128xf32, #tpu.memory_space<hbm>>) dst(%arg21 : memref<16x128xf32, #tpu.memory_space<vmem>>)
        %mul3A_183 = arith.constant 16 : i32
        %mul3A_184 = arith.muli %add3A_169, %mul3A_183 : i32
        %dma_wait3A_185 = arith.constant 0 : i32
        %dma_wait3A_186 = tpu.memref_slice %arg6[%mul3A_184, %dma_wait3A_185] : memref<40000x128xf32, #tpu.memory_space<hbm>> -> memref<16x128xf32, #tpu.memory_space<hbm>>
        %dma_wait3A_187 = arith.constant 0 : i32
        %dma_wait3A_188 = tpu.memref_slice %arg6[%mul3A_184, %dma_wait3A_187] : memref<40000x128xf32, #tpu.memory_space<hbm>> -> memref<16x128xf32, #tpu.memory_space<hbm>>
        tpu.wait_dma2 semaphore(%arg40 : memref<!tpu.dma_semaphore, #tpu.memory_space<semaphore_mem>>) src(%dma_wait3A_188 : memref<16x128xf32, #tpu.memory_space<hbm>>) dst(%arg25 : memref<16x128xf32, #tpu.memory_space<vmem>>)
        %get3A = arith.constant 0 : index
        %get3A_189 = tpu.vector_load %arg18[%get3A] {strides = array<i32>} : memref<128xi32, #tpu.memory_space<vmem>>, vector<16xi32>,
        %get3A_190 = arith.constant 0 : index
        %get3A_191 = tpu.vector_load %arg19[%get3A_190] {strides = array<i32>} : memref<128xi32, #tpu.memory_space<vmem>>, vector<16xi32>,
        %sub3A_192 = vector.broadcast %mul3A_2 : i32 to vector<16xi32>
        %sub3A_193 = arith.subi %get3A_191, %sub3A_192 : vector<16xi32>
        %ge3A_194 = arith.constant 0 : i32
        %ge3A_195 = vector.broadcast %ge3A_194 : i32 to vector<16xi32>
        %ge3A_196 = arith.cmpi sge, %sub3A_193, %ge3A_195 : vector<16xi32>
        %lt3A_197 = arith.constant 5120 : i32
        %lt3A_198 = vector.broadcast %lt3A_197 : i32 to vector<16xi32>
        %lt3A_199 = arith.cmpi slt, %sub3A_193, %lt3A_198 : vector<16xi32>
        %and3A_200 = arith.andi %ge3A_196, %lt3A_199 : vector<16xi1>
        %broadcast_in_dim3A_201 = arith.constant 0 : i32
        %broadcast_in_dim3A_202 = vector.broadcast %broadcast_in_dim3A_201 : i32 to vector<16xi32>
        %sub3A_203 = arith.constant 1 : i32
        %sub3A_204 = vector.broadcast %sub3A_203 : i32 to vector<16xi32>
        %sub3A_205 = arith.subi %broadcast_in_dim3A_202, %sub3A_204 : vector<16xi32>
        %select_n3A_206 = arith.select %and3A_200, %get3A_189, %sub3A_205 : vector<16xi1>, vector<16xi32>
        %swap3A = arith.constant 0 : index
        %swap3A_207 = tpu.vector_load %arg22[%swap3A] {strides = array<i32>} : memref<128xi32, #tpu.memory_space<vmem>>, vector<16xi32>,
        tpu.vector_store %arg22[%swap3A], %select_n3A_206 {strides = array<i32>} : memref<128xi32, #tpu.memory_space<vmem>>, vector<16xi32>,
        %select_n3A_208 = arith.select %and3A_200, %sub3A_193, %sub3A_205 : vector<16xi1>, vector<16xi32>
        %swap3A_209 = arith.constant 0 : index
        %swap3A_210 = tpu.vector_load %arg23[%swap3A_209] {strides = array<i32>} : memref<128xi32, #tpu.memory_space<vmem>>, vector<16xi32>,
        tpu.vector_store %arg23[%swap3A_209], %select_n3A_208 {strides = array<i32>} : memref<128xi32, #tpu.memory_space<vmem>>, vector<16xi32>,
        %get3A_211 = arith.constant 16 : index
        %get3A_212 = tpu.vector_load %arg18[%get3A_211] {strides = array<i32>} : memref<128xi32, #tpu.memory_space<vmem>>, vector<16xi32>,
        %get3A_213 = arith.constant 16 : index
        %get3A_214 = tpu.vector_load %arg19[%get3A_213] {strides = array<i32>} : memref<128xi32, #tpu.memory_space<vmem>>, vector<16xi32>,
        %sub3A_215 = vector.broadcast %mul3A_2 : i32 to vector<16xi32>
        %sub3A_216 = arith.subi %get3A_214, %sub3A_215 : vector<16xi32>
        %ge3A_217 = arith.constant 0 : i32
        %ge3A_218 = vector.broadcast %ge3A_217 : i32 to vector<16xi32>
        %ge3A_219 = arith.cmpi sge, %sub3A_216, %ge3A_218 : vector<16xi32>
        %lt3A_220 = arith.constant 5120 : i32
        %lt3A_221 = vector.broadcast %lt3A_220 : i32 to vector<16xi32>
        %lt3A_222 = arith.cmpi slt, %sub3A_216, %lt3A_221 : vector<16xi32>
        %and3A_223 = arith.andi %ge3A_219, %lt3A_222 : vector<16xi1>
        %broadcast_in_dim3A_224 = arith.constant 0 : i32
        %broadcast_in_dim3A_225 = vector.broadcast %broadcast_in_dim3A_224 : i32 to vector<16xi32>
        %sub3A_226 = arith.constant 1 : i32
        %sub3A_227 = vector.broadcast %sub3A_226 : i32 to vector<16xi32>
        %sub3A_228 = arith.subi %broadcast_in_dim3A_225, %sub3A_227 : vector<16xi32>
        %select_n3A_229 = arith.select %and3A_223, %get3A_212, %sub3A_228 : vector<16xi1>, vector<16xi32>
        %swap3A_230 = arith.constant 16 : index
        %swap3A_231 = tpu.vector_load %arg22[%swap3A_230] {strides = array<i32>} : memref<128xi32, #tpu.memory_space<vmem>>, vector<16xi32>,
        tpu.vector_store %arg22[%swap3A_230], %select_n3A_229 {strides = array<i32>} : memref<128xi32, #tpu.memory_space<vmem>>, vector<16xi32>,
        %select_n3A_232 = arith.select %and3A_223, %sub3A_216, %sub3A_228 : vector<16xi1>, vector<16xi32>
        %swap3A_233 = arith.constant 16 : index
        %swap3A_234 = tpu.vector_load %arg23[%swap3A_233] {strides = array<i32>} : memref<128xi32, #tpu.memory_space<vmem>>, vector<16xi32>,
        tpu.vector_store %arg23[%swap3A_233], %select_n3A_232 {strides = array<i32>} : memref<128xi32, #tpu.memory_space<vmem>>, vector<16xi32>,
        %get3A_235 = arith.constant 32 : index
        %get3A_236 = tpu.vector_load %arg18[%get3A_235] {strides = array<i32>} : memref<128xi32, #tpu.memory_space<vmem>>, vector<16xi32>,
        %get3A_237 = arith.constant 32 : index
        %get3A_238 = tpu.vector_load %arg19[%get3A_237] {strides = array<i32>} : memref<128xi32, #tpu.memory_space<vmem>>, vector<16xi32>,
        %sub3A_239 = vector.broadcast %mul3A_2 : i32 to vector<16xi32>
        %sub3A_240 = arith.subi %get3A_238, %sub3A_239 : vector<16xi32>
        %ge3A_241 = arith.constant 0 : i32
        %ge3A_242 = vector.broadcast %ge3A_241 : i32 to vector<16xi32>
        %ge3A_243 = arith.cmpi sge, %sub3A_240, %ge3A_242 : vector<16xi32>
        %lt3A_244 = arith.constant 5120 : i32
        %lt3A_245 = vector.broadcast %lt3A_244 : i32 to vector<16xi32>
        %lt3A_246 = arith.cmpi slt, %sub3A_240, %lt3A_245 : vector<16xi32>
        %and3A_247 = arith.andi %ge3A_243, %lt3A_246 : vector<16xi1>
        %broadcast_in_dim3A_248 = arith.constant 0 : i32
        %broadcast_in_dim3A_249 = vector.broadcast %broadcast_in_dim3A_248 : i32 to vector<16xi32>
        %sub3A_250 = arith.constant 1 : i32
        %sub3A_251 = vector.broadcast %sub3A_250 : i32 to vector<16xi32>
        %sub3A_252 = arith.subi %broadcast_in_dim3A_249, %sub3A_251 : vector<16xi32>
        %select_n3A_253 = arith.select %and3A_247, %get3A_236, %sub3A_252 : vector<16xi1>, vector<16xi32>
        %swap3A_254 = arith.constant 32 : index
        %swap3A_255 = tpu.vector_load %arg22[%swap3A_254] {strides = array<i32>} : memref<128xi32, #tpu.memory_space<vmem>>, vector<16xi32>,
        tpu.vector_store %arg22[%swap3A_254], %select_n3A_253 {strides = array<i32>} : memref<128xi32, #tpu.memory_space<vmem>>, vector<16xi32>,
        %select_n3A_256 = arith.select %and3A_247, %sub3A_240, %sub3A_252 : vector<16xi1>, vector<16xi32>
        %swap3A_257 = arith.constant 32 : index
        %swap3A_258 = tpu.vector_load %arg23[%swap3A_257] {strides = array<i32>} : memref<128xi32, #tpu.memory_space<vmem>>, vector<16xi32>,
        tpu.vector_store %arg23[%swap3A_257], %select_n3A_256 {strides = array<i32>} : memref<128xi32, #tpu.memory_space<vmem>>, vector<16xi32>,
        %get3A_259 = arith.constant 48 : index
        %get3A_260 = tpu.vector_load %arg18[%get3A_259] {strides = array<i32>} : memref<128xi32, #tpu.memory_space<vmem>>, vector<16xi32>,
        %get3A_261 = arith.constant 48 : index
        %get3A_262 = tpu.vector_load %arg19[%get3A_261] {strides = array<i32>} : memref<128xi32, #tpu.memory_space<vmem>>, vector<16xi32>,
        %sub3A_263 = vector.broadcast %mul3A_2 : i32 to vector<16xi32>
        %sub3A_264 = arith.subi %get3A_262, %sub3A_263 : vector<16xi32>
        %ge3A_265 = arith.constant 0 : i32
        %ge3A_266 = vector.broadcast %ge3A_265 : i32 to vector<16xi32>
        %ge3A_267 = arith.cmpi sge, %sub3A_264, %ge3A_266 : vector<16xi32>
        %lt3A_268 = arith.constant 5120 : i32
        %lt3A_269 = vector.broadcast %lt3A_268 : i32 to vector<16xi32>
        %lt3A_270 = arith.cmpi slt, %sub3A_264, %lt3A_269 : vector<16xi32>
        %and3A_271 = arith.andi %ge3A_267, %lt3A_270 : vector<16xi1>
        %broadcast_in_dim3A_272 = arith.constant 0 : i32
        %broadcast_in_dim3A_273 = vector.broadcast %broadcast_in_dim3A_272 : i32 to vector<16xi32>
        %sub3A_274 = arith.constant 1 : i32
        %sub3A_275 = vector.broadcast %sub3A_274 : i32 to vector<16xi32>
        %sub3A_276 = arith.subi %broadcast_in_dim3A_273, %sub3A_275 : vector<16xi32>
        %select_n3A_277 = arith.select %and3A_271, %get3A_260, %sub3A_276 : vector<16xi1>, vector<16xi32>
        %swap3A_278 = arith.constant 48 : index
        %swap3A_279 = tpu.vector_load %arg22[%swap3A_278] {strides = array<i32>} : memref<128xi32, #tpu.memory_space<vmem>>, vector<16xi32>,
        tpu.vector_store %arg22[%swap3A_278], %select_n3A_277 {strides = array<i32>} : memref<128xi32, #tpu.memory_space<vmem>>, vector<16xi32>,
        %select_n3A_280 = arith.select %and3A_271, %sub3A_264, %sub3A_276 : vector<16xi1>, vector<16xi32>
        %swap3A_281 = arith.constant 48 : index
        %swap3A_282 = tpu.vector_load %arg23[%swap3A_281] {strides = array<i32>} : memref<128xi32, #tpu.memory_space<vmem>>, vector<16xi32>,
        tpu.vector_store %arg23[%swap3A_281], %select_n3A_280 {strides = array<i32>} : memref<128xi32, #tpu.memory_space<vmem>>, vector<16xi32>,
        %get3A_283 = arith.constant 64 : index
        %get3A_284 = tpu.vector_load %arg18[%get3A_283] {strides = array<i32>} : memref<128xi32, #tpu.memory_space<vmem>>, vector<16xi32>,
        %get3A_285 = arith.constant 64 : index
        %get3A_286 = tpu.vector_load %arg19[%get3A_285] {strides = array<i32>} : memref<128xi32, #tpu.memory_space<vmem>>, vector<16xi32>,
        %sub3A_287 = vector.broadcast %mul3A_2 : i32 to vector<16xi32>
        %sub3A_288 = arith.subi %get3A_286, %sub3A_287 : vector<16xi32>
        %ge3A_289 = arith.constant 0 : i32
        %ge3A_290 = vector.broadcast %ge3A_289 : i32 to vector<16xi32>
        %ge3A_291 = arith.cmpi sge, %sub3A_288, %ge3A_290 : vector<16xi32>
        %lt3A_292 = arith.constant 5120 : i32
        %lt3A_293 = vector.broadcast %lt3A_292 : i32 to vector<16xi32>
        %lt3A_294 = arith.cmpi slt, %sub3A_288, %lt3A_293 : vector<16xi32>
        %and3A_295 = arith.andi %ge3A_291, %lt3A_294 : vector<16xi1>
        %broadcast_in_dim3A_296 = arith.constant 0 : i32
        %broadcast_in_dim3A_297 = vector.broadcast %broadcast_in_dim3A_296 : i32 to vector<16xi32>
        %sub3A_298 = arith.constant 1 : i32
        %sub3A_299 = vector.broadcast %sub3A_298 : i32 to vector<16xi32>
        %sub3A_300 = arith.subi %broadcast_in_dim3A_297, %sub3A_299 : vector<16xi32>
        %select_n3A_301 = arith.select %and3A_295, %get3A_284, %sub3A_300 : vector<16xi1>, vector<16xi32>
        %swap3A_302 = arith.constant 64 : index
        %swap3A_303 = tpu.vector_load %arg22[%swap3A_302] {strides = array<i32>} : memref<128xi32, #tpu.memory_space<vmem>>, vector<16xi32>,
        tpu.vector_store %arg22[%swap3A_302], %select_n3A_301 {strides = array<i32>} : memref<128xi32, #tpu.memory_space<vmem>>, vector<16xi32>,
        %select_n3A_304 = arith.select %and3A_295, %sub3A_288, %sub3A_300 : vector<16xi1>, vector<16xi32>
        %swap3A_305 = arith.constant 64 : index
        %swap3A_306 = tpu.vector_load %arg23[%swap3A_305] {strides = array<i32>} : memref<128xi32, #tpu.memory_space<vmem>>, vector<16xi32>,
        tpu.vector_store %arg23[%swap3A_305], %select_n3A_304 {strides = array<i32>} : memref<128xi32, #tpu.memory_space<vmem>>, vector<16xi32>,
        %get3A_307 = arith.constant 80 : index
        %get3A_308 = tpu.vector_load %arg18[%get3A_307] {strides = array<i32>} : memref<128xi32, #tpu.memory_space<vmem>>, vector<16xi32>,
        %get3A_309 = arith.constant 80 : index
        %get3A_310 = tpu.vector_load %arg19[%get3A_309] {strides = array<i32>} : memref<128xi32, #tpu.memory_space<vmem>>, vector<16xi32>,
        %sub3A_311 = vector.broadcast %mul3A_2 : i32 to vector<16xi32>
        %sub3A_312 = arith.subi %get3A_310, %sub3A_311 : vector<16xi32>
        %ge3A_313 = arith.constant 0 : i32
        %ge3A_314 = vector.broadcast %ge3A_313 : i32 to vector<16xi32>
        %ge3A_315 = arith.cmpi sge, %sub3A_312, %ge3A_314 : vector<16xi32>
        %lt3A_316 = arith.constant 5120 : i32
        %lt3A_317 = vector.broadcast %lt3A_316 : i32 to vector<16xi32>
        %lt3A_318 = arith.cmpi slt, %sub3A_312, %lt3A_317 : vector<16xi32>
        %and3A_319 = arith.andi %ge3A_315, %lt3A_318 : vector<16xi1>
        %broadcast_in_dim3A_320 = arith.constant 0 : i32
        %broadcast_in_dim3A_321 = vector.broadcast %broadcast_in_dim3A_320 : i32 to vector<16xi32>
        %sub3A_322 = arith.constant 1 : i32
        %sub3A_323 = vector.broadcast %sub3A_322 : i32 to vector<16xi32>
        %sub3A_324 = arith.subi %broadcast_in_dim3A_321, %sub3A_323 : vector<16xi32>
        %select_n3A_325 = arith.select %and3A_319, %get3A_308, %sub3A_324 : vector<16xi1>, vector<16xi32>
        %swap3A_326 = arith.constant 80 : index
        %swap3A_327 = tpu.vector_load %arg22[%swap3A_326] {strides = array<i32>} : memref<128xi32, #tpu.memory_space<vmem>>, vector<16xi32>,
        tpu.vector_store %arg22[%swap3A_326], %select_n3A_325 {strides = array<i32>} : memref<128xi32, #tpu.memory_space<vmem>>, vector<16xi32>,
        %select_n3A_328 = arith.select %and3A_319, %sub3A_312, %sub3A_324 : vector<16xi1>, vector<16xi32>
        %swap3A_329 = arith.constant 80 : index
        %swap3A_330 = tpu.vector_load %arg23[%swap3A_329] {strides = array<i32>} : memref<128xi32, #tpu.memory_space<vmem>>, vector<16xi32>,
        tpu.vector_store %arg23[%swap3A_329], %select_n3A_328 {strides = array<i32>} : memref<128xi32, #tpu.memory_space<vmem>>, vector<16xi32>,
        %get3A_331 = arith.constant 96 : index
        %get3A_332 = tpu.vector_load %arg18[%get3A_331] {strides = array<i32>} : memref<128xi32, #tpu.memory_space<vmem>>, vector<16xi32>,
        %get3A_333 = arith.constant 96 : index
        %get3A_334 = tpu.vector_load %arg19[%get3A_333] {strides = array<i32>} : memref<128xi32, #tpu.memory_space<vmem>>, vector<16xi32>,
        %sub3A_335 = vector.broadcast %mul3A_2 : i32 to vector<16xi32>
        %sub3A_336 = arith.subi %get3A_334, %sub3A_335 : vector<16xi32>
        %ge3A_337 = arith.constant 0 : i32
        %ge3A_338 = vector.broadcast %ge3A_337 : i32 to vector<16xi32>
        %ge3A_339 = arith.cmpi sge, %sub3A_336, %ge3A_338 : vector<16xi32>
        %lt3A_340 = arith.constant 5120 : i32
        %lt3A_341 = vector.broadcast %lt3A_340 : i32 to vector<16xi32>
        %lt3A_342 = arith.cmpi slt, %sub3A_336, %lt3A_341 : vector<16xi32>
        %and3A_343 = arith.andi %ge3A_339, %lt3A_342 : vector<16xi1>
        %broadcast_in_dim3A_344 = arith.constant 0 : i32
        %broadcast_in_dim3A_345 = vector.broadcast %broadcast_in_dim3A_344 : i32 to vector<16xi32>
        %sub3A_346 = arith.constant 1 : i32
        %sub3A_347 = vector.broadcast %sub3A_346 : i32 to vector<16xi32>
        %sub3A_348 = arith.subi %broadcast_in_dim3A_345, %sub3A_347 : vector<16xi32>
        %select_n3A_349 = arith.select %and3A_343, %get3A_332, %sub3A_348 : vector<16xi1>, vector<16xi32>
        %swap3A_350 = arith.constant 96 : index
        %swap3A_351 = tpu.vector_load %arg22[%swap3A_350] {strides = array<i32>} : memref<128xi32, #tpu.memory_space<vmem>>, vector<16xi32>,
        tpu.vector_store %arg22[%swap3A_350], %select_n3A_349 {strides = array<i32>} : memref<128xi32, #tpu.memory_space<vmem>>, vector<16xi32>,
        %select_n3A_352 = arith.select %and3A_343, %sub3A_336, %sub3A_348 : vector<16xi1>, vector<16xi32>
        %swap3A_353 = arith.constant 96 : index
        %swap3A_354 = tpu.vector_load %arg23[%swap3A_353] {strides = array<i32>} : memref<128xi32, #tpu.memory_space<vmem>>, vector<16xi32>,
        tpu.vector_store %arg23[%swap3A_353], %select_n3A_352 {strides = array<i32>} : memref<128xi32, #tpu.memory_space<vmem>>, vector<16xi32>,
        %get3A_355 = arith.constant 112 : index
        %get3A_356 = tpu.vector_load %arg18[%get3A_355] {strides = array<i32>} : memref<128xi32, #tpu.memory_space<vmem>>, vector<16xi32>,
        %get3A_357 = arith.constant 112 : index
        %get3A_358 = tpu.vector_load %arg19[%get3A_357] {strides = array<i32>} : memref<128xi32, #tpu.memory_space<vmem>>, vector<16xi32>,
        %sub3A_359 = vector.broadcast %mul3A_2 : i32 to vector<16xi32>
        %sub3A_360 = arith.subi %get3A_358, %sub3A_359 : vector<16xi32>
        %ge3A_361 = arith.constant 0 : i32
        %ge3A_362 = vector.broadcast %ge3A_361 : i32 to vector<16xi32>
        %ge3A_363 = arith.cmpi sge, %sub3A_360, %ge3A_362 : vector<16xi32>
        %lt3A_364 = arith.constant 5120 : i32
        %lt3A_365 = vector.broadcast %lt3A_364 : i32 to vector<16xi32>
        %lt3A_366 = arith.cmpi slt, %sub3A_360, %lt3A_365 : vector<16xi32>
        %and3A_367 = arith.andi %ge3A_363, %lt3A_366 : vector<16xi1>
        %broadcast_in_dim3A_368 = arith.constant 0 : i32
        %broadcast_in_dim3A_369 = vector.broadcast %broadcast_in_dim3A_368 : i32 to vector<16xi32>
        %sub3A_370 = arith.constant 1 : i32
        %sub3A_371 = vector.broadcast %sub3A_370 : i32 to vector<16xi32>
        %sub3A_372 = arith.subi %broadcast_in_dim3A_369, %sub3A_371 : vector<16xi32>
        %select_n3A_373 = arith.select %and3A_367, %get3A_356, %sub3A_372 : vector<16xi1>, vector<16xi32>
        %swap3A_374 = arith.constant 112 : index
        %swap3A_375 = tpu.vector_load %arg22[%swap3A_374] {strides = array<i32>} : memref<128xi32, #tpu.memory_space<vmem>>, vector<16xi32>,
        tpu.vector_store %arg22[%swap3A_374], %select_n3A_373 {strides = array<i32>} : memref<128xi32, #tpu.memory_space<vmem>>, vector<16xi32>,
        %select_n3A_376 = arith.select %and3A_367, %sub3A_360, %sub3A_372 : vector<16xi1>, vector<16xi32>
        %swap3A_377 = arith.constant 112 : index
        %swap3A_378 = tpu.vector_load %arg23[%swap3A_377] {strides = array<i32>} : memref<128xi32, #tpu.memory_space<vmem>>, vector<16xi32>,
        tpu.vector_store %arg23[%swap3A_377], %select_n3A_376 {strides = array<i32>} : memref<128xi32, #tpu.memory_space<vmem>>, vector<16xi32>,
        %dma_start3A_379 = arith.constant 0 : i32
        %dma_start3A_380 = arith.constant 0 : i32
        %dma_start3A_381 = tpu.memref_slice %arg7[%dma_start3A_379, %dma_start3A_380] : memref<10240x128xf32, #tpu.memory_space<hbm>> -> memref<10240x128xf32, #tpu.memory_space<hbm>>
        %dma_start3A_382 = arith.constant -1 : i32
        tpu.enqueue_indirect_dma source(%dma_start3A_381 : memref<10240x128xf32, #tpu.memory_space<hbm>>) target(%arg27 : memref<128x128xf32, #tpu.memory_space<vmem>>) offsets(%arg22 : memref<128xi32, #tpu.memory_space<vmem>>) offset_filter(%dma_start3A_382) semaphore(%arg41 : memref<!tpu.dma_semaphore, #tpu.memory_space<semaphore_mem>>)
        %get3A_383 = arith.constant 0 : index
        %get3A_384 = tpu.vector_load %arg18[%get3A_383] {strides = array<i32>} : memref<128xi32, #tpu.memory_space<vmem>>, vector<16xi32>,
        %get3A_385 = arith.constant 0 : index
        %get3A_386 = tpu.vector_load %arg19[%get3A_385] {strides = array<i32>} : memref<128xi32, #tpu.memory_space<vmem>>, vector<16xi32>,
        %sub3A_387 = vector.broadcast %mul3A_2 : i32 to vector<16xi32>
        %sub3A_388 = arith.subi %get3A_386, %sub3A_387 : vector<16xi32>
        %ge3A_389 = arith.constant 0 : i32
        %ge3A_390 = vector.broadcast %ge3A_389 : i32 to vector<16xi32>
        %ge3A_391 = arith.cmpi sge, %sub3A_388, %ge3A_390 : vector<16xi32>
        %sub3A_392 = vector.broadcast %mul3A_2 : i32 to vector<16xi32>
        %sub3A_393 = arith.subi %get3A_386, %sub3A_392 : vector<16xi32>
        %lt3A_394 = arith.constant 5120 : i32
        %lt3A_395 = vector.broadcast %lt3A_394 : i32 to vector<16xi32>
        %lt3A_396 = arith.cmpi slt, %sub3A_393, %lt3A_395 : vector<16xi32>
        %and3A_397 = arith.andi %ge3A_391, %lt3A_396 : vector<16xi1>
        %iota3A = tpu.iota {dimensions = array<i32: 0>} : vector<16xi32>
        %shift_right_logical3A = arith.constant 3 : i32
        %shift_right_logical3A_398 = vector.broadcast %shift_right_logical3A : i32 to vector<16xi32>
        %shift_right_logical3A_399 = arith.shrui %iota3A, %shift_right_logical3A_398 : vector<16xi32>
        %add3A_400 = arith.constant 0 : i32
        %add3A_401 = vector.broadcast %add3A_400 : i32 to vector<16xi32>
        %add3A_402 = arith.addi %add3A_401, %shift_right_logical3A_399 : vector<16xi32>
        %and3A_403 = arith.constant 7 : i32
        %and3A_404 = vector.broadcast %and3A_403 : i32 to vector<16xi32>
        %and3A_405 = arith.andi %iota3A, %and3A_404 : vector<16xi32>
        %mul3A_406 = arith.constant 16 : i32
        %mul3A_407 = vector.broadcast %mul3A_406 : i32 to vector<16xi32>
        %mul3A_408 = arith.muli %and3A_405, %mul3A_407 : vector<16xi32>
        %gather3A = tpu.vector_load_idx %arg21[%add3A_402, %mul3A_408] : memref<16x128xf32, #tpu.memory_space<vmem>>[vector<16xi32>, vector<16xi32>], vector<16xf32>,
        %gather3A_409 = tpu.vector_load_idx %arg14[%get3A_386] : memref<10240xf32, #tpu.memory_space<vmem>>[vector<16xi32>], vector<16xf32>,
        %gather3A_410 = tpu.vector_load_idx %arg15[%get3A_384] : memref<10240xf32, #tpu.memory_space<vmem>>[vector<16xi32>], vector<16xf32>,
        %add3A_411 = arith.addf %gather3A_409, %gather3A_410 : vector<16xf32>
        %get3A_412 = arith.constant 0 : index
        %get3A_413 = tpu.vector_load %arg20[%get3A_412] {strides = array<i32>} : memref<128xi32, #tpu.memory_space<vmem>>, vector<16xi32>,
        %gather3A_414 = tpu.vector_load_idx %arg17[%get3A_413] : memref<16xf32, #tpu.memory_space<vmem>>[vector<16xi32>], vector<16xf32>,
        %add3A_415 = arith.addf %add3A_411, %gather3A_414 : vector<16xf32>
        %add3A_416 = arith.addf %add3A_415, %gather3A : vector<16xf32>
        %ge3A_417 = arith.constant 0.000000e+00 : f32
        %ge3A_418 = vector.broadcast %ge3A_417 : f32 to vector<16xf32>
        %ge3A_419 = arith.cmpf oge, %add3A_416, %ge3A_418 : vector<16xf32>
        %mul3A_420 = arith.constant 2.000000e-01 : f32
        %mul3A_421 = vector.broadcast %mul3A_420 : f32 to vector<16xf32>
        %mul3A_422 = arith.mulf %mul3A_421, %add3A_416 : vector<16xf32>
        %select_n3A_423 = arith.select %ge3A_419, %add3A_416, %mul3A_422 : vector<16xi1>, vector<16xf32>
        %exp3A = math.exp %select_n3A_423 : vector<16xf32>
        %swap3A_424 = arith.constant 0 : index
        %swap3A_425 = tpu.vector_load %arg24[%swap3A_424] {strides = array<i32>} : memref<128xf32, #tpu.memory_space<vmem>>, vector<16xf32>,
        tpu.vector_store %arg24[%swap3A_424], %exp3A {strides = array<i32>} : memref<128xf32, #tpu.memory_space<vmem>>, vector<16xf32>,
        %shift_right_logical3A_426 = arith.constant 4 : i32
        %shift_right_logical3A_427 = vector.broadcast %shift_right_logical3A_426 : i32 to vector<16xi32>
        %shift_right_logical3A_428 = arith.shrui %get3A_386, %shift_right_logical3A_427 : vector<16xi32>
        %and3A_429 = arith.constant 15 : i32
        %and3A_430 = vector.broadcast %and3A_429 : i32 to vector<16xi32>
        %and3A_431 = arith.andi %get3A_386, %and3A_430 : vector<16xi32>
        tpu.vector_store_idx %arg16[%shift_right_logical3A_428, %and3A_431], %exp3A masked %and3A_397 {add = true} : memref<640x16xf32, #tpu.memory_space<vmem>>[vector<16xi32>, vector<16xi32>], vector<16xf32>, vector<16xi1>
        %get3A_432 = arith.constant 16 : index
        %get3A_433 = tpu.vector_load %arg18[%get3A_432] {strides = array<i32>} : memref<128xi32, #tpu.memory_space<vmem>>, vector<16xi32>,
        %get3A_434 = arith.constant 16 : index
        %get3A_435 = tpu.vector_load %arg19[%get3A_434] {strides = array<i32>} : memref<128xi32, #tpu.memory_space<vmem>>, vector<16xi32>,
        %sub3A_436 = vector.broadcast %mul3A_2 : i32 to vector<16xi32>
        %sub3A_437 = arith.subi %get3A_435, %sub3A_436 : vector<16xi32>
        %ge3A_438 = arith.constant 0 : i32
        %ge3A_439 = vector.broadcast %ge3A_438 : i32 to vector<16xi32>
        %ge3A_440 = arith.cmpi sge, %sub3A_437, %ge3A_439 : vector<16xi32>
        %sub3A_441 = vector.broadcast %mul3A_2 : i32 to vector<16xi32>
        %sub3A_442 = arith.subi %get3A_435, %sub3A_441 : vector<16xi32>
        %lt3A_443 = arith.constant 5120 : i32
        %lt3A_444 = vector.broadcast %lt3A_443 : i32 to vector<16xi32>
        %lt3A_445 = arith.cmpi slt, %sub3A_442, %lt3A_444 : vector<16xi32>
        %and3A_446 = arith.andi %ge3A_440, %lt3A_445 : vector<16xi1>
        %iota3A_447 = tpu.iota {dimensions = array<i32: 0>} : vector<16xi32>
        %shift_right_logical3A_448 = arith.constant 3 : i32
        %shift_right_logical3A_449 = vector.broadcast %shift_right_logical3A_448 : i32 to vector<16xi32>
        %shift_right_logical3A_450 = arith.shrui %iota3A_447, %shift_right_logical3A_449 : vector<16xi32>
        %add3A_451 = arith.constant 2 : i32
        %add3A_452 = vector.broadcast %add3A_451 : i32 to vector<16xi32>
        %add3A_453 = arith.addi %add3A_452, %shift_right_logical3A_450 : vector<16xi32>
        %and3A_454 = arith.constant 7 : i32
        %and3A_455 = vector.broadcast %and3A_454 : i32 to vector<16xi32>
        %and3A_456 = arith.andi %iota3A_447, %and3A_455 : vector<16xi32>
        %mul3A_457 = arith.constant 16 : i32
        %mul3A_458 = vector.broadcast %mul3A_457 : i32 to vector<16xi32>
        %mul3A_459 = arith.muli %and3A_456, %mul3A_458 : vector<16xi32>
        %gather3A_460 = tpu.vector_load_idx %arg21[%add3A_453, %mul3A_459] : memref<16x128xf32, #tpu.memory_space<vmem>>[vector<16xi32>, vector<16xi32>], vector<16xf32>,
        %gather3A_461 = tpu.vector_load_idx %arg14[%get3A_435] : memref<10240xf32, #tpu.memory_space<vmem>>[vector<16xi32>], vector<16xf32>,
        %gather3A_462 = tpu.vector_load_idx %arg15[%get3A_433] : memref<10240xf32, #tpu.memory_space<vmem>>[vector<16xi32>], vector<16xf32>,
        %add3A_463 = arith.addf %gather3A_461, %gather3A_462 : vector<16xf32>
        %get3A_464 = arith.constant 16 : index
        %get3A_465 = tpu.vector_load %arg20[%get3A_464] {strides = array<i32>} : memref<128xi32, #tpu.memory_space<vmem>>, vector<16xi32>,
        %gather3A_466 = tpu.vector_load_idx %arg17[%get3A_465] : memref<16xf32, #tpu.memory_space<vmem>>[vector<16xi32>], vector<16xf32>,
        %add3A_467 = arith.addf %add3A_463, %gather3A_466 : vector<16xf32>
        %add3A_468 = arith.addf %add3A_467, %gather3A_460 : vector<16xf32>
        %ge3A_469 = arith.constant 0.000000e+00 : f32
        %ge3A_470 = vector.broadcast %ge3A_469 : f32 to vector<16xf32>
        %ge3A_471 = arith.cmpf oge, %add3A_468, %ge3A_470 : vector<16xf32>
        %mul3A_472 = arith.constant 2.000000e-01 : f32
        %mul3A_473 = vector.broadcast %mul3A_472 : f32 to vector<16xf32>
        %mul3A_474 = arith.mulf %mul3A_473, %add3A_468 : vector<16xf32>
        %select_n3A_475 = arith.select %ge3A_471, %add3A_468, %mul3A_474 : vector<16xi1>, vector<16xf32>
        %exp3A_476 = math.exp %select_n3A_475 : vector<16xf32>
        %swap3A_477 = arith.constant 16 : index
        %swap3A_478 = tpu.vector_load %arg24[%swap3A_477] {strides = array<i32>} : memref<128xf32, #tpu.memory_space<vmem>>, vector<16xf32>,
        tpu.vector_store %arg24[%swap3A_477], %exp3A_476 {strides = array<i32>} : memref<128xf32, #tpu.memory_space<vmem>>, vector<16xf32>,
        %shift_right_logical3A_479 = arith.constant 4 : i32
        %shift_right_logical3A_480 = vector.broadcast %shift_right_logical3A_479 : i32 to vector<16xi32>
        %shift_right_logical3A_481 = arith.shrui %get3A_435, %shift_right_logical3A_480 : vector<16xi32>
        %and3A_482 = arith.constant 15 : i32
        %and3A_483 = vector.broadcast %and3A_482 : i32 to vector<16xi32>
        %and3A_484 = arith.andi %get3A_435, %and3A_483 : vector<16xi32>
        tpu.vector_store_idx %arg16[%shift_right_logical3A_481, %and3A_484], %exp3A_476 masked %and3A_446 {add = true} : memref<640x16xf32, #tpu.memory_space<vmem>>[vector<16xi32>, vector<16xi32>], vector<16xf32>, vector<16xi1>
        %get3A_485 = arith.constant 32 : index
        %get3A_486 = tpu.vector_load %arg18[%get3A_485] {strides = array<i32>} : memref<128xi32, #tpu.memory_space<vmem>>, vector<16xi32>,
        %get3A_487 = arith.constant 32 : index
        %get3A_488 = tpu.vector_load %arg19[%get3A_487] {strides = array<i32>} : memref<128xi32, #tpu.memory_space<vmem>>, vector<16xi32>,
        %sub3A_489 = vector.broadcast %mul3A_2 : i32 to vector<16xi32>
        %sub3A_490 = arith.subi %get3A_488, %sub3A_489 : vector<16xi32>
        %ge3A_491 = arith.constant 0 : i32
        %ge3A_492 = vector.broadcast %ge3A_491 : i32 to vector<16xi32>
        %ge3A_493 = arith.cmpi sge, %sub3A_490, %ge3A_492 : vector<16xi32>
        %sub3A_494 = vector.broadcast %mul3A_2 : i32 to vector<16xi32>
        %sub3A_495 = arith.subi %get3A_488, %sub3A_494 : vector<16xi32>
        %lt3A_496 = arith.constant 5120 : i32
        %lt3A_497 = vector.broadcast %lt3A_496 : i32 to vector<16xi32>
        %lt3A_498 = arith.cmpi slt, %sub3A_495, %lt3A_497 : vector<16xi32>
        %and3A_499 = arith.andi %ge3A_493, %lt3A_498 : vector<16xi1>
        %iota3A_500 = tpu.iota {dimensions = array<i32: 0>} : vector<16xi32>
        %shift_right_logical3A_501 = arith.constant 3 : i32
        %shift_right_logical3A_502 = vector.broadcast %shift_right_logical3A_501 : i32 to vector<16xi32>
        %shift_right_logical3A_503 = arith.shrui %iota3A_500, %shift_right_logical3A_502 : vector<16xi32>
        %add3A_504 = arith.constant 4 : i32
        %add3A_505 = vector.broadcast %add3A_504 : i32 to vector<16xi32>
        %add3A_506 = arith.addi %add3A_505, %shift_right_logical3A_503 : vector<16xi32>
        %and3A_507 = arith.constant 7 : i32
        %and3A_508 = vector.broadcast %and3A_507 : i32 to vector<16xi32>
        %and3A_509 = arith.andi %iota3A_500, %and3A_508 : vector<16xi32>
        %mul3A_510 = arith.constant 16 : i32
        %mul3A_511 = vector.broadcast %mul3A_510 : i32 to vector<16xi32>
        %mul3A_512 = arith.muli %and3A_509, %mul3A_511 : vector<16xi32>
        %gather3A_513 = tpu.vector_load_idx %arg21[%add3A_506, %mul3A_512] : memref<16x128xf32, #tpu.memory_space<vmem>>[vector<16xi32>, vector<16xi32>], vector<16xf32>,
        %gather3A_514 = tpu.vector_load_idx %arg14[%get3A_488] : memref<10240xf32, #tpu.memory_space<vmem>>[vector<16xi32>], vector<16xf32>,
        %gather3A_515 = tpu.vector_load_idx %arg15[%get3A_486] : memref<10240xf32, #tpu.memory_space<vmem>>[vector<16xi32>], vector<16xf32>,
        %add3A_516 = arith.addf %gather3A_514, %gather3A_515 : vector<16xf32>
        %get3A_517 = arith.constant 32 : index
        %get3A_518 = tpu.vector_load %arg20[%get3A_517] {strides = array<i32>} : memref<128xi32, #tpu.memory_space<vmem>>, vector<16xi32>,
        %gather3A_519 = tpu.vector_load_idx %arg17[%get3A_518] : memref<16xf32, #tpu.memory_space<vmem>>[vector<16xi32>], vector<16xf32>,
        %add3A_520 = arith.addf %add3A_516, %gather3A_519 : vector<16xf32>
        %add3A_521 = arith.addf %add3A_520, %gather3A_513 : vector<16xf32>
        %ge3A_522 = arith.constant 0.000000e+00 : f32
        %ge3A_523 = vector.broadcast %ge3A_522 : f32 to vector<16xf32>
        %ge3A_524 = arith.cmpf oge, %add3A_521, %ge3A_523 : vector<16xf32>
        %mul3A_525 = arith.constant 2.000000e-01 : f32
        %mul3A_526 = vector.broadcast %mul3A_525 : f32 to vector<16xf32>
        %mul3A_527 = arith.mulf %mul3A_526, %add3A_521 : vector<16xf32>
        %select_n3A_528 = arith.select %ge3A_524, %add3A_521, %mul3A_527 : vector<16xi1>, vector<16xf32>
        %exp3A_529 = math.exp %select_n3A_528 : vector<16xf32>
        %swap3A_530 = arith.constant 32 : index
        %swap3A_531 = tpu.vector_load %arg24[%swap3A_530] {strides = array<i32>} : memref<128xf32, #tpu.memory_space<vmem>>, vector<16xf32>,
        tpu.vector_store %arg24[%swap3A_530], %exp3A_529 {strides = array<i32>} : memref<128xf32, #tpu.memory_space<vmem>>, vector<16xf32>,
        %shift_right_logical3A_532 = arith.constant 4 : i32
        %shift_right_logical3A_533 = vector.broadcast %shift_right_logical3A_532 : i32 to vector<16xi32>
        %shift_right_logical3A_534 = arith.shrui %get3A_488, %shift_right_logical3A_533 : vector<16xi32>
        %and3A_535 = arith.constant 15 : i32
        %and3A_536 = vector.broadcast %and3A_535 : i32 to vector<16xi32>
        %and3A_537 = arith.andi %get3A_488, %and3A_536 : vector<16xi32>
        tpu.vector_store_idx %arg16[%shift_right_logical3A_534, %and3A_537], %exp3A_529 masked %and3A_499 {add = true} : memref<640x16xf32, #tpu.memory_space<vmem>>[vector<16xi32>, vector<16xi32>], vector<16xf32>, vector<16xi1>
        %get3A_538 = arith.constant 48 : index
        %get3A_539 = tpu.vector_load %arg18[%get3A_538] {strides = array<i32>} : memref<128xi32, #tpu.memory_space<vmem>>, vector<16xi32>,
        %get3A_540 = arith.constant 48 : index
        %get3A_541 = tpu.vector_load %arg19[%get3A_540] {strides = array<i32>} : memref<128xi32, #tpu.memory_space<vmem>>, vector<16xi32>,
        %sub3A_542 = vector.broadcast %mul3A_2 : i32 to vector<16xi32>
        %sub3A_543 = arith.subi %get3A_541, %sub3A_542 : vector<16xi32>
        %ge3A_544 = arith.constant 0 : i32
        %ge3A_545 = vector.broadcast %ge3A_544 : i32 to vector<16xi32>
        %ge3A_546 = arith.cmpi sge, %sub3A_543, %ge3A_545 : vector<16xi32>
        %sub3A_547 = vector.broadcast %mul3A_2 : i32 to vector<16xi32>
        %sub3A_548 = arith.subi %get3A_541, %sub3A_547 : vector<16xi32>
        %lt3A_549 = arith.constant 5120 : i32
        %lt3A_550 = vector.broadcast %lt3A_549 : i32 to vector<16xi32>
        %lt3A_551 = arith.cmpi slt, %sub3A_548, %lt3A_550 : vector<16xi32>
        %and3A_552 = arith.andi %ge3A_546, %lt3A_551 : vector<16xi1>
        %iota3A_553 = tpu.iota {dimensions = array<i32: 0>} : vector<16xi32>
        %shift_right_logical3A_554 = arith.constant 3 : i32
        %shift_right_logical3A_555 = vector.broadcast %shift_right_logical3A_554 : i32 to vector<16xi32>
        %shift_right_logical3A_556 = arith.shrui %iota3A_553, %shift_right_logical3A_555 : vector<16xi32>
        %add3A_557 = arith.constant 6 : i32
        %add3A_558 = vector.broadcast %add3A_557 : i32 to vector<16xi32>
        %add3A_559 = arith.addi %add3A_558, %shift_right_logical3A_556 : vector<16xi32>
        %and3A_560 = arith.constant 7 : i32
        %and3A_561 = vector.broadcast %and3A_560 : i32 to vector<16xi32>
        %and3A_562 = arith.andi %iota3A_553, %and3A_561 : vector<16xi32>
        %mul3A_563 = arith.constant 16 : i32
        %mul3A_564 = vector.broadcast %mul3A_563 : i32 to vector<16xi32>
        %mul3A_565 = arith.muli %and3A_562, %mul3A_564 : vector<16xi32>
        %gather3A_566 = tpu.vector_load_idx %arg21[%add3A_559, %mul3A_565] : memref<16x128xf32, #tpu.memory_space<vmem>>[vector<16xi32>, vector<16xi32>], vector<16xf32>,
        %gather3A_567 = tpu.vector_load_idx %arg14[%get3A_541] : memref<10240xf32, #tpu.memory_space<vmem>>[vector<16xi32>], vector<16xf32>,
        %gather3A_568 = tpu.vector_load_idx %arg15[%get3A_539] : memref<10240xf32, #tpu.memory_space<vmem>>[vector<16xi32>], vector<16xf32>,
        %add3A_569 = arith.addf %gather3A_567, %gather3A_568 : vector<16xf32>
        %get3A_570 = arith.constant 48 : index
        %get3A_571 = tpu.vector_load %arg20[%get3A_570] {strides = array<i32>} : memref<128xi32, #tpu.memory_space<vmem>>, vector<16xi32>,
        %gather3A_572 = tpu.vector_load_idx %arg17[%get3A_571] : memref<16xf32, #tpu.memory_space<vmem>>[vector<16xi32>], vector<16xf32>,
        %add3A_573 = arith.addf %add3A_569, %gather3A_572 : vector<16xf32>
        %add3A_574 = arith.addf %add3A_573, %gather3A_566 : vector<16xf32>
        %ge3A_575 = arith.constant 0.000000e+00 : f32
        %ge3A_576 = vector.broadcast %ge3A_575 : f32 to vector<16xf32>
        %ge3A_577 = arith.cmpf oge, %add3A_574, %ge3A_576 : vector<16xf32>
        %mul3A_578 = arith.constant 2.000000e-01 : f32
        %mul3A_579 = vector.broadcast %mul3A_578 : f32 to vector<16xf32>
        %mul3A_580 = arith.mulf %mul3A_579, %add3A_574 : vector<16xf32>
        %select_n3A_581 = arith.select %ge3A_577, %add3A_574, %mul3A_580 : vector<16xi1>, vector<16xf32>
        %exp3A_582 = math.exp %select_n3A_581 : vector<16xf32>
        %swap3A_583 = arith.constant 48 : index
        %swap3A_584 = tpu.vector_load %arg24[%swap3A_583] {strides = array<i32>} : memref<128xf32, #tpu.memory_space<vmem>>, vector<16xf32>,
        tpu.vector_store %arg24[%swap3A_583], %exp3A_582 {strides = array<i32>} : memref<128xf32, #tpu.memory_space<vmem>>, vector<16xf32>,
        %shift_right_logical3A_585 = arith.constant 4 : i32
        %shift_right_logical3A_586 = vector.broadcast %shift_right_logical3A_585 : i32 to vector<16xi32>
        %shift_right_logical3A_587 = arith.shrui %get3A_541, %shift_right_logical3A_586 : vector<16xi32>
        %and3A_588 = arith.constant 15 : i32
        %and3A_589 = vector.broadcast %and3A_588 : i32 to vector<16xi32>
        %and3A_590 = arith.andi %get3A_541, %and3A_589 : vector<16xi32>
        tpu.vector_store_idx %arg16[%shift_right_logical3A_587, %and3A_590], %exp3A_582 masked %and3A_552 {add = true} : memref<640x16xf32, #tpu.memory_space<vmem>>[vector<16xi32>, vector<16xi32>], vector<16xf32>, vector<16xi1>
        %get3A_591 = arith.constant 64 : index
        %get3A_592 = tpu.vector_load %arg18[%get3A_591] {strides = array<i32>} : memref<128xi32, #tpu.memory_space<vmem>>, vector<16xi32>,
        %get3A_593 = arith.constant 64 : index
        %get3A_594 = tpu.vector_load %arg19[%get3A_593] {strides = array<i32>} : memref<128xi32, #tpu.memory_space<vmem>>, vector<16xi32>,
        %sub3A_595 = vector.broadcast %mul3A_2 : i32 to vector<16xi32>
        %sub3A_596 = arith.subi %get3A_594, %sub3A_595 : vector<16xi32>
        %ge3A_597 = arith.constant 0 : i32
        %ge3A_598 = vector.broadcast %ge3A_597 : i32 to vector<16xi32>
        %ge3A_599 = arith.cmpi sge, %sub3A_596, %ge3A_598 : vector<16xi32>
        %sub3A_600 = vector.broadcast %mul3A_2 : i32 to vector<16xi32>
        %sub3A_601 = arith.subi %get3A_594, %sub3A_600 : vector<16xi32>
        %lt3A_602 = arith.constant 5120 : i32
        %lt3A_603 = vector.broadcast %lt3A_602 : i32 to vector<16xi32>
        %lt3A_604 = arith.cmpi slt, %sub3A_601, %lt3A_603 : vector<16xi32>
        %and3A_605 = arith.andi %ge3A_599, %lt3A_604 : vector<16xi1>
        %iota3A_606 = tpu.iota {dimensions = array<i32: 0>} : vector<16xi32>
        %shift_right_logical3A_607 = arith.constant 3 : i32
        %shift_right_logical3A_608 = vector.broadcast %shift_right_logical3A_607 : i32 to vector<16xi32>
        %shift_right_logical3A_609 = arith.shrui %iota3A_606, %shift_right_logical3A_608 : vector<16xi32>
        %add3A_610 = arith.constant 8 : i32
        %add3A_611 = vector.broadcast %add3A_610 : i32 to vector<16xi32>
        %add3A_612 = arith.addi %add3A_611, %shift_right_logical3A_609 : vector<16xi32>
        %and3A_613 = arith.constant 7 : i32
        %and3A_614 = vector.broadcast %and3A_613 : i32 to vector<16xi32>
        %and3A_615 = arith.andi %iota3A_606, %and3A_614 : vector<16xi32>
        %mul3A_616 = arith.constant 16 : i32
        %mul3A_617 = vector.broadcast %mul3A_616 : i32 to vector<16xi32>
        %mul3A_618 = arith.muli %and3A_615, %mul3A_617 : vector<16xi32>
        %gather3A_619 = tpu.vector_load_idx %arg21[%add3A_612, %mul3A_618] : memref<16x128xf32, #tpu.memory_space<vmem>>[vector<16xi32>, vector<16xi32>], vector<16xf32>,
        %gather3A_620 = tpu.vector_load_idx %arg14[%get3A_594] : memref<10240xf32, #tpu.memory_space<vmem>>[vector<16xi32>], vector<16xf32>,
        %gather3A_621 = tpu.vector_load_idx %arg15[%get3A_592] : memref<10240xf32, #tpu.memory_space<vmem>>[vector<16xi32>], vector<16xf32>,
        %add3A_622 = arith.addf %gather3A_620, %gather3A_621 : vector<16xf32>
        %get3A_623 = arith.constant 64 : index
        %get3A_624 = tpu.vector_load %arg20[%get3A_623] {strides = array<i32>} : memref<128xi32, #tpu.memory_space<vmem>>, vector<16xi32>,
        %gather3A_625 = tpu.vector_load_idx %arg17[%get3A_624] : memref<16xf32, #tpu.memory_space<vmem>>[vector<16xi32>], vector<16xf32>,
        %add3A_626 = arith.addf %add3A_622, %gather3A_625 : vector<16xf32>
        %add3A_627 = arith.addf %add3A_626, %gather3A_619 : vector<16xf32>
        %ge3A_628 = arith.constant 0.000000e+00 : f32
        %ge3A_629 = vector.broadcast %ge3A_628 : f32 to vector<16xf32>
        %ge3A_630 = arith.cmpf oge, %add3A_627, %ge3A_629 : vector<16xf32>
        %mul3A_631 = arith.constant 2.000000e-01 : f32
        %mul3A_632 = vector.broadcast %mul3A_631 : f32 to vector<16xf32>
        %mul3A_633 = arith.mulf %mul3A_632, %add3A_627 : vector<16xf32>
        %select_n3A_634 = arith.select %ge3A_630, %add3A_627, %mul3A_633 : vector<16xi1>, vector<16xf32>
        %exp3A_635 = math.exp %select_n3A_634 : vector<16xf32>
        %swap3A_636 = arith.constant 64 : index
        %swap3A_637 = tpu.vector_load %arg24[%swap3A_636] {strides = array<i32>} : memref<128xf32, #tpu.memory_space<vmem>>, vector<16xf32>,
        tpu.vector_store %arg24[%swap3A_636], %exp3A_635 {strides = array<i32>} : memref<128xf32, #tpu.memory_space<vmem>>, vector<16xf32>,
        %shift_right_logical3A_638 = arith.constant 4 : i32
        %shift_right_logical3A_639 = vector.broadcast %shift_right_logical3A_638 : i32 to vector<16xi32>
        %shift_right_logical3A_640 = arith.shrui %get3A_594, %shift_right_logical3A_639 : vector<16xi32>
        %and3A_641 = arith.constant 15 : i32
        %and3A_642 = vector.broadcast %and3A_641 : i32 to vector<16xi32>
        %and3A_643 = arith.andi %get3A_594, %and3A_642 : vector<16xi32>
        tpu.vector_store_idx %arg16[%shift_right_logical3A_640, %and3A_643], %exp3A_635 masked %and3A_605 {add = true} : memref<640x16xf32, #tpu.memory_space<vmem>>[vector<16xi32>, vector<16xi32>], vector<16xf32>, vector<16xi1>
        %get3A_644 = arith.constant 80 : index
        %get3A_645 = tpu.vector_load %arg18[%get3A_644] {strides = array<i32>} : memref<128xi32, #tpu.memory_space<vmem>>, vector<16xi32>,
        %get3A_646 = arith.constant 80 : index
        %get3A_647 = tpu.vector_load %arg19[%get3A_646] {strides = array<i32>} : memref<128xi32, #tpu.memory_space<vmem>>, vector<16xi32>,
        %sub3A_648 = vector.broadcast %mul3A_2 : i32 to vector<16xi32>
        %sub3A_649 = arith.subi %get3A_647, %sub3A_648 : vector<16xi32>
        %ge3A_650 = arith.constant 0 : i32
        %ge3A_651 = vector.broadcast %ge3A_650 : i32 to vector<16xi32>
        %ge3A_652 = arith.cmpi sge, %sub3A_649, %ge3A_651 : vector<16xi32>
        %sub3A_653 = vector.broadcast %mul3A_2 : i32 to vector<16xi32>
        %sub3A_654 = arith.subi %get3A_647, %sub3A_653 : vector<16xi32>
        %lt3A_655 = arith.constant 5120 : i32
        %lt3A_656 = vector.broadcast %lt3A_655 : i32 to vector<16xi32>
        %lt3A_657 = arith.cmpi slt, %sub3A_654, %lt3A_656 : vector<16xi32>
        %and3A_658 = arith.andi %ge3A_652, %lt3A_657 : vector<16xi1>
        %iota3A_659 = tpu.iota {dimensions = array<i32: 0>} : vector<16xi32>
        %shift_right_logical3A_660 = arith.constant 3 : i32
        %shift_right_logical3A_661 = vector.broadcast %shift_right_logical3A_660 : i32 to vector<16xi32>
        %shift_right_logical3A_662 = arith.shrui %iota3A_659, %shift_right_logical3A_661 : vector<16xi32>
        %add3A_663 = arith.constant 10 : i32
        %add3A_664 = vector.broadcast %add3A_663 : i32 to vector<16xi32>
        %add3A_665 = arith.addi %add3A_664, %shift_right_logical3A_662 : vector<16xi32>
        %and3A_666 = arith.constant 7 : i32
        %and3A_667 = vector.broadcast %and3A_666 : i32 to vector<16xi32>
        %and3A_668 = arith.andi %iota3A_659, %and3A_667 : vector<16xi32>
        %mul3A_669 = arith.constant 16 : i32
        %mul3A_670 = vector.broadcast %mul3A_669 : i32 to vector<16xi32>
        %mul3A_671 = arith.muli %and3A_668, %mul3A_670 : vector<16xi32>
        %gather3A_672 = tpu.vector_load_idx %arg21[%add3A_665, %mul3A_671] : memref<16x128xf32, #tpu.memory_space<vmem>>[vector<16xi32>, vector<16xi32>], vector<16xf32>,
        %gather3A_673 = tpu.vector_load_idx %arg14[%get3A_647] : memref<10240xf32, #tpu.memory_space<vmem>>[vector<16xi32>], vector<16xf32>,
        %gather3A_674 = tpu.vector_load_idx %arg15[%get3A_645] : memref<10240xf32, #tpu.memory_space<vmem>>[vector<16xi32>], vector<16xf32>,
        %add3A_675 = arith.addf %gather3A_673, %gather3A_674 : vector<16xf32>
        %get3A_676 = arith.constant 80 : index
        %get3A_677 = tpu.vector_load %arg20[%get3A_676] {strides = array<i32>} : memref<128xi32, #tpu.memory_space<vmem>>, vector<16xi32>,
        %gather3A_678 = tpu.vector_load_idx %arg17[%get3A_677] : memref<16xf32, #tpu.memory_space<vmem>>[vector<16xi32>], vector<16xf32>,
        %add3A_679 = arith.addf %add3A_675, %gather3A_678 : vector<16xf32>
        %add3A_680 = arith.addf %add3A_679, %gather3A_672 : vector<16xf32>
        %ge3A_681 = arith.constant 0.000000e+00 : f32
        %ge3A_682 = vector.broadcast %ge3A_681 : f32 to vector<16xf32>
        %ge3A_683 = arith.cmpf oge, %add3A_680, %ge3A_682 : vector<16xf32>
        %mul3A_684 = arith.constant 2.000000e-01 : f32
        %mul3A_685 = vector.broadcast %mul3A_684 : f32 to vector<16xf32>
        %mul3A_686 = arith.mulf %mul3A_685, %add3A_680 : vector<16xf32>
        %select_n3A_687 = arith.select %ge3A_683, %add3A_680, %mul3A_686 : vector<16xi1>, vector<16xf32>
        %exp3A_688 = math.exp %select_n3A_687 : vector<16xf32>
        %swap3A_689 = arith.constant 80 : index
        %swap3A_690 = tpu.vector_load %arg24[%swap3A_689] {strides = array<i32>} : memref<128xf32, #tpu.memory_space<vmem>>, vector<16xf32>,
        tpu.vector_store %arg24[%swap3A_689], %exp3A_688 {strides = array<i32>} : memref<128xf32, #tpu.memory_space<vmem>>, vector<16xf32>,
        %shift_right_logical3A_691 = arith.constant 4 : i32
        %shift_right_logical3A_692 = vector.broadcast %shift_right_logical3A_691 : i32 to vector<16xi32>
        %shift_right_logical3A_693 = arith.shrui %get3A_647, %shift_right_logical3A_692 : vector<16xi32>
        %and3A_694 = arith.constant 15 : i32
        %and3A_695 = vector.broadcast %and3A_694 : i32 to vector<16xi32>
        %and3A_696 = arith.andi %get3A_647, %and3A_695 : vector<16xi32>
        tpu.vector_store_idx %arg16[%shift_right_logical3A_693, %and3A_696], %exp3A_688 masked %and3A_658 {add = true} : memref<640x16xf32, #tpu.memory_space<vmem>>[vector<16xi32>, vector<16xi32>], vector<16xf32>, vector<16xi1>
        %get3A_697 = arith.constant 96 : index
        %get3A_698 = tpu.vector_load %arg18[%get3A_697] {strides = array<i32>} : memref<128xi32, #tpu.memory_space<vmem>>, vector<16xi32>,
        %get3A_699 = arith.constant 96 : index
        %get3A_700 = tpu.vector_load %arg19[%get3A_699] {strides = array<i32>} : memref<128xi32, #tpu.memory_space<vmem>>, vector<16xi32>,
        %sub3A_701 = vector.broadcast %mul3A_2 : i32 to vector<16xi32>
        %sub3A_702 = arith.subi %get3A_700, %sub3A_701 : vector<16xi32>
        %ge3A_703 = arith.constant 0 : i32
        %ge3A_704 = vector.broadcast %ge3A_703 : i32 to vector<16xi32>
        %ge3A_705 = arith.cmpi sge, %sub3A_702, %ge3A_704 : vector<16xi32>
        %sub3A_706 = vector.broadcast %mul3A_2 : i32 to vector<16xi32>
        %sub3A_707 = arith.subi %get3A_700, %sub3A_706 : vector<16xi32>
        %lt3A_708 = arith.constant 5120 : i32
        %lt3A_709 = vector.broadcast %lt3A_708 : i32 to vector<16xi32>
        %lt3A_710 = arith.cmpi slt, %sub3A_707, %lt3A_709 : vector<16xi32>
        %and3A_711 = arith.andi %ge3A_705, %lt3A_710 : vector<16xi1>
        %iota3A_712 = tpu.iota {dimensions = array<i32: 0>} : vector<16xi32>
        %shift_right_logical3A_713 = arith.constant 3 : i32
        %shift_right_logical3A_714 = vector.broadcast %shift_right_logical3A_713 : i32 to vector<16xi32>
        %shift_right_logical3A_715 = arith.shrui %iota3A_712, %shift_right_logical3A_714 : vector<16xi32>
        %add3A_716 = arith.constant 12 : i32
        %add3A_717 = vector.broadcast %add3A_716 : i32 to vector<16xi32>
        %add3A_718 = arith.addi %add3A_717, %shift_right_logical3A_715 : vector<16xi32>
        %and3A_719 = arith.constant 7 : i32
        %and3A_720 = vector.broadcast %and3A_719 : i32 to vector<16xi32>
        %and3A_721 = arith.andi %iota3A_712, %and3A_720 : vector<16xi32>
        %mul3A_722 = arith.constant 16 : i32
        %mul3A_723 = vector.broadcast %mul3A_722 : i32 to vector<16xi32>
        %mul3A_724 = arith.muli %and3A_721, %mul3A_723 : vector<16xi32>
        %gather3A_725 = tpu.vector_load_idx %arg21[%add3A_718, %mul3A_724] : memref<16x128xf32, #tpu.memory_space<vmem>>[vector<16xi32>, vector<16xi32>], vector<16xf32>,
        %gather3A_726 = tpu.vector_load_idx %arg14[%get3A_700] : memref<10240xf32, #tpu.memory_space<vmem>>[vector<16xi32>], vector<16xf32>,
        %gather3A_727 = tpu.vector_load_idx %arg15[%get3A_698] : memref<10240xf32, #tpu.memory_space<vmem>>[vector<16xi32>], vector<16xf32>,
        %add3A_728 = arith.addf %gather3A_726, %gather3A_727 : vector<16xf32>
        %get3A_729 = arith.constant 96 : index
        %get3A_730 = tpu.vector_load %arg20[%get3A_729] {strides = array<i32>} : memref<128xi32, #tpu.memory_space<vmem>>, vector<16xi32>,
        %gather3A_731 = tpu.vector_load_idx %arg17[%get3A_730] : memref<16xf32, #tpu.memory_space<vmem>>[vector<16xi32>], vector<16xf32>,
        %add3A_732 = arith.addf %add3A_728, %gather3A_731 : vector<16xf32>
        %add3A_733 = arith.addf %add3A_732, %gather3A_725 : vector<16xf32>
        %ge3A_734 = arith.constant 0.000000e+00 : f32
        %ge3A_735 = vector.broadcast %ge3A_734 : f32 to vector<16xf32>
        %ge3A_736 = arith.cmpf oge, %add3A_733, %ge3A_735 : vector<16xf32>
        %mul3A_737 = arith.constant 2.000000e-01 : f32
        %mul3A_738 = vector.broadcast %mul3A_737 : f32 to vector<16xf32>
        %mul3A_739 = arith.mulf %mul3A_738, %add3A_733 : vector<16xf32>
        %select_n3A_740 = arith.select %ge3A_736, %add3A_733, %mul3A_739 : vector<16xi1>, vector<16xf32>
        %exp3A_741 = math.exp %select_n3A_740 : vector<16xf32>
        %swap3A_742 = arith.constant 96 : index
        %swap3A_743 = tpu.vector_load %arg24[%swap3A_742] {strides = array<i32>} : memref<128xf32, #tpu.memory_space<vmem>>, vector<16xf32>,
        tpu.vector_store %arg24[%swap3A_742], %exp3A_741 {strides = array<i32>} : memref<128xf32, #tpu.memory_space<vmem>>, vector<16xf32>,
        %shift_right_logical3A_744 = arith.constant 4 : i32
        %shift_right_logical3A_745 = vector.broadcast %shift_right_logical3A_744 : i32 to vector<16xi32>
        %shift_right_logical3A_746 = arith.shrui %get3A_700, %shift_right_logical3A_745 : vector<16xi32>
        %and3A_747 = arith.constant 15 : i32
        %and3A_748 = vector.broadcast %and3A_747 : i32 to vector<16xi32>
        %and3A_749 = arith.andi %get3A_700, %and3A_748 : vector<16xi32>
        tpu.vector_store_idx %arg16[%shift_right_logical3A_746, %and3A_749], %exp3A_741 masked %and3A_711 {add = true} : memref<640x16xf32, #tpu.memory_space<vmem>>[vector<16xi32>, vector<16xi32>], vector<16xf32>, vector<16xi1>
        %get3A_750 = arith.constant 112 : index
        %get3A_751 = tpu.vector_load %arg18[%get3A_750] {strides = array<i32>} : memref<128xi32, #tpu.memory_space<vmem>>, vector<16xi32>,
        %get3A_752 = arith.constant 112 : index
        %get3A_753 = tpu.vector_load %arg19[%get3A_752] {strides = array<i32>} : memref<128xi32, #tpu.memory_space<vmem>>, vector<16xi32>,
        %sub3A_754 = vector.broadcast %mul3A_2 : i32 to vector<16xi32>
        %sub3A_755 = arith.subi %get3A_753, %sub3A_754 : vector<16xi32>
        %ge3A_756 = arith.constant 0 : i32
        %ge3A_757 = vector.broadcast %ge3A_756 : i32 to vector<16xi32>
        %ge3A_758 = arith.cmpi sge, %sub3A_755, %ge3A_757 : vector<16xi32>
        %sub3A_759 = vector.broadcast %mul3A_2 : i32 to vector<16xi32>
        %sub3A_760 = arith.subi %get3A_753, %sub3A_759 : vector<16xi32>
        %lt3A_761 = arith.constant 5120 : i32
        %lt3A_762 = vector.broadcast %lt3A_761 : i32 to vector<16xi32>
        %lt3A_763 = arith.cmpi slt, %sub3A_760, %lt3A_762 : vector<16xi32>
        %and3A_764 = arith.andi %ge3A_758, %lt3A_763 : vector<16xi1>
        %iota3A_765 = tpu.iota {dimensions = array<i32: 0>} : vector<16xi32>
        %shift_right_logical3A_766 = arith.constant 3 : i32
        %shift_right_logical3A_767 = vector.broadcast %shift_right_logical3A_766 : i32 to vector<16xi32>
        %shift_right_logical3A_768 = arith.shrui %iota3A_765, %shift_right_logical3A_767 : vector<16xi32>
        %add3A_769 = arith.constant 14 : i32
        %add3A_770 = vector.broadcast %add3A_769 : i32 to vector<16xi32>
        %add3A_771 = arith.addi %add3A_770, %shift_right_logical3A_768 : vector<16xi32>
        %and3A_772 = arith.constant 7 : i32
        %and3A_773 = vector.broadcast %and3A_772 : i32 to vector<16xi32>
        %and3A_774 = arith.andi %iota3A_765, %and3A_773 : vector<16xi32>
        %mul3A_775 = arith.constant 16 : i32
        %mul3A_776 = vector.broadcast %mul3A_775 : i32 to vector<16xi32>
        %mul3A_777 = arith.muli %and3A_774, %mul3A_776 : vector<16xi32>
        %gather3A_778 = tpu.vector_load_idx %arg21[%add3A_771, %mul3A_777] : memref<16x128xf32, #tpu.memory_space<vmem>>[vector<16xi32>, vector<16xi32>], vector<16xf32>,
        %gather3A_779 = tpu.vector_load_idx %arg14[%get3A_753] : memref<10240xf32, #tpu.memory_space<vmem>>[vector<16xi32>], vector<16xf32>,
        %gather3A_780 = tpu.vector_load_idx %arg15[%get3A_751] : memref<10240xf32, #tpu.memory_space<vmem>>[vector<16xi32>], vector<16xf32>,
        %add3A_781 = arith.addf %gather3A_779, %gather3A_780 : vector<16xf32>
        %get3A_782 = arith.constant 112 : index
        %get3A_783 = tpu.vector_load %arg20[%get3A_782] {strides = array<i32>} : memref<128xi32, #tpu.memory_space<vmem>>, vector<16xi32>,
        %gather3A_784 = tpu.vector_load_idx %arg17[%get3A_783] : memref<16xf32, #tpu.memory_space<vmem>>[vector<16xi32>], vector<16xf32>,
        %add3A_785 = arith.addf %add3A_781, %gather3A_784 : vector<16xf32>
        %add3A_786 = arith.addf %add3A_785, %gather3A_778 : vector<16xf32>
        %ge3A_787 = arith.constant 0.000000e+00 : f32
        %ge3A_788 = vector.broadcast %ge3A_787 : f32 to vector<16xf32>
        %ge3A_789 = arith.cmpf oge, %add3A_786, %ge3A_788 : vector<16xf32>
        %mul3A_790 = arith.constant 2.000000e-01 : f32
        %mul3A_791 = vector.broadcast %mul3A_790 : f32 to vector<16xf32>
        %mul3A_792 = arith.mulf %mul3A_791, %add3A_786 : vector<16xf32>
        %select_n3A_793 = arith.select %ge3A_789, %add3A_786, %mul3A_792 : vector<16xi1>, vector<16xf32>
        %exp3A_794 = math.exp %select_n3A_793 : vector<16xf32>
        %swap3A_795 = arith.constant 112 : index
        %swap3A_796 = tpu.vector_load %arg24[%swap3A_795] {strides = array<i32>} : memref<128xf32, #tpu.memory_space<vmem>>, vector<16xf32>,
        tpu.vector_store %arg24[%swap3A_795], %exp3A_794 {strides = array<i32>} : memref<128xf32, #tpu.memory_space<vmem>>, vector<16xf32>,
        %shift_right_logical3A_797 = arith.constant 4 : i32
        %shift_right_logical3A_798 = vector.broadcast %shift_right_logical3A_797 : i32 to vector<16xi32>
        %shift_right_logical3A_799 = arith.shrui %get3A_753, %shift_right_logical3A_798 : vector<16xi32>
        %and3A_800 = arith.constant 15 : i32
        %and3A_801 = vector.broadcast %and3A_800 : i32 to vector<16xi32>
        %and3A_802 = arith.andi %get3A_753, %and3A_801 : vector<16xi32>
        tpu.vector_store_idx %arg16[%shift_right_logical3A_799, %and3A_802], %exp3A_794 masked %and3A_764 {add = true} : memref<640x16xf32, #tpu.memory_space<vmem>>[vector<16xi32>, vector<16xi32>], vector<16xf32>, vector<16xi1>
        %scan3A_803 = arith.constant 0 : i32
        %scan3A_804 = arith.constant 0 : i32
        %scan3A_805 = arith.constant 16 : i32
        %scan3A_806 = arith.addi %scan3A_804, %scan3A_805 : i32
        %scan3A_807 = arith.constant 1 : i32
        %scan3A_808 = scf.for %scan3A_814 = %scan3A_804 to %scan3A_806 step %scan3A_807 iter_args(%scan3A_815 = %scan3A_803) -> (i32)  : i32 {
          %mul3A_816 = arith.constant 8 : i32
          %mul3A_817 = arith.muli %scan3A_814, %mul3A_816 : i32
          %add3A_818 = arith.constant 0 : i32
          %add3A_819 = arith.addi %mul3A_817, %add3A_818 : i32
          %broadcast_in_dim3A_820 = arith.constant 0 : i32
          %broadcast_in_dim3A_821 = vector.broadcast %broadcast_in_dim3A_820 : i32 to vector<16xi32>
          %add3A_822 = vector.broadcast %add3A_819 : i32 to vector<16xi32>
          %add3A_823 = arith.addi %broadcast_in_dim3A_821, %add3A_822 : vector<16xi32>
          %gather3A_824 = tpu.vector_load_idx %arg24[%add3A_823] : memref<128xf32, #tpu.memory_space<vmem>>[vector<16xi32>], vector<16xf32>,
          %get3A_825 = arith.index_cast %scan3A_814 : i32 to index
          %get3A_826 = arith.constant 0 : index
          %get3A_827 = tpu.vector_load %arg25[%get3A_825, %get3A_826] {strides = array<i32>} : memref<16x128xf32, #tpu.memory_space<vmem>>, vector<16xf32>,
          %mul3A_828 = arith.mulf %get3A_827, %gather3A_824 : vector<16xf32>
          %swap3A_829 = arith.index_cast %add3A_819 : i32 to index
          %swap3A_830 = arith.constant 0 : index
          %swap3A_831 = tpu.vector_load %arg26[%swap3A_829, %swap3A_830] {strides = array<i32>} : memref<128x16xf32, #tpu.memory_space<vmem>>, vector<16xf32>,
          tpu.vector_store %arg26[%swap3A_829, %swap3A_830], %mul3A_828 {strides = array<i32>} : memref<128x16xf32, #tpu.memory_space<vmem>>, vector<16xf32>,
          %mul3A_832 = arith.constant 8 : i32
          %mul3A_833 = arith.muli %scan3A_814, %mul3A_832 : i32
          %add3A_834 = arith.constant 1 : i32
          %add3A_835 = arith.addi %mul3A_833, %add3A_834 : i32
          %broadcast_in_dim3A_836 = arith.constant 0 : i32
          %broadcast_in_dim3A_837 = vector.broadcast %broadcast_in_dim3A_836 : i32 to vector<16xi32>
          %add3A_838 = vector.broadcast %add3A_835 : i32 to vector<16xi32>
          %add3A_839 = arith.addi %broadcast_in_dim3A_837, %add3A_838 : vector<16xi32>
          %gather3A_840 = tpu.vector_load_idx %arg24[%add3A_839] : memref<128xf32, #tpu.memory_space<vmem>>[vector<16xi32>], vector<16xf32>,
          %get3A_841 = arith.index_cast %scan3A_814 : i32 to index
          %get3A_842 = arith.constant 16 : index
          %get3A_843 = tpu.vector_load %arg25[%get3A_841, %get3A_842] {strides = array<i32>} : memref<16x128xf32, #tpu.memory_space<vmem>>, vector<16xf32>,
          %mul3A_844 = arith.mulf %get3A_843, %gather3A_840 : vector<16xf32>
          %swap3A_845 = arith.index_cast %add3A_835 : i32 to index
          %swap3A_846 = arith.constant 0 : index
          %swap3A_847 = tpu.vector_load %arg26[%swap3A_845, %swap3A_846] {strides = array<i32>} : memref<128x16xf32, #tpu.memory_space<vmem>>, vector<16xf32>,
          tpu.vector_store %arg26[%swap3A_845, %swap3A_846], %mul3A_844 {strides = array<i32>} : memref<128x16xf32, #tpu.memory_space<vmem>>, vector<16xf32>,
          %mul3A_848 = arith.constant 8 : i32
          %mul3A_849 = arith.muli %scan3A_814, %mul3A_848 : i32
          %add3A_850 = arith.constant 2 : i32
          %add3A_851 = arith.addi %mul3A_849, %add3A_850 : i32
          %broadcast_in_dim3A_852 = arith.constant 0 : i32
          %broadcast_in_dim3A_853 = vector.broadcast %broadcast_in_dim3A_852 : i32 to vector<16xi32>
          %add3A_854 = vector.broadcast %add3A_851 : i32 to vector<16xi32>
          %add3A_855 = arith.addi %broadcast_in_dim3A_853, %add3A_854 : vector<16xi32>
          %gather3A_856 = tpu.vector_load_idx %arg24[%add3A_855] : memref<128xf32, #tpu.memory_space<vmem>>[vector<16xi32>], vector<16xf32>,
          %get3A_857 = arith.index_cast %scan3A_814 : i32 to index
          %get3A_858 = arith.constant 32 : index
          %get3A_859 = tpu.vector_load %arg25[%get3A_857, %get3A_858] {strides = array<i32>} : memref<16x128xf32, #tpu.memory_space<vmem>>, vector<16xf32>,
          %mul3A_860 = arith.mulf %get3A_859, %gather3A_856 : vector<16xf32>
          %swap3A_861 = arith.index_cast %add3A_851 : i32 to index
          %swap3A_862 = arith.constant 0 : index
          %swap3A_863 = tpu.vector_load %arg26[%swap3A_861, %swap3A_862] {strides = array<i32>} : memref<128x16xf32, #tpu.memory_space<vmem>>, vector<16xf32>,
          tpu.vector_store %arg26[%swap3A_861, %swap3A_862], %mul3A_860 {strides = array<i32>} : memref<128x16xf32, #tpu.memory_space<vmem>>, vector<16xf32>,
          %mul3A_864 = arith.constant 8 : i32
          %mul3A_865 = arith.muli %scan3A_814, %mul3A_864 : i32
          %add3A_866 = arith.constant 3 : i32
          %add3A_867 = arith.addi %mul3A_865, %add3A_866 : i32
          %broadcast_in_dim3A_868 = arith.constant 0 : i32
          %broadcast_in_dim3A_869 = vector.broadcast %broadcast_in_dim3A_868 : i32 to vector<16xi32>
          %add3A_870 = vector.broadcast %add3A_867 : i32 to vector<16xi32>
          %add3A_871 = arith.addi %broadcast_in_dim3A_869, %add3A_870 : vector<16xi32>
          %gather3A_872 = tpu.vector_load_idx %arg24[%add3A_871] : memref<128xf32, #tpu.memory_space<vmem>>[vector<16xi32>], vector<16xf32>,
          %get3A_873 = arith.index_cast %scan3A_814 : i32 to index
          %get3A_874 = arith.constant 48 : index
          %get3A_875 = tpu.vector_load %arg25[%get3A_873, %get3A_874] {strides = array<i32>} : memref<16x128xf32, #tpu.memory_space<vmem>>, vector<16xf32>,
          %mul3A_876 = arith.mulf %get3A_875, %gather3A_872 : vector<16xf32>
          %swap3A_877 = arith.index_cast %add3A_867 : i32 to index
          %swap3A_878 = arith.constant 0 : index
          %swap3A_879 = tpu.vector_load %arg26[%swap3A_877, %swap3A_878] {strides = array<i32>} : memref<128x16xf32, #tpu.memory_space<vmem>>, vector<16xf32>,
          tpu.vector_store %arg26[%swap3A_877, %swap3A_878], %mul3A_876 {strides = array<i32>} : memref<128x16xf32, #tpu.memory_space<vmem>>, vector<16xf32>,
          %mul3A_880 = arith.constant 8 : i32
          %mul3A_881 = arith.muli %scan3A_814, %mul3A_880 : i32
          %add3A_882 = arith.constant 4 : i32
          %add3A_883 = arith.addi %mul3A_881, %add3A_882 : i32
          %broadcast_in_dim3A_884 = arith.constant 0 : i32
          %broadcast_in_dim3A_885 = vector.broadcast %broadcast_in_dim3A_884 : i32 to vector<16xi32>
          %add3A_886 = vector.broadcast %add3A_883 : i32 to vector<16xi32>
          %add3A_887 = arith.addi %broadcast_in_dim3A_885, %add3A_886 : vector<16xi32>
          %gather3A_888 = tpu.vector_load_idx %arg24[%add3A_887] : memref<128xf32, #tpu.memory_space<vmem>>[vector<16xi32>], vector<16xf32>,
          %get3A_889 = arith.index_cast %scan3A_814 : i32 to index
          %get3A_890 = arith.constant 64 : index
          %get3A_891 = tpu.vector_load %arg25[%get3A_889, %get3A_890] {strides = array<i32>} : memref<16x128xf32, #tpu.memory_space<vmem>>, vector<16xf32>,
          %mul3A_892 = arith.mulf %get3A_891, %gather3A_888 : vector<16xf32>
          %swap3A_893 = arith.index_cast %add3A_883 : i32 to index
          %swap3A_894 = arith.constant 0 : index
          %swap3A_895 = tpu.vector_load %arg26[%swap3A_893, %swap3A_894] {strides = array<i32>} : memref<128x16xf32, #tpu.memory_space<vmem>>, vector<16xf32>,
          tpu.vector_store %arg26[%swap3A_893, %swap3A_894], %mul3A_892 {strides = array<i32>} : memref<128x16xf32, #tpu.memory_space<vmem>>, vector<16xf32>,
          %mul3A_896 = arith.constant 8 : i32
          %mul3A_897 = arith.muli %scan3A_814, %mul3A_896 : i32
          %add3A_898 = arith.constant 5 : i32
          %add3A_899 = arith.addi %mul3A_897, %add3A_898 : i32
          %broadcast_in_dim3A_900 = arith.constant 0 : i32
          %broadcast_in_dim3A_901 = vector.broadcast %broadcast_in_dim3A_900 : i32 to vector<16xi32>
          %add3A_902 = vector.broadcast %add3A_899 : i32 to vector<16xi32>
          %add3A_903 = arith.addi %broadcast_in_dim3A_901, %add3A_902 : vector<16xi32>
          %gather3A_904 = tpu.vector_load_idx %arg24[%add3A_903] : memref<128xf32, #tpu.memory_space<vmem>>[vector<16xi32>], vector<16xf32>,
          %get3A_905 = arith.index_cast %scan3A_814 : i32 to index
          %get3A_906 = arith.constant 80 : index
          %get3A_907 = tpu.vector_load %arg25[%get3A_905, %get3A_906] {strides = array<i32>} : memref<16x128xf32, #tpu.memory_space<vmem>>, vector<16xf32>,
          %mul3A_908 = arith.mulf %get3A_907, %gather3A_904 : vector<16xf32>
          %swap3A_909 = arith.index_cast %add3A_899 : i32 to index
          %swap3A_910 = arith.constant 0 : index
          %swap3A_911 = tpu.vector_load %arg26[%swap3A_909, %swap3A_910] {strides = array<i32>} : memref<128x16xf32, #tpu.memory_space<vmem>>, vector<16xf32>,
          tpu.vector_store %arg26[%swap3A_909, %swap3A_910], %mul3A_908 {strides = array<i32>} : memref<128x16xf32, #tpu.memory_space<vmem>>, vector<16xf32>,
          %mul3A_912 = arith.constant 8 : i32
          %mul3A_913 = arith.muli %scan3A_814, %mul3A_912 : i32
          %add3A_914 = arith.constant 6 : i32
          %add3A_915 = arith.addi %mul3A_913, %add3A_914 : i32
          %broadcast_in_dim3A_916 = arith.constant 0 : i32
          %broadcast_in_dim3A_917 = vector.broadcast %broadcast_in_dim3A_916 : i32 to vector<16xi32>
          %add3A_918 = vector.broadcast %add3A_915 : i32 to vector<16xi32>
          %add3A_919 = arith.addi %broadcast_in_dim3A_917, %add3A_918 : vector<16xi32>
          %gather3A_920 = tpu.vector_load_idx %arg24[%add3A_919] : memref<128xf32, #tpu.memory_space<vmem>>[vector<16xi32>], vector<16xf32>,
          %get3A_921 = arith.index_cast %scan3A_814 : i32 to index
          %get3A_922 = arith.constant 96 : index
          %get3A_923 = tpu.vector_load %arg25[%get3A_921, %get3A_922] {strides = array<i32>} : memref<16x128xf32, #tpu.memory_space<vmem>>, vector<16xf32>,
          %mul3A_924 = arith.mulf %get3A_923, %gather3A_920 : vector<16xf32>
          %swap3A_925 = arith.index_cast %add3A_915 : i32 to index
          %swap3A_926 = arith.constant 0 : index
          %swap3A_927 = tpu.vector_load %arg26[%swap3A_925, %swap3A_926] {strides = array<i32>} : memref<128x16xf32, #tpu.memory_space<vmem>>, vector<16xf32>,
          tpu.vector_store %arg26[%swap3A_925, %swap3A_926], %mul3A_924 {strides = array<i32>} : memref<128x16xf32, #tpu.memory_space<vmem>>, vector<16xf32>,
          %mul3A_928 = arith.constant 8 : i32
          %mul3A_929 = arith.muli %scan3A_814, %mul3A_928 : i32
          %add3A_930 = arith.constant 7 : i32
          %add3A_931 = arith.addi %mul3A_929, %add3A_930 : i32
          %broadcast_in_dim3A_932 = arith.constant 0 : i32
          %broadcast_in_dim3A_933 = vector.broadcast %broadcast_in_dim3A_932 : i32 to vector<16xi32>
          %add3A_934 = vector.broadcast %add3A_931 : i32 to vector<16xi32>
          %add3A_935 = arith.addi %broadcast_in_dim3A_933, %add3A_934 : vector<16xi32>
          %gather3A_936 = tpu.vector_load_idx %arg24[%add3A_935] : memref<128xf32, #tpu.memory_space<vmem>>[vector<16xi32>], vector<16xf32>,
          %get3A_937 = arith.index_cast %scan3A_814 : i32 to index
          %get3A_938 = arith.constant 112 : index
          %get3A_939 = tpu.vector_load %arg25[%get3A_937, %get3A_938] {strides = array<i32>} : memref<16x128xf32, #tpu.memory_space<vmem>>, vector<16xf32>,
          %mul3A_940 = arith.mulf %get3A_939, %gather3A_936 : vector<16xf32>
          %swap3A_941 = arith.index_cast %add3A_931 : i32 to index
          %swap3A_942 = arith.constant 0 : index
          %swap3A_943 = tpu.vector_load %arg26[%swap3A_941, %swap3A_942] {strides = array<i32>} : memref<128x16xf32, #tpu.memory_space<vmem>>, vector<16xf32>,
          tpu.vector_store %arg26[%swap3A_941, %swap3A_942], %mul3A_940 {strides = array<i32>} : memref<128x16xf32, #tpu.memory_space<vmem>>, vector<16xf32>,
          %scan3A_944 = arith.constant 0 : i32
          scf.yield %scan3A_944 : i32
        }
        %scan3A_809 = arith.constant 16 : i32
        %dma_start3A_810 = arith.constant 0 : i32
        %dma_start3A_811 = arith.constant 0 : i32
        %dma_start3A_812 = tpu.memref_slice %arg39[%dma_start3A_810, %dma_start3A_811] : memref<5120x16xf32, #tpu.memory_space<vmem_shared>> -> memref<5120x16xf32, #tpu.memory_space<vmem_shared>>
        %dma_start3A_813 = arith.constant -1 : i32
        tpu.enqueue_indirect_dma source(%arg26 : memref<128x16xf32, #tpu.memory_space<vmem>>) target(%dma_start3A_812 : memref<5120x16xf32, #tpu.memory_space<vmem_shared>>) offsets(%arg23 : memref<128xi32, #tpu.memory_space<vmem>>) offset_filter(%dma_start3A_813) semaphore(%arg43 : memref<!tpu.dma_semaphore, #tpu.memory_space<semaphore_mem>>) {add = true}
      } else {
      }
      %ge3A_125 = arith.constant 1 : i32
      %ge3A_126 = arith.cmpi sge, %mul3A_109, %ge3A_125 : i32
      %sub3A_127 = arith.constant 1 : i32
      %sub3A_128 = arith.subi %mul3A_109, %sub3A_127 : i32
      %lt3A_129 = arith.cmpi slt, %sub3A_128, %select_n3A : i32
      %and3A_130 = arith.andi %ge3A_126, %lt3A_129 : i1
      %convert_element_type3A_131 = arith.extui %and3A_130 : i1 to i32
      %cond3A_132 = arith.constant 0 : i32
      %cond3A_133 = arith.cmpi ne, %convert_element_type3A_131, %cond3A_132 : i32
      scf.if %cond3A_133 {
        %dma_wait3A = arith.constant 0 : i32
        %dma_wait3A_167 = arith.constant 0 : i32
        %dma_wait3A_168 = tpu.memref_slice %arg7[%dma_wait3A, %dma_wait3A_167] : memref<10240x128xf32, #tpu.memory_space<hbm>> -> memref<10240x128xf32, #tpu.memory_space<hbm>>
        tpu.wait_indirect_dma semaphore(%arg45 : memref<!tpu.dma_semaphore, #tpu.memory_space<semaphore_mem>>) src(%dma_wait3A_168 : memref<10240x128xf32, #tpu.memory_space<hbm>>) dst(%arg37 : memref<128x128xf32, #tpu.memory_space<vmem>>)
        %scan3A_169 = arith.constant 0 : i32
        %scan3A_170 = arith.constant 0 : i32
        %scan3A_171 = arith.constant 32 : i32
        %scan3A_172 = arith.addi %scan3A_170, %scan3A_171 : i32
        %scan3A_173 = arith.constant 1 : i32
        %scan3A_174 = scf.for %scan3A_180 = %scan3A_170 to %scan3A_172 step %scan3A_173 iter_args(%scan3A_181 = %scan3A_169) -> (i32)  : i32 {
          %mul3A_182 = arith.constant 4 : i32
          %mul3A_183 = arith.muli %mul3A_182, %scan3A_180 : i32
          %add3A_184 = arith.constant 0 : i32
          %add3A_185 = arith.addi %mul3A_183, %add3A_184 : i32
          %broadcast_in_dim3A_186 = arith.constant 0 : i32
          %broadcast_in_dim3A_187 = vector.broadcast %broadcast_in_dim3A_186 : i32 to vector<16xi32>
          %add3A_188 = vector.broadcast %add3A_185 : i32 to vector<16xi32>
          %add3A_189 = arith.addi %broadcast_in_dim3A_187, %add3A_188 : vector<16xi32>
          %gather3A = tpu.vector_load_idx %arg34[%add3A_189] : memref<128xf32, #tpu.memory_space<vmem>>[vector<16xi32>], vector<16xf32>,
          %get3A = arith.index_cast %add3A_185 : i32 to index
          %get3A_190 = arith.constant 0 : index
          %get3A_191 = tpu.vector_load %arg37[%get3A, %get3A_190] {strides = array<i32>} : memref<128x128xf32, #tpu.memory_space<vmem>>, vector<16xf32>,
          %mul3A_192 = arith.mulf %get3A_191, %gather3A : vector<16xf32>
          %swap3A = arith.index_cast %add3A_185 : i32 to index
          %swap3A_193 = arith.constant 0 : index
          %swap3A_194 = tpu.vector_load %arg37[%swap3A, %swap3A_193] {strides = array<i32>} : memref<128x128xf32, #tpu.memory_space<vmem>>, vector<16xf32>,
          tpu.vector_store %arg37[%swap3A, %swap3A_193], %mul3A_192 {strides = array<i32>} : memref<128x128xf32, #tpu.memory_space<vmem>>, vector<16xf32>,
          %get3A_195 = arith.index_cast %add3A_185 : i32 to index
          %get3A_196 = arith.constant 16 : index
          %get3A_197 = tpu.vector_load %arg37[%get3A_195, %get3A_196] {strides = array<i32>} : memref<128x128xf32, #tpu.memory_space<vmem>>, vector<16xf32>,
          %mul3A_198 = arith.mulf %get3A_197, %gather3A : vector<16xf32>
          %swap3A_199 = arith.index_cast %add3A_185 : i32 to index
          %swap3A_200 = arith.constant 16 : index
          %swap3A_201 = tpu.vector_load %arg37[%swap3A_199, %swap3A_200] {strides = array<i32>} : memref<128x128xf32, #tpu.memory_space<vmem>>, vector<16xf32>,
          tpu.vector_store %arg37[%swap3A_199, %swap3A_200], %mul3A_198 {strides = array<i32>} : memref<128x128xf32, #tpu.memory_space<vmem>>, vector<16xf32>,
          %get3A_202 = arith.index_cast %add3A_185 : i32 to index
          %get3A_203 = arith.constant 32 : index
          %get3A_204 = tpu.vector_load %arg37[%get3A_202, %get3A_203] {strides = array<i32>} : memref<128x128xf32, #tpu.memory_space<vmem>>, vector<16xf32>,
          %mul3A_205 = arith.mulf %get3A_204, %gather3A : vector<16xf32>
          %swap3A_206 = arith.index_cast %add3A_185 : i32 to index
          %swap3A_207 = arith.constant 32 : index
          %swap3A_208 = tpu.vector_load %arg37[%swap3A_206, %swap3A_207] {strides = array<i32>} : memref<128x128xf32, #tpu.memory_space<vmem>>, vector<16xf32>,
          tpu.vector_store %arg37[%swap3A_206, %swap3A_207], %mul3A_205 {strides = array<i32>} : memref<128x128xf32, #tpu.memory_space<vmem>>, vector<16xf32>,
          %get3A_209 = arith.index_cast %add3A_185 : i32 to index
          %get3A_210 = arith.constant 48 : index
          %get3A_211 = tpu.vector_load %arg37[%get3A_209, %get3A_210] {strides = array<i32>} : memref<128x128xf32, #tpu.memory_space<vmem>>, vector<16xf32>,
          %mul3A_212 = arith.mulf %get3A_211, %gather3A : vector<16xf32>
          %swap3A_213 = arith.index_cast %add3A_185 : i32 to index
          %swap3A_214 = arith.constant 48 : index
          %swap3A_215 = tpu.vector_load %arg37[%swap3A_213, %swap3A_214] {strides = array<i32>} : memref<128x128xf32, #tpu.memory_space<vmem>>, vector<16xf32>,
          tpu.vector_store %arg37[%swap3A_213, %swap3A_214], %mul3A_212 {strides = array<i32>} : memref<128x128xf32, #tpu.memory_space<vmem>>, vector<16xf32>,
          %get3A_216 = arith.index_cast %add3A_185 : i32 to index
          %get3A_217 = arith.constant 64 : index
          %get3A_218 = tpu.vector_load %arg37[%get3A_216, %get3A_217] {strides = array<i32>} : memref<128x128xf32, #tpu.memory_space<vmem>>, vector<16xf32>,
          %mul3A_219 = arith.mulf %get3A_218, %gather3A : vector<16xf32>
          %swap3A_220 = arith.index_cast %add3A_185 : i32 to index
          %swap3A_221 = arith.constant 64 : index
          %swap3A_222 = tpu.vector_load %arg37[%swap3A_220, %swap3A_221] {strides = array<i32>} : memref<128x128xf32, #tpu.memory_space<vmem>>, vector<16xf32>,
          tpu.vector_store %arg37[%swap3A_220, %swap3A_221], %mul3A_219 {strides = array<i32>} : memref<128x128xf32, #tpu.memory_space<vmem>>, vector<16xf32>,
          %get3A_223 = arith.index_cast %add3A_185 : i32 to index
          %get3A_224 = arith.constant 80 : index
          %get3A_225 = tpu.vector_load %arg37[%get3A_223, %get3A_224] {strides = array<i32>} : memref<128x128xf32, #tpu.memory_space<vmem>>, vector<16xf32>,
          %mul3A_226 = arith.mulf %get3A_225, %gather3A : vector<16xf32>
          %swap3A_227 = arith.index_cast %add3A_185 : i32 to index
          %swap3A_228 = arith.constant 80 : index
          %swap3A_229 = tpu.vector_load %arg37[%swap3A_227, %swap3A_228] {strides = array<i32>} : memref<128x128xf32, #tpu.memory_space<vmem>>, vector<16xf32>,
          tpu.vector_store %arg37[%swap3A_227, %swap3A_228], %mul3A_226 {strides = array<i32>} : memref<128x128xf32, #tpu.memory_space<vmem>>, vector<16xf32>,
          %get3A_230 = arith.index_cast %add3A_185 : i32 to index
          %get3A_231 = arith.constant 96 : index
          %get3A_232 = tpu.vector_load %arg37[%get3A_230, %get3A_231] {strides = array<i32>} : memref<128x128xf32, #tpu.memory_space<vmem>>, vector<16xf32>,
          %mul3A_233 = arith.mulf %get3A_232, %gather3A : vector<16xf32>
          %swap3A_234 = arith.index_cast %add3A_185 : i32 to index
          %swap3A_235 = arith.constant 96 : index
          %swap3A_236 = tpu.vector_load %arg37[%swap3A_234, %swap3A_235] {strides = array<i32>} : memref<128x128xf32, #tpu.memory_space<vmem>>, vector<16xf32>,
          tpu.vector_store %arg37[%swap3A_234, %swap3A_235], %mul3A_233 {strides = array<i32>} : memref<128x128xf32, #tpu.memory_space<vmem>>, vector<16xf32>,
          %get3A_237 = arith.index_cast %add3A_185 : i32 to index
          %get3A_238 = arith.constant 112 : index
          %get3A_239 = tpu.vector_load %arg37[%get3A_237, %get3A_238] {strides = array<i32>} : memref<128x128xf32, #tpu.memory_space<vmem>>, vector<16xf32>,
          %mul3A_240 = arith.mulf %get3A_239, %gather3A : vector<16xf32>
          %swap3A_241 = arith.index_cast %add3A_185 : i32 to index
          %swap3A_242 = arith.constant 112 : index
          %swap3A_243 = tpu.vector_load %arg37[%swap3A_241, %swap3A_242] {strides = array<i32>} : memref<128x128xf32, #tpu.memory_space<vmem>>, vector<16xf32>,
          tpu.vector_store %arg37[%swap3A_241, %swap3A_242], %mul3A_240 {strides = array<i32>} : memref<128x128xf32, #tpu.memory_space<vmem>>, vector<16xf32>,
          %mul3A_244 = arith.constant 4 : i32
          %mul3A_245 = arith.muli %mul3A_244, %scan3A_180 : i32
          %add3A_246 = arith.constant 1 : i32
          %add3A_247 = arith.addi %mul3A_245, %add3A_246 : i32
          %broadcast_in_dim3A_248 = arith.constant 0 : i32
          %broadcast_in_dim3A_249 = vector.broadcast %broadcast_in_dim3A_248 : i32 to vector<16xi32>
          %add3A_250 = vector.broadcast %add3A_247 : i32 to vector<16xi32>
          %add3A_251 = arith.addi %broadcast_in_dim3A_249, %add3A_250 : vector<16xi32>
          %gather3A_252 = tpu.vector_load_idx %arg34[%add3A_251] : memref<128xf32, #tpu.memory_space<vmem>>[vector<16xi32>], vector<16xf32>,
          %get3A_253 = arith.index_cast %add3A_247 : i32 to index
          %get3A_254 = arith.constant 0 : index
          %get3A_255 = tpu.vector_load %arg37[%get3A_253, %get3A_254] {strides = array<i32>} : memref<128x128xf32, #tpu.memory_space<vmem>>, vector<16xf32>,
          %mul3A_256 = arith.mulf %get3A_255, %gather3A_252 : vector<16xf32>
          %swap3A_257 = arith.index_cast %add3A_247 : i32 to index
          %swap3A_258 = arith.constant 0 : index
          %swap3A_259 = tpu.vector_load %arg37[%swap3A_257, %swap3A_258] {strides = array<i32>} : memref<128x128xf32, #tpu.memory_space<vmem>>, vector<16xf32>,
          tpu.vector_store %arg37[%swap3A_257, %swap3A_258], %mul3A_256 {strides = array<i32>} : memref<128x128xf32, #tpu.memory_space<vmem>>, vector<16xf32>,
          %get3A_260 = arith.index_cast %add3A_247 : i32 to index
          %get3A_261 = arith.constant 16 : index
          %get3A_262 = tpu.vector_load %arg37[%get3A_260, %get3A_261] {strides = array<i32>} : memref<128x128xf32, #tpu.memory_space<vmem>>, vector<16xf32>,
          %mul3A_263 = arith.mulf %get3A_262, %gather3A_252 : vector<16xf32>
          %swap3A_264 = arith.index_cast %add3A_247 : i32 to index
          %swap3A_265 = arith.constant 16 : index
          %swap3A_266 = tpu.vector_load %arg37[%swap3A_264, %swap3A_265] {strides = array<i32>} : memref<128x128xf32, #tpu.memory_space<vmem>>, vector<16xf32>,
          tpu.vector_store %arg37[%swap3A_264, %swap3A_265], %mul3A_263 {strides = array<i32>} : memref<128x128xf32, #tpu.memory_space<vmem>>, vector<16xf32>,
          %get3A_267 = arith.index_cast %add3A_247 : i32 to index
          %get3A_268 = arith.constant 32 : index
          %get3A_269 = tpu.vector_load %arg37[%get3A_267, %get3A_268] {strides = array<i32>} : memref<128x128xf32, #tpu.memory_space<vmem>>, vector<16xf32>,
          %mul3A_270 = arith.mulf %get3A_269, %gather3A_252 : vector<16xf32>
          %swap3A_271 = arith.index_cast %add3A_247 : i32 to index
          %swap3A_272 = arith.constant 32 : index
          %swap3A_273 = tpu.vector_load %arg37[%swap3A_271, %swap3A_272] {strides = array<i32>} : memref<128x128xf32, #tpu.memory_space<vmem>>, vector<16xf32>,
          tpu.vector_store %arg37[%swap3A_271, %swap3A_272], %mul3A_270 {strides = array<i32>} : memref<128x128xf32, #tpu.memory_space<vmem>>, vector<16xf32>,
          %get3A_274 = arith.index_cast %add3A_247 : i32 to index
          %get3A_275 = arith.constant 48 : index
          %get3A_276 = tpu.vector_load %arg37[%get3A_274, %get3A_275] {strides = array<i32>} : memref<128x128xf32, #tpu.memory_space<vmem>>, vector<16xf32>,
          %mul3A_277 = arith.mulf %get3A_276, %gather3A_252 : vector<16xf32>
          %swap3A_278 = arith.index_cast %add3A_247 : i32 to index
          %swap3A_279 = arith.constant 48 : index
          %swap3A_280 = tpu.vector_load %arg37[%swap3A_278, %swap3A_279] {strides = array<i32>} : memref<128x128xf32, #tpu.memory_space<vmem>>, vector<16xf32>,
          tpu.vector_store %arg37[%swap3A_278, %swap3A_279], %mul3A_277 {strides = array<i32>} : memref<128x128xf32, #tpu.memory_space<vmem>>, vector<16xf32>,
          %get3A_281 = arith.index_cast %add3A_247 : i32 to index
          %get3A_282 = arith.constant 64 : index
          %get3A_283 = tpu.vector_load %arg37[%get3A_281, %get3A_282] {strides = array<i32>} : memref<128x128xf32, #tpu.memory_space<vmem>>, vector<16xf32>,
          %mul3A_284 = arith.mulf %get3A_283, %gather3A_252 : vector<16xf32>
          %swap3A_285 = arith.index_cast %add3A_247 : i32 to index
          %swap3A_286 = arith.constant 64 : index
          %swap3A_287 = tpu.vector_load %arg37[%swap3A_285, %swap3A_286] {strides = array<i32>} : memref<128x128xf32, #tpu.memory_space<vmem>>, vector<16xf32>,
          tpu.vector_store %arg37[%swap3A_285, %swap3A_286], %mul3A_284 {strides = array<i32>} : memref<128x128xf32, #tpu.memory_space<vmem>>, vector<16xf32>,
          %get3A_288 = arith.index_cast %add3A_247 : i32 to index
          %get3A_289 = arith.constant 80 : index
          %get3A_290 = tpu.vector_load %arg37[%get3A_288, %get3A_289] {strides = array<i32>} : memref<128x128xf32, #tpu.memory_space<vmem>>, vector<16xf32>,
          %mul3A_291 = arith.mulf %get3A_290, %gather3A_252 : vector<16xf32>
          %swap3A_292 = arith.index_cast %add3A_247 : i32 to index
          %swap3A_293 = arith.constant 80 : index
          %swap3A_294 = tpu.vector_load %arg37[%swap3A_292, %swap3A_293] {strides = array<i32>} : memref<128x128xf32, #tpu.memory_space<vmem>>, vector<16xf32>,
          tpu.vector_store %arg37[%swap3A_292, %swap3A_293], %mul3A_291 {strides = array<i32>} : memref<128x128xf32, #tpu.memory_space<vmem>>, vector<16xf32>,
          %get3A_295 = arith.index_cast %add3A_247 : i32 to index
          %get3A_296 = arith.constant 96 : index
          %get3A_297 = tpu.vector_load %arg37[%get3A_295, %get3A_296] {strides = array<i32>} : memref<128x128xf32, #tpu.memory_space<vmem>>, vector<16xf32>,
          %mul3A_298 = arith.mulf %get3A_297, %gather3A_252 : vector<16xf32>
          %swap3A_299 = arith.index_cast %add3A_247 : i32 to index
          %swap3A_300 = arith.constant 96 : index
          %swap3A_301 = tpu.vector_load %arg37[%swap3A_299, %swap3A_300] {strides = array<i32>} : memref<128x128xf32, #tpu.memory_space<vmem>>, vector<16xf32>,
          tpu.vector_store %arg37[%swap3A_299, %swap3A_300], %mul3A_298 {strides = array<i32>} : memref<128x128xf32, #tpu.memory_space<vmem>>, vector<16xf32>,
          %get3A_302 = arith.index_cast %add3A_247 : i32 to index
          %get3A_303 = arith.constant 112 : index
          %get3A_304 = tpu.vector_load %arg37[%get3A_302, %get3A_303] {strides = array<i32>} : memref<128x128xf32, #tpu.memory_space<vmem>>, vector<16xf32>,
          %mul3A_305 = arith.mulf %get3A_304, %gather3A_252 : vector<16xf32>
          %swap3A_306 = arith.index_cast %add3A_247 : i32 to index
          %swap3A_307 = arith.constant 112 : index
          %swap3A_308 = tpu.vector_load %arg37[%swap3A_306, %swap3A_307] {strides = array<i32>} : memref<128x128xf32, #tpu.memory_space<vmem>>, vector<16xf32>,
          tpu.vector_store %arg37[%swap3A_306, %swap3A_307], %mul3A_305 {strides = array<i32>} : memref<128x128xf32, #tpu.memory_space<vmem>>, vector<16xf32>,
          %mul3A_309 = arith.constant 4 : i32
          %mul3A_310 = arith.muli %mul3A_309, %scan3A_180 : i32
          %add3A_311 = arith.constant 2 : i32
          %add3A_312 = arith.addi %mul3A_310, %add3A_311 : i32
          %broadcast_in_dim3A_313 = arith.constant 0 : i32
          %broadcast_in_dim3A_314 = vector.broadcast %broadcast_in_dim3A_313 : i32 to vector<16xi32>
          %add3A_315 = vector.broadcast %add3A_312 : i32 to vector<16xi32>
          %add3A_316 = arith.addi %broadcast_in_dim3A_314, %add3A_315 : vector<16xi32>
          %gather3A_317 = tpu.vector_load_idx %arg34[%add3A_316] : memref<128xf32, #tpu.memory_space<vmem>>[vector<16xi32>], vector<16xf32>,
          %get3A_318 = arith.index_cast %add3A_312 : i32 to index
          %get3A_319 = arith.constant 0 : index
          %get3A_320 = tpu.vector_load %arg37[%get3A_318, %get3A_319] {strides = array<i32>} : memref<128x128xf32, #tpu.memory_space<vmem>>, vector<16xf32>,
          %mul3A_321 = arith.mulf %get3A_320, %gather3A_317 : vector<16xf32>
          %swap3A_322 = arith.index_cast %add3A_312 : i32 to index
          %swap3A_323 = arith.constant 0 : index
          %swap3A_324 = tpu.vector_load %arg37[%swap3A_322, %swap3A_323] {strides = array<i32>} : memref<128x128xf32, #tpu.memory_space<vmem>>, vector<16xf32>,
          tpu.vector_store %arg37[%swap3A_322, %swap3A_323], %mul3A_321 {strides = array<i32>} : memref<128x128xf32, #tpu.memory_space<vmem>>, vector<16xf32>,
          %get3A_325 = arith.index_cast %add3A_312 : i32 to index
          %get3A_326 = arith.constant 16 : index
          %get3A_327 = tpu.vector_load %arg37[%get3A_325, %get3A_326] {strides = array<i32>} : memref<128x128xf32, #tpu.memory_space<vmem>>, vector<16xf32>,
          %mul3A_328 = arith.mulf %get3A_327, %gather3A_317 : vector<16xf32>
          %swap3A_329 = arith.index_cast %add3A_312 : i32 to index
          %swap3A_330 = arith.constant 16 : index
          %swap3A_331 = tpu.vector_load %arg37[%swap3A_329, %swap3A_330] {strides = array<i32>} : memref<128x128xf32, #tpu.memory_space<vmem>>, vector<16xf32>,
          tpu.vector_store %arg37[%swap3A_329, %swap3A_330], %mul3A_328 {strides = array<i32>} : memref<128x128xf32, #tpu.memory_space<vmem>>, vector<16xf32>,
          %get3A_332 = arith.index_cast %add3A_312 : i32 to index
          %get3A_333 = arith.constant 32 : index
          %get3A_334 = tpu.vector_load %arg37[%get3A_332, %get3A_333] {strides = array<i32>} : memref<128x128xf32, #tpu.memory_space<vmem>>, vector<16xf32>,
          %mul3A_335 = arith.mulf %get3A_334, %gather3A_317 : vector<16xf32>
          %swap3A_336 = arith.index_cast %add3A_312 : i32 to index
          %swap3A_337 = arith.constant 32 : index
          %swap3A_338 = tpu.vector_load %arg37[%swap3A_336, %swap3A_337] {strides = array<i32>} : memref<128x128xf32, #tpu.memory_space<vmem>>, vector<16xf32>,
          tpu.vector_store %arg37[%swap3A_336, %swap3A_337], %mul3A_335 {strides = array<i32>} : memref<128x128xf32, #tpu.memory_space<vmem>>, vector<16xf32>,
          %get3A_339 = arith.index_cast %add3A_312 : i32 to index
          %get3A_340 = arith.constant 48 : index
          %get3A_341 = tpu.vector_load %arg37[%get3A_339, %get3A_340] {strides = array<i32>} : memref<128x128xf32, #tpu.memory_space<vmem>>, vector<16xf32>,
          %mul3A_342 = arith.mulf %get3A_341, %gather3A_317 : vector<16xf32>
          %swap3A_343 = arith.index_cast %add3A_312 : i32 to index
          %swap3A_344 = arith.constant 48 : index
          %swap3A_345 = tpu.vector_load %arg37[%swap3A_343, %swap3A_344] {strides = array<i32>} : memref<128x128xf32, #tpu.memory_space<vmem>>, vector<16xf32>,
          tpu.vector_store %arg37[%swap3A_343, %swap3A_344], %mul3A_342 {strides = array<i32>} : memref<128x128xf32, #tpu.memory_space<vmem>>, vector<16xf32>,
          %get3A_346 = arith.index_cast %add3A_312 : i32 to index
          %get3A_347 = arith.constant 64 : index
          %get3A_348 = tpu.vector_load %arg37[%get3A_346, %get3A_347] {strides = array<i32>} : memref<128x128xf32, #tpu.memory_space<vmem>>, vector<16xf32>,
          %mul3A_349 = arith.mulf %get3A_348, %gather3A_317 : vector<16xf32>
          %swap3A_350 = arith.index_cast %add3A_312 : i32 to index
          %swap3A_351 = arith.constant 64 : index
          %swap3A_352 = tpu.vector_load %arg37[%swap3A_350, %swap3A_351] {strides = array<i32>} : memref<128x128xf32, #tpu.memory_space<vmem>>, vector<16xf32>,
          tpu.vector_store %arg37[%swap3A_350, %swap3A_351], %mul3A_349 {strides = array<i32>} : memref<128x128xf32, #tpu.memory_space<vmem>>, vector<16xf32>,
          %get3A_353 = arith.index_cast %add3A_312 : i32 to index
          %get3A_354 = arith.constant 80 : index
          %get3A_355 = tpu.vector_load %arg37[%get3A_353, %get3A_354] {strides = array<i32>} : memref<128x128xf32, #tpu.memory_space<vmem>>, vector<16xf32>,
          %mul3A_356 = arith.mulf %get3A_355, %gather3A_317 : vector<16xf32>
          %swap3A_357 = arith.index_cast %add3A_312 : i32 to index
          %swap3A_358 = arith.constant 80 : index
          %swap3A_359 = tpu.vector_load %arg37[%swap3A_357, %swap3A_358] {strides = array<i32>} : memref<128x128xf32, #tpu.memory_space<vmem>>, vector<16xf32>,
          tpu.vector_store %arg37[%swap3A_357, %swap3A_358], %mul3A_356 {strides = array<i32>} : memref<128x128xf32, #tpu.memory_space<vmem>>, vector<16xf32>,
          %get3A_360 = arith.index_cast %add3A_312 : i32 to index
          %get3A_361 = arith.constant 96 : index
          %get3A_362 = tpu.vector_load %arg37[%get3A_360, %get3A_361] {strides = array<i32>} : memref<128x128xf32, #tpu.memory_space<vmem>>, vector<16xf32>,
          %mul3A_363 = arith.mulf %get3A_362, %gather3A_317 : vector<16xf32>
          %swap3A_364 = arith.index_cast %add3A_312 : i32 to index
          %swap3A_365 = arith.constant 96 : index
          %swap3A_366 = tpu.vector_load %arg37[%swap3A_364, %swap3A_365] {strides = array<i32>} : memref<128x128xf32, #tpu.memory_space<vmem>>, vector<16xf32>,
          tpu.vector_store %arg37[%swap3A_364, %swap3A_365], %mul3A_363 {strides = array<i32>} : memref<128x128xf32, #tpu.memory_space<vmem>>, vector<16xf32>,
          %get3A_367 = arith.index_cast %add3A_312 : i32 to index
          %get3A_368 = arith.constant 112 : index
          %get3A_369 = tpu.vector_load %arg37[%get3A_367, %get3A_368] {strides = array<i32>} : memref<128x128xf32, #tpu.memory_space<vmem>>, vector<16xf32>,
          %mul3A_370 = arith.mulf %get3A_369, %gather3A_317 : vector<16xf32>
          %swap3A_371 = arith.index_cast %add3A_312 : i32 to index
          %swap3A_372 = arith.constant 112 : index
          %swap3A_373 = tpu.vector_load %arg37[%swap3A_371, %swap3A_372] {strides = array<i32>} : memref<128x128xf32, #tpu.memory_space<vmem>>, vector<16xf32>,
          tpu.vector_store %arg37[%swap3A_371, %swap3A_372], %mul3A_370 {strides = array<i32>} : memref<128x128xf32, #tpu.memory_space<vmem>>, vector<16xf32>,
          %mul3A_374 = arith.constant 4 : i32
          %mul3A_375 = arith.muli %mul3A_374, %scan3A_180 : i32
          %add3A_376 = arith.constant 3 : i32
          %add3A_377 = arith.addi %mul3A_375, %add3A_376 : i32
          %broadcast_in_dim3A_378 = arith.constant 0 : i32
          %broadcast_in_dim3A_379 = vector.broadcast %broadcast_in_dim3A_378 : i32 to vector<16xi32>
          %add3A_380 = vector.broadcast %add3A_377 : i32 to vector<16xi32>
          %add3A_381 = arith.addi %broadcast_in_dim3A_379, %add3A_380 : vector<16xi32>
          %gather3A_382 = tpu.vector_load_idx %arg34[%add3A_381] : memref<128xf32, #tpu.memory_space<vmem>>[vector<16xi32>], vector<16xf32>,
          %get3A_383 = arith.index_cast %add3A_377 : i32 to index
          %get3A_384 = arith.constant 0 : index
          %get3A_385 = tpu.vector_load %arg37[%get3A_383, %get3A_384] {strides = array<i32>} : memref<128x128xf32, #tpu.memory_space<vmem>>, vector<16xf32>,
          %mul3A_386 = arith.mulf %get3A_385, %gather3A_382 : vector<16xf32>
          %swap3A_387 = arith.index_cast %add3A_377 : i32 to index
          %swap3A_388 = arith.constant 0 : index
          %swap3A_389 = tpu.vector_load %arg37[%swap3A_387, %swap3A_388] {strides = array<i32>} : memref<128x128xf32, #tpu.memory_space<vmem>>, vector<16xf32>,
          tpu.vector_store %arg37[%swap3A_387, %swap3A_388], %mul3A_386 {strides = array<i32>} : memref<128x128xf32, #tpu.memory_space<vmem>>, vector<16xf32>,
          %get3A_390 = arith.index_cast %add3A_377 : i32 to index
          %get3A_391 = arith.constant 16 : index
          %get3A_392 = tpu.vector_load %arg37[%get3A_390, %get3A_391] {strides = array<i32>} : memref<128x128xf32, #tpu.memory_space<vmem>>, vector<16xf32>,
          %mul3A_393 = arith.mulf %get3A_392, %gather3A_382 : vector<16xf32>
          %swap3A_394 = arith.index_cast %add3A_377 : i32 to index
          %swap3A_395 = arith.constant 16 : index
          %swap3A_396 = tpu.vector_load %arg37[%swap3A_394, %swap3A_395] {strides = array<i32>} : memref<128x128xf32, #tpu.memory_space<vmem>>, vector<16xf32>,
          tpu.vector_store %arg37[%swap3A_394, %swap3A_395], %mul3A_393 {strides = array<i32>} : memref<128x128xf32, #tpu.memory_space<vmem>>, vector<16xf32>,
          %get3A_397 = arith.index_cast %add3A_377 : i32 to index
          %get3A_398 = arith.constant 32 : index
          %get3A_399 = tpu.vector_load %arg37[%get3A_397, %get3A_398] {strides = array<i32>} : memref<128x128xf32, #tpu.memory_space<vmem>>, vector<16xf32>,
          %mul3A_400 = arith.mulf %get3A_399, %gather3A_382 : vector<16xf32>
          %swap3A_401 = arith.index_cast %add3A_377 : i32 to index
          %swap3A_402 = arith.constant 32 : index
          %swap3A_403 = tpu.vector_load %arg37[%swap3A_401, %swap3A_402] {strides = array<i32>} : memref<128x128xf32, #tpu.memory_space<vmem>>, vector<16xf32>,
          tpu.vector_store %arg37[%swap3A_401, %swap3A_402], %mul3A_400 {strides = array<i32>} : memref<128x128xf32, #tpu.memory_space<vmem>>, vector<16xf32>,
          %get3A_404 = arith.index_cast %add3A_377 : i32 to index
          %get3A_405 = arith.constant 48 : index
          %get3A_406 = tpu.vector_load %arg37[%get3A_404, %get3A_405] {strides = array<i32>} : memref<128x128xf32, #tpu.memory_space<vmem>>, vector<16xf32>,
          %mul3A_407 = arith.mulf %get3A_406, %gather3A_382 : vector<16xf32>
          %swap3A_408 = arith.index_cast %add3A_377 : i32 to index
          %swap3A_409 = arith.constant 48 : index
          %swap3A_410 = tpu.vector_load %arg37[%swap3A_408, %swap3A_409] {strides = array<i32>} : memref<128x128xf32, #tpu.memory_space<vmem>>, vector<16xf32>,
          tpu.vector_store %arg37[%swap3A_408, %swap3A_409], %mul3A_407 {strides = array<i32>} : memref<128x128xf32, #tpu.memory_space<vmem>>, vector<16xf32>,
          %get3A_411 = arith.index_cast %add3A_377 : i32 to index
          %get3A_412 = arith.constant 64 : index
          %get3A_413 = tpu.vector_load %arg37[%get3A_411, %get3A_412] {strides = array<i32>} : memref<128x128xf32, #tpu.memory_space<vmem>>, vector<16xf32>,
          %mul3A_414 = arith.mulf %get3A_413, %gather3A_382 : vector<16xf32>
          %swap3A_415 = arith.index_cast %add3A_377 : i32 to index
          %swap3A_416 = arith.constant 64 : index
          %swap3A_417 = tpu.vector_load %arg37[%swap3A_415, %swap3A_416] {strides = array<i32>} : memref<128x128xf32, #tpu.memory_space<vmem>>, vector<16xf32>,
          tpu.vector_store %arg37[%swap3A_415, %swap3A_416], %mul3A_414 {strides = array<i32>} : memref<128x128xf32, #tpu.memory_space<vmem>>, vector<16xf32>,
          %get3A_418 = arith.index_cast %add3A_377 : i32 to index
          %get3A_419 = arith.constant 80 : index
          %get3A_420 = tpu.vector_load %arg37[%get3A_418, %get3A_419] {strides = array<i32>} : memref<128x128xf32, #tpu.memory_space<vmem>>, vector<16xf32>,
          %mul3A_421 = arith.mulf %get3A_420, %gather3A_382 : vector<16xf32>
          %swap3A_422 = arith.index_cast %add3A_377 : i32 to index
          %swap3A_423 = arith.constant 80 : index
          %swap3A_424 = tpu.vector_load %arg37[%swap3A_422, %swap3A_423] {strides = array<i32>} : memref<128x128xf32, #tpu.memory_space<vmem>>, vector<16xf32>,
          tpu.vector_store %arg37[%swap3A_422, %swap3A_423], %mul3A_421 {strides = array<i32>} : memref<128x128xf32, #tpu.memory_space<vmem>>, vector<16xf32>,
          %get3A_425 = arith.index_cast %add3A_377 : i32 to index
          %get3A_426 = arith.constant 96 : index
          %get3A_427 = tpu.vector_load %arg37[%get3A_425, %get3A_426] {strides = array<i32>} : memref<128x128xf32, #tpu.memory_space<vmem>>, vector<16xf32>,
          %mul3A_428 = arith.mulf %get3A_427, %gather3A_382 : vector<16xf32>
          %swap3A_429 = arith.index_cast %add3A_377 : i32 to index
          %swap3A_430 = arith.constant 96 : index
          %swap3A_431 = tpu.vector_load %arg37[%swap3A_429, %swap3A_430] {strides = array<i32>} : memref<128x128xf32, #tpu.memory_space<vmem>>, vector<16xf32>,
          tpu.vector_store %arg37[%swap3A_429, %swap3A_430], %mul3A_428 {strides = array<i32>} : memref<128x128xf32, #tpu.memory_space<vmem>>, vector<16xf32>,
          %get3A_432 = arith.index_cast %add3A_377 : i32 to index
          %get3A_433 = arith.constant 112 : index
          %get3A_434 = tpu.vector_load %arg37[%get3A_432, %get3A_433] {strides = array<i32>} : memref<128x128xf32, #tpu.memory_space<vmem>>, vector<16xf32>,
          %mul3A_435 = arith.mulf %get3A_434, %gather3A_382 : vector<16xf32>
          %swap3A_436 = arith.index_cast %add3A_377 : i32 to index
          %swap3A_437 = arith.constant 112 : index
          %swap3A_438 = tpu.vector_load %arg37[%swap3A_436, %swap3A_437] {strides = array<i32>} : memref<128x128xf32, #tpu.memory_space<vmem>>, vector<16xf32>,
          tpu.vector_store %arg37[%swap3A_436, %swap3A_437], %mul3A_435 {strides = array<i32>} : memref<128x128xf32, #tpu.memory_space<vmem>>, vector<16xf32>,
          %scan3A_439 = arith.constant 0 : i32
          scf.yield %scan3A_439 : i32
        }
        %scan3A_175 = arith.constant 32 : i32
        %dma_start3A_176 = arith.constant 0 : i32
        %dma_start3A_177 = arith.constant 0 : i32
        %dma_start3A_178 = tpu.memref_slice %arg38[%dma_start3A_176, %dma_start3A_177] : memref<5120x128xf32, #tpu.memory_space<vmem_shared>> -> memref<5120x128xf32, #tpu.memory_space<vmem_shared>>
        %dma_start3A_179 = arith.constant -1 : i32
        tpu.enqueue_indirect_dma source(%arg37 : memref<128x128xf32, #tpu.memory_space<vmem>>) target(%dma_start3A_178 : memref<5120x128xf32, #tpu.memory_space<vmem_shared>>) offsets(%arg33 : memref<128xi32, #tpu.memory_space<vmem>>) offset_filter(%dma_start3A_179) semaphore(%arg46 : memref<!tpu.dma_semaphore, #tpu.memory_space<semaphore_mem>>) {add = true}
      } else {
      }
      %mul3A_134 = arith.constant 2 : i32
      %mul3A_135 = arith.muli %mul3A_134, %scan3A_106 : i32
      %add3A_136 = arith.constant 1 : i32
      %add3A_137 = arith.addi %mul3A_135, %add3A_136 : i32
      %add3A_138 = arith.constant 1 : i32
      %add3A_139 = arith.addi %add3A_137, %add3A_138 : i32
      %lt3A_140 = arith.cmpi slt, %add3A_139, %select_n3A : i32
      %convert_element_type3A_141 = arith.extui %lt3A_140 : i1 to i32
      %cond3A_142 = arith.constant 0 : i32
      %cond3A_143 = arith.cmpi ne, %convert_element_type3A_141, %cond3A_142 : i32
      scf.if %cond3A_143 {
        %add3A_167 = arith.constant 1 : i32
        %add3A_168 = arith.addi %add3A_137, %add3A_167 : i32
        %mul3A_169 = arith.constant 16 : i32
        %mul3A_170 = arith.muli %add3A_168, %mul3A_169 : i32
        %add3A_171 = arith.addi %arg1, %mul3A_170 : i32
        %mul3A_172 = arith.constant 128 : i32
        %mul3A_173 = arith.muli %add3A_171, %mul3A_172 : i32
        %dma_start3A_174 = tpu.memref_slice %arg2[%mul3A_173] : memref<320000xi32, #tpu.memory_space<hbm>> -> memref<128xi32, #tpu.memory_space<hbm>>
        %dma_start3A_175 = tpu.memref_slice %arg2[%mul3A_173] : memref<320000xi32, #tpu.memory_space<hbm>> -> memref<128xi32, #tpu.memory_space<hbm>>
        tpu.enqueue_dma source(%dma_start3A_175 : memref<128xi32, #tpu.memory_space<hbm>>) target(%arg18 : memref<128xi32, #tpu.memory_space<vmem>>) target_semaphore(%arg40 : memref<!tpu.dma_semaphore, #tpu.memory_space<semaphore_mem>>)
        %dma_start3A_176 = tpu.memref_slice %arg3[%mul3A_173] : memref<320000xi32, #tpu.memory_space<hbm>> -> memref<128xi32, #tpu.memory_space<hbm>>
        %dma_start3A_177 = tpu.memref_slice %arg3[%mul3A_173] : memref<320000xi32, #tpu.memory_space<hbm>> -> memref<128xi32, #tpu.memory_space<hbm>>
        tpu.enqueue_dma source(%dma_start3A_177 : memref<128xi32, #tpu.memory_space<hbm>>) target(%arg19 : memref<128xi32, #tpu.memory_space<vmem>>) target_semaphore(%arg40 : memref<!tpu.dma_semaphore, #tpu.memory_space<semaphore_mem>>)
        %dma_start3A_178 = tpu.memref_slice %arg4[%mul3A_173] : memref<320000xi32, #tpu.memory_space<hbm>> -> memref<128xi32, #tpu.memory_space<hbm>>
        %dma_start3A_179 = tpu.memref_slice %arg4[%mul3A_173] : memref<320000xi32, #tpu.memory_space<hbm>> -> memref<128xi32, #tpu.memory_space<hbm>>
        tpu.enqueue_dma source(%dma_start3A_179 : memref<128xi32, #tpu.memory_space<hbm>>) target(%arg20 : memref<128xi32, #tpu.memory_space<vmem>>) target_semaphore(%arg40 : memref<!tpu.dma_semaphore, #tpu.memory_space<semaphore_mem>>)
        %mul3A_180 = arith.constant 16 : i32
        %mul3A_181 = arith.muli %add3A_171, %mul3A_180 : i32
        %dma_start3A_182 = arith.constant 0 : i32
        %dma_start3A_183 = tpu.memref_slice %arg5[%mul3A_181, %dma_start3A_182] : memref<40000x128xf32, #tpu.memory_space<hbm>> -> memref<16x128xf32, #tpu.memory_space<hbm>>
        %dma_start3A_184 = arith.constant 0 : i32
        %dma_start3A_185 = tpu.memref_slice %arg5[%mul3A_181, %dma_start3A_184] : memref<40000x128xf32, #tpu.memory_space<hbm>> -> memref<16x128xf32, #tpu.memory_space<hbm>>
        tpu.enqueue_dma source(%dma_start3A_185 : memref<16x128xf32, #tpu.memory_space<hbm>>) target(%arg21 : memref<16x128xf32, #tpu.memory_space<vmem>>) target_semaphore(%arg40 : memref<!tpu.dma_semaphore, #tpu.memory_space<semaphore_mem>>)
        %mul3A_186 = arith.constant 16 : i32
        %mul3A_187 = arith.muli %add3A_171, %mul3A_186 : i32
        %dma_start3A_188 = arith.constant 0 : i32
        %dma_start3A_189 = tpu.memref_slice %arg6[%mul3A_187, %dma_start3A_188] : memref<40000x128xf32, #tpu.memory_space<hbm>> -> memref<16x128xf32, #tpu.memory_space<hbm>>
        %dma_start3A_190 = arith.constant 0 : i32
        %dma_start3A_191 = tpu.memref_slice %arg6[%mul3A_187, %dma_start3A_190] : memref<40000x128xf32, #tpu.memory_space<hbm>> -> memref<16x128xf32, #tpu.memory_space<hbm>>
        tpu.enqueue_dma source(%dma_start3A_191 : memref<16x128xf32, #tpu.memory_space<hbm>>) target(%arg25 : memref<16x128xf32, #tpu.memory_space<vmem>>) target_semaphore(%arg40 : memref<!tpu.dma_semaphore, #tpu.memory_space<semaphore_mem>>)
      } else {
      }
      %ge3A_144 = arith.constant 2 : i32
      %ge3A_145 = arith.cmpi sge, %add3A_137, %ge3A_144 : i32
      %sub3A_146 = arith.constant 2 : i32
      %sub3A_147 = arith.subi %add3A_137, %sub3A_146 : i32
      %lt3A_148 = arith.cmpi slt, %sub3A_147, %select_n3A : i32
      %and3A_149 = arith.andi %ge3A_145, %lt3A_148 : i1
      %convert_element_type3A_150 = arith.extui %and3A_149 : i1 to i32
      %cond3A_151 = arith.constant 0 : i32
      %cond3A_152 = arith.cmpi ne, %convert_element_type3A_150, %cond3A_151 : i32
      scf.if %cond3A_152 {
        %dma_wait3A = arith.constant 0 : i32
        %dma_wait3A_167 = arith.constant 0 : i32
        %dma_wait3A_168 = tpu.memref_slice %arg38[%dma_wait3A, %dma_wait3A_167] : memref<5120x128xf32, #tpu.memory_space<vmem_shared>> -> memref<5120x128xf32, #tpu.memory_space<vmem_shared>>
        tpu.wait_indirect_dma semaphore(%arg46 : memref<!tpu.dma_semaphore, #tpu.memory_space<semaphore_mem>>) src(%arg37 : memref<128x128xf32, #tpu.memory_space<vmem>>) dst(%dma_wait3A_168 : memref<5120x128xf32, #tpu.memory_space<vmem_shared>>)
        %dma_wait3A_169 = arith.constant 0 : i32
        %dma_wait3A_170 = arith.constant 0 : i32
        %dma_wait3A_171 = tpu.memref_slice %arg39[%dma_wait3A_169, %dma_wait3A_170] : memref<5120x16xf32, #tpu.memory_space<vmem_shared>> -> memref<5120x16xf32, #tpu.memory_space<vmem_shared>>
        tpu.wait_indirect_dma semaphore(%arg47 : memref<!tpu.dma_semaphore, #tpu.memory_space<semaphore_mem>>) src(%arg36 : memref<128x16xf32, #tpu.memory_space<vmem>>) dst(%dma_wait3A_171 : memref<5120x16xf32, #tpu.memory_space<vmem_shared>>)
      } else {
      }
      %lt3A_153 = arith.cmpi slt, %add3A_137, %select_n3A : i32
      %convert_element_type3A_154 = arith.extui %lt3A_153 : i1 to i32
      %cond3A_155 = arith.constant 0 : i32
      %cond3A_156 = arith.cmpi ne, %convert_element_type3A_154, %cond3A_155 : i32
      scf.if %cond3A_156 {
        %mul3A_167 = arith.constant 16 : i32
        %mul3A_168 = arith.muli %add3A_137, %mul3A_167 : i32
        %add3A_169 = arith.addi %arg1, %mul3A_168 : i32
        %mul3A_170 = arith.constant 128 : i32
        %mul3A_171 = arith.muli %add3A_169, %mul3A_170 : i32
        %dma_wait3A = tpu.memref_slice %arg2[%mul3A_171] : memref<320000xi32, #tpu.memory_space<hbm>> -> memref<128xi32, #tpu.memory_space<hbm>>
        %dma_wait3A_172 = tpu.memref_slice %arg2[%mul3A_171] : memref<320000xi32, #tpu.memory_space<hbm>> -> memref<128xi32, #tpu.memory_space<hbm>>
        tpu.wait_dma2 semaphore(%arg44 : memref<!tpu.dma_semaphore, #tpu.memory_space<semaphore_mem>>) src(%dma_wait3A_172 : memref<128xi32, #tpu.memory_space<hbm>>) dst(%arg28 : memref<128xi32, #tpu.memory_space<vmem>>)
        %dma_wait3A_173 = tpu.memref_slice %arg3[%mul3A_171] : memref<320000xi32, #tpu.memory_space<hbm>> -> memref<128xi32, #tpu.memory_space<hbm>>
        %dma_wait3A_174 = tpu.memref_slice %arg3[%mul3A_171] : memref<320000xi32, #tpu.memory_space<hbm>> -> memref<128xi32, #tpu.memory_space<hbm>>
        tpu.wait_dma2 semaphore(%arg44 : memref<!tpu.dma_semaphore, #tpu.memory_space<semaphore_mem>>) src(%dma_wait3A_174 : memref<128xi32, #tpu.memory_space<hbm>>) dst(%arg29 : memref<128xi32, #tpu.memory_space<vmem>>)
        %dma_wait3A_175 = tpu.memref_slice %arg4[%mul3A_171] : memref<320000xi32, #tpu.memory_space<hbm>> -> memref<128xi32, #tpu.memory_space<hbm>>
        %dma_wait3A_176 = tpu.memref_slice %arg4[%mul3A_171] : memref<320000xi32, #tpu.memory_space<hbm>> -> memref<128xi32, #tpu.memory_space<hbm>>
        tpu.wait_dma2 semaphore(%arg44 : memref<!tpu.dma_semaphore, #tpu.memory_space<semaphore_mem>>) src(%dma_wait3A_176 : memref<128xi32, #tpu.memory_space<hbm>>) dst(%arg30 : memref<128xi32, #tpu.memory_space<vmem>>)
        %mul3A_177 = arith.constant 16 : i32
        %mul3A_178 = arith.muli %add3A_169, %mul3A_177 : i32
        %dma_wait3A_179 = arith.constant 0 : i32
        %dma_wait3A_180 = tpu.memref_slice %arg5[%mul3A_178, %dma_wait3A_179] : memref<40000x128xf32, #tpu.memory_space<hbm>> -> memref<16x128xf32, #tpu.memory_space<hbm>>
        %dma_wait3A_181 = arith.constant 0 : i32
        %dma_wait3A_182 = tpu.memref_slice %arg5[%mul3A_178, %dma_wait3A_181] : memref<40000x128xf32, #tpu.memory_space<hbm>> -> memref<16x128xf32, #tpu.memory_space<hbm>>
        tpu.wait_dma2 semaphore(%arg44 : memref<!tpu.dma_semaphore, #tpu.memory_space<semaphore_mem>>) src(%dma_wait3A_182 : memref<16x128xf32, #tpu.memory_space<hbm>>) dst(%arg31 : memref<16x128xf32, #tpu.memory_space<vmem>>)
        %mul3A_183 = arith.constant 16 : i32
        %mul3A_184 = arith.muli %add3A_169, %mul3A_183 : i32
        %dma_wait3A_185 = arith.constant 0 : i32
        %dma_wait3A_186 = tpu.memref_slice %arg6[%mul3A_184, %dma_wait3A_185] : memref<40000x128xf32, #tpu.memory_space<hbm>> -> memref<16x128xf32, #tpu.memory_space<hbm>>
        %dma_wait3A_187 = arith.constant 0 : i32
        %dma_wait3A_188 = tpu.memref_slice %arg6[%mul3A_184, %dma_wait3A_187] : memref<40000x128xf32, #tpu.memory_space<hbm>> -> memref<16x128xf32, #tpu.memory_space<hbm>>
        tpu.wait_dma2 semaphore(%arg44 : memref<!tpu.dma_semaphore, #tpu.memory_space<semaphore_mem>>) src(%dma_wait3A_188 : memref<16x128xf32, #tpu.memory_space<hbm>>) dst(%arg35 : memref<16x128xf32, #tpu.memory_space<vmem>>)
        %get3A = arith.constant 0 : index
        %get3A_189 = tpu.vector_load %arg28[%get3A] {strides = array<i32>} : memref<128xi32, #tpu.memory_space<vmem>>, vector<16xi32>,
        %get3A_190 = arith.constant 0 : index
        %get3A_191 = tpu.vector_load %arg29[%get3A_190] {strides = array<i32>} : memref<128xi32, #tpu.memory_space<vmem>>, vector<16xi32>,
        %sub3A_192 = vector.broadcast %mul3A_2 : i32 to vector<16xi32>
        %sub3A_193 = arith.subi %get3A_191, %sub3A_192 : vector<16xi32>
        %ge3A_194 = arith.constant 0 : i32
        %ge3A_195 = vector.broadcast %ge3A_194 : i32 to vector<16xi32>
        %ge3A_196 = arith.cmpi sge, %sub3A_193, %ge3A_195 : vector<16xi32>
        %lt3A_197 = arith.constant 5120 : i32
        %lt3A_198 = vector.broadcast %lt3A_197 : i32 to vector<16xi32>
        %lt3A_199 = arith.cmpi slt, %sub3A_193, %lt3A_198 : vector<16xi32>
        %and3A_200 = arith.andi %ge3A_196, %lt3A_199 : vector<16xi1>
        %broadcast_in_dim3A_201 = arith.constant 0 : i32
        %broadcast_in_dim3A_202 = vector.broadcast %broadcast_in_dim3A_201 : i32 to vector<16xi32>
        %sub3A_203 = arith.constant 1 : i32
        %sub3A_204 = vector.broadcast %sub3A_203 : i32 to vector<16xi32>
        %sub3A_205 = arith.subi %broadcast_in_dim3A_202, %sub3A_204 : vector<16xi32>
        %select_n3A_206 = arith.select %and3A_200, %get3A_189, %sub3A_205 : vector<16xi1>, vector<16xi32>
        %swap3A = arith.constant 0 : index
        %swap3A_207 = tpu.vector_load %arg32[%swap3A] {strides = array<i32>} : memref<128xi32, #tpu.memory_space<vmem>>, vector<16xi32>,
        tpu.vector_store %arg32[%swap3A], %select_n3A_206 {strides = array<i32>} : memref<128xi32, #tpu.memory_space<vmem>>, vector<16xi32>,
        %select_n3A_208 = arith.select %and3A_200, %sub3A_193, %sub3A_205 : vector<16xi1>, vector<16xi32>
        %swap3A_209 = arith.constant 0 : index
        %swap3A_210 = tpu.vector_load %arg33[%swap3A_209] {strides = array<i32>} : memref<128xi32, #tpu.memory_space<vmem>>, vector<16xi32>,
        tpu.vector_store %arg33[%swap3A_209], %select_n3A_208 {strides = array<i32>} : memref<128xi32, #tpu.memory_space<vmem>>, vector<16xi32>,
        %get3A_211 = arith.constant 16 : index
        %get3A_212 = tpu.vector_load %arg28[%get3A_211] {strides = array<i32>} : memref<128xi32, #tpu.memory_space<vmem>>, vector<16xi32>,
        %get3A_213 = arith.constant 16 : index
        %get3A_214 = tpu.vector_load %arg29[%get3A_213] {strides = array<i32>} : memref<128xi32, #tpu.memory_space<vmem>>, vector<16xi32>,
        %sub3A_215 = vector.broadcast %mul3A_2 : i32 to vector<16xi32>
        %sub3A_216 = arith.subi %get3A_214, %sub3A_215 : vector<16xi32>
        %ge3A_217 = arith.constant 0 : i32
        %ge3A_218 = vector.broadcast %ge3A_217 : i32 to vector<16xi32>
        %ge3A_219 = arith.cmpi sge, %sub3A_216, %ge3A_218 : vector<16xi32>
        %lt3A_220 = arith.constant 5120 : i32
        %lt3A_221 = vector.broadcast %lt3A_220 : i32 to vector<16xi32>
        %lt3A_222 = arith.cmpi slt, %sub3A_216, %lt3A_221 : vector<16xi32>
        %and3A_223 = arith.andi %ge3A_219, %lt3A_222 : vector<16xi1>
        %broadcast_in_dim3A_224 = arith.constant 0 : i32
        %broadcast_in_dim3A_225 = vector.broadcast %broadcast_in_dim3A_224 : i32 to vector<16xi32>
        %sub3A_226 = arith.constant 1 : i32
        %sub3A_227 = vector.broadcast %sub3A_226 : i32 to vector<16xi32>
        %sub3A_228 = arith.subi %broadcast_in_dim3A_225, %sub3A_227 : vector<16xi32>
        %select_n3A_229 = arith.select %and3A_223, %get3A_212, %sub3A_228 : vector<16xi1>, vector<16xi32>
        %swap3A_230 = arith.constant 16 : index
        %swap3A_231 = tpu.vector_load %arg32[%swap3A_230] {strides = array<i32>} : memref<128xi32, #tpu.memory_space<vmem>>, vector<16xi32>,
        tpu.vector_store %arg32[%swap3A_230], %select_n3A_229 {strides = array<i32>} : memref<128xi32, #tpu.memory_space<vmem>>, vector<16xi32>,
        %select_n3A_232 = arith.select %and3A_223, %sub3A_216, %sub3A_228 : vector<16xi1>, vector<16xi32>
        %swap3A_233 = arith.constant 16 : index
        %swap3A_234 = tpu.vector_load %arg33[%swap3A_233] {strides = array<i32>} : memref<128xi32, #tpu.memory_space<vmem>>, vector<16xi32>,
        tpu.vector_store %arg33[%swap3A_233], %select_n3A_232 {strides = array<i32>} : memref<128xi32, #tpu.memory_space<vmem>>, vector<16xi32>,
        %get3A_235 = arith.constant 32 : index
        %get3A_236 = tpu.vector_load %arg28[%get3A_235] {strides = array<i32>} : memref<128xi32, #tpu.memory_space<vmem>>, vector<16xi32>,
        %get3A_237 = arith.constant 32 : index
        %get3A_238 = tpu.vector_load %arg29[%get3A_237] {strides = array<i32>} : memref<128xi32, #tpu.memory_space<vmem>>, vector<16xi32>,
        %sub3A_239 = vector.broadcast %mul3A_2 : i32 to vector<16xi32>
        %sub3A_240 = arith.subi %get3A_238, %sub3A_239 : vector<16xi32>
        %ge3A_241 = arith.constant 0 : i32
        %ge3A_242 = vector.broadcast %ge3A_241 : i32 to vector<16xi32>
        %ge3A_243 = arith.cmpi sge, %sub3A_240, %ge3A_242 : vector<16xi32>
        %lt3A_244 = arith.constant 5120 : i32
        %lt3A_245 = vector.broadcast %lt3A_244 : i32 to vector<16xi32>
        %lt3A_246 = arith.cmpi slt, %sub3A_240, %lt3A_245 : vector<16xi32>
        %and3A_247 = arith.andi %ge3A_243, %lt3A_246 : vector<16xi1>
        %broadcast_in_dim3A_248 = arith.constant 0 : i32
        %broadcast_in_dim3A_249 = vector.broadcast %broadcast_in_dim3A_248 : i32 to vector<16xi32>
        %sub3A_250 = arith.constant 1 : i32
        %sub3A_251 = vector.broadcast %sub3A_250 : i32 to vector<16xi32>
        %sub3A_252 = arith.subi %broadcast_in_dim3A_249, %sub3A_251 : vector<16xi32>
        %select_n3A_253 = arith.select %and3A_247, %get3A_236, %sub3A_252 : vector<16xi1>, vector<16xi32>
        %swap3A_254 = arith.constant 32 : index
        %swap3A_255 = tpu.vector_load %arg32[%swap3A_254] {strides = array<i32>} : memref<128xi32, #tpu.memory_space<vmem>>, vector<16xi32>,
        tpu.vector_store %arg32[%swap3A_254], %select_n3A_253 {strides = array<i32>} : memref<128xi32, #tpu.memory_space<vmem>>, vector<16xi32>,
        %select_n3A_256 = arith.select %and3A_247, %sub3A_240, %sub3A_252 : vector<16xi1>, vector<16xi32>
        %swap3A_257 = arith.constant 32 : index
        %swap3A_258 = tpu.vector_load %arg33[%swap3A_257] {strides = array<i32>} : memref<128xi32, #tpu.memory_space<vmem>>, vector<16xi32>,
        tpu.vector_store %arg33[%swap3A_257], %select_n3A_256 {strides = array<i32>} : memref<128xi32, #tpu.memory_space<vmem>>, vector<16xi32>,
        %get3A_259 = arith.constant 48 : index
        %get3A_260 = tpu.vector_load %arg28[%get3A_259] {strides = array<i32>} : memref<128xi32, #tpu.memory_space<vmem>>, vector<16xi32>,
        %get3A_261 = arith.constant 48 : index
        %get3A_262 = tpu.vector_load %arg29[%get3A_261] {strides = array<i32>} : memref<128xi32, #tpu.memory_space<vmem>>, vector<16xi32>,
        %sub3A_263 = vector.broadcast %mul3A_2 : i32 to vector<16xi32>
        %sub3A_264 = arith.subi %get3A_262, %sub3A_263 : vector<16xi32>
        %ge3A_265 = arith.constant 0 : i32
        %ge3A_266 = vector.broadcast %ge3A_265 : i32 to vector<16xi32>
        %ge3A_267 = arith.cmpi sge, %sub3A_264, %ge3A_266 : vector<16xi32>
        %lt3A_268 = arith.constant 5120 : i32
        %lt3A_269 = vector.broadcast %lt3A_268 : i32 to vector<16xi32>
        %lt3A_270 = arith.cmpi slt, %sub3A_264, %lt3A_269 : vector<16xi32>
        %and3A_271 = arith.andi %ge3A_267, %lt3A_270 : vector<16xi1>
        %broadcast_in_dim3A_272 = arith.constant 0 : i32
        %broadcast_in_dim3A_273 = vector.broadcast %broadcast_in_dim3A_272 : i32 to vector<16xi32>
        %sub3A_274 = arith.constant 1 : i32
        %sub3A_275 = vector.broadcast %sub3A_274 : i32 to vector<16xi32>
        %sub3A_276 = arith.subi %broadcast_in_dim3A_273, %sub3A_275 : vector<16xi32>
        %select_n3A_277 = arith.select %and3A_271, %get3A_260, %sub3A_276 : vector<16xi1>, vector<16xi32>
        %swap3A_278 = arith.constant 48 : index
        %swap3A_279 = tpu.vector_load %arg32[%swap3A_278] {strides = array<i32>} : memref<128xi32, #tpu.memory_space<vmem>>, vector<16xi32>,
        tpu.vector_store %arg32[%swap3A_278], %select_n3A_277 {strides = array<i32>} : memref<128xi32, #tpu.memory_space<vmem>>, vector<16xi32>,
        %select_n3A_280 = arith.select %and3A_271, %sub3A_264, %sub3A_276 : vector<16xi1>, vector<16xi32>
        %swap3A_281 = arith.constant 48 : index
        %swap3A_282 = tpu.vector_load %arg33[%swap3A_281] {strides = array<i32>} : memref<128xi32, #tpu.memory_space<vmem>>, vector<16xi32>,
        tpu.vector_store %arg33[%swap3A_281], %select_n3A_280 {strides = array<i32>} : memref<128xi32, #tpu.memory_space<vmem>>, vector<16xi32>,
        %get3A_283 = arith.constant 64 : index
        %get3A_284 = tpu.vector_load %arg28[%get3A_283] {strides = array<i32>} : memref<128xi32, #tpu.memory_space<vmem>>, vector<16xi32>,
        %get3A_285 = arith.constant 64 : index
        %get3A_286 = tpu.vector_load %arg29[%get3A_285] {strides = array<i32>} : memref<128xi32, #tpu.memory_space<vmem>>, vector<16xi32>,
        %sub3A_287 = vector.broadcast %mul3A_2 : i32 to vector<16xi32>
        %sub3A_288 = arith.subi %get3A_286, %sub3A_287 : vector<16xi32>
        %ge3A_289 = arith.constant 0 : i32
        %ge3A_290 = vector.broadcast %ge3A_289 : i32 to vector<16xi32>
        %ge3A_291 = arith.cmpi sge, %sub3A_288, %ge3A_290 : vector<16xi32>
        %lt3A_292 = arith.constant 5120 : i32
        %lt3A_293 = vector.broadcast %lt3A_292 : i32 to vector<16xi32>
        %lt3A_294 = arith.cmpi slt, %sub3A_288, %lt3A_293 : vector<16xi32>
        %and3A_295 = arith.andi %ge3A_291, %lt3A_294 : vector<16xi1>
        %broadcast_in_dim3A_296 = arith.constant 0 : i32
        %broadcast_in_dim3A_297 = vector.broadcast %broadcast_in_dim3A_296 : i32 to vector<16xi32>
        %sub3A_298 = arith.constant 1 : i32
        %sub3A_299 = vector.broadcast %sub3A_298 : i32 to vector<16xi32>
        %sub3A_300 = arith.subi %broadcast_in_dim3A_297, %sub3A_299 : vector<16xi32>
        %select_n3A_301 = arith.select %and3A_295, %get3A_284, %sub3A_300 : vector<16xi1>, vector<16xi32>
        %swap3A_302 = arith.constant 64 : index
        %swap3A_303 = tpu.vector_load %arg32[%swap3A_302] {strides = array<i32>} : memref<128xi32, #tpu.memory_space<vmem>>, vector<16xi32>,
        tpu.vector_store %arg32[%swap3A_302], %select_n3A_301 {strides = array<i32>} : memref<128xi32, #tpu.memory_space<vmem>>, vector<16xi32>,
        %select_n3A_304 = arith.select %and3A_295, %sub3A_288, %sub3A_300 : vector<16xi1>, vector<16xi32>
        %swap3A_305 = arith.constant 64 : index
        %swap3A_306 = tpu.vector_load %arg33[%swap3A_305] {strides = array<i32>} : memref<128xi32, #tpu.memory_space<vmem>>, vector<16xi32>,
        tpu.vector_store %arg33[%swap3A_305], %select_n3A_304 {strides = array<i32>} : memref<128xi32, #tpu.memory_space<vmem>>, vector<16xi32>,
        %get3A_307 = arith.constant 80 : index
        %get3A_308 = tpu.vector_load %arg28[%get3A_307] {strides = array<i32>} : memref<128xi32, #tpu.memory_space<vmem>>, vector<16xi32>,
        %get3A_309 = arith.constant 80 : index
        %get3A_310 = tpu.vector_load %arg29[%get3A_309] {strides = array<i32>} : memref<128xi32, #tpu.memory_space<vmem>>, vector<16xi32>,
        %sub3A_311 = vector.broadcast %mul3A_2 : i32 to vector<16xi32>
        %sub3A_312 = arith.subi %get3A_310, %sub3A_311 : vector<16xi32>
        %ge3A_313 = arith.constant 0 : i32
        %ge3A_314 = vector.broadcast %ge3A_313 : i32 to vector<16xi32>
        %ge3A_315 = arith.cmpi sge, %sub3A_312, %ge3A_314 : vector<16xi32>
        %lt3A_316 = arith.constant 5120 : i32
        %lt3A_317 = vector.broadcast %lt3A_316 : i32 to vector<16xi32>
        %lt3A_318 = arith.cmpi slt, %sub3A_312, %lt3A_317 : vector<16xi32>
        %and3A_319 = arith.andi %ge3A_315, %lt3A_318 : vector<16xi1>
        %broadcast_in_dim3A_320 = arith.constant 0 : i32
        %broadcast_in_dim3A_321 = vector.broadcast %broadcast_in_dim3A_320 : i32 to vector<16xi32>
        %sub3A_322 = arith.constant 1 : i32
        %sub3A_323 = vector.broadcast %sub3A_322 : i32 to vector<16xi32>
        %sub3A_324 = arith.subi %broadcast_in_dim3A_321, %sub3A_323 : vector<16xi32>
        %select_n3A_325 = arith.select %and3A_319, %get3A_308, %sub3A_324 : vector<16xi1>, vector<16xi32>
        %swap3A_326 = arith.constant 80 : index
        %swap3A_327 = tpu.vector_load %arg32[%swap3A_326] {strides = array<i32>} : memref<128xi32, #tpu.memory_space<vmem>>, vector<16xi32>,
        tpu.vector_store %arg32[%swap3A_326], %select_n3A_325 {strides = array<i32>} : memref<128xi32, #tpu.memory_space<vmem>>, vector<16xi32>,
        %select_n3A_328 = arith.select %and3A_319, %sub3A_312, %sub3A_324 : vector<16xi1>, vector<16xi32>
        %swap3A_329 = arith.constant 80 : index
        %swap3A_330 = tpu.vector_load %arg33[%swap3A_329] {strides = array<i32>} : memref<128xi32, #tpu.memory_space<vmem>>, vector<16xi32>,
        tpu.vector_store %arg33[%swap3A_329], %select_n3A_328 {strides = array<i32>} : memref<128xi32, #tpu.memory_space<vmem>>, vector<16xi32>,
        %get3A_331 = arith.constant 96 : index
        %get3A_332 = tpu.vector_load %arg28[%get3A_331] {strides = array<i32>} : memref<128xi32, #tpu.memory_space<vmem>>, vector<16xi32>,
        %get3A_333 = arith.constant 96 : index
        %get3A_334 = tpu.vector_load %arg29[%get3A_333] {strides = array<i32>} : memref<128xi32, #tpu.memory_space<vmem>>, vector<16xi32>,
        %sub3A_335 = vector.broadcast %mul3A_2 : i32 to vector<16xi32>
        %sub3A_336 = arith.subi %get3A_334, %sub3A_335 : vector<16xi32>
        %ge3A_337 = arith.constant 0 : i32
        %ge3A_338 = vector.broadcast %ge3A_337 : i32 to vector<16xi32>
        %ge3A_339 = arith.cmpi sge, %sub3A_336, %ge3A_338 : vector<16xi32>
        %lt3A_340 = arith.constant 5120 : i32
        %lt3A_341 = vector.broadcast %lt3A_340 : i32 to vector<16xi32>
        %lt3A_342 = arith.cmpi slt, %sub3A_336, %lt3A_341 : vector<16xi32>
        %and3A_343 = arith.andi %ge3A_339, %lt3A_342 : vector<16xi1>
        %broadcast_in_dim3A_344 = arith.constant 0 : i32
        %broadcast_in_dim3A_345 = vector.broadcast %broadcast_in_dim3A_344 : i32 to vector<16xi32>
        %sub3A_346 = arith.constant 1 : i32
        %sub3A_347 = vector.broadcast %sub3A_346 : i32 to vector<16xi32>
        %sub3A_348 = arith.subi %broadcast_in_dim3A_345, %sub3A_347 : vector<16xi32>
        %select_n3A_349 = arith.select %and3A_343, %get3A_332, %sub3A_348 : vector<16xi1>, vector<16xi32>
        %swap3A_350 = arith.constant 96 : index
        %swap3A_351 = tpu.vector_load %arg32[%swap3A_350] {strides = array<i32>} : memref<128xi32, #tpu.memory_space<vmem>>, vector<16xi32>,
        tpu.vector_store %arg32[%swap3A_350], %select_n3A_349 {strides = array<i32>} : memref<128xi32, #tpu.memory_space<vmem>>, vector<16xi32>,
        %select_n3A_352 = arith.select %and3A_343, %sub3A_336, %sub3A_348 : vector<16xi1>, vector<16xi32>
        %swap3A_353 = arith.constant 96 : index
        %swap3A_354 = tpu.vector_load %arg33[%swap3A_353] {strides = array<i32>} : memref<128xi32, #tpu.memory_space<vmem>>, vector<16xi32>,
        tpu.vector_store %arg33[%swap3A_353], %select_n3A_352 {strides = array<i32>} : memref<128xi32, #tpu.memory_space<vmem>>, vector<16xi32>,
        %get3A_355 = arith.constant 112 : index
        %get3A_356 = tpu.vector_load %arg28[%get3A_355] {strides = array<i32>} : memref<128xi32, #tpu.memory_space<vmem>>, vector<16xi32>,
        %get3A_357 = arith.constant 112 : index
        %get3A_358 = tpu.vector_load %arg29[%get3A_357] {strides = array<i32>} : memref<128xi32, #tpu.memory_space<vmem>>, vector<16xi32>,
        %sub3A_359 = vector.broadcast %mul3A_2 : i32 to vector<16xi32>
        %sub3A_360 = arith.subi %get3A_358, %sub3A_359 : vector<16xi32>
        %ge3A_361 = arith.constant 0 : i32
        %ge3A_362 = vector.broadcast %ge3A_361 : i32 to vector<16xi32>
        %ge3A_363 = arith.cmpi sge, %sub3A_360, %ge3A_362 : vector<16xi32>
        %lt3A_364 = arith.constant 5120 : i32
        %lt3A_365 = vector.broadcast %lt3A_364 : i32 to vector<16xi32>
        %lt3A_366 = arith.cmpi slt, %sub3A_360, %lt3A_365 : vector<16xi32>
        %and3A_367 = arith.andi %ge3A_363, %lt3A_366 : vector<16xi1>
        %broadcast_in_dim3A_368 = arith.constant 0 : i32
        %broadcast_in_dim3A_369 = vector.broadcast %broadcast_in_dim3A_368 : i32 to vector<16xi32>
        %sub3A_370 = arith.constant 1 : i32
        %sub3A_371 = vector.broadcast %sub3A_370 : i32 to vector<16xi32>
        %sub3A_372 = arith.subi %broadcast_in_dim3A_369, %sub3A_371 : vector<16xi32>
        %select_n3A_373 = arith.select %and3A_367, %get3A_356, %sub3A_372 : vector<16xi1>, vector<16xi32>
        %swap3A_374 = arith.constant 112 : index
        %swap3A_375 = tpu.vector_load %arg32[%swap3A_374] {strides = array<i32>} : memref<128xi32, #tpu.memory_space<vmem>>, vector<16xi32>,
        tpu.vector_store %arg32[%swap3A_374], %select_n3A_373 {strides = array<i32>} : memref<128xi32, #tpu.memory_space<vmem>>, vector<16xi32>,
        %select_n3A_376 = arith.select %and3A_367, %sub3A_360, %sub3A_372 : vector<16xi1>, vector<16xi32>
        %swap3A_377 = arith.constant 112 : index
        %swap3A_378 = tpu.vector_load %arg33[%swap3A_377] {strides = array<i32>} : memref<128xi32, #tpu.memory_space<vmem>>, vector<16xi32>,
        tpu.vector_store %arg33[%swap3A_377], %select_n3A_376 {strides = array<i32>} : memref<128xi32, #tpu.memory_space<vmem>>, vector<16xi32>,
        %dma_start3A_379 = arith.constant 0 : i32
        %dma_start3A_380 = arith.constant 0 : i32
        %dma_start3A_381 = tpu.memref_slice %arg7[%dma_start3A_379, %dma_start3A_380] : memref<10240x128xf32, #tpu.memory_space<hbm>> -> memref<10240x128xf32, #tpu.memory_space<hbm>>
        %dma_start3A_382 = arith.constant -1 : i32
        tpu.enqueue_indirect_dma source(%dma_start3A_381 : memref<10240x128xf32, #tpu.memory_space<hbm>>) target(%arg37 : memref<128x128xf32, #tpu.memory_space<vmem>>) offsets(%arg32 : memref<128xi32, #tpu.memory_space<vmem>>) offset_filter(%dma_start3A_382) semaphore(%arg45 : memref<!tpu.dma_semaphore, #tpu.memory_space<semaphore_mem>>)
        %get3A_383 = arith.constant 0 : index
        %get3A_384 = tpu.vector_load %arg28[%get3A_383] {strides = array<i32>} : memref<128xi32, #tpu.memory_space<vmem>>, vector<16xi32>,
        %get3A_385 = arith.constant 0 : index
        %get3A_386 = tpu.vector_load %arg29[%get3A_385] {strides = array<i32>} : memref<128xi32, #tpu.memory_space<vmem>>, vector<16xi32>,
        %sub3A_387 = vector.broadcast %mul3A_2 : i32 to vector<16xi32>
        %sub3A_388 = arith.subi %get3A_386, %sub3A_387 : vector<16xi32>
        %ge3A_389 = arith.constant 0 : i32
        %ge3A_390 = vector.broadcast %ge3A_389 : i32 to vector<16xi32>
        %ge3A_391 = arith.cmpi sge, %sub3A_388, %ge3A_390 : vector<16xi32>
        %sub3A_392 = vector.broadcast %mul3A_2 : i32 to vector<16xi32>
        %sub3A_393 = arith.subi %get3A_386, %sub3A_392 : vector<16xi32>
        %lt3A_394 = arith.constant 5120 : i32
        %lt3A_395 = vector.broadcast %lt3A_394 : i32 to vector<16xi32>
        %lt3A_396 = arith.cmpi slt, %sub3A_393, %lt3A_395 : vector<16xi32>
        %and3A_397 = arith.andi %ge3A_391, %lt3A_396 : vector<16xi1>
        %iota3A = tpu.iota {dimensions = array<i32: 0>} : vector<16xi32>
        %shift_right_logical3A = arith.constant 3 : i32
        %shift_right_logical3A_398 = vector.broadcast %shift_right_logical3A : i32 to vector<16xi32>
        %shift_right_logical3A_399 = arith.shrui %iota3A, %shift_right_logical3A_398 : vector<16xi32>
        %add3A_400 = arith.constant 0 : i32
        %add3A_401 = vector.broadcast %add3A_400 : i32 to vector<16xi32>
        %add3A_402 = arith.addi %add3A_401, %shift_right_logical3A_399 : vector<16xi32>
        %and3A_403 = arith.constant 7 : i32
        %and3A_404 = vector.broadcast %and3A_403 : i32 to vector<16xi32>
        %and3A_405 = arith.andi %iota3A, %and3A_404 : vector<16xi32>
        %mul3A_406 = arith.constant 16 : i32
        %mul3A_407 = vector.broadcast %mul3A_406 : i32 to vector<16xi32>
        %mul3A_408 = arith.muli %and3A_405, %mul3A_407 : vector<16xi32>
        %gather3A = tpu.vector_load_idx %arg31[%add3A_402, %mul3A_408] : memref<16x128xf32, #tpu.memory_space<vmem>>[vector<16xi32>, vector<16xi32>], vector<16xf32>,
        %gather3A_409 = tpu.vector_load_idx %arg14[%get3A_386] : memref<10240xf32, #tpu.memory_space<vmem>>[vector<16xi32>], vector<16xf32>,
        %gather3A_410 = tpu.vector_load_idx %arg15[%get3A_384] : memref<10240xf32, #tpu.memory_space<vmem>>[vector<16xi32>], vector<16xf32>,
        %add3A_411 = arith.addf %gather3A_409, %gather3A_410 : vector<16xf32>
        %get3A_412 = arith.constant 0 : index
        %get3A_413 = tpu.vector_load %arg30[%get3A_412] {strides = array<i32>} : memref<128xi32, #tpu.memory_space<vmem>>, vector<16xi32>,
        %gather3A_414 = tpu.vector_load_idx %arg17[%get3A_413] : memref<16xf32, #tpu.memory_space<vmem>>[vector<16xi32>], vector<16xf32>,
        %add3A_415 = arith.addf %add3A_411, %gather3A_414 : vector<16xf32>
        %add3A_416 = arith.addf %add3A_415, %gather3A : vector<16xf32>
        %ge3A_417 = arith.constant 0.000000e+00 : f32
        %ge3A_418 = vector.broadcast %ge3A_417 : f32 to vector<16xf32>
        %ge3A_419 = arith.cmpf oge, %add3A_416, %ge3A_418 : vector<16xf32>
        %mul3A_420 = arith.constant 2.000000e-01 : f32
        %mul3A_421 = vector.broadcast %mul3A_420 : f32 to vector<16xf32>
        %mul3A_422 = arith.mulf %mul3A_421, %add3A_416 : vector<16xf32>
        %select_n3A_423 = arith.select %ge3A_419, %add3A_416, %mul3A_422 : vector<16xi1>, vector<16xf32>
        %exp3A = math.exp %select_n3A_423 : vector<16xf32>
        %swap3A_424 = arith.constant 0 : index
        %swap3A_425 = tpu.vector_load %arg34[%swap3A_424] {strides = array<i32>} : memref<128xf32, #tpu.memory_space<vmem>>, vector<16xf32>,
        tpu.vector_store %arg34[%swap3A_424], %exp3A {strides = array<i32>} : memref<128xf32, #tpu.memory_space<vmem>>, vector<16xf32>,
        %shift_right_logical3A_426 = arith.constant 4 : i32
        %shift_right_logical3A_427 = vector.broadcast %shift_right_logical3A_426 : i32 to vector<16xi32>
        %shift_right_logical3A_428 = arith.shrui %get3A_386, %shift_right_logical3A_427 : vector<16xi32>
        %and3A_429 = arith.constant 15 : i32
        %and3A_430 = vector.broadcast %and3A_429 : i32 to vector<16xi32>
        %and3A_431 = arith.andi %get3A_386, %and3A_430 : vector<16xi32>
        tpu.vector_store_idx %arg16[%shift_right_logical3A_428, %and3A_431], %exp3A masked %and3A_397 {add = true} : memref<640x16xf32, #tpu.memory_space<vmem>>[vector<16xi32>, vector<16xi32>], vector<16xf32>, vector<16xi1>
        %get3A_432 = arith.constant 16 : index
        %get3A_433 = tpu.vector_load %arg28[%get3A_432] {strides = array<i32>} : memref<128xi32, #tpu.memory_space<vmem>>, vector<16xi32>,
        %get3A_434 = arith.constant 16 : index
        %get3A_435 = tpu.vector_load %arg29[%get3A_434] {strides = array<i32>} : memref<128xi32, #tpu.memory_space<vmem>>, vector<16xi32>,
        %sub3A_436 = vector.broadcast %mul3A_2 : i32 to vector<16xi32>
        %sub3A_437 = arith.subi %get3A_435, %sub3A_436 : vector<16xi32>
        %ge3A_438 = arith.constant 0 : i32
        %ge3A_439 = vector.broadcast %ge3A_438 : i32 to vector<16xi32>
        %ge3A_440 = arith.cmpi sge, %sub3A_437, %ge3A_439 : vector<16xi32>
        %sub3A_441 = vector.broadcast %mul3A_2 : i32 to vector<16xi32>
        %sub3A_442 = arith.subi %get3A_435, %sub3A_441 : vector<16xi32>
        %lt3A_443 = arith.constant 5120 : i32
        %lt3A_444 = vector.broadcast %lt3A_443 : i32 to vector<16xi32>
        %lt3A_445 = arith.cmpi slt, %sub3A_442, %lt3A_444 : vector<16xi32>
        %and3A_446 = arith.andi %ge3A_440, %lt3A_445 : vector<16xi1>
        %iota3A_447 = tpu.iota {dimensions = array<i32: 0>} : vector<16xi32>
        %shift_right_logical3A_448 = arith.constant 3 : i32
        %shift_right_logical3A_449 = vector.broadcast %shift_right_logical3A_448 : i32 to vector<16xi32>
        %shift_right_logical3A_450 = arith.shrui %iota3A_447, %shift_right_logical3A_449 : vector<16xi32>
        %add3A_451 = arith.constant 2 : i32
        %add3A_452 = vector.broadcast %add3A_451 : i32 to vector<16xi32>
        %add3A_453 = arith.addi %add3A_452, %shift_right_logical3A_450 : vector<16xi32>
        %and3A_454 = arith.constant 7 : i32
        %and3A_455 = vector.broadcast %and3A_454 : i32 to vector<16xi32>
        %and3A_456 = arith.andi %iota3A_447, %and3A_455 : vector<16xi32>
        %mul3A_457 = arith.constant 16 : i32
        %mul3A_458 = vector.broadcast %mul3A_457 : i32 to vector<16xi32>
        %mul3A_459 = arith.muli %and3A_456, %mul3A_458 : vector<16xi32>
        %gather3A_460 = tpu.vector_load_idx %arg31[%add3A_453, %mul3A_459] : memref<16x128xf32, #tpu.memory_space<vmem>>[vector<16xi32>, vector<16xi32>], vector<16xf32>,
        %gather3A_461 = tpu.vector_load_idx %arg14[%get3A_435] : memref<10240xf32, #tpu.memory_space<vmem>>[vector<16xi32>], vector<16xf32>,
        %gather3A_462 = tpu.vector_load_idx %arg15[%get3A_433] : memref<10240xf32, #tpu.memory_space<vmem>>[vector<16xi32>], vector<16xf32>,
        %add3A_463 = arith.addf %gather3A_461, %gather3A_462 : vector<16xf32>
        %get3A_464 = arith.constant 16 : index
        %get3A_465 = tpu.vector_load %arg30[%get3A_464] {strides = array<i32>} : memref<128xi32, #tpu.memory_space<vmem>>, vector<16xi32>,
        %gather3A_466 = tpu.vector_load_idx %arg17[%get3A_465] : memref<16xf32, #tpu.memory_space<vmem>>[vector<16xi32>], vector<16xf32>,
        %add3A_467 = arith.addf %add3A_463, %gather3A_466 : vector<16xf32>
        %add3A_468 = arith.addf %add3A_467, %gather3A_460 : vector<16xf32>
        %ge3A_469 = arith.constant 0.000000e+00 : f32
        %ge3A_470 = vector.broadcast %ge3A_469 : f32 to vector<16xf32>
        %ge3A_471 = arith.cmpf oge, %add3A_468, %ge3A_470 : vector<16xf32>
        %mul3A_472 = arith.constant 2.000000e-01 : f32
        %mul3A_473 = vector.broadcast %mul3A_472 : f32 to vector<16xf32>
        %mul3A_474 = arith.mulf %mul3A_473, %add3A_468 : vector<16xf32>
        %select_n3A_475 = arith.select %ge3A_471, %add3A_468, %mul3A_474 : vector<16xi1>, vector<16xf32>
        %exp3A_476 = math.exp %select_n3A_475 : vector<16xf32>
        %swap3A_477 = arith.constant 16 : index
        %swap3A_478 = tpu.vector_load %arg34[%swap3A_477] {strides = array<i32>} : memref<128xf32, #tpu.memory_space<vmem>>, vector<16xf32>,
        tpu.vector_store %arg34[%swap3A_477], %exp3A_476 {strides = array<i32>} : memref<128xf32, #tpu.memory_space<vmem>>, vector<16xf32>,
        %shift_right_logical3A_479 = arith.constant 4 : i32
        %shift_right_logical3A_480 = vector.broadcast %shift_right_logical3A_479 : i32 to vector<16xi32>
        %shift_right_logical3A_481 = arith.shrui %get3A_435, %shift_right_logical3A_480 : vector<16xi32>
        %and3A_482 = arith.constant 15 : i32
        %and3A_483 = vector.broadcast %and3A_482 : i32 to vector<16xi32>
        %and3A_484 = arith.andi %get3A_435, %and3A_483 : vector<16xi32>
        tpu.vector_store_idx %arg16[%shift_right_logical3A_481, %and3A_484], %exp3A_476 masked %and3A_446 {add = true} : memref<640x16xf32, #tpu.memory_space<vmem>>[vector<16xi32>, vector<16xi32>], vector<16xf32>, vector<16xi1>
        %get3A_485 = arith.constant 32 : index
        %get3A_486 = tpu.vector_load %arg28[%get3A_485] {strides = array<i32>} : memref<128xi32, #tpu.memory_space<vmem>>, vector<16xi32>,
        %get3A_487 = arith.constant 32 : index
        %get3A_488 = tpu.vector_load %arg29[%get3A_487] {strides = array<i32>} : memref<128xi32, #tpu.memory_space<vmem>>, vector<16xi32>,
        %sub3A_489 = vector.broadcast %mul3A_2 : i32 to vector<16xi32>
        %sub3A_490 = arith.subi %get3A_488, %sub3A_489 : vector<16xi32>
        %ge3A_491 = arith.constant 0 : i32
        %ge3A_492 = vector.broadcast %ge3A_491 : i32 to vector<16xi32>
        %ge3A_493 = arith.cmpi sge, %sub3A_490, %ge3A_492 : vector<16xi32>
        %sub3A_494 = vector.broadcast %mul3A_2 : i32 to vector<16xi32>
        %sub3A_495 = arith.subi %get3A_488, %sub3A_494 : vector<16xi32>
        %lt3A_496 = arith.constant 5120 : i32
        %lt3A_497 = vector.broadcast %lt3A_496 : i32 to vector<16xi32>
        %lt3A_498 = arith.cmpi slt, %sub3A_495, %lt3A_497 : vector<16xi32>
        %and3A_499 = arith.andi %ge3A_493, %lt3A_498 : vector<16xi1>
        %iota3A_500 = tpu.iota {dimensions = array<i32: 0>} : vector<16xi32>
        %shift_right_logical3A_501 = arith.constant 3 : i32
        %shift_right_logical3A_502 = vector.broadcast %shift_right_logical3A_501 : i32 to vector<16xi32>
        %shift_right_logical3A_503 = arith.shrui %iota3A_500, %shift_right_logical3A_502 : vector<16xi32>
        %add3A_504 = arith.constant 4 : i32
        %add3A_505 = vector.broadcast %add3A_504 : i32 to vector<16xi32>
        %add3A_506 = arith.addi %add3A_505, %shift_right_logical3A_503 : vector<16xi32>
        %and3A_507 = arith.constant 7 : i32
        %and3A_508 = vector.broadcast %and3A_507 : i32 to vector<16xi32>
        %and3A_509 = arith.andi %iota3A_500, %and3A_508 : vector<16xi32>
        %mul3A_510 = arith.constant 16 : i32
        %mul3A_511 = vector.broadcast %mul3A_510 : i32 to vector<16xi32>
        %mul3A_512 = arith.muli %and3A_509, %mul3A_511 : vector<16xi32>
        %gather3A_513 = tpu.vector_load_idx %arg31[%add3A_506, %mul3A_512] : memref<16x128xf32, #tpu.memory_space<vmem>>[vector<16xi32>, vector<16xi32>], vector<16xf32>,
        %gather3A_514 = tpu.vector_load_idx %arg14[%get3A_488] : memref<10240xf32, #tpu.memory_space<vmem>>[vector<16xi32>], vector<16xf32>,
        %gather3A_515 = tpu.vector_load_idx %arg15[%get3A_486] : memref<10240xf32, #tpu.memory_space<vmem>>[vector<16xi32>], vector<16xf32>,
        %add3A_516 = arith.addf %gather3A_514, %gather3A_515 : vector<16xf32>
        %get3A_517 = arith.constant 32 : index
        %get3A_518 = tpu.vector_load %arg30[%get3A_517] {strides = array<i32>} : memref<128xi32, #tpu.memory_space<vmem>>, vector<16xi32>,
        %gather3A_519 = tpu.vector_load_idx %arg17[%get3A_518] : memref<16xf32, #tpu.memory_space<vmem>>[vector<16xi32>], vector<16xf32>,
        %add3A_520 = arith.addf %add3A_516, %gather3A_519 : vector<16xf32>
        %add3A_521 = arith.addf %add3A_520, %gather3A_513 : vector<16xf32>
        %ge3A_522 = arith.constant 0.000000e+00 : f32
        %ge3A_523 = vector.broadcast %ge3A_522 : f32 to vector<16xf32>
        %ge3A_524 = arith.cmpf oge, %add3A_521, %ge3A_523 : vector<16xf32>
        %mul3A_525 = arith.constant 2.000000e-01 : f32
        %mul3A_526 = vector.broadcast %mul3A_525 : f32 to vector<16xf32>
        %mul3A_527 = arith.mulf %mul3A_526, %add3A_521 : vector<16xf32>
        %select_n3A_528 = arith.select %ge3A_524, %add3A_521, %mul3A_527 : vector<16xi1>, vector<16xf32>
        %exp3A_529 = math.exp %select_n3A_528 : vector<16xf32>
        %swap3A_530 = arith.constant 32 : index
        %swap3A_531 = tpu.vector_load %arg34[%swap3A_530] {strides = array<i32>} : memref<128xf32, #tpu.memory_space<vmem>>, vector<16xf32>,
        tpu.vector_store %arg34[%swap3A_530], %exp3A_529 {strides = array<i32>} : memref<128xf32, #tpu.memory_space<vmem>>, vector<16xf32>,
        %shift_right_logical3A_532 = arith.constant 4 : i32
        %shift_right_logical3A_533 = vector.broadcast %shift_right_logical3A_532 : i32 to vector<16xi32>
        %shift_right_logical3A_534 = arith.shrui %get3A_488, %shift_right_logical3A_533 : vector<16xi32>
        %and3A_535 = arith.constant 15 : i32
        %and3A_536 = vector.broadcast %and3A_535 : i32 to vector<16xi32>
        %and3A_537 = arith.andi %get3A_488, %and3A_536 : vector<16xi32>
        tpu.vector_store_idx %arg16[%shift_right_logical3A_534, %and3A_537], %exp3A_529 masked %and3A_499 {add = true} : memref<640x16xf32, #tpu.memory_space<vmem>>[vector<16xi32>, vector<16xi32>], vector<16xf32>, vector<16xi1>
        %get3A_538 = arith.constant 48 : index
        %get3A_539 = tpu.vector_load %arg28[%get3A_538] {strides = array<i32>} : memref<128xi32, #tpu.memory_space<vmem>>, vector<16xi32>,
        %get3A_540 = arith.constant 48 : index
        %get3A_541 = tpu.vector_load %arg29[%get3A_540] {strides = array<i32>} : memref<128xi32, #tpu.memory_space<vmem>>, vector<16xi32>,
        %sub3A_542 = vector.broadcast %mul3A_2 : i32 to vector<16xi32>
        %sub3A_543 = arith.subi %get3A_541, %sub3A_542 : vector<16xi32>
        %ge3A_544 = arith.constant 0 : i32
        %ge3A_545 = vector.broadcast %ge3A_544 : i32 to vector<16xi32>
        %ge3A_546 = arith.cmpi sge, %sub3A_543, %ge3A_545 : vector<16xi32>
        %sub3A_547 = vector.broadcast %mul3A_2 : i32 to vector<16xi32>
        %sub3A_548 = arith.subi %get3A_541, %sub3A_547 : vector<16xi32>
        %lt3A_549 = arith.constant 5120 : i32
        %lt3A_550 = vector.broadcast %lt3A_549 : i32 to vector<16xi32>
        %lt3A_551 = arith.cmpi slt, %sub3A_548, %lt3A_550 : vector<16xi32>
        %and3A_552 = arith.andi %ge3A_546, %lt3A_551 : vector<16xi1>
        %iota3A_553 = tpu.iota {dimensions = array<i32: 0>} : vector<16xi32>
        %shift_right_logical3A_554 = arith.constant 3 : i32
        %shift_right_logical3A_555 = vector.broadcast %shift_right_logical3A_554 : i32 to vector<16xi32>
        %shift_right_logical3A_556 = arith.shrui %iota3A_553, %shift_right_logical3A_555 : vector<16xi32>
        %add3A_557 = arith.constant 6 : i32
        %add3A_558 = vector.broadcast %add3A_557 : i32 to vector<16xi32>
        %add3A_559 = arith.addi %add3A_558, %shift_right_logical3A_556 : vector<16xi32>
        %and3A_560 = arith.constant 7 : i32
        %and3A_561 = vector.broadcast %and3A_560 : i32 to vector<16xi32>
        %and3A_562 = arith.andi %iota3A_553, %and3A_561 : vector<16xi32>
        %mul3A_563 = arith.constant 16 : i32
        %mul3A_564 = vector.broadcast %mul3A_563 : i32 to vector<16xi32>
        %mul3A_565 = arith.muli %and3A_562, %mul3A_564 : vector<16xi32>
        %gather3A_566 = tpu.vector_load_idx %arg31[%add3A_559, %mul3A_565] : memref<16x128xf32, #tpu.memory_space<vmem>>[vector<16xi32>, vector<16xi32>], vector<16xf32>,
        %gather3A_567 = tpu.vector_load_idx %arg14[%get3A_541] : memref<10240xf32, #tpu.memory_space<vmem>>[vector<16xi32>], vector<16xf32>,
        %gather3A_568 = tpu.vector_load_idx %arg15[%get3A_539] : memref<10240xf32, #tpu.memory_space<vmem>>[vector<16xi32>], vector<16xf32>,
        %add3A_569 = arith.addf %gather3A_567, %gather3A_568 : vector<16xf32>
        %get3A_570 = arith.constant 48 : index
        %get3A_571 = tpu.vector_load %arg30[%get3A_570] {strides = array<i32>} : memref<128xi32, #tpu.memory_space<vmem>>, vector<16xi32>,
        %gather3A_572 = tpu.vector_load_idx %arg17[%get3A_571] : memref<16xf32, #tpu.memory_space<vmem>>[vector<16xi32>], vector<16xf32>,
        %add3A_573 = arith.addf %add3A_569, %gather3A_572 : vector<16xf32>
        %add3A_574 = arith.addf %add3A_573, %gather3A_566 : vector<16xf32>
        %ge3A_575 = arith.constant 0.000000e+00 : f32
        %ge3A_576 = vector.broadcast %ge3A_575 : f32 to vector<16xf32>
        %ge3A_577 = arith.cmpf oge, %add3A_574, %ge3A_576 : vector<16xf32>
        %mul3A_578 = arith.constant 2.000000e-01 : f32
        %mul3A_579 = vector.broadcast %mul3A_578 : f32 to vector<16xf32>
        %mul3A_580 = arith.mulf %mul3A_579, %add3A_574 : vector<16xf32>
        %select_n3A_581 = arith.select %ge3A_577, %add3A_574, %mul3A_580 : vector<16xi1>, vector<16xf32>
        %exp3A_582 = math.exp %select_n3A_581 : vector<16xf32>
        %swap3A_583 = arith.constant 48 : index
        %swap3A_584 = tpu.vector_load %arg34[%swap3A_583] {strides = array<i32>} : memref<128xf32, #tpu.memory_space<vmem>>, vector<16xf32>,
        tpu.vector_store %arg34[%swap3A_583], %exp3A_582 {strides = array<i32>} : memref<128xf32, #tpu.memory_space<vmem>>, vector<16xf32>,
        %shift_right_logical3A_585 = arith.constant 4 : i32
        %shift_right_logical3A_586 = vector.broadcast %shift_right_logical3A_585 : i32 to vector<16xi32>
        %shift_right_logical3A_587 = arith.shrui %get3A_541, %shift_right_logical3A_586 : vector<16xi32>
        %and3A_588 = arith.constant 15 : i32
        %and3A_589 = vector.broadcast %and3A_588 : i32 to vector<16xi32>
        %and3A_590 = arith.andi %get3A_541, %and3A_589 : vector<16xi32>
        tpu.vector_store_idx %arg16[%shift_right_logical3A_587, %and3A_590], %exp3A_582 masked %and3A_552 {add = true} : memref<640x16xf32, #tpu.memory_space<vmem>>[vector<16xi32>, vector<16xi32>], vector<16xf32>, vector<16xi1>
        %get3A_591 = arith.constant 64 : index
        %get3A_592 = tpu.vector_load %arg28[%get3A_591] {strides = array<i32>} : memref<128xi32, #tpu.memory_space<vmem>>, vector<16xi32>,
        %get3A_593 = arith.constant 64 : index
        %get3A_594 = tpu.vector_load %arg29[%get3A_593] {strides = array<i32>} : memref<128xi32, #tpu.memory_space<vmem>>, vector<16xi32>,
        %sub3A_595 = vector.broadcast %mul3A_2 : i32 to vector<16xi32>
        %sub3A_596 = arith.subi %get3A_594, %sub3A_595 : vector<16xi32>
        %ge3A_597 = arith.constant 0 : i32
        %ge3A_598 = vector.broadcast %ge3A_597 : i32 to vector<16xi32>
        %ge3A_599 = arith.cmpi sge, %sub3A_596, %ge3A_598 : vector<16xi32>
        %sub3A_600 = vector.broadcast %mul3A_2 : i32 to vector<16xi32>
        %sub3A_601 = arith.subi %get3A_594, %sub3A_600 : vector<16xi32>
        %lt3A_602 = arith.constant 5120 : i32
        %lt3A_603 = vector.broadcast %lt3A_602 : i32 to vector<16xi32>
        %lt3A_604 = arith.cmpi slt, %sub3A_601, %lt3A_603 : vector<16xi32>
        %and3A_605 = arith.andi %ge3A_599, %lt3A_604 : vector<16xi1>
        %iota3A_606 = tpu.iota {dimensions = array<i32: 0>} : vector<16xi32>
        %shift_right_logical3A_607 = arith.constant 3 : i32
        %shift_right_logical3A_608 = vector.broadcast %shift_right_logical3A_607 : i32 to vector<16xi32>
        %shift_right_logical3A_609 = arith.shrui %iota3A_606, %shift_right_logical3A_608 : vector<16xi32>
        %add3A_610 = arith.constant 8 : i32
        %add3A_611 = vector.broadcast %add3A_610 : i32 to vector<16xi32>
        %add3A_612 = arith.addi %add3A_611, %shift_right_logical3A_609 : vector<16xi32>
        %and3A_613 = arith.constant 7 : i32
        %and3A_614 = vector.broadcast %and3A_613 : i32 to vector<16xi32>
        %and3A_615 = arith.andi %iota3A_606, %and3A_614 : vector<16xi32>
        %mul3A_616 = arith.constant 16 : i32
        %mul3A_617 = vector.broadcast %mul3A_616 : i32 to vector<16xi32>
        %mul3A_618 = arith.muli %and3A_615, %mul3A_617 : vector<16xi32>
        %gather3A_619 = tpu.vector_load_idx %arg31[%add3A_612, %mul3A_618] : memref<16x128xf32, #tpu.memory_space<vmem>>[vector<16xi32>, vector<16xi32>], vector<16xf32>,
        %gather3A_620 = tpu.vector_load_idx %arg14[%get3A_594] : memref<10240xf32, #tpu.memory_space<vmem>>[vector<16xi32>], vector<16xf32>,
        %gather3A_621 = tpu.vector_load_idx %arg15[%get3A_592] : memref<10240xf32, #tpu.memory_space<vmem>>[vector<16xi32>], vector<16xf32>,
        %add3A_622 = arith.addf %gather3A_620, %gather3A_621 : vector<16xf32>
        %get3A_623 = arith.constant 64 : index
        %get3A_624 = tpu.vector_load %arg30[%get3A_623] {strides = array<i32>} : memref<128xi32, #tpu.memory_space<vmem>>, vector<16xi32>,
        %gather3A_625 = tpu.vector_load_idx %arg17[%get3A_624] : memref<16xf32, #tpu.memory_space<vmem>>[vector<16xi32>], vector<16xf32>,
        %add3A_626 = arith.addf %add3A_622, %gather3A_625 : vector<16xf32>
        %add3A_627 = arith.addf %add3A_626, %gather3A_619 : vector<16xf32>
        %ge3A_628 = arith.constant 0.000000e+00 : f32
        %ge3A_629 = vector.broadcast %ge3A_628 : f32 to vector<16xf32>
        %ge3A_630 = arith.cmpf oge, %add3A_627, %ge3A_629 : vector<16xf32>
        %mul3A_631 = arith.constant 2.000000e-01 : f32
        %mul3A_632 = vector.broadcast %mul3A_631 : f32 to vector<16xf32>
        %mul3A_633 = arith.mulf %mul3A_632, %add3A_627 : vector<16xf32>
        %select_n3A_634 = arith.select %ge3A_630, %add3A_627, %mul3A_633 : vector<16xi1>, vector<16xf32>
        %exp3A_635 = math.exp %select_n3A_634 : vector<16xf32>
        %swap3A_636 = arith.constant 64 : index
        %swap3A_637 = tpu.vector_load %arg34[%swap3A_636] {strides = array<i32>} : memref<128xf32, #tpu.memory_space<vmem>>, vector<16xf32>,
        tpu.vector_store %arg34[%swap3A_636], %exp3A_635 {strides = array<i32>} : memref<128xf32, #tpu.memory_space<vmem>>, vector<16xf32>,
        %shift_right_logical3A_638 = arith.constant 4 : i32
        %shift_right_logical3A_639 = vector.broadcast %shift_right_logical3A_638 : i32 to vector<16xi32>
        %shift_right_logical3A_640 = arith.shrui %get3A_594, %shift_right_logical3A_639 : vector<16xi32>
        %and3A_641 = arith.constant 15 : i32
        %and3A_642 = vector.broadcast %and3A_641 : i32 to vector<16xi32>
        %and3A_643 = arith.andi %get3A_594, %and3A_642 : vector<16xi32>
        tpu.vector_store_idx %arg16[%shift_right_logical3A_640, %and3A_643], %exp3A_635 masked %and3A_605 {add = true} : memref<640x16xf32, #tpu.memory_space<vmem>>[vector<16xi32>, vector<16xi32>], vector<16xf32>, vector<16xi1>
        %get3A_644 = arith.constant 80 : index
        %get3A_645 = tpu.vector_load %arg28[%get3A_644] {strides = array<i32>} : memref<128xi32, #tpu.memory_space<vmem>>, vector<16xi32>,
        %get3A_646 = arith.constant 80 : index
        %get3A_647 = tpu.vector_load %arg29[%get3A_646] {strides = array<i32>} : memref<128xi32, #tpu.memory_space<vmem>>, vector<16xi32>,
        %sub3A_648 = vector.broadcast %mul3A_2 : i32 to vector<16xi32>
        %sub3A_649 = arith.subi %get3A_647, %sub3A_648 : vector<16xi32>
        %ge3A_650 = arith.constant 0 : i32
        %ge3A_651 = vector.broadcast %ge3A_650 : i32 to vector<16xi32>
        %ge3A_652 = arith.cmpi sge, %sub3A_649, %ge3A_651 : vector<16xi32>
        %sub3A_653 = vector.broadcast %mul3A_2 : i32 to vector<16xi32>
        %sub3A_654 = arith.subi %get3A_647, %sub3A_653 : vector<16xi32>
        %lt3A_655 = arith.constant 5120 : i32
        %lt3A_656 = vector.broadcast %lt3A_655 : i32 to vector<16xi32>
        %lt3A_657 = arith.cmpi slt, %sub3A_654, %lt3A_656 : vector<16xi32>
        %and3A_658 = arith.andi %ge3A_652, %lt3A_657 : vector<16xi1>
        %iota3A_659 = tpu.iota {dimensions = array<i32: 0>} : vector<16xi32>
        %shift_right_logical3A_660 = arith.constant 3 : i32
        %shift_right_logical3A_661 = vector.broadcast %shift_right_logical3A_660 : i32 to vector<16xi32>
        %shift_right_logical3A_662 = arith.shrui %iota3A_659, %shift_right_logical3A_661 : vector<16xi32>
        %add3A_663 = arith.constant 10 : i32
        %add3A_664 = vector.broadcast %add3A_663 : i32 to vector<16xi32>
        %add3A_665 = arith.addi %add3A_664, %shift_right_logical3A_662 : vector<16xi32>
        %and3A_666 = arith.constant 7 : i32
        %and3A_667 = vector.broadcast %and3A_666 : i32 to vector<16xi32>
        %and3A_668 = arith.andi %iota3A_659, %and3A_667 : vector<16xi32>
        %mul3A_669 = arith.constant 16 : i32
        %mul3A_670 = vector.broadcast %mul3A_669 : i32 to vector<16xi32>
        %mul3A_671 = arith.muli %and3A_668, %mul3A_670 : vector<16xi32>
        %gather3A_672 = tpu.vector_load_idx %arg31[%add3A_665, %mul3A_671] : memref<16x128xf32, #tpu.memory_space<vmem>>[vector<16xi32>, vector<16xi32>], vector<16xf32>,
        %gather3A_673 = tpu.vector_load_idx %arg14[%get3A_647] : memref<10240xf32, #tpu.memory_space<vmem>>[vector<16xi32>], vector<16xf32>,
        %gather3A_674 = tpu.vector_load_idx %arg15[%get3A_645] : memref<10240xf32, #tpu.memory_space<vmem>>[vector<16xi32>], vector<16xf32>,
        %add3A_675 = arith.addf %gather3A_673, %gather3A_674 : vector<16xf32>
        %get3A_676 = arith.constant 80 : index
        %get3A_677 = tpu.vector_load %arg30[%get3A_676] {strides = array<i32>} : memref<128xi32, #tpu.memory_space<vmem>>, vector<16xi32>,
        %gather3A_678 = tpu.vector_load_idx %arg17[%get3A_677] : memref<16xf32, #tpu.memory_space<vmem>>[vector<16xi32>], vector<16xf32>,
        %add3A_679 = arith.addf %add3A_675, %gather3A_678 : vector<16xf32>
        %add3A_680 = arith.addf %add3A_679, %gather3A_672 : vector<16xf32>
        %ge3A_681 = arith.constant 0.000000e+00 : f32
        %ge3A_682 = vector.broadcast %ge3A_681 : f32 to vector<16xf32>
        %ge3A_683 = arith.cmpf oge, %add3A_680, %ge3A_682 : vector<16xf32>
        %mul3A_684 = arith.constant 2.000000e-01 : f32
        %mul3A_685 = vector.broadcast %mul3A_684 : f32 to vector<16xf32>
        %mul3A_686 = arith.mulf %mul3A_685, %add3A_680 : vector<16xf32>
        %select_n3A_687 = arith.select %ge3A_683, %add3A_680, %mul3A_686 : vector<16xi1>, vector<16xf32>
        %exp3A_688 = math.exp %select_n3A_687 : vector<16xf32>
        %swap3A_689 = arith.constant 80 : index
        %swap3A_690 = tpu.vector_load %arg34[%swap3A_689] {strides = array<i32>} : memref<128xf32, #tpu.memory_space<vmem>>, vector<16xf32>,
        tpu.vector_store %arg34[%swap3A_689], %exp3A_688 {strides = array<i32>} : memref<128xf32, #tpu.memory_space<vmem>>, vector<16xf32>,
        %shift_right_logical3A_691 = arith.constant 4 : i32
        %shift_right_logical3A_692 = vector.broadcast %shift_right_logical3A_691 : i32 to vector<16xi32>
        %shift_right_logical3A_693 = arith.shrui %get3A_647, %shift_right_logical3A_692 : vector<16xi32>
        %and3A_694 = arith.constant 15 : i32
        %and3A_695 = vector.broadcast %and3A_694 : i32 to vector<16xi32>
        %and3A_696 = arith.andi %get3A_647, %and3A_695 : vector<16xi32>
        tpu.vector_store_idx %arg16[%shift_right_logical3A_693, %and3A_696], %exp3A_688 masked %and3A_658 {add = true} : memref<640x16xf32, #tpu.memory_space<vmem>>[vector<16xi32>, vector<16xi32>], vector<16xf32>, vector<16xi1>
        %get3A_697 = arith.constant 96 : index
        %get3A_698 = tpu.vector_load %arg28[%get3A_697] {strides = array<i32>} : memref<128xi32, #tpu.memory_space<vmem>>, vector<16xi32>,
        %get3A_699 = arith.constant 96 : index
        %get3A_700 = tpu.vector_load %arg29[%get3A_699] {strides = array<i32>} : memref<128xi32, #tpu.memory_space<vmem>>, vector<16xi32>,
        %sub3A_701 = vector.broadcast %mul3A_2 : i32 to vector<16xi32>
        %sub3A_702 = arith.subi %get3A_700, %sub3A_701 : vector<16xi32>
        %ge3A_703 = arith.constant 0 : i32
        %ge3A_704 = vector.broadcast %ge3A_703 : i32 to vector<16xi32>
        %ge3A_705 = arith.cmpi sge, %sub3A_702, %ge3A_704 : vector<16xi32>
        %sub3A_706 = vector.broadcast %mul3A_2 : i32 to vector<16xi32>
        %sub3A_707 = arith.subi %get3A_700, %sub3A_706 : vector<16xi32>
        %lt3A_708 = arith.constant 5120 : i32
        %lt3A_709 = vector.broadcast %lt3A_708 : i32 to vector<16xi32>
        %lt3A_710 = arith.cmpi slt, %sub3A_707, %lt3A_709 : vector<16xi32>
        %and3A_711 = arith.andi %ge3A_705, %lt3A_710 : vector<16xi1>
        %iota3A_712 = tpu.iota {dimensions = array<i32: 0>} : vector<16xi32>
        %shift_right_logical3A_713 = arith.constant 3 : i32
        %shift_right_logical3A_714 = vector.broadcast %shift_right_logical3A_713 : i32 to vector<16xi32>
        %shift_right_logical3A_715 = arith.shrui %iota3A_712, %shift_right_logical3A_714 : vector<16xi32>
        %add3A_716 = arith.constant 12 : i32
        %add3A_717 = vector.broadcast %add3A_716 : i32 to vector<16xi32>
        %add3A_718 = arith.addi %add3A_717, %shift_right_logical3A_715 : vector<16xi32>
        %and3A_719 = arith.constant 7 : i32
        %and3A_720 = vector.broadcast %and3A_719 : i32 to vector<16xi32>
        %and3A_721 = arith.andi %iota3A_712, %and3A_720 : vector<16xi32>
        %mul3A_722 = arith.constant 16 : i32
        %mul3A_723 = vector.broadcast %mul3A_722 : i32 to vector<16xi32>
        %mul3A_724 = arith.muli %and3A_721, %mul3A_723 : vector<16xi32>
        %gather3A_725 = tpu.vector_load_idx %arg31[%add3A_718, %mul3A_724] : memref<16x128xf32, #tpu.memory_space<vmem>>[vector<16xi32>, vector<16xi32>], vector<16xf32>,
        %gather3A_726 = tpu.vector_load_idx %arg14[%get3A_700] : memref<10240xf32, #tpu.memory_space<vmem>>[vector<16xi32>], vector<16xf32>,
        %gather3A_727 = tpu.vector_load_idx %arg15[%get3A_698] : memref<10240xf32, #tpu.memory_space<vmem>>[vector<16xi32>], vector<16xf32>,
        %add3A_728 = arith.addf %gather3A_726, %gather3A_727 : vector<16xf32>
        %get3A_729 = arith.constant 96 : index
        %get3A_730 = tpu.vector_load %arg30[%get3A_729] {strides = array<i32>} : memref<128xi32, #tpu.memory_space<vmem>>, vector<16xi32>,
        %gather3A_731 = tpu.vector_load_idx %arg17[%get3A_730] : memref<16xf32, #tpu.memory_space<vmem>>[vector<16xi32>], vector<16xf32>,
        %add3A_732 = arith.addf %add3A_728, %gather3A_731 : vector<16xf32>
        %add3A_733 = arith.addf %add3A_732, %gather3A_725 : vector<16xf32>
        %ge3A_734 = arith.constant 0.000000e+00 : f32
        %ge3A_735 = vector.broadcast %ge3A_734 : f32 to vector<16xf32>
        %ge3A_736 = arith.cmpf oge, %add3A_733, %ge3A_735 : vector<16xf32>
        %mul3A_737 = arith.constant 2.000000e-01 : f32
        %mul3A_738 = vector.broadcast %mul3A_737 : f32 to vector<16xf32>
        %mul3A_739 = arith.mulf %mul3A_738, %add3A_733 : vector<16xf32>
        %select_n3A_740 = arith.select %ge3A_736, %add3A_733, %mul3A_739 : vector<16xi1>, vector<16xf32>
        %exp3A_741 = math.exp %select_n3A_740 : vector<16xf32>
        %swap3A_742 = arith.constant 96 : index
        %swap3A_743 = tpu.vector_load %arg34[%swap3A_742] {strides = array<i32>} : memref<128xf32, #tpu.memory_space<vmem>>, vector<16xf32>,
        tpu.vector_store %arg34[%swap3A_742], %exp3A_741 {strides = array<i32>} : memref<128xf32, #tpu.memory_space<vmem>>, vector<16xf32>,
        %shift_right_logical3A_744 = arith.constant 4 : i32
        %shift_right_logical3A_745 = vector.broadcast %shift_right_logical3A_744 : i32 to vector<16xi32>
        %shift_right_logical3A_746 = arith.shrui %get3A_700, %shift_right_logical3A_745 : vector<16xi32>
        %and3A_747 = arith.constant 15 : i32
        %and3A_748 = vector.broadcast %and3A_747 : i32 to vector<16xi32>
        %and3A_749 = arith.andi %get3A_700, %and3A_748 : vector<16xi32>
        tpu.vector_store_idx %arg16[%shift_right_logical3A_746, %and3A_749], %exp3A_741 masked %and3A_711 {add = true} : memref<640x16xf32, #tpu.memory_space<vmem>>[vector<16xi32>, vector<16xi32>], vector<16xf32>, vector<16xi1>
        %get3A_750 = arith.constant 112 : index
        %get3A_751 = tpu.vector_load %arg28[%get3A_750] {strides = array<i32>} : memref<128xi32, #tpu.memory_space<vmem>>, vector<16xi32>,
        %get3A_752 = arith.constant 112 : index
        %get3A_753 = tpu.vector_load %arg29[%get3A_752] {strides = array<i32>} : memref<128xi32, #tpu.memory_space<vmem>>, vector<16xi32>,
        %sub3A_754 = vector.broadcast %mul3A_2 : i32 to vector<16xi32>
        %sub3A_755 = arith.subi %get3A_753, %sub3A_754 : vector<16xi32>
        %ge3A_756 = arith.constant 0 : i32
        %ge3A_757 = vector.broadcast %ge3A_756 : i32 to vector<16xi32>
        %ge3A_758 = arith.cmpi sge, %sub3A_755, %ge3A_757 : vector<16xi32>
        %sub3A_759 = vector.broadcast %mul3A_2 : i32 to vector<16xi32>
        %sub3A_760 = arith.subi %get3A_753, %sub3A_759 : vector<16xi32>
        %lt3A_761 = arith.constant 5120 : i32
        %lt3A_762 = vector.broadcast %lt3A_761 : i32 to vector<16xi32>
        %lt3A_763 = arith.cmpi slt, %sub3A_760, %lt3A_762 : vector<16xi32>
        %and3A_764 = arith.andi %ge3A_758, %lt3A_763 : vector<16xi1>
        %iota3A_765 = tpu.iota {dimensions = array<i32: 0>} : vector<16xi32>
        %shift_right_logical3A_766 = arith.constant 3 : i32
        %shift_right_logical3A_767 = vector.broadcast %shift_right_logical3A_766 : i32 to vector<16xi32>
        %shift_right_logical3A_768 = arith.shrui %iota3A_765, %shift_right_logical3A_767 : vector<16xi32>
        %add3A_769 = arith.constant 14 : i32
        %add3A_770 = vector.broadcast %add3A_769 : i32 to vector<16xi32>
        %add3A_771 = arith.addi %add3A_770, %shift_right_logical3A_768 : vector<16xi32>
        %and3A_772 = arith.constant 7 : i32
        %and3A_773 = vector.broadcast %and3A_772 : i32 to vector<16xi32>
        %and3A_774 = arith.andi %iota3A_765, %and3A_773 : vector<16xi32>
        %mul3A_775 = arith.constant 16 : i32
        %mul3A_776 = vector.broadcast %mul3A_775 : i32 to vector<16xi32>
        %mul3A_777 = arith.muli %and3A_774, %mul3A_776 : vector<16xi32>
        %gather3A_778 = tpu.vector_load_idx %arg31[%add3A_771, %mul3A_777] : memref<16x128xf32, #tpu.memory_space<vmem>>[vector<16xi32>, vector<16xi32>], vector<16xf32>,
        %gather3A_779 = tpu.vector_load_idx %arg14[%get3A_753] : memref<10240xf32, #tpu.memory_space<vmem>>[vector<16xi32>], vector<16xf32>,
        %gather3A_780 = tpu.vector_load_idx %arg15[%get3A_751] : memref<10240xf32, #tpu.memory_space<vmem>>[vector<16xi32>], vector<16xf32>,
        %add3A_781 = arith.addf %gather3A_779, %gather3A_780 : vector<16xf32>
        %get3A_782 = arith.constant 112 : index
        %get3A_783 = tpu.vector_load %arg30[%get3A_782] {strides = array<i32>} : memref<128xi32, #tpu.memory_space<vmem>>, vector<16xi32>,
        %gather3A_784 = tpu.vector_load_idx %arg17[%get3A_783] : memref<16xf32, #tpu.memory_space<vmem>>[vector<16xi32>], vector<16xf32>,
        %add3A_785 = arith.addf %add3A_781, %gather3A_784 : vector<16xf32>
        %add3A_786 = arith.addf %add3A_785, %gather3A_778 : vector<16xf32>
        %ge3A_787 = arith.constant 0.000000e+00 : f32
        %ge3A_788 = vector.broadcast %ge3A_787 : f32 to vector<16xf32>
        %ge3A_789 = arith.cmpf oge, %add3A_786, %ge3A_788 : vector<16xf32>
        %mul3A_790 = arith.constant 2.000000e-01 : f32
        %mul3A_791 = vector.broadcast %mul3A_790 : f32 to vector<16xf32>
        %mul3A_792 = arith.mulf %mul3A_791, %add3A_786 : vector<16xf32>
        %select_n3A_793 = arith.select %ge3A_789, %add3A_786, %mul3A_792 : vector<16xi1>, vector<16xf32>
        %exp3A_794 = math.exp %select_n3A_793 : vector<16xf32>
        %swap3A_795 = arith.constant 112 : index
        %swap3A_796 = tpu.vector_load %arg34[%swap3A_795] {strides = array<i32>} : memref<128xf32, #tpu.memory_space<vmem>>, vector<16xf32>,
        tpu.vector_store %arg34[%swap3A_795], %exp3A_794 {strides = array<i32>} : memref<128xf32, #tpu.memory_space<vmem>>, vector<16xf32>,
        %shift_right_logical3A_797 = arith.constant 4 : i32
        %shift_right_logical3A_798 = vector.broadcast %shift_right_logical3A_797 : i32 to vector<16xi32>
        %shift_right_logical3A_799 = arith.shrui %get3A_753, %shift_right_logical3A_798 : vector<16xi32>
        %and3A_800 = arith.constant 15 : i32
        %and3A_801 = vector.broadcast %and3A_800 : i32 to vector<16xi32>
        %and3A_802 = arith.andi %get3A_753, %and3A_801 : vector<16xi32>
        tpu.vector_store_idx %arg16[%shift_right_logical3A_799, %and3A_802], %exp3A_794 masked %and3A_764 {add = true} : memref<640x16xf32, #tpu.memory_space<vmem>>[vector<16xi32>, vector<16xi32>], vector<16xf32>, vector<16xi1>
        %scan3A_803 = arith.constant 0 : i32
        %scan3A_804 = arith.constant 0 : i32
        %scan3A_805 = arith.constant 16 : i32
        %scan3A_806 = arith.addi %scan3A_804, %scan3A_805 : i32
        %scan3A_807 = arith.constant 1 : i32
        %scan3A_808 = scf.for %scan3A_814 = %scan3A_804 to %scan3A_806 step %scan3A_807 iter_args(%scan3A_815 = %scan3A_803) -> (i32)  : i32 {
          %mul3A_816 = arith.constant 8 : i32
          %mul3A_817 = arith.muli %scan3A_814, %mul3A_816 : i32
          %add3A_818 = arith.constant 0 : i32
          %add3A_819 = arith.addi %mul3A_817, %add3A_818 : i32
          %broadcast_in_dim3A_820 = arith.constant 0 : i32
          %broadcast_in_dim3A_821 = vector.broadcast %broadcast_in_dim3A_820 : i32 to vector<16xi32>
          %add3A_822 = vector.broadcast %add3A_819 : i32 to vector<16xi32>
          %add3A_823 = arith.addi %broadcast_in_dim3A_821, %add3A_822 : vector<16xi32>
          %gather3A_824 = tpu.vector_load_idx %arg34[%add3A_823] : memref<128xf32, #tpu.memory_space<vmem>>[vector<16xi32>], vector<16xf32>,
          %get3A_825 = arith.index_cast %scan3A_814 : i32 to index
          %get3A_826 = arith.constant 0 : index
          %get3A_827 = tpu.vector_load %arg35[%get3A_825, %get3A_826] {strides = array<i32>} : memref<16x128xf32, #tpu.memory_space<vmem>>, vector<16xf32>,
          %mul3A_828 = arith.mulf %get3A_827, %gather3A_824 : vector<16xf32>
          %swap3A_829 = arith.index_cast %add3A_819 : i32 to index
          %swap3A_830 = arith.constant 0 : index
          %swap3A_831 = tpu.vector_load %arg36[%swap3A_829, %swap3A_830] {strides = array<i32>} : memref<128x16xf32, #tpu.memory_space<vmem>>, vector<16xf32>,
          tpu.vector_store %arg36[%swap3A_829, %swap3A_830], %mul3A_828 {strides = array<i32>} : memref<128x16xf32, #tpu.memory_space<vmem>>, vector<16xf32>,
          %mul3A_832 = arith.constant 8 : i32
          %mul3A_833 = arith.muli %scan3A_814, %mul3A_832 : i32
          %add3A_834 = arith.constant 1 : i32
          %add3A_835 = arith.addi %mul3A_833, %add3A_834 : i32
          %broadcast_in_dim3A_836 = arith.constant 0 : i32
          %broadcast_in_dim3A_837 = vector.broadcast %broadcast_in_dim3A_836 : i32 to vector<16xi32>
          %add3A_838 = vector.broadcast %add3A_835 : i32 to vector<16xi32>
          %add3A_839 = arith.addi %broadcast_in_dim3A_837, %add3A_838 : vector<16xi32>
          %gather3A_840 = tpu.vector_load_idx %arg34[%add3A_839] : memref<128xf32, #tpu.memory_space<vmem>>[vector<16xi32>], vector<16xf32>,
          %get3A_841 = arith.index_cast %scan3A_814 : i32 to index
          %get3A_842 = arith.constant 16 : index
          %get3A_843 = tpu.vector_load %arg35[%get3A_841, %get3A_842] {strides = array<i32>} : memref<16x128xf32, #tpu.memory_space<vmem>>, vector<16xf32>,
          %mul3A_844 = arith.mulf %get3A_843, %gather3A_840 : vector<16xf32>
          %swap3A_845 = arith.index_cast %add3A_835 : i32 to index
          %swap3A_846 = arith.constant 0 : index
          %swap3A_847 = tpu.vector_load %arg36[%swap3A_845, %swap3A_846] {strides = array<i32>} : memref<128x16xf32, #tpu.memory_space<vmem>>, vector<16xf32>,
          tpu.vector_store %arg36[%swap3A_845, %swap3A_846], %mul3A_844 {strides = array<i32>} : memref<128x16xf32, #tpu.memory_space<vmem>>, vector<16xf32>,
          %mul3A_848 = arith.constant 8 : i32
          %mul3A_849 = arith.muli %scan3A_814, %mul3A_848 : i32
          %add3A_850 = arith.constant 2 : i32
          %add3A_851 = arith.addi %mul3A_849, %add3A_850 : i32
          %broadcast_in_dim3A_852 = arith.constant 0 : i32
          %broadcast_in_dim3A_853 = vector.broadcast %broadcast_in_dim3A_852 : i32 to vector<16xi32>
          %add3A_854 = vector.broadcast %add3A_851 : i32 to vector<16xi32>
          %add3A_855 = arith.addi %broadcast_in_dim3A_853, %add3A_854 : vector<16xi32>
          %gather3A_856 = tpu.vector_load_idx %arg34[%add3A_855] : memref<128xf32, #tpu.memory_space<vmem>>[vector<16xi32>], vector<16xf32>,
          %get3A_857 = arith.index_cast %scan3A_814 : i32 to index
          %get3A_858 = arith.constant 32 : index
          %get3A_859 = tpu.vector_load %arg35[%get3A_857, %get3A_858] {strides = array<i32>} : memref<16x128xf32, #tpu.memory_space<vmem>>, vector<16xf32>,
          %mul3A_860 = arith.mulf %get3A_859, %gather3A_856 : vector<16xf32>
          %swap3A_861 = arith.index_cast %add3A_851 : i32 to index
          %swap3A_862 = arith.constant 0 : index
          %swap3A_863 = tpu.vector_load %arg36[%swap3A_861, %swap3A_862] {strides = array<i32>} : memref<128x16xf32, #tpu.memory_space<vmem>>, vector<16xf32>,
          tpu.vector_store %arg36[%swap3A_861, %swap3A_862], %mul3A_860 {strides = array<i32>} : memref<128x16xf32, #tpu.memory_space<vmem>>, vector<16xf32>,
          %mul3A_864 = arith.constant 8 : i32
          %mul3A_865 = arith.muli %scan3A_814, %mul3A_864 : i32
          %add3A_866 = arith.constant 3 : i32
          %add3A_867 = arith.addi %mul3A_865, %add3A_866 : i32
          %broadcast_in_dim3A_868 = arith.constant 0 : i32
          %broadcast_in_dim3A_869 = vector.broadcast %broadcast_in_dim3A_868 : i32 to vector<16xi32>
          %add3A_870 = vector.broadcast %add3A_867 : i32 to vector<16xi32>
          %add3A_871 = arith.addi %broadcast_in_dim3A_869, %add3A_870 : vector<16xi32>
          %gather3A_872 = tpu.vector_load_idx %arg34[%add3A_871] : memref<128xf32, #tpu.memory_space<vmem>>[vector<16xi32>], vector<16xf32>,
          %get3A_873 = arith.index_cast %scan3A_814 : i32 to index
          %get3A_874 = arith.constant 48 : index
          %get3A_875 = tpu.vector_load %arg35[%get3A_873, %get3A_874] {strides = array<i32>} : memref<16x128xf32, #tpu.memory_space<vmem>>, vector<16xf32>,
          %mul3A_876 = arith.mulf %get3A_875, %gather3A_872 : vector<16xf32>
          %swap3A_877 = arith.index_cast %add3A_867 : i32 to index
          %swap3A_878 = arith.constant 0 : index
          %swap3A_879 = tpu.vector_load %arg36[%swap3A_877, %swap3A_878] {strides = array<i32>} : memref<128x16xf32, #tpu.memory_space<vmem>>, vector<16xf32>,
          tpu.vector_store %arg36[%swap3A_877, %swap3A_878], %mul3A_876 {strides = array<i32>} : memref<128x16xf32, #tpu.memory_space<vmem>>, vector<16xf32>,
          %mul3A_880 = arith.constant 8 : i32
          %mul3A_881 = arith.muli %scan3A_814, %mul3A_880 : i32
          %add3A_882 = arith.constant 4 : i32
          %add3A_883 = arith.addi %mul3A_881, %add3A_882 : i32
          %broadcast_in_dim3A_884 = arith.constant 0 : i32
          %broadcast_in_dim3A_885 = vector.broadcast %broadcast_in_dim3A_884 : i32 to vector<16xi32>
          %add3A_886 = vector.broadcast %add3A_883 : i32 to vector<16xi32>
          %add3A_887 = arith.addi %broadcast_in_dim3A_885, %add3A_886 : vector<16xi32>
          %gather3A_888 = tpu.vector_load_idx %arg34[%add3A_887] : memref<128xf32, #tpu.memory_space<vmem>>[vector<16xi32>], vector<16xf32>,
          %get3A_889 = arith.index_cast %scan3A_814 : i32 to index
          %get3A_890 = arith.constant 64 : index
          %get3A_891 = tpu.vector_load %arg35[%get3A_889, %get3A_890] {strides = array<i32>} : memref<16x128xf32, #tpu.memory_space<vmem>>, vector<16xf32>,
          %mul3A_892 = arith.mulf %get3A_891, %gather3A_888 : vector<16xf32>
          %swap3A_893 = arith.index_cast %add3A_883 : i32 to index
          %swap3A_894 = arith.constant 0 : index
          %swap3A_895 = tpu.vector_load %arg36[%swap3A_893, %swap3A_894] {strides = array<i32>} : memref<128x16xf32, #tpu.memory_space<vmem>>, vector<16xf32>,
          tpu.vector_store %arg36[%swap3A_893, %swap3A_894], %mul3A_892 {strides = array<i32>} : memref<128x16xf32, #tpu.memory_space<vmem>>, vector<16xf32>,
          %mul3A_896 = arith.constant 8 : i32
          %mul3A_897 = arith.muli %scan3A_814, %mul3A_896 : i32
          %add3A_898 = arith.constant 5 : i32
          %add3A_899 = arith.addi %mul3A_897, %add3A_898 : i32
          %broadcast_in_dim3A_900 = arith.constant 0 : i32
          %broadcast_in_dim3A_901 = vector.broadcast %broadcast_in_dim3A_900 : i32 to vector<16xi32>
          %add3A_902 = vector.broadcast %add3A_899 : i32 to vector<16xi32>
          %add3A_903 = arith.addi %broadcast_in_dim3A_901, %add3A_902 : vector<16xi32>
          %gather3A_904 = tpu.vector_load_idx %arg34[%add3A_903] : memref<128xf32, #tpu.memory_space<vmem>>[vector<16xi32>], vector<16xf32>,
          %get3A_905 = arith.index_cast %scan3A_814 : i32 to index
          %get3A_906 = arith.constant 80 : index
          %get3A_907 = tpu.vector_load %arg35[%get3A_905, %get3A_906] {strides = array<i32>} : memref<16x128xf32, #tpu.memory_space<vmem>>, vector<16xf32>,
          %mul3A_908 = arith.mulf %get3A_907, %gather3A_904 : vector<16xf32>
          %swap3A_909 = arith.index_cast %add3A_899 : i32 to index
          %swap3A_910 = arith.constant 0 : index
          %swap3A_911 = tpu.vector_load %arg36[%swap3A_909, %swap3A_910] {strides = array<i32>} : memref<128x16xf32, #tpu.memory_space<vmem>>, vector<16xf32>,
          tpu.vector_store %arg36[%swap3A_909, %swap3A_910], %mul3A_908 {strides = array<i32>} : memref<128x16xf32, #tpu.memory_space<vmem>>, vector<16xf32>,
          %mul3A_912 = arith.constant 8 : i32
          %mul3A_913 = arith.muli %scan3A_814, %mul3A_912 : i32
          %add3A_914 = arith.constant 6 : i32
          %add3A_915 = arith.addi %mul3A_913, %add3A_914 : i32
          %broadcast_in_dim3A_916 = arith.constant 0 : i32
          %broadcast_in_dim3A_917 = vector.broadcast %broadcast_in_dim3A_916 : i32 to vector<16xi32>
          %add3A_918 = vector.broadcast %add3A_915 : i32 to vector<16xi32>
          %add3A_919 = arith.addi %broadcast_in_dim3A_917, %add3A_918 : vector<16xi32>
          %gather3A_920 = tpu.vector_load_idx %arg34[%add3A_919] : memref<128xf32, #tpu.memory_space<vmem>>[vector<16xi32>], vector<16xf32>,
          %get3A_921 = arith.index_cast %scan3A_814 : i32 to index
          %get3A_922 = arith.constant 96 : index
          %get3A_923 = tpu.vector_load %arg35[%get3A_921, %get3A_922] {strides = array<i32>} : memref<16x128xf32, #tpu.memory_space<vmem>>, vector<16xf32>,
          %mul3A_924 = arith.mulf %get3A_923, %gather3A_920 : vector<16xf32>
          %swap3A_925 = arith.index_cast %add3A_915 : i32 to index
          %swap3A_926 = arith.constant 0 : index
          %swap3A_927 = tpu.vector_load %arg36[%swap3A_925, %swap3A_926] {strides = array<i32>} : memref<128x16xf32, #tpu.memory_space<vmem>>, vector<16xf32>,
          tpu.vector_store %arg36[%swap3A_925, %swap3A_926], %mul3A_924 {strides = array<i32>} : memref<128x16xf32, #tpu.memory_space<vmem>>, vector<16xf32>,
          %mul3A_928 = arith.constant 8 : i32
          %mul3A_929 = arith.muli %scan3A_814, %mul3A_928 : i32
          %add3A_930 = arith.constant 7 : i32
          %add3A_931 = arith.addi %mul3A_929, %add3A_930 : i32
          %broadcast_in_dim3A_932 = arith.constant 0 : i32
          %broadcast_in_dim3A_933 = vector.broadcast %broadcast_in_dim3A_932 : i32 to vector<16xi32>
          %add3A_934 = vector.broadcast %add3A_931 : i32 to vector<16xi32>
          %add3A_935 = arith.addi %broadcast_in_dim3A_933, %add3A_934 : vector<16xi32>
          %gather3A_936 = tpu.vector_load_idx %arg34[%add3A_935] : memref<128xf32, #tpu.memory_space<vmem>>[vector<16xi32>], vector<16xf32>,
          %get3A_937 = arith.index_cast %scan3A_814 : i32 to index
          %get3A_938 = arith.constant 112 : index
          %get3A_939 = tpu.vector_load %arg35[%get3A_937, %get3A_938] {strides = array<i32>} : memref<16x128xf32, #tpu.memory_space<vmem>>, vector<16xf32>,
          %mul3A_940 = arith.mulf %get3A_939, %gather3A_936 : vector<16xf32>
          %swap3A_941 = arith.index_cast %add3A_931 : i32 to index
          %swap3A_942 = arith.constant 0 : index
          %swap3A_943 = tpu.vector_load %arg36[%swap3A_941, %swap3A_942] {strides = array<i32>} : memref<128x16xf32, #tpu.memory_space<vmem>>, vector<16xf32>,
          tpu.vector_store %arg36[%swap3A_941, %swap3A_942], %mul3A_940 {strides = array<i32>} : memref<128x16xf32, #tpu.memory_space<vmem>>, vector<16xf32>,
          %scan3A_944 = arith.constant 0 : i32
          scf.yield %scan3A_944 : i32
        }
        %scan3A_809 = arith.constant 16 : i32
        %dma_start3A_810 = arith.constant 0 : i32
        %dma_start3A_811 = arith.constant 0 : i32
        %dma_start3A_812 = tpu.memref_slice %arg39[%dma_start3A_810, %dma_start3A_811] : memref<5120x16xf32, #tpu.memory_space<vmem_shared>> -> memref<5120x16xf32, #tpu.memory_space<vmem_shared>>
        %dma_start3A_813 = arith.constant -1 : i32
        tpu.enqueue_indirect_dma source(%arg36 : memref<128x16xf32, #tpu.memory_space<vmem>>) target(%dma_start3A_812 : memref<5120x16xf32, #tpu.memory_space<vmem_shared>>) offsets(%arg33 : memref<128xi32, #tpu.memory_space<vmem>>) offset_filter(%dma_start3A_813) semaphore(%arg47 : memref<!tpu.dma_semaphore, #tpu.memory_space<semaphore_mem>>) {add = true}
      } else {
      }
      %ge3A_157 = arith.constant 1 : i32
      %ge3A_158 = arith.cmpi sge, %add3A_137, %ge3A_157 : i32
      %sub3A_159 = arith.constant 1 : i32
      %sub3A_160 = arith.subi %add3A_137, %sub3A_159 : i32
      %lt3A_161 = arith.cmpi slt, %sub3A_160, %select_n3A : i32
      %and3A_162 = arith.andi %ge3A_158, %lt3A_161 : i1
      %convert_element_type3A_163 = arith.extui %and3A_162 : i1 to i32
      %cond3A_164 = arith.constant 0 : i32
      %cond3A_165 = arith.cmpi ne, %convert_element_type3A_163, %cond3A_164 : i32
      scf.if %cond3A_165 {
        %dma_wait3A = arith.constant 0 : i32
        %dma_wait3A_167 = arith.constant 0 : i32
        %dma_wait3A_168 = tpu.memref_slice %arg7[%dma_wait3A, %dma_wait3A_167] : memref<10240x128xf32, #tpu.memory_space<hbm>> -> memref<10240x128xf32, #tpu.memory_space<hbm>>
        tpu.wait_indirect_dma semaphore(%arg41 : memref<!tpu.dma_semaphore, #tpu.memory_space<semaphore_mem>>) src(%dma_wait3A_168 : memref<10240x128xf32, #tpu.memory_space<hbm>>) dst(%arg27 : memref<128x128xf32, #tpu.memory_space<vmem>>)
        %scan3A_169 = arith.constant 0 : i32
        %scan3A_170 = arith.constant 0 : i32
        %scan3A_171 = arith.constant 32 : i32
        %scan3A_172 = arith.addi %scan3A_170, %scan3A_171 : i32
        %scan3A_173 = arith.constant 1 : i32
        %scan3A_174 = scf.for %scan3A_180 = %scan3A_170 to %scan3A_172 step %scan3A_173 iter_args(%scan3A_181 = %scan3A_169) -> (i32)  : i32 {
          %mul3A_182 = arith.constant 4 : i32
          %mul3A_183 = arith.muli %mul3A_182, %scan3A_180 : i32
          %add3A_184 = arith.constant 0 : i32
          %add3A_185 = arith.addi %mul3A_183, %add3A_184 : i32
          %broadcast_in_dim3A_186 = arith.constant 0 : i32
          %broadcast_in_dim3A_187 = vector.broadcast %broadcast_in_dim3A_186 : i32 to vector<16xi32>
          %add3A_188 = vector.broadcast %add3A_185 : i32 to vector<16xi32>
          %add3A_189 = arith.addi %broadcast_in_dim3A_187, %add3A_188 : vector<16xi32>
          %gather3A = tpu.vector_load_idx %arg24[%add3A_189] : memref<128xf32, #tpu.memory_space<vmem>>[vector<16xi32>], vector<16xf32>,
          %get3A = arith.index_cast %add3A_185 : i32 to index
          %get3A_190 = arith.constant 0 : index
          %get3A_191 = tpu.vector_load %arg27[%get3A, %get3A_190] {strides = array<i32>} : memref<128x128xf32, #tpu.memory_space<vmem>>, vector<16xf32>,
          %mul3A_192 = arith.mulf %get3A_191, %gather3A : vector<16xf32>
          %swap3A = arith.index_cast %add3A_185 : i32 to index
          %swap3A_193 = arith.constant 0 : index
          %swap3A_194 = tpu.vector_load %arg27[%swap3A, %swap3A_193] {strides = array<i32>} : memref<128x128xf32, #tpu.memory_space<vmem>>, vector<16xf32>,
          tpu.vector_store %arg27[%swap3A, %swap3A_193], %mul3A_192 {strides = array<i32>} : memref<128x128xf32, #tpu.memory_space<vmem>>, vector<16xf32>,
          %get3A_195 = arith.index_cast %add3A_185 : i32 to index
          %get3A_196 = arith.constant 16 : index
          %get3A_197 = tpu.vector_load %arg27[%get3A_195, %get3A_196] {strides = array<i32>} : memref<128x128xf32, #tpu.memory_space<vmem>>, vector<16xf32>,
          %mul3A_198 = arith.mulf %get3A_197, %gather3A : vector<16xf32>
          %swap3A_199 = arith.index_cast %add3A_185 : i32 to index
          %swap3A_200 = arith.constant 16 : index
          %swap3A_201 = tpu.vector_load %arg27[%swap3A_199, %swap3A_200] {strides = array<i32>} : memref<128x128xf32, #tpu.memory_space<vmem>>, vector<16xf32>,
          tpu.vector_store %arg27[%swap3A_199, %swap3A_200], %mul3A_198 {strides = array<i32>} : memref<128x128xf32, #tpu.memory_space<vmem>>, vector<16xf32>,
          %get3A_202 = arith.index_cast %add3A_185 : i32 to index
          %get3A_203 = arith.constant 32 : index
          %get3A_204 = tpu.vector_load %arg27[%get3A_202, %get3A_203] {strides = array<i32>} : memref<128x128xf32, #tpu.memory_space<vmem>>, vector<16xf32>,
          %mul3A_205 = arith.mulf %get3A_204, %gather3A : vector<16xf32>
          %swap3A_206 = arith.index_cast %add3A_185 : i32 to index
          %swap3A_207 = arith.constant 32 : index
          %swap3A_208 = tpu.vector_load %arg27[%swap3A_206, %swap3A_207] {strides = array<i32>} : memref<128x128xf32, #tpu.memory_space<vmem>>, vector<16xf32>,
          tpu.vector_store %arg27[%swap3A_206, %swap3A_207], %mul3A_205 {strides = array<i32>} : memref<128x128xf32, #tpu.memory_space<vmem>>, vector<16xf32>,
          %get3A_209 = arith.index_cast %add3A_185 : i32 to index
          %get3A_210 = arith.constant 48 : index
          %get3A_211 = tpu.vector_load %arg27[%get3A_209, %get3A_210] {strides = array<i32>} : memref<128x128xf32, #tpu.memory_space<vmem>>, vector<16xf32>,
          %mul3A_212 = arith.mulf %get3A_211, %gather3A : vector<16xf32>
          %swap3A_213 = arith.index_cast %add3A_185 : i32 to index
          %swap3A_214 = arith.constant 48 : index
          %swap3A_215 = tpu.vector_load %arg27[%swap3A_213, %swap3A_214] {strides = array<i32>} : memref<128x128xf32, #tpu.memory_space<vmem>>, vector<16xf32>,
          tpu.vector_store %arg27[%swap3A_213, %swap3A_214], %mul3A_212 {strides = array<i32>} : memref<128x128xf32, #tpu.memory_space<vmem>>, vector<16xf32>,
          %get3A_216 = arith.index_cast %add3A_185 : i32 to index
          %get3A_217 = arith.constant 64 : index
          %get3A_218 = tpu.vector_load %arg27[%get3A_216, %get3A_217] {strides = array<i32>} : memref<128x128xf32, #tpu.memory_space<vmem>>, vector<16xf32>,
          %mul3A_219 = arith.mulf %get3A_218, %gather3A : vector<16xf32>
          %swap3A_220 = arith.index_cast %add3A_185 : i32 to index
          %swap3A_221 = arith.constant 64 : index
          %swap3A_222 = tpu.vector_load %arg27[%swap3A_220, %swap3A_221] {strides = array<i32>} : memref<128x128xf32, #tpu.memory_space<vmem>>, vector<16xf32>,
          tpu.vector_store %arg27[%swap3A_220, %swap3A_221], %mul3A_219 {strides = array<i32>} : memref<128x128xf32, #tpu.memory_space<vmem>>, vector<16xf32>,
          %get3A_223 = arith.index_cast %add3A_185 : i32 to index
          %get3A_224 = arith.constant 80 : index
          %get3A_225 = tpu.vector_load %arg27[%get3A_223, %get3A_224] {strides = array<i32>} : memref<128x128xf32, #tpu.memory_space<vmem>>, vector<16xf32>,
          %mul3A_226 = arith.mulf %get3A_225, %gather3A : vector<16xf32>
          %swap3A_227 = arith.index_cast %add3A_185 : i32 to index
          %swap3A_228 = arith.constant 80 : index
          %swap3A_229 = tpu.vector_load %arg27[%swap3A_227, %swap3A_228] {strides = array<i32>} : memref<128x128xf32, #tpu.memory_space<vmem>>, vector<16xf32>,
          tpu.vector_store %arg27[%swap3A_227, %swap3A_228], %mul3A_226 {strides = array<i32>} : memref<128x128xf32, #tpu.memory_space<vmem>>, vector<16xf32>,
          %get3A_230 = arith.index_cast %add3A_185 : i32 to index
          %get3A_231 = arith.constant 96 : index
          %get3A_232 = tpu.vector_load %arg27[%get3A_230, %get3A_231] {strides = array<i32>} : memref<128x128xf32, #tpu.memory_space<vmem>>, vector<16xf32>,
          %mul3A_233 = arith.mulf %get3A_232, %gather3A : vector<16xf32>
          %swap3A_234 = arith.index_cast %add3A_185 : i32 to index
          %swap3A_235 = arith.constant 96 : index
          %swap3A_236 = tpu.vector_load %arg27[%swap3A_234, %swap3A_235] {strides = array<i32>} : memref<128x128xf32, #tpu.memory_space<vmem>>, vector<16xf32>,
          tpu.vector_store %arg27[%swap3A_234, %swap3A_235], %mul3A_233 {strides = array<i32>} : memref<128x128xf32, #tpu.memory_space<vmem>>, vector<16xf32>,
          %get3A_237 = arith.index_cast %add3A_185 : i32 to index
          %get3A_238 = arith.constant 112 : index
          %get3A_239 = tpu.vector_load %arg27[%get3A_237, %get3A_238] {strides = array<i32>} : memref<128x128xf32, #tpu.memory_space<vmem>>, vector<16xf32>,
          %mul3A_240 = arith.mulf %get3A_239, %gather3A : vector<16xf32>
          %swap3A_241 = arith.index_cast %add3A_185 : i32 to index
          %swap3A_242 = arith.constant 112 : index
          %swap3A_243 = tpu.vector_load %arg27[%swap3A_241, %swap3A_242] {strides = array<i32>} : memref<128x128xf32, #tpu.memory_space<vmem>>, vector<16xf32>,
          tpu.vector_store %arg27[%swap3A_241, %swap3A_242], %mul3A_240 {strides = array<i32>} : memref<128x128xf32, #tpu.memory_space<vmem>>, vector<16xf32>,
          %mul3A_244 = arith.constant 4 : i32
          %mul3A_245 = arith.muli %mul3A_244, %scan3A_180 : i32
          %add3A_246 = arith.constant 1 : i32
          %add3A_247 = arith.addi %mul3A_245, %add3A_246 : i32
          %broadcast_in_dim3A_248 = arith.constant 0 : i32
          %broadcast_in_dim3A_249 = vector.broadcast %broadcast_in_dim3A_248 : i32 to vector<16xi32>
          %add3A_250 = vector.broadcast %add3A_247 : i32 to vector<16xi32>
          %add3A_251 = arith.addi %broadcast_in_dim3A_249, %add3A_250 : vector<16xi32>
          %gather3A_252 = tpu.vector_load_idx %arg24[%add3A_251] : memref<128xf32, #tpu.memory_space<vmem>>[vector<16xi32>], vector<16xf32>,
          %get3A_253 = arith.index_cast %add3A_247 : i32 to index
          %get3A_254 = arith.constant 0 : index
          %get3A_255 = tpu.vector_load %arg27[%get3A_253, %get3A_254] {strides = array<i32>} : memref<128x128xf32, #tpu.memory_space<vmem>>, vector<16xf32>,
          %mul3A_256 = arith.mulf %get3A_255, %gather3A_252 : vector<16xf32>
          %swap3A_257 = arith.index_cast %add3A_247 : i32 to index
          %swap3A_258 = arith.constant 0 : index
          %swap3A_259 = tpu.vector_load %arg27[%swap3A_257, %swap3A_258] {strides = array<i32>} : memref<128x128xf32, #tpu.memory_space<vmem>>, vector<16xf32>,
          tpu.vector_store %arg27[%swap3A_257, %swap3A_258], %mul3A_256 {strides = array<i32>} : memref<128x128xf32, #tpu.memory_space<vmem>>, vector<16xf32>,
          %get3A_260 = arith.index_cast %add3A_247 : i32 to index
          %get3A_261 = arith.constant 16 : index
          %get3A_262 = tpu.vector_load %arg27[%get3A_260, %get3A_261] {strides = array<i32>} : memref<128x128xf32, #tpu.memory_space<vmem>>, vector<16xf32>,
          %mul3A_263 = arith.mulf %get3A_262, %gather3A_252 : vector<16xf32>
          %swap3A_264 = arith.index_cast %add3A_247 : i32 to index
          %swap3A_265 = arith.constant 16 : index
          %swap3A_266 = tpu.vector_load %arg27[%swap3A_264, %swap3A_265] {strides = array<i32>} : memref<128x128xf32, #tpu.memory_space<vmem>>, vector<16xf32>,
          tpu.vector_store %arg27[%swap3A_264, %swap3A_265], %mul3A_263 {strides = array<i32>} : memref<128x128xf32, #tpu.memory_space<vmem>>, vector<16xf32>,
          %get3A_267 = arith.index_cast %add3A_247 : i32 to index
          %get3A_268 = arith.constant 32 : index
          %get3A_269 = tpu.vector_load %arg27[%get3A_267, %get3A_268] {strides = array<i32>} : memref<128x128xf32, #tpu.memory_space<vmem>>, vector<16xf32>,
          %mul3A_270 = arith.mulf %get3A_269, %gather3A_252 : vector<16xf32>
          %swap3A_271 = arith.index_cast %add3A_247 : i32 to index
          %swap3A_272 = arith.constant 32 : index
          %swap3A_273 = tpu.vector_load %arg27[%swap3A_271, %swap3A_272] {strides = array<i32>} : memref<128x128xf32, #tpu.memory_space<vmem>>, vector<16xf32>,
          tpu.vector_store %arg27[%swap3A_271, %swap3A_272], %mul3A_270 {strides = array<i32>} : memref<128x128xf32, #tpu.memory_space<vmem>>, vector<16xf32>,
          %get3A_274 = arith.index_cast %add3A_247 : i32 to index
          %get3A_275 = arith.constant 48 : index
          %get3A_276 = tpu.vector_load %arg27[%get3A_274, %get3A_275] {strides = array<i32>} : memref<128x128xf32, #tpu.memory_space<vmem>>, vector<16xf32>,
          %mul3A_277 = arith.mulf %get3A_276, %gather3A_252 : vector<16xf32>
          %swap3A_278 = arith.index_cast %add3A_247 : i32 to index
          %swap3A_279 = arith.constant 48 : index
          %swap3A_280 = tpu.vector_load %arg27[%swap3A_278, %swap3A_279] {strides = array<i32>} : memref<128x128xf32, #tpu.memory_space<vmem>>, vector<16xf32>,
          tpu.vector_store %arg27[%swap3A_278, %swap3A_279], %mul3A_277 {strides = array<i32>} : memref<128x128xf32, #tpu.memory_space<vmem>>, vector<16xf32>,
          %get3A_281 = arith.index_cast %add3A_247 : i32 to index
          %get3A_282 = arith.constant 64 : index
          %get3A_283 = tpu.vector_load %arg27[%get3A_281, %get3A_282] {strides = array<i32>} : memref<128x128xf32, #tpu.memory_space<vmem>>, vector<16xf32>,
          %mul3A_284 = arith.mulf %get3A_283, %gather3A_252 : vector<16xf32>
          %swap3A_285 = arith.index_cast %add3A_247 : i32 to index
          %swap3A_286 = arith.constant 64 : index
          %swap3A_287 = tpu.vector_load %arg27[%swap3A_285, %swap3A_286] {strides = array<i32>} : memref<128x128xf32, #tpu.memory_space<vmem>>, vector<16xf32>,
          tpu.vector_store %arg27[%swap3A_285, %swap3A_286], %mul3A_284 {strides = array<i32>} : memref<128x128xf32, #tpu.memory_space<vmem>>, vector<16xf32>,
          %get3A_288 = arith.index_cast %add3A_247 : i32 to index
          %get3A_289 = arith.constant 80 : index
          %get3A_290 = tpu.vector_load %arg27[%get3A_288, %get3A_289] {strides = array<i32>} : memref<128x128xf32, #tpu.memory_space<vmem>>, vector<16xf32>,
          %mul3A_291 = arith.mulf %get3A_290, %gather3A_252 : vector<16xf32>
          %swap3A_292 = arith.index_cast %add3A_247 : i32 to index
          %swap3A_293 = arith.constant 80 : index
          %swap3A_294 = tpu.vector_load %arg27[%swap3A_292, %swap3A_293] {strides = array<i32>} : memref<128x128xf32, #tpu.memory_space<vmem>>, vector<16xf32>,
          tpu.vector_store %arg27[%swap3A_292, %swap3A_293], %mul3A_291 {strides = array<i32>} : memref<128x128xf32, #tpu.memory_space<vmem>>, vector<16xf32>,
          %get3A_295 = arith.index_cast %add3A_247 : i32 to index
          %get3A_296 = arith.constant 96 : index
          %get3A_297 = tpu.vector_load %arg27[%get3A_295, %get3A_296] {strides = array<i32>} : memref<128x128xf32, #tpu.memory_space<vmem>>, vector<16xf32>,
          %mul3A_298 = arith.mulf %get3A_297, %gather3A_252 : vector<16xf32>
          %swap3A_299 = arith.index_cast %add3A_247 : i32 to index
          %swap3A_300 = arith.constant 96 : index
          %swap3A_301 = tpu.vector_load %arg27[%swap3A_299, %swap3A_300] {strides = array<i32>} : memref<128x128xf32, #tpu.memory_space<vmem>>, vector<16xf32>,
          tpu.vector_store %arg27[%swap3A_299, %swap3A_300], %mul3A_298 {strides = array<i32>} : memref<128x128xf32, #tpu.memory_space<vmem>>, vector<16xf32>,
          %get3A_302 = arith.index_cast %add3A_247 : i32 to index
          %get3A_303 = arith.constant 112 : index
          %get3A_304 = tpu.vector_load %arg27[%get3A_302, %get3A_303] {strides = array<i32>} : memref<128x128xf32, #tpu.memory_space<vmem>>, vector<16xf32>,
          %mul3A_305 = arith.mulf %get3A_304, %gather3A_252 : vector<16xf32>
          %swap3A_306 = arith.index_cast %add3A_247 : i32 to index
          %swap3A_307 = arith.constant 112 : index
          %swap3A_308 = tpu.vector_load %arg27[%swap3A_306, %swap3A_307] {strides = array<i32>} : memref<128x128xf32, #tpu.memory_space<vmem>>, vector<16xf32>,
          tpu.vector_store %arg27[%swap3A_306, %swap3A_307], %mul3A_305 {strides = array<i32>} : memref<128x128xf32, #tpu.memory_space<vmem>>, vector<16xf32>,
          %mul3A_309 = arith.constant 4 : i32
          %mul3A_310 = arith.muli %mul3A_309, %scan3A_180 : i32
          %add3A_311 = arith.constant 2 : i32
          %add3A_312 = arith.addi %mul3A_310, %add3A_311 : i32
          %broadcast_in_dim3A_313 = arith.constant 0 : i32
          %broadcast_in_dim3A_314 = vector.broadcast %broadcast_in_dim3A_313 : i32 to vector<16xi32>
          %add3A_315 = vector.broadcast %add3A_312 : i32 to vector<16xi32>
          %add3A_316 = arith.addi %broadcast_in_dim3A_314, %add3A_315 : vector<16xi32>
          %gather3A_317 = tpu.vector_load_idx %arg24[%add3A_316] : memref<128xf32, #tpu.memory_space<vmem>>[vector<16xi32>], vector<16xf32>,
          %get3A_318 = arith.index_cast %add3A_312 : i32 to index
          %get3A_319 = arith.constant 0 : index
          %get3A_320 = tpu.vector_load %arg27[%get3A_318, %get3A_319] {strides = array<i32>} : memref<128x128xf32, #tpu.memory_space<vmem>>, vector<16xf32>,
          %mul3A_321 = arith.mulf %get3A_320, %gather3A_317 : vector<16xf32>
          %swap3A_322 = arith.index_cast %add3A_312 : i32 to index
          %swap3A_323 = arith.constant 0 : index
          %swap3A_324 = tpu.vector_load %arg27[%swap3A_322, %swap3A_323] {strides = array<i32>} : memref<128x128xf32, #tpu.memory_space<vmem>>, vector<16xf32>,
          tpu.vector_store %arg27[%swap3A_322, %swap3A_323], %mul3A_321 {strides = array<i32>} : memref<128x128xf32, #tpu.memory_space<vmem>>, vector<16xf32>,
          %get3A_325 = arith.index_cast %add3A_312 : i32 to index
          %get3A_326 = arith.constant 16 : index
          %get3A_327 = tpu.vector_load %arg27[%get3A_325, %get3A_326] {strides = array<i32>} : memref<128x128xf32, #tpu.memory_space<vmem>>, vector<16xf32>,
          %mul3A_328 = arith.mulf %get3A_327, %gather3A_317 : vector<16xf32>
          %swap3A_329 = arith.index_cast %add3A_312 : i32 to index
          %swap3A_330 = arith.constant 16 : index
          %swap3A_331 = tpu.vector_load %arg27[%swap3A_329, %swap3A_330] {strides = array<i32>} : memref<128x128xf32, #tpu.memory_space<vmem>>, vector<16xf32>,
          tpu.vector_store %arg27[%swap3A_329, %swap3A_330], %mul3A_328 {strides = array<i32>} : memref<128x128xf32, #tpu.memory_space<vmem>>, vector<16xf32>,
          %get3A_332 = arith.index_cast %add3A_312 : i32 to index
          %get3A_333 = arith.constant 32 : index
          %get3A_334 = tpu.vector_load %arg27[%get3A_332, %get3A_333] {strides = array<i32>} : memref<128x128xf32, #tpu.memory_space<vmem>>, vector<16xf32>,
          %mul3A_335 = arith.mulf %get3A_334, %gather3A_317 : vector<16xf32>
          %swap3A_336 = arith.index_cast %add3A_312 : i32 to index
          %swap3A_337 = arith.constant 32 : index
          %swap3A_338 = tpu.vector_load %arg27[%swap3A_336, %swap3A_337] {strides = array<i32>} : memref<128x128xf32, #tpu.memory_space<vmem>>, vector<16xf32>,
          tpu.vector_store %arg27[%swap3A_336, %swap3A_337], %mul3A_335 {strides = array<i32>} : memref<128x128xf32, #tpu.memory_space<vmem>>, vector<16xf32>,
          %get3A_339 = arith.index_cast %add3A_312 : i32 to index
          %get3A_340 = arith.constant 48 : index
          %get3A_341 = tpu.vector_load %arg27[%get3A_339, %get3A_340] {strides = array<i32>} : memref<128x128xf32, #tpu.memory_space<vmem>>, vector<16xf32>,
          %mul3A_342 = arith.mulf %get3A_341, %gather3A_317 : vector<16xf32>
          %swap3A_343 = arith.index_cast %add3A_312 : i32 to index
          %swap3A_344 = arith.constant 48 : index
          %swap3A_345 = tpu.vector_load %arg27[%swap3A_343, %swap3A_344] {strides = array<i32>} : memref<128x128xf32, #tpu.memory_space<vmem>>, vector<16xf32>,
          tpu.vector_store %arg27[%swap3A_343, %swap3A_344], %mul3A_342 {strides = array<i32>} : memref<128x128xf32, #tpu.memory_space<vmem>>, vector<16xf32>,
          %get3A_346 = arith.index_cast %add3A_312 : i32 to index
          %get3A_347 = arith.constant 64 : index
          %get3A_348 = tpu.vector_load %arg27[%get3A_346, %get3A_347] {strides = array<i32>} : memref<128x128xf32, #tpu.memory_space<vmem>>, vector<16xf32>,
          %mul3A_349 = arith.mulf %get3A_348, %gather3A_317 : vector<16xf32>
          %swap3A_350 = arith.index_cast %add3A_312 : i32 to index
          %swap3A_351 = arith.constant 64 : index
          %swap3A_352 = tpu.vector_load %arg27[%swap3A_350, %swap3A_351] {strides = array<i32>} : memref<128x128xf32, #tpu.memory_space<vmem>>, vector<16xf32>,
          tpu.vector_store %arg27[%swap3A_350, %swap3A_351], %mul3A_349 {strides = array<i32>} : memref<128x128xf32, #tpu.memory_space<vmem>>, vector<16xf32>,
          %get3A_353 = arith.index_cast %add3A_312 : i32 to index
          %get3A_354 = arith.constant 80 : index
          %get3A_355 = tpu.vector_load %arg27[%get3A_353, %get3A_354] {strides = array<i32>} : memref<128x128xf32, #tpu.memory_space<vmem>>, vector<16xf32>,
          %mul3A_356 = arith.mulf %get3A_355, %gather3A_317 : vector<16xf32>
          %swap3A_357 = arith.index_cast %add3A_312 : i32 to index
          %swap3A_358 = arith.constant 80 : index
          %swap3A_359 = tpu.vector_load %arg27[%swap3A_357, %swap3A_358] {strides = array<i32>} : memref<128x128xf32, #tpu.memory_space<vmem>>, vector<16xf32>,
          tpu.vector_store %arg27[%swap3A_357, %swap3A_358], %mul3A_356 {strides = array<i32>} : memref<128x128xf32, #tpu.memory_space<vmem>>, vector<16xf32>,
          %get3A_360 = arith.index_cast %add3A_312 : i32 to index
          %get3A_361 = arith.constant 96 : index
          %get3A_362 = tpu.vector_load %arg27[%get3A_360, %get3A_361] {strides = array<i32>} : memref<128x128xf32, #tpu.memory_space<vmem>>, vector<16xf32>,
          %mul3A_363 = arith.mulf %get3A_362, %gather3A_317 : vector<16xf32>
          %swap3A_364 = arith.index_cast %add3A_312 : i32 to index
          %swap3A_365 = arith.constant 96 : index
          %swap3A_366 = tpu.vector_load %arg27[%swap3A_364, %swap3A_365] {strides = array<i32>} : memref<128x128xf32, #tpu.memory_space<vmem>>, vector<16xf32>,
          tpu.vector_store %arg27[%swap3A_364, %swap3A_365], %mul3A_363 {strides = array<i32>} : memref<128x128xf32, #tpu.memory_space<vmem>>, vector<16xf32>,
          %get3A_367 = arith.index_cast %add3A_312 : i32 to index
          %get3A_368 = arith.constant 112 : index
          %get3A_369 = tpu.vector_load %arg27[%get3A_367, %get3A_368] {strides = array<i32>} : memref<128x128xf32, #tpu.memory_space<vmem>>, vector<16xf32>,
          %mul3A_370 = arith.mulf %get3A_369, %gather3A_317 : vector<16xf32>
          %swap3A_371 = arith.index_cast %add3A_312 : i32 to index
          %swap3A_372 = arith.constant 112 : index
          %swap3A_373 = tpu.vector_load %arg27[%swap3A_371, %swap3A_372] {strides = array<i32>} : memref<128x128xf32, #tpu.memory_space<vmem>>, vector<16xf32>,
          tpu.vector_store %arg27[%swap3A_371, %swap3A_372], %mul3A_370 {strides = array<i32>} : memref<128x128xf32, #tpu.memory_space<vmem>>, vector<16xf32>,
          %mul3A_374 = arith.constant 4 : i32
          %mul3A_375 = arith.muli %mul3A_374, %scan3A_180 : i32
          %add3A_376 = arith.constant 3 : i32
          %add3A_377 = arith.addi %mul3A_375, %add3A_376 : i32
          %broadcast_in_dim3A_378 = arith.constant 0 : i32
          %broadcast_in_dim3A_379 = vector.broadcast %broadcast_in_dim3A_378 : i32 to vector<16xi32>
          %add3A_380 = vector.broadcast %add3A_377 : i32 to vector<16xi32>
          %add3A_381 = arith.addi %broadcast_in_dim3A_379, %add3A_380 : vector<16xi32>
          %gather3A_382 = tpu.vector_load_idx %arg24[%add3A_381] : memref<128xf32, #tpu.memory_space<vmem>>[vector<16xi32>], vector<16xf32>,
          %get3A_383 = arith.index_cast %add3A_377 : i32 to index
          %get3A_384 = arith.constant 0 : index
          %get3A_385 = tpu.vector_load %arg27[%get3A_383, %get3A_384] {strides = array<i32>} : memref<128x128xf32, #tpu.memory_space<vmem>>, vector<16xf32>,
          %mul3A_386 = arith.mulf %get3A_385, %gather3A_382 : vector<16xf32>
          %swap3A_387 = arith.index_cast %add3A_377 : i32 to index
          %swap3A_388 = arith.constant 0 : index
          %swap3A_389 = tpu.vector_load %arg27[%swap3A_387, %swap3A_388] {strides = array<i32>} : memref<128x128xf32, #tpu.memory_space<vmem>>, vector<16xf32>,
          tpu.vector_store %arg27[%swap3A_387, %swap3A_388], %mul3A_386 {strides = array<i32>} : memref<128x128xf32, #tpu.memory_space<vmem>>, vector<16xf32>,
          %get3A_390 = arith.index_cast %add3A_377 : i32 to index
          %get3A_391 = arith.constant 16 : index
          %get3A_392 = tpu.vector_load %arg27[%get3A_390, %get3A_391] {strides = array<i32>} : memref<128x128xf32, #tpu.memory_space<vmem>>, vector<16xf32>,
          %mul3A_393 = arith.mulf %get3A_392, %gather3A_382 : vector<16xf32>
          %swap3A_394 = arith.index_cast %add3A_377 : i32 to index
          %swap3A_395 = arith.constant 16 : index
          %swap3A_396 = tpu.vector_load %arg27[%swap3A_394, %swap3A_395] {strides = array<i32>} : memref<128x128xf32, #tpu.memory_space<vmem>>, vector<16xf32>,
          tpu.vector_store %arg27[%swap3A_394, %swap3A_395], %mul3A_393 {strides = array<i32>} : memref<128x128xf32, #tpu.memory_space<vmem>>, vector<16xf32>,
          %get3A_397 = arith.index_cast %add3A_377 : i32 to index
          %get3A_398 = arith.constant 32 : index
          %get3A_399 = tpu.vector_load %arg27[%get3A_397, %get3A_398] {strides = array<i32>} : memref<128x128xf32, #tpu.memory_space<vmem>>, vector<16xf32>,
          %mul3A_400 = arith.mulf %get3A_399, %gather3A_382 : vector<16xf32>
          %swap3A_401 = arith.index_cast %add3A_377 : i32 to index
          %swap3A_402 = arith.constant 32 : index
          %swap3A_403 = tpu.vector_load %arg27[%swap3A_401, %swap3A_402] {strides = array<i32>} : memref<128x128xf32, #tpu.memory_space<vmem>>, vector<16xf32>,
          tpu.vector_store %arg27[%swap3A_401, %swap3A_402], %mul3A_400 {strides = array<i32>} : memref<128x128xf32, #tpu.memory_space<vmem>>, vector<16xf32>,
          %get3A_404 = arith.index_cast %add3A_377 : i32 to index
          %get3A_405 = arith.constant 48 : index
          %get3A_406 = tpu.vector_load %arg27[%get3A_404, %get3A_405] {strides = array<i32>} : memref<128x128xf32, #tpu.memory_space<vmem>>, vector<16xf32>,
          %mul3A_407 = arith.mulf %get3A_406, %gather3A_382 : vector<16xf32>
          %swap3A_408 = arith.index_cast %add3A_377 : i32 to index
          %swap3A_409 = arith.constant 48 : index
          %swap3A_410 = tpu.vector_load %arg27[%swap3A_408, %swap3A_409] {strides = array<i32>} : memref<128x128xf32, #tpu.memory_space<vmem>>, vector<16xf32>,
          tpu.vector_store %arg27[%swap3A_408, %swap3A_409], %mul3A_407 {strides = array<i32>} : memref<128x128xf32, #tpu.memory_space<vmem>>, vector<16xf32>,
          %get3A_411 = arith.index_cast %add3A_377 : i32 to index
          %get3A_412 = arith.constant 64 : index
          %get3A_413 = tpu.vector_load %arg27[%get3A_411, %get3A_412] {strides = array<i32>} : memref<128x128xf32, #tpu.memory_space<vmem>>, vector<16xf32>,
          %mul3A_414 = arith.mulf %get3A_413, %gather3A_382 : vector<16xf32>
          %swap3A_415 = arith.index_cast %add3A_377 : i32 to index
          %swap3A_416 = arith.constant 64 : index
          %swap3A_417 = tpu.vector_load %arg27[%swap3A_415, %swap3A_416] {strides = array<i32>} : memref<128x128xf32, #tpu.memory_space<vmem>>, vector<16xf32>,
          tpu.vector_store %arg27[%swap3A_415, %swap3A_416], %mul3A_414 {strides = array<i32>} : memref<128x128xf32, #tpu.memory_space<vmem>>, vector<16xf32>,
          %get3A_418 = arith.index_cast %add3A_377 : i32 to index
          %get3A_419 = arith.constant 80 : index
          %get3A_420 = tpu.vector_load %arg27[%get3A_418, %get3A_419] {strides = array<i32>} : memref<128x128xf32, #tpu.memory_space<vmem>>, vector<16xf32>,
          %mul3A_421 = arith.mulf %get3A_420, %gather3A_382 : vector<16xf32>
          %swap3A_422 = arith.index_cast %add3A_377 : i32 to index
          %swap3A_423 = arith.constant 80 : index
          %swap3A_424 = tpu.vector_load %arg27[%swap3A_422, %swap3A_423] {strides = array<i32>} : memref<128x128xf32, #tpu.memory_space<vmem>>, vector<16xf32>,
          tpu.vector_store %arg27[%swap3A_422, %swap3A_423], %mul3A_421 {strides = array<i32>} : memref<128x128xf32, #tpu.memory_space<vmem>>, vector<16xf32>,
          %get3A_425 = arith.index_cast %add3A_377 : i32 to index
          %get3A_426 = arith.constant 96 : index
          %get3A_427 = tpu.vector_load %arg27[%get3A_425, %get3A_426] {strides = array<i32>} : memref<128x128xf32, #tpu.memory_space<vmem>>, vector<16xf32>,
          %mul3A_428 = arith.mulf %get3A_427, %gather3A_382 : vector<16xf32>
          %swap3A_429 = arith.index_cast %add3A_377 : i32 to index
          %swap3A_430 = arith.constant 96 : index
          %swap3A_431 = tpu.vector_load %arg27[%swap3A_429, %swap3A_430] {strides = array<i32>} : memref<128x128xf32, #tpu.memory_space<vmem>>, vector<16xf32>,
          tpu.vector_store %arg27[%swap3A_429, %swap3A_430], %mul3A_428 {strides = array<i32>} : memref<128x128xf32, #tpu.memory_space<vmem>>, vector<16xf32>,
          %get3A_432 = arith.index_cast %add3A_377 : i32 to index
          %get3A_433 = arith.constant 112 : index
          %get3A_434 = tpu.vector_load %arg27[%get3A_432, %get3A_433] {strides = array<i32>} : memref<128x128xf32, #tpu.memory_space<vmem>>, vector<16xf32>,
          %mul3A_435 = arith.mulf %get3A_434, %gather3A_382 : vector<16xf32>
          %swap3A_436 = arith.index_cast %add3A_377 : i32 to index
          %swap3A_437 = arith.constant 112 : index
          %swap3A_438 = tpu.vector_load %arg27[%swap3A_436, %swap3A_437] {strides = array<i32>} : memref<128x128xf32, #tpu.memory_space<vmem>>, vector<16xf32>,
          tpu.vector_store %arg27[%swap3A_436, %swap3A_437], %mul3A_435 {strides = array<i32>} : memref<128x128xf32, #tpu.memory_space<vmem>>, vector<16xf32>,
          %scan3A_439 = arith.constant 0 : i32
          scf.yield %scan3A_439 : i32
        }
        %scan3A_175 = arith.constant 32 : i32
        %dma_start3A_176 = arith.constant 0 : i32
        %dma_start3A_177 = arith.constant 0 : i32
        %dma_start3A_178 = tpu.memref_slice %arg38[%dma_start3A_176, %dma_start3A_177] : memref<5120x128xf32, #tpu.memory_space<vmem_shared>> -> memref<5120x128xf32, #tpu.memory_space<vmem_shared>>
        %dma_start3A_179 = arith.constant -1 : i32
        tpu.enqueue_indirect_dma source(%arg27 : memref<128x128xf32, #tpu.memory_space<vmem>>) target(%dma_start3A_178 : memref<5120x128xf32, #tpu.memory_space<vmem_shared>>) offsets(%arg23 : memref<128xi32, #tpu.memory_space<vmem>>) offset_filter(%dma_start3A_179) semaphore(%arg42 : memref<!tpu.dma_semaphore, #tpu.memory_space<semaphore_mem>>) {add = true}
      } else {
      }
      %scan3A_166 = arith.constant 0 : i32
      scf.yield %scan3A_166 : i32
    }
    %scan3A_84 = arith.constant 80 : i32
    "tpu.region"() ({
      %run_scoped3A = tpu.sem_alloc : memref<!tpu.dma_semaphore, #tpu.memory_space<semaphore_mem>>
      %dma_start3A_106 = arith.constant 0 : i32
      %dma_start3A_107 = arith.constant 0 : i32
      %dma_start3A_108 = tpu.memref_slice %arg13[%add3A, %dma_start3A_106, %dma_start3A_107] : memref<32x640x16xf32, #tpu.memory_space<hbm>> -> memref<1x640x16xf32, #tpu.memory_space<hbm>>
      %dma_start3A_109 = tpu.memref_squeeze %dma_start3A_108 : memref<1x640x16xf32, #tpu.memory_space<hbm>> -> memref<640x16xf32, #tpu.memory_space<hbm>>
      %dma_start3A_110 = arith.constant 0 : i32
      %dma_start3A_111 = arith.constant 0 : i32
      %dma_start3A_112 = tpu.memref_slice %arg13[%add3A, %dma_start3A_110, %dma_start3A_111] : memref<32x640x16xf32, #tpu.memory_space<hbm>> -> memref<1x640x16xf32, #tpu.memory_space<hbm>>
      %dma_start3A_113 = tpu.memref_squeeze %dma_start3A_112 : memref<1x640x16xf32, #tpu.memory_space<hbm>> -> memref<640x16xf32, #tpu.memory_space<hbm>>
      tpu.enqueue_dma source(%arg16 : memref<640x16xf32, #tpu.memory_space<vmem>>) target(%dma_start3A_113 : memref<640x16xf32, #tpu.memory_space<hbm>>) target_semaphore(%run_scoped3A : memref<!tpu.dma_semaphore, #tpu.memory_space<semaphore_mem>>)
      %dma_wait3A = arith.constant 0 : i32
      %dma_wait3A_114 = arith.constant 0 : i32
      %dma_wait3A_115 = tpu.memref_slice %arg13[%add3A, %dma_wait3A, %dma_wait3A_114] : memref<32x640x16xf32, #tpu.memory_space<hbm>> -> memref<1x640x16xf32, #tpu.memory_space<hbm>>
      %dma_wait3A_116 = tpu.memref_squeeze %dma_wait3A_115 : memref<1x640x16xf32, #tpu.memory_space<hbm>> -> memref<640x16xf32, #tpu.memory_space<hbm>>
      %dma_wait3A_117 = arith.constant 0 : i32
      %dma_wait3A_118 = arith.constant 0 : i32
      %dma_wait3A_119 = tpu.memref_slice %arg13[%add3A, %dma_wait3A_117, %dma_wait3A_118] : memref<32x640x16xf32, #tpu.memory_space<hbm>> -> memref<1x640x16xf32, #tpu.memory_space<hbm>>
      %dma_wait3A_120 = tpu.memref_squeeze %dma_wait3A_119 : memref<1x640x16xf32, #tpu.memory_space<hbm>> -> memref<640x16xf32, #tpu.memory_space<hbm>>
      tpu.wait_dma2 semaphore(%run_scoped3A : memref<!tpu.dma_semaphore, #tpu.memory_space<semaphore_mem>>) src(%arg16 : memref<640x16xf32, #tpu.memory_space<vmem>>) dst(%dma_wait3A_120 : memref<640x16xf32, #tpu.memory_space<hbm>>)
      tpu.yield
    }) : () -> ()
    %barrier3A_85 = arith.constant 0 : index
    tpu.barrier barrier_id(%barrier3A_85)
    %mul3A_86 = arith.constant 320 : i32
    %mul3A_87 = arith.muli %arg1, %mul3A_86 : i32
    %add3A_88 = arith.constant 0 : i32
    %add3A_89 = arith.addi %mul3A_87, %add3A_88 : i32
    "tpu.region"() ({
      %run_scoped3A = tpu.sem_alloc : memref<!tpu.dma_semaphore, #tpu.memory_space<semaphore_mem>>
      %dma_start3A_106 = arith.constant 0 : i32
      %dma_start3A_107 = arith.constant 0 : i32
      %dma_start3A_108 = tpu.memref_slice %arg27[%dma_start3A_106, %dma_start3A_107] : memref<128x128xf32, #tpu.memory_space<vmem>> -> memref<64x128xf32, #tpu.memory_space<vmem>>
      %dma_start3A_109 = arith.constant 0 : i32
      %dma_start3A_110 = tpu.memref_slice %arg38[%add3A_89, %dma_start3A_109] : memref<5120x128xf32, #tpu.memory_space<vmem_shared>> -> memref<64x128xf32, #tpu.memory_space<vmem_shared>>
      %dma_start3A_111 = arith.constant 0 : i32
      %dma_start3A_112 = arith.constant 0 : i32
      %dma_start3A_113 = tpu.memref_slice %arg27[%dma_start3A_111, %dma_start3A_112] : memref<128x128xf32, #tpu.memory_space<vmem>> -> memref<64x128xf32, #tpu.memory_space<vmem>>
      %dma_start3A_114 = arith.constant 0 : i32
      %dma_start3A_115 = tpu.memref_slice %arg38[%add3A_89, %dma_start3A_114] : memref<5120x128xf32, #tpu.memory_space<vmem_shared>> -> memref<64x128xf32, #tpu.memory_space<vmem_shared>>
      tpu.enqueue_dma source(%dma_start3A_115 : memref<64x128xf32, #tpu.memory_space<vmem_shared>>) target(%dma_start3A_113 : memref<64x128xf32, #tpu.memory_space<vmem>>) target_semaphore(%run_scoped3A : memref<!tpu.dma_semaphore, #tpu.memory_space<semaphore_mem>>)
      %dma_wait3A = arith.constant 0 : i32
      %dma_wait3A_116 = arith.constant 0 : i32
      %dma_wait3A_117 = tpu.memref_slice %arg27[%dma_wait3A, %dma_wait3A_116] : memref<128x128xf32, #tpu.memory_space<vmem>> -> memref<64x128xf32, #tpu.memory_space<vmem>>
      %dma_wait3A_118 = arith.constant 0 : i32
      %dma_wait3A_119 = tpu.memref_slice %arg38[%add3A_89, %dma_wait3A_118] : memref<5120x128xf32, #tpu.memory_space<vmem_shared>> -> memref<64x128xf32, #tpu.memory_space<vmem_shared>>
      %dma_wait3A_120 = arith.constant 0 : i32
      %dma_wait3A_121 = arith.constant 0 : i32
      %dma_wait3A_122 = tpu.memref_slice %arg27[%dma_wait3A_120, %dma_wait3A_121] : memref<128x128xf32, #tpu.memory_space<vmem>> -> memref<64x128xf32, #tpu.memory_space<vmem>>
      %dma_wait3A_123 = arith.constant 0 : i32
      %dma_wait3A_124 = tpu.memref_slice %arg38[%add3A_89, %dma_wait3A_123] : memref<5120x128xf32, #tpu.memory_space<vmem_shared>> -> memref<64x128xf32, #tpu.memory_space<vmem_shared>>
      tpu.wait_dma2 semaphore(%run_scoped3A : memref<!tpu.dma_semaphore, #tpu.memory_space<semaphore_mem>>) src(%dma_wait3A_124 : memref<64x128xf32, #tpu.memory_space<vmem_shared>>) dst(%dma_wait3A_122 : memref<64x128xf32, #tpu.memory_space<vmem>>)
      tpu.yield
    }) : () -> ()
    "tpu.region"() ({
      %run_scoped3A = tpu.sem_alloc : memref<!tpu.dma_semaphore, #tpu.memory_space<semaphore_mem>>
      %dma_start3A_106 = arith.constant 0 : i32
      %dma_start3A_107 = arith.constant 0 : i32
      %dma_start3A_108 = tpu.memref_slice %arg27[%dma_start3A_106, %dma_start3A_107] : memref<128x128xf32, #tpu.memory_space<vmem>> -> memref<64x128xf32, #tpu.memory_space<vmem>>
      %dma_start3A_109 = arith.constant 0 : i32
      %dma_start3A_110 = tpu.memref_slice %arg11[%arg0, %add3A_89, %dma_start3A_109] : memref<2x5120x128xf32, #tpu.memory_space<hbm>> -> memref<1x64x128xf32, #tpu.memory_space<hbm>>
      %dma_start3A_111 = tpu.memref_squeeze %dma_start3A_110 : memref<1x64x128xf32, #tpu.memory_space<hbm>> -> memref<64x128xf32, #tpu.memory_space<hbm>>
      %dma_start3A_112 = arith.constant 0 : i32
      %dma_start3A_113 = tpu.memref_slice %arg11[%arg0, %add3A_89, %dma_start3A_112] : memref<2x5120x128xf32, #tpu.memory_space<hbm>> -> memref<1x64x128xf32, #tpu.memory_space<hbm>>
      %dma_start3A_114 = tpu.memref_squeeze %dma_start3A_113 : memref<1x64x128xf32, #tpu.memory_space<hbm>> -> memref<64x128xf32, #tpu.memory_space<hbm>>
      %dma_start3A_115 = arith.constant 0 : i32
      %dma_start3A_116 = arith.constant 0 : i32
      %dma_start3A_117 = tpu.memref_slice %arg27[%dma_start3A_115, %dma_start3A_116] : memref<128x128xf32, #tpu.memory_space<vmem>> -> memref<64x128xf32, #tpu.memory_space<vmem>>
      tpu.enqueue_dma source(%dma_start3A_117 : memref<64x128xf32, #tpu.memory_space<vmem>>) target(%dma_start3A_114 : memref<64x128xf32, #tpu.memory_space<hbm>>) target_semaphore(%run_scoped3A : memref<!tpu.dma_semaphore, #tpu.memory_space<semaphore_mem>>)
      %dma_wait3A = arith.constant 0 : i32
      %dma_wait3A_118 = arith.constant 0 : i32
      %dma_wait3A_119 = tpu.memref_slice %arg27[%dma_wait3A, %dma_wait3A_118] : memref<128x128xf32, #tpu.memory_space<vmem>> -> memref<64x128xf32, #tpu.memory_space<vmem>>
      %dma_wait3A_120 = arith.constant 0 : i32
      %dma_wait3A_121 = tpu.memref_slice %arg11[%arg0, %add3A_89, %dma_wait3A_120] : memref<2x5120x128xf32, #tpu.memory_space<hbm>> -> memref<1x64x128xf32, #tpu.memory_space<hbm>>
      %dma_wait3A_122 = tpu.memref_squeeze %dma_wait3A_121 : memref<1x64x128xf32, #tpu.memory_space<hbm>> -> memref<64x128xf32, #tpu.memory_space<hbm>>
      %dma_wait3A_123 = arith.constant 0 : i32
      %dma_wait3A_124 = tpu.memref_slice %arg11[%arg0, %add3A_89, %dma_wait3A_123] : memref<2x5120x128xf32, #tpu.memory_space<hbm>> -> memref<1x64x128xf32, #tpu.memory_space<hbm>>
      %dma_wait3A_125 = tpu.memref_squeeze %dma_wait3A_124 : memref<1x64x128xf32, #tpu.memory_space<hbm>> -> memref<64x128xf32, #tpu.memory_space<hbm>>
      %dma_wait3A_126 = arith.constant 0 : i32
      %dma_wait3A_127 = arith.constant 0 : i32
      %dma_wait3A_128 = tpu.memref_slice %arg27[%dma_wait3A_126, %dma_wait3A_127] : memref<128x128xf32, #tpu.memory_space<vmem>> -> memref<64x128xf32, #tpu.memory_space<vmem>>
      tpu.wait_dma2 semaphore(%run_scoped3A : memref<!tpu.dma_semaphore, #tpu.memory_space<semaphore_mem>>) src(%dma_wait3A_128 : memref<64x128xf32, #tpu.memory_space<vmem>>) dst(%dma_wait3A_125 : memref<64x128xf32, #tpu.memory_space<hbm>>)
      tpu.yield
    }) : () -> ()
    "tpu.region"() ({
      %run_scoped3A = tpu.sem_alloc : memref<!tpu.dma_semaphore, #tpu.memory_space<semaphore_mem>>
      %dma_start3A_106 = arith.constant 0 : i32
      %dma_start3A_107 = arith.constant 0 : i32
      %dma_start3A_108 = tpu.memref_slice %arg26[%dma_start3A_106, %dma_start3A_107] : memref<128x16xf32, #tpu.memory_space<vmem>> -> memref<64x16xf32, #tpu.memory_space<vmem>>
      %dma_start3A_109 = arith.constant 0 : i32
      %dma_start3A_110 = tpu.memref_slice %arg39[%add3A_89, %dma_start3A_109] : memref<5120x16xf32, #tpu.memory_space<vmem_shared>> -> memref<64x16xf32, #tpu.memory_space<vmem_shared>>
      %dma_start3A_111 = arith.constant 0 : i32
      %dma_start3A_112 = arith.constant 0 : i32
      %dma_start3A_113 = tpu.memref_slice %arg26[%dma_start3A_111, %dma_start3A_112] : memref<128x16xf32, #tpu.memory_space<vmem>> -> memref<64x16xf32, #tpu.memory_space<vmem>>
      %dma_start3A_114 = arith.constant 0 : i32
      %dma_start3A_115 = tpu.memref_slice %arg39[%add3A_89, %dma_start3A_114] : memref<5120x16xf32, #tpu.memory_space<vmem_shared>> -> memref<64x16xf32, #tpu.memory_space<vmem_shared>>
      tpu.enqueue_dma source(%dma_start3A_115 : memref<64x16xf32, #tpu.memory_space<vmem_shared>>) target(%dma_start3A_113 : memref<64x16xf32, #tpu.memory_space<vmem>>) target_semaphore(%run_scoped3A : memref<!tpu.dma_semaphore, #tpu.memory_space<semaphore_mem>>)
      %dma_wait3A = arith.constant 0 : i32
      %dma_wait3A_116 = arith.constant 0 : i32
      %dma_wait3A_117 = tpu.memref_slice %arg26[%dma_wait3A, %dma_wait3A_116] : memref<128x16xf32, #tpu.memory_space<vmem>> -> memref<64x16xf32, #tpu.memory_space<vmem>>
      %dma_wait3A_118 = arith.constant 0 : i32
      %dma_wait3A_119 = tpu.memref_slice %arg39[%add3A_89, %dma_wait3A_118] : memref<5120x16xf32, #tpu.memory_space<vmem_shared>> -> memref<64x16xf32, #tpu.memory_space<vmem_shared>>
      %dma_wait3A_120 = arith.constant 0 : i32
      %dma_wait3A_121 = arith.constant 0 : i32
      %dma_wait3A_122 = tpu.memref_slice %arg26[%dma_wait3A_120, %dma_wait3A_121] : memref<128x16xf32, #tpu.memory_space<vmem>> -> memref<64x16xf32, #tpu.memory_space<vmem>>
      %dma_wait3A_123 = arith.constant 0 : i32
      %dma_wait3A_124 = tpu.memref_slice %arg39[%add3A_89, %dma_wait3A_123] : memref<5120x16xf32, #tpu.memory_space<vmem_shared>> -> memref<64x16xf32, #tpu.memory_space<vmem_shared>>
      tpu.wait_dma2 semaphore(%run_scoped3A : memref<!tpu.dma_semaphore, #tpu.memory_space<semaphore_mem>>) src(%dma_wait3A_124 : memref<64x16xf32, #tpu.memory_space<vmem_shared>>) dst(%dma_wait3A_122 : memref<64x16xf32, #tpu.memory_space<vmem>>)
      tpu.yield
    }) : () -> ()
    "tpu.region"() ({
      %run_scoped3A = tpu.sem_alloc : memref<!tpu.dma_semaphore, #tpu.memory_space<semaphore_mem>>
      %dma_start3A_106 = arith.constant 0 : i32
      %dma_start3A_107 = arith.constant 0 : i32
      %dma_start3A_108 = tpu.memref_slice %arg26[%dma_start3A_106, %dma_start3A_107] : memref<128x16xf32, #tpu.memory_space<vmem>> -> memref<64x16xf32, #tpu.memory_space<vmem>>
      %dma_start3A_109 = arith.constant 0 : i32
      %dma_start3A_110 = tpu.memref_slice %arg12[%arg0, %add3A_89, %dma_start3A_109] : memref<2x5120x16xf32, #tpu.memory_space<hbm>> -> memref<1x64x16xf32, #tpu.memory_space<hbm>>
      %dma_start3A_111 = tpu.memref_squeeze %dma_start3A_110 : memref<1x64x16xf32, #tpu.memory_space<hbm>> -> memref<64x16xf32, #tpu.memory_space<hbm>>
      %dma_start3A_112 = arith.constant 0 : i32
      %dma_start3A_113 = tpu.memref_slice %arg12[%arg0, %add3A_89, %dma_start3A_112] : memref<2x5120x16xf32, #tpu.memory_space<hbm>> -> memref<1x64x16xf32, #tpu.memory_space<hbm>>
      %dma_start3A_114 = tpu.memref_squeeze %dma_start3A_113 : memref<1x64x16xf32, #tpu.memory_space<hbm>> -> memref<64x16xf32, #tpu.memory_space<hbm>>
      %dma_start3A_115 = arith.constant 0 : i32
      %dma_start3A_116 = arith.constant 0 : i32
      %dma_start3A_117 = tpu.memref_slice %arg26[%dma_start3A_115, %dma_start3A_116] : memref<128x16xf32, #tpu.memory_space<vmem>> -> memref<64x16xf32, #tpu.memory_space<vmem>>
      tpu.enqueue_dma source(%dma_start3A_117 : memref<64x16xf32, #tpu.memory_space<vmem>>) target(%dma_start3A_114 : memref<64x16xf32, #tpu.memory_space<hbm>>) target_semaphore(%run_scoped3A : memref<!tpu.dma_semaphore, #tpu.memory_space<semaphore_mem>>)
      %dma_wait3A = arith.constant 0 : i32
      %dma_wait3A_118 = arith.constant 0 : i32
      %dma_wait3A_119 = tpu.memref_slice %arg26[%dma_wait3A, %dma_wait3A_118] : memref<128x16xf32, #tpu.memory_space<vmem>> -> memref<64x16xf32, #tpu.memory_space<vmem>>
      %dma_wait3A_120 = arith.constant 0 : i32
      %dma_wait3A_121 = tpu.memref_slice %arg12[%arg0, %add3A_89, %dma_wait3A_120] : memref<2x5120x16xf32, #tpu.memory_space<hbm>> -> memref<1x64x16xf32, #tpu.memory_space<hbm>>
      %dma_wait3A_122 = tpu.memref_squeeze %dma_wait3A_121 : memref<1x64x16xf32, #tpu.memory_space<hbm>> -> memref<64x16xf32, #tpu.memory_space<hbm>>
      %dma_wait3A_123 = arith.constant 0 : i32
      %dma_wait3A_124 = tpu.memref_slice %arg12[%arg0, %add3A_89, %dma_wait3A_123] : memref<2x5120x16xf32, #tpu.memory_space<hbm>> -> memref<1x64x16xf32, #tpu.memory_space<hbm>>
      %dma_wait3A_125 = tpu.memref_squeeze %dma_wait3A_124 : memref<1x64x16xf32, #tpu.memory_space<hbm>> -> memref<64x16xf32, #tpu.memory_space<hbm>>
      %dma_wait3A_126 = arith.constant 0 : i32
      %dma_wait3A_127 = arith.constant 0 : i32
      %dma_wait3A_128 = tpu.memref_slice %arg26[%dma_wait3A_126, %dma_wait3A_127] : memref<128x16xf32, #tpu.memory_space<vmem>> -> memref<64x16xf32, #tpu.memory_space<vmem>>
      tpu.wait_dma2 semaphore(%run_scoped3A : memref<!tpu.dma_semaphore, #tpu.memory_space<semaphore_mem>>) src(%dma_wait3A_128 : memref<64x16xf32, #tpu.memory_space<vmem>>) dst(%dma_wait3A_125 : memref<64x16xf32, #tpu.memory_space<hbm>>)
      tpu.yield
    }) : () -> ()
    %mul3A_90 = arith.constant 320 : i32
    %mul3A_91 = arith.muli %arg1, %mul3A_90 : i32
    %add3A_92 = arith.constant 64 : i32
    %add3A_93 = arith.addi %mul3A_91, %add3A_92 : i32
    "tpu.region"() ({
      %run_scoped3A = tpu.sem_alloc : memref<!tpu.dma_semaphore, #tpu.memory_space<semaphore_mem>>
      %dma_start3A_106 = arith.constant 0 : i32
      %dma_start3A_107 = arith.constant 0 : i32
      %dma_start3A_108 = tpu.memref_slice %arg27[%dma_start3A_106, %dma_start3A_107] : memref<128x128xf32, #tpu.memory_space<vmem>> -> memref<64x128xf32, #tpu.memory_space<vmem>>
      %dma_start3A_109 = arith.constant 0 : i32
      %dma_start3A_110 = tpu.memref_slice %arg38[%add3A_93, %dma_start3A_109] : memref<5120x128xf32, #tpu.memory_space<vmem_shared>> -> memref<64x128xf32, #tpu.memory_space<vmem_shared>>
      %dma_start3A_111 = arith.constant 0 : i32
      %dma_start3A_112 = arith.constant 0 : i32
      %dma_start3A_113 = tpu.memref_slice %arg27[%dma_start3A_111, %dma_start3A_112] : memref<128x128xf32, #tpu.memory_space<vmem>> -> memref<64x128xf32, #tpu.memory_space<vmem>>
      %dma_start3A_114 = arith.constant 0 : i32
      %dma_start3A_115 = tpu.memref_slice %arg38[%add3A_93, %dma_start3A_114] : memref<5120x128xf32, #tpu.memory_space<vmem_shared>> -> memref<64x128xf32, #tpu.memory_space<vmem_shared>>
      tpu.enqueue_dma source(%dma_start3A_115 : memref<64x128xf32, #tpu.memory_space<vmem_shared>>) target(%dma_start3A_113 : memref<64x128xf32, #tpu.memory_space<vmem>>) target_semaphore(%run_scoped3A : memref<!tpu.dma_semaphore, #tpu.memory_space<semaphore_mem>>)
      %dma_wait3A = arith.constant 0 : i32
      %dma_wait3A_116 = arith.constant 0 : i32
      %dma_wait3A_117 = tpu.memref_slice %arg27[%dma_wait3A, %dma_wait3A_116] : memref<128x128xf32, #tpu.memory_space<vmem>> -> memref<64x128xf32, #tpu.memory_space<vmem>>
      %dma_wait3A_118 = arith.constant 0 : i32
      %dma_wait3A_119 = tpu.memref_slice %arg38[%add3A_93, %dma_wait3A_118] : memref<5120x128xf32, #tpu.memory_space<vmem_shared>> -> memref<64x128xf32, #tpu.memory_space<vmem_shared>>
      %dma_wait3A_120 = arith.constant 0 : i32
      %dma_wait3A_121 = arith.constant 0 : i32
      %dma_wait3A_122 = tpu.memref_slice %arg27[%dma_wait3A_120, %dma_wait3A_121] : memref<128x128xf32, #tpu.memory_space<vmem>> -> memref<64x128xf32, #tpu.memory_space<vmem>>
      %dma_wait3A_123 = arith.constant 0 : i32
      %dma_wait3A_124 = tpu.memref_slice %arg38[%add3A_93, %dma_wait3A_123] : memref<5120x128xf32, #tpu.memory_space<vmem_shared>> -> memref<64x128xf32, #tpu.memory_space<vmem_shared>>
      tpu.wait_dma2 semaphore(%run_scoped3A : memref<!tpu.dma_semaphore, #tpu.memory_space<semaphore_mem>>) src(%dma_wait3A_124 : memref<64x128xf32, #tpu.memory_space<vmem_shared>>) dst(%dma_wait3A_122 : memref<64x128xf32, #tpu.memory_space<vmem>>)
      tpu.yield
    }) : () -> ()
    "tpu.region"() ({
      %run_scoped3A = tpu.sem_alloc : memref<!tpu.dma_semaphore, #tpu.memory_space<semaphore_mem>>
      %dma_start3A_106 = arith.constant 0 : i32
      %dma_start3A_107 = arith.constant 0 : i32
      %dma_start3A_108 = tpu.memref_slice %arg27[%dma_start3A_106, %dma_start3A_107] : memref<128x128xf32, #tpu.memory_space<vmem>> -> memref<64x128xf32, #tpu.memory_space<vmem>>
      %dma_start3A_109 = arith.constant 0 : i32
      %dma_start3A_110 = tpu.memref_slice %arg11[%arg0, %add3A_93, %dma_start3A_109] : memref<2x5120x128xf32, #tpu.memory_space<hbm>> -> memref<1x64x128xf32, #tpu.memory_space<hbm>>
      %dma_start3A_111 = tpu.memref_squeeze %dma_start3A_110 : memref<1x64x128xf32, #tpu.memory_space<hbm>> -> memref<64x128xf32, #tpu.memory_space<hbm>>
      %dma_start3A_112 = arith.constant 0 : i32
      %dma_start3A_113 = tpu.memref_slice %arg11[%arg0, %add3A_93, %dma_start3A_112] : memref<2x5120x128xf32, #tpu.memory_space<hbm>> -> memref<1x64x128xf32, #tpu.memory_space<hbm>>
      %dma_start3A_114 = tpu.memref_squeeze %dma_start3A_113 : memref<1x64x128xf32, #tpu.memory_space<hbm>> -> memref<64x128xf32, #tpu.memory_space<hbm>>
      %dma_start3A_115 = arith.constant 0 : i32
      %dma_start3A_116 = arith.constant 0 : i32
      %dma_start3A_117 = tpu.memref_slice %arg27[%dma_start3A_115, %dma_start3A_116] : memref<128x128xf32, #tpu.memory_space<vmem>> -> memref<64x128xf32, #tpu.memory_space<vmem>>
      tpu.enqueue_dma source(%dma_start3A_117 : memref<64x128xf32, #tpu.memory_space<vmem>>) target(%dma_start3A_114 : memref<64x128xf32, #tpu.memory_space<hbm>>) target_semaphore(%run_scoped3A : memref<!tpu.dma_semaphore, #tpu.memory_space<semaphore_mem>>)
      %dma_wait3A = arith.constant 0 : i32
      %dma_wait3A_118 = arith.constant 0 : i32
      %dma_wait3A_119 = tpu.memref_slice %arg27[%dma_wait3A, %dma_wait3A_118] : memref<128x128xf32, #tpu.memory_space<vmem>> -> memref<64x128xf32, #tpu.memory_space<vmem>>
      %dma_wait3A_120 = arith.constant 0 : i32
      %dma_wait3A_121 = tpu.memref_slice %arg11[%arg0, %add3A_93, %dma_wait3A_120] : memref<2x5120x128xf32, #tpu.memory_space<hbm>> -> memref<1x64x128xf32, #tpu.memory_space<hbm>>
      %dma_wait3A_122 = tpu.memref_squeeze %dma_wait3A_121 : memref<1x64x128xf32, #tpu.memory_space<hbm>> -> memref<64x128xf32, #tpu.memory_space<hbm>>
      %dma_wait3A_123 = arith.constant 0 : i32
      %dma_wait3A_124 = tpu.memref_slice %arg11[%arg0, %add3A_93, %dma_wait3A_123] : memref<2x5120x128xf32, #tpu.memory_space<hbm>> -> memref<1x64x128xf32, #tpu.memory_space<hbm>>
      %dma_wait3A_125 = tpu.memref_squeeze %dma_wait3A_124 : memref<1x64x128xf32, #tpu.memory_space<hbm>> -> memref<64x128xf32, #tpu.memory_space<hbm>>
      %dma_wait3A_126 = arith.constant 0 : i32
      %dma_wait3A_127 = arith.constant 0 : i32
      %dma_wait3A_128 = tpu.memref_slice %arg27[%dma_wait3A_126, %dma_wait3A_127] : memref<128x128xf32, #tpu.memory_space<vmem>> -> memref<64x128xf32, #tpu.memory_space<vmem>>
      tpu.wait_dma2 semaphore(%run_scoped3A : memref<!tpu.dma_semaphore, #tpu.memory_space<semaphore_mem>>) src(%dma_wait3A_128 : memref<64x128xf32, #tpu.memory_space<vmem>>) dst(%dma_wait3A_125 : memref<64x128xf32, #tpu.memory_space<hbm>>)
      tpu.yield
    }) : () -> ()
    "tpu.region"() ({
      %run_scoped3A = tpu.sem_alloc : memref<!tpu.dma_semaphore, #tpu.memory_space<semaphore_mem>>
      %dma_start3A_106 = arith.constant 0 : i32
      %dma_start3A_107 = arith.constant 0 : i32
      %dma_start3A_108 = tpu.memref_slice %arg26[%dma_start3A_106, %dma_start3A_107] : memref<128x16xf32, #tpu.memory_space<vmem>> -> memref<64x16xf32, #tpu.memory_space<vmem>>
      %dma_start3A_109 = arith.constant 0 : i32
      %dma_start3A_110 = tpu.memref_slice %arg39[%add3A_93, %dma_start3A_109] : memref<5120x16xf32, #tpu.memory_space<vmem_shared>> -> memref<64x16xf32, #tpu.memory_space<vmem_shared>>
      %dma_start3A_111 = arith.constant 0 : i32
      %dma_start3A_112 = arith.constant 0 : i32
      %dma_start3A_113 = tpu.memref_slice %arg26[%dma_start3A_111, %dma_start3A_112] : memref<128x16xf32, #tpu.memory_space<vmem>> -> memref<64x16xf32, #tpu.memory_space<vmem>>
      %dma_start3A_114 = arith.constant 0 : i32
      %dma_start3A_115 = tpu.memref_slice %arg39[%add3A_93, %dma_start3A_114] : memref<5120x16xf32, #tpu.memory_space<vmem_shared>> -> memref<64x16xf32, #tpu.memory_space<vmem_shared>>
      tpu.enqueue_dma source(%dma_start3A_115 : memref<64x16xf32, #tpu.memory_space<vmem_shared>>) target(%dma_start3A_113 : memref<64x16xf32, #tpu.memory_space<vmem>>) target_semaphore(%run_scoped3A : memref<!tpu.dma_semaphore, #tpu.memory_space<semaphore_mem>>)
      %dma_wait3A = arith.constant 0 : i32
      %dma_wait3A_116 = arith.constant 0 : i32
      %dma_wait3A_117 = tpu.memref_slice %arg26[%dma_wait3A, %dma_wait3A_116] : memref<128x16xf32, #tpu.memory_space<vmem>> -> memref<64x16xf32, #tpu.memory_space<vmem>>
      %dma_wait3A_118 = arith.constant 0 : i32
      %dma_wait3A_119 = tpu.memref_slice %arg39[%add3A_93, %dma_wait3A_118] : memref<5120x16xf32, #tpu.memory_space<vmem_shared>> -> memref<64x16xf32, #tpu.memory_space<vmem_shared>>
      %dma_wait3A_120 = arith.constant 0 : i32
      %dma_wait3A_121 = arith.constant 0 : i32
      %dma_wait3A_122 = tpu.memref_slice %arg26[%dma_wait3A_120, %dma_wait3A_121] : memref<128x16xf32, #tpu.memory_space<vmem>> -> memref<64x16xf32, #tpu.memory_space<vmem>>
      %dma_wait3A_123 = arith.constant 0 : i32
      %dma_wait3A_124 = tpu.memref_slice %arg39[%add3A_93, %dma_wait3A_123] : memref<5120x16xf32, #tpu.memory_space<vmem_shared>> -> memref<64x16xf32, #tpu.memory_space<vmem_shared>>
      tpu.wait_dma2 semaphore(%run_scoped3A : memref<!tpu.dma_semaphore, #tpu.memory_space<semaphore_mem>>) src(%dma_wait3A_124 : memref<64x16xf32, #tpu.memory_space<vmem_shared>>) dst(%dma_wait3A_122 : memref<64x16xf32, #tpu.memory_space<vmem>>)
      tpu.yield
    }) : () -> ()
    "tpu.region"() ({
      %run_scoped3A = tpu.sem_alloc : memref<!tpu.dma_semaphore, #tpu.memory_space<semaphore_mem>>
      %dma_start3A_106 = arith.constant 0 : i32
      %dma_start3A_107 = arith.constant 0 : i32
      %dma_start3A_108 = tpu.memref_slice %arg26[%dma_start3A_106, %dma_start3A_107] : memref<128x16xf32, #tpu.memory_space<vmem>> -> memref<64x16xf32, #tpu.memory_space<vmem>>
      %dma_start3A_109 = arith.constant 0 : i32
      %dma_start3A_110 = tpu.memref_slice %arg12[%arg0, %add3A_93, %dma_start3A_109] : memref<2x5120x16xf32, #tpu.memory_space<hbm>> -> memref<1x64x16xf32, #tpu.memory_space<hbm>>
      %dma_start3A_111 = tpu.memref_squeeze %dma_start3A_110 : memref<1x64x16xf32, #tpu.memory_space<hbm>> -> memref<64x16xf32, #tpu.memory_space<hbm>>
      %dma_start3A_112 = arith.constant 0 : i32
      %dma_start3A_113 = tpu.memref_slice %arg12[%arg0, %add3A_93, %dma_start3A_112] : memref<2x5120x16xf32, #tpu.memory_space<hbm>> -> memref<1x64x16xf32, #tpu.memory_space<hbm>>
      %dma_start3A_114 = tpu.memref_squeeze %dma_start3A_113 : memref<1x64x16xf32, #tpu.memory_space<hbm>> -> memref<64x16xf32, #tpu.memory_space<hbm>>
      %dma_start3A_115 = arith.constant 0 : i32
      %dma_start3A_116 = arith.constant 0 : i32
      %dma_start3A_117 = tpu.memref_slice %arg26[%dma_start3A_115, %dma_start3A_116] : memref<128x16xf32, #tpu.memory_space<vmem>> -> memref<64x16xf32, #tpu.memory_space<vmem>>
      tpu.enqueue_dma source(%dma_start3A_117 : memref<64x16xf32, #tpu.memory_space<vmem>>) target(%dma_start3A_114 : memref<64x16xf32, #tpu.memory_space<hbm>>) target_semaphore(%run_scoped3A : memref<!tpu.dma_semaphore, #tpu.memory_space<semaphore_mem>>)
      %dma_wait3A = arith.constant 0 : i32
      %dma_wait3A_118 = arith.constant 0 : i32
      %dma_wait3A_119 = tpu.memref_slice %arg26[%dma_wait3A, %dma_wait3A_118] : memref<128x16xf32, #tpu.memory_space<vmem>> -> memref<64x16xf32, #tpu.memory_space<vmem>>
      %dma_wait3A_120 = arith.constant 0 : i32
      %dma_wait3A_121 = tpu.memref_slice %arg12[%arg0, %add3A_93, %dma_wait3A_120] : memref<2x5120x16xf32, #tpu.memory_space<hbm>> -> memref<1x64x16xf32, #tpu.memory_space<hbm>>
      %dma_wait3A_122 = tpu.memref_squeeze %dma_wait3A_121 : memref<1x64x16xf32, #tpu.memory_space<hbm>> -> memref<64x16xf32, #tpu.memory_space<hbm>>
      %dma_wait3A_123 = arith.constant 0 : i32
      %dma_wait3A_124 = tpu.memref_slice %arg12[%arg0, %add3A_93, %dma_wait3A_123] : memref<2x5120x16xf32, #tpu.memory_space<hbm>> -> memref<1x64x16xf32, #tpu.memory_space<hbm>>
      %dma_wait3A_125 = tpu.memref_squeeze %dma_wait3A_124 : memref<1x64x16xf32, #tpu.memory_space<hbm>> -> memref<64x16xf32, #tpu.memory_space<hbm>>
      %dma_wait3A_126 = arith.constant 0 : i32
      %dma_wait3A_127 = arith.constant 0 : i32
      %dma_wait3A_128 = tpu.memref_slice %arg26[%dma_wait3A_126, %dma_wait3A_127] : memref<128x16xf32, #tpu.memory_space<vmem>> -> memref<64x16xf32, #tpu.memory_space<vmem>>
      tpu.wait_dma2 semaphore(%run_scoped3A : memref<!tpu.dma_semaphore, #tpu.memory_space<semaphore_mem>>) src(%dma_wait3A_128 : memref<64x16xf32, #tpu.memory_space<vmem>>) dst(%dma_wait3A_125 : memref<64x16xf32, #tpu.memory_space<hbm>>)
      tpu.yield
    }) : () -> ()
    %mul3A_94 = arith.constant 320 : i32
    %mul3A_95 = arith.muli %arg1, %mul3A_94 : i32
    %add3A_96 = arith.constant 128 : i32
    %add3A_97 = arith.addi %mul3A_95, %add3A_96 : i32
    "tpu.region"() ({
      %run_scoped3A = tpu.sem_alloc : memref<!tpu.dma_semaphore, #tpu.memory_space<semaphore_mem>>
      %dma_start3A_106 = arith.constant 0 : i32
      %dma_start3A_107 = arith.constant 0 : i32
      %dma_start3A_108 = tpu.memref_slice %arg27[%dma_start3A_106, %dma_start3A_107] : memref<128x128xf32, #tpu.memory_space<vmem>> -> memref<64x128xf32, #tpu.memory_space<vmem>>
      %dma_start3A_109 = arith.constant 0 : i32
      %dma_start3A_110 = tpu.memref_slice %arg38[%add3A_97, %dma_start3A_109] : memref<5120x128xf32, #tpu.memory_space<vmem_shared>> -> memref<64x128xf32, #tpu.memory_space<vmem_shared>>
      %dma_start3A_111 = arith.constant 0 : i32
      %dma_start3A_112 = arith.constant 0 : i32
      %dma_start3A_113 = tpu.memref_slice %arg27[%dma_start3A_111, %dma_start3A_112] : memref<128x128xf32, #tpu.memory_space<vmem>> -> memref<64x128xf32, #tpu.memory_space<vmem>>
      %dma_start3A_114 = arith.constant 0 : i32
      %dma_start3A_115 = tpu.memref_slice %arg38[%add3A_97, %dma_start3A_114] : memref<5120x128xf32, #tpu.memory_space<vmem_shared>> -> memref<64x128xf32, #tpu.memory_space<vmem_shared>>
      tpu.enqueue_dma source(%dma_start3A_115 : memref<64x128xf32, #tpu.memory_space<vmem_shared>>) target(%dma_start3A_113 : memref<64x128xf32, #tpu.memory_space<vmem>>) target_semaphore(%run_scoped3A : memref<!tpu.dma_semaphore, #tpu.memory_space<semaphore_mem>>)
      %dma_wait3A = arith.constant 0 : i32
      %dma_wait3A_116 = arith.constant 0 : i32
      %dma_wait3A_117 = tpu.memref_slice %arg27[%dma_wait3A, %dma_wait3A_116] : memref<128x128xf32, #tpu.memory_space<vmem>> -> memref<64x128xf32, #tpu.memory_space<vmem>>
      %dma_wait3A_118 = arith.constant 0 : i32
      %dma_wait3A_119 = tpu.memref_slice %arg38[%add3A_97, %dma_wait3A_118] : memref<5120x128xf32, #tpu.memory_space<vmem_shared>> -> memref<64x128xf32, #tpu.memory_space<vmem_shared>>
      %dma_wait3A_120 = arith.constant 0 : i32
      %dma_wait3A_121 = arith.constant 0 : i32
      %dma_wait3A_122 = tpu.memref_slice %arg27[%dma_wait3A_120, %dma_wait3A_121] : memref<128x128xf32, #tpu.memory_space<vmem>> -> memref<64x128xf32, #tpu.memory_space<vmem>>
      %dma_wait3A_123 = arith.constant 0 : i32
      %dma_wait3A_124 = tpu.memref_slice %arg38[%add3A_97, %dma_wait3A_123] : memref<5120x128xf32, #tpu.memory_space<vmem_shared>> -> memref<64x128xf32, #tpu.memory_space<vmem_shared>>
      tpu.wait_dma2 semaphore(%run_scoped3A : memref<!tpu.dma_semaphore, #tpu.memory_space<semaphore_mem>>) src(%dma_wait3A_124 : memref<64x128xf32, #tpu.memory_space<vmem_shared>>) dst(%dma_wait3A_122 : memref<64x128xf32, #tpu.memory_space<vmem>>)
      tpu.yield
    }) : () -> ()
    "tpu.region"() ({
      %run_scoped3A = tpu.sem_alloc : memref<!tpu.dma_semaphore, #tpu.memory_space<semaphore_mem>>
      %dma_start3A_106 = arith.constant 0 : i32
      %dma_start3A_107 = arith.constant 0 : i32
      %dma_start3A_108 = tpu.memref_slice %arg27[%dma_start3A_106, %dma_start3A_107] : memref<128x128xf32, #tpu.memory_space<vmem>> -> memref<64x128xf32, #tpu.memory_space<vmem>>
      %dma_start3A_109 = arith.constant 0 : i32
      %dma_start3A_110 = tpu.memref_slice %arg11[%arg0, %add3A_97, %dma_start3A_109] : memref<2x5120x128xf32, #tpu.memory_space<hbm>> -> memref<1x64x128xf32, #tpu.memory_space<hbm>>
      %dma_start3A_111 = tpu.memref_squeeze %dma_start3A_110 : memref<1x64x128xf32, #tpu.memory_space<hbm>> -> memref<64x128xf32, #tpu.memory_space<hbm>>
      %dma_start3A_112 = arith.constant 0 : i32
      %dma_start3A_113 = tpu.memref_slice %arg11[%arg0, %add3A_97, %dma_start3A_112] : memref<2x5120x128xf32, #tpu.memory_space<hbm>> -> memref<1x64x128xf32, #tpu.memory_space<hbm>>
      %dma_start3A_114 = tpu.memref_squeeze %dma_start3A_113 : memref<1x64x128xf32, #tpu.memory_space<hbm>> -> memref<64x128xf32, #tpu.memory_space<hbm>>
      %dma_start3A_115 = arith.constant 0 : i32
      %dma_start3A_116 = arith.constant 0 : i32
      %dma_start3A_117 = tpu.memref_slice %arg27[%dma_start3A_115, %dma_start3A_116] : memref<128x128xf32, #tpu.memory_space<vmem>> -> memref<64x128xf32, #tpu.memory_space<vmem>>
      tpu.enqueue_dma source(%dma_start3A_117 : memref<64x128xf32, #tpu.memory_space<vmem>>) target(%dma_start3A_114 : memref<64x128xf32, #tpu.memory_space<hbm>>) target_semaphore(%run_scoped3A : memref<!tpu.dma_semaphore, #tpu.memory_space<semaphore_mem>>)
      %dma_wait3A = arith.constant 0 : i32
      %dma_wait3A_118 = arith.constant 0 : i32
      %dma_wait3A_119 = tpu.memref_slice %arg27[%dma_wait3A, %dma_wait3A_118] : memref<128x128xf32, #tpu.memory_space<vmem>> -> memref<64x128xf32, #tpu.memory_space<vmem>>
      %dma_wait3A_120 = arith.constant 0 : i32
      %dma_wait3A_121 = tpu.memref_slice %arg11[%arg0, %add3A_97, %dma_wait3A_120] : memref<2x5120x128xf32, #tpu.memory_space<hbm>> -> memref<1x64x128xf32, #tpu.memory_space<hbm>>
      %dma_wait3A_122 = tpu.memref_squeeze %dma_wait3A_121 : memref<1x64x128xf32, #tpu.memory_space<hbm>> -> memref<64x128xf32, #tpu.memory_space<hbm>>
      %dma_wait3A_123 = arith.constant 0 : i32
      %dma_wait3A_124 = tpu.memref_slice %arg11[%arg0, %add3A_97, %dma_wait3A_123] : memref<2x5120x128xf32, #tpu.memory_space<hbm>> -> memref<1x64x128xf32, #tpu.memory_space<hbm>>
      %dma_wait3A_125 = tpu.memref_squeeze %dma_wait3A_124 : memref<1x64x128xf32, #tpu.memory_space<hbm>> -> memref<64x128xf32, #tpu.memory_space<hbm>>
      %dma_wait3A_126 = arith.constant 0 : i32
      %dma_wait3A_127 = arith.constant 0 : i32
      %dma_wait3A_128 = tpu.memref_slice %arg27[%dma_wait3A_126, %dma_wait3A_127] : memref<128x128xf32, #tpu.memory_space<vmem>> -> memref<64x128xf32, #tpu.memory_space<vmem>>
      tpu.wait_dma2 semaphore(%run_scoped3A : memref<!tpu.dma_semaphore, #tpu.memory_space<semaphore_mem>>) src(%dma_wait3A_128 : memref<64x128xf32, #tpu.memory_space<vmem>>) dst(%dma_wait3A_125 : memref<64x128xf32, #tpu.memory_space<hbm>>)
      tpu.yield
    }) : () -> ()
    "tpu.region"() ({
      %run_scoped3A = tpu.sem_alloc : memref<!tpu.dma_semaphore, #tpu.memory_space<semaphore_mem>>
      %dma_start3A_106 = arith.constant 0 : i32
      %dma_start3A_107 = arith.constant 0 : i32
      %dma_start3A_108 = tpu.memref_slice %arg26[%dma_start3A_106, %dma_start3A_107] : memref<128x16xf32, #tpu.memory_space<vmem>> -> memref<64x16xf32, #tpu.memory_space<vmem>>
      %dma_start3A_109 = arith.constant 0 : i32
      %dma_start3A_110 = tpu.memref_slice %arg39[%add3A_97, %dma_start3A_109] : memref<5120x16xf32, #tpu.memory_space<vmem_shared>> -> memref<64x16xf32, #tpu.memory_space<vmem_shared>>
      %dma_start3A_111 = arith.constant 0 : i32
      %dma_start3A_112 = arith.constant 0 : i32
      %dma_start3A_113 = tpu.memref_slice %arg26[%dma_start3A_111, %dma_start3A_112] : memref<128x16xf32, #tpu.memory_space<vmem>> -> memref<64x16xf32, #tpu.memory_space<vmem>>
      %dma_start3A_114 = arith.constant 0 : i32
      %dma_start3A_115 = tpu.memref_slice %arg39[%add3A_97, %dma_start3A_114] : memref<5120x16xf32, #tpu.memory_space<vmem_shared>> -> memref<64x16xf32, #tpu.memory_space<vmem_shared>>
      tpu.enqueue_dma source(%dma_start3A_115 : memref<64x16xf32, #tpu.memory_space<vmem_shared>>) target(%dma_start3A_113 : memref<64x16xf32, #tpu.memory_space<vmem>>) target_semaphore(%run_scoped3A : memref<!tpu.dma_semaphore, #tpu.memory_space<semaphore_mem>>)
      %dma_wait3A = arith.constant 0 : i32
      %dma_wait3A_116 = arith.constant 0 : i32
      %dma_wait3A_117 = tpu.memref_slice %arg26[%dma_wait3A, %dma_wait3A_116] : memref<128x16xf32, #tpu.memory_space<vmem>> -> memref<64x16xf32, #tpu.memory_space<vmem>>
      %dma_wait3A_118 = arith.constant 0 : i32
      %dma_wait3A_119 = tpu.memref_slice %arg39[%add3A_97, %dma_wait3A_118] : memref<5120x16xf32, #tpu.memory_space<vmem_shared>> -> memref<64x16xf32, #tpu.memory_space<vmem_shared>>
      %dma_wait3A_120 = arith.constant 0 : i32
      %dma_wait3A_121 = arith.constant 0 : i32
      %dma_wait3A_122 = tpu.memref_slice %arg26[%dma_wait3A_120, %dma_wait3A_121] : memref<128x16xf32, #tpu.memory_space<vmem>> -> memref<64x16xf32, #tpu.memory_space<vmem>>
      %dma_wait3A_123 = arith.constant 0 : i32
      %dma_wait3A_124 = tpu.memref_slice %arg39[%add3A_97, %dma_wait3A_123] : memref<5120x16xf32, #tpu.memory_space<vmem_shared>> -> memref<64x16xf32, #tpu.memory_space<vmem_shared>>
      tpu.wait_dma2 semaphore(%run_scoped3A : memref<!tpu.dma_semaphore, #tpu.memory_space<semaphore_mem>>) src(%dma_wait3A_124 : memref<64x16xf32, #tpu.memory_space<vmem_shared>>) dst(%dma_wait3A_122 : memref<64x16xf32, #tpu.memory_space<vmem>>)
      tpu.yield
    }) : () -> ()
    "tpu.region"() ({
      %run_scoped3A = tpu.sem_alloc : memref<!tpu.dma_semaphore, #tpu.memory_space<semaphore_mem>>
      %dma_start3A_106 = arith.constant 0 : i32
      %dma_start3A_107 = arith.constant 0 : i32
      %dma_start3A_108 = tpu.memref_slice %arg26[%dma_start3A_106, %dma_start3A_107] : memref<128x16xf32, #tpu.memory_space<vmem>> -> memref<64x16xf32, #tpu.memory_space<vmem>>
      %dma_start3A_109 = arith.constant 0 : i32
      %dma_start3A_110 = tpu.memref_slice %arg12[%arg0, %add3A_97, %dma_start3A_109] : memref<2x5120x16xf32, #tpu.memory_space<hbm>> -> memref<1x64x16xf32, #tpu.memory_space<hbm>>
      %dma_start3A_111 = tpu.memref_squeeze %dma_start3A_110 : memref<1x64x16xf32, #tpu.memory_space<hbm>> -> memref<64x16xf32, #tpu.memory_space<hbm>>
      %dma_start3A_112 = arith.constant 0 : i32
      %dma_start3A_113 = tpu.memref_slice %arg12[%arg0, %add3A_97, %dma_start3A_112] : memref<2x5120x16xf32, #tpu.memory_space<hbm>> -> memref<1x64x16xf32, #tpu.memory_space<hbm>>
      %dma_start3A_114 = tpu.memref_squeeze %dma_start3A_113 : memref<1x64x16xf32, #tpu.memory_space<hbm>> -> memref<64x16xf32, #tpu.memory_space<hbm>>
      %dma_start3A_115 = arith.constant 0 : i32
      %dma_start3A_116 = arith.constant 0 : i32
      %dma_start3A_117 = tpu.memref_slice %arg26[%dma_start3A_115, %dma_start3A_116] : memref<128x16xf32, #tpu.memory_space<vmem>> -> memref<64x16xf32, #tpu.memory_space<vmem>>
      tpu.enqueue_dma source(%dma_start3A_117 : memref<64x16xf32, #tpu.memory_space<vmem>>) target(%dma_start3A_114 : memref<64x16xf32, #tpu.memory_space<hbm>>) target_semaphore(%run_scoped3A : memref<!tpu.dma_semaphore, #tpu.memory_space<semaphore_mem>>)
      %dma_wait3A = arith.constant 0 : i32
      %dma_wait3A_118 = arith.constant 0 : i32
      %dma_wait3A_119 = tpu.memref_slice %arg26[%dma_wait3A, %dma_wait3A_118] : memref<128x16xf32, #tpu.memory_space<vmem>> -> memref<64x16xf32, #tpu.memory_space<vmem>>
      %dma_wait3A_120 = arith.constant 0 : i32
      %dma_wait3A_121 = tpu.memref_slice %arg12[%arg0, %add3A_97, %dma_wait3A_120] : memref<2x5120x16xf32, #tpu.memory_space<hbm>> -> memref<1x64x16xf32, #tpu.memory_space<hbm>>
      %dma_wait3A_122 = tpu.memref_squeeze %dma_wait3A_121 : memref<1x64x16xf32, #tpu.memory_space<hbm>> -> memref<64x16xf32, #tpu.memory_space<hbm>>
      %dma_wait3A_123 = arith.constant 0 : i32
      %dma_wait3A_124 = tpu.memref_slice %arg12[%arg0, %add3A_97, %dma_wait3A_123] : memref<2x5120x16xf32, #tpu.memory_space<hbm>> -> memref<1x64x16xf32, #tpu.memory_space<hbm>>
      %dma_wait3A_125 = tpu.memref_squeeze %dma_wait3A_124 : memref<1x64x16xf32, #tpu.memory_space<hbm>> -> memref<64x16xf32, #tpu.memory_space<hbm>>
      %dma_wait3A_126 = arith.constant 0 : i32
      %dma_wait3A_127 = arith.constant 0 : i32
      %dma_wait3A_128 = tpu.memref_slice %arg26[%dma_wait3A_126, %dma_wait3A_127] : memref<128x16xf32, #tpu.memory_space<vmem>> -> memref<64x16xf32, #tpu.memory_space<vmem>>
      tpu.wait_dma2 semaphore(%run_scoped3A : memref<!tpu.dma_semaphore, #tpu.memory_space<semaphore_mem>>) src(%dma_wait3A_128 : memref<64x16xf32, #tpu.memory_space<vmem>>) dst(%dma_wait3A_125 : memref<64x16xf32, #tpu.memory_space<hbm>>)
      tpu.yield
    }) : () -> ()
    %mul3A_98 = arith.constant 320 : i32
    %mul3A_99 = arith.muli %arg1, %mul3A_98 : i32
    %add3A_100 = arith.constant 192 : i32
    %add3A_101 = arith.addi %mul3A_99, %add3A_100 : i32
    "tpu.region"() ({
      %run_scoped3A = tpu.sem_alloc : memref<!tpu.dma_semaphore, #tpu.memory_space<semaphore_mem>>
      %dma_start3A_106 = arith.constant 0 : i32
      %dma_start3A_107 = arith.constant 0 : i32
      %dma_start3A_108 = tpu.memref_slice %arg27[%dma_start3A_106, %dma_start3A_107] : memref<128x128xf32, #tpu.memory_space<vmem>> -> memref<64x128xf32, #tpu.memory_space<vmem>>
      %dma_start3A_109 = arith.constant 0 : i32
      %dma_start3A_110 = tpu.memref_slice %arg38[%add3A_101, %dma_start3A_109] : memref<5120x128xf32, #tpu.memory_space<vmem_shared>> -> memref<64x128xf32, #tpu.memory_space<vmem_shared>>
      %dma_start3A_111 = arith.constant 0 : i32
      %dma_start3A_112 = arith.constant 0 : i32
      %dma_start3A_113 = tpu.memref_slice %arg27[%dma_start3A_111, %dma_start3A_112] : memref<128x128xf32, #tpu.memory_space<vmem>> -> memref<64x128xf32, #tpu.memory_space<vmem>>
      %dma_start3A_114 = arith.constant 0 : i32
      %dma_start3A_115 = tpu.memref_slice %arg38[%add3A_101, %dma_start3A_114] : memref<5120x128xf32, #tpu.memory_space<vmem_shared>> -> memref<64x128xf32, #tpu.memory_space<vmem_shared>>
      tpu.enqueue_dma source(%dma_start3A_115 : memref<64x128xf32, #tpu.memory_space<vmem_shared>>) target(%dma_start3A_113 : memref<64x128xf32, #tpu.memory_space<vmem>>) target_semaphore(%run_scoped3A : memref<!tpu.dma_semaphore, #tpu.memory_space<semaphore_mem>>)
      %dma_wait3A = arith.constant 0 : i32
      %dma_wait3A_116 = arith.constant 0 : i32
      %dma_wait3A_117 = tpu.memref_slice %arg27[%dma_wait3A, %dma_wait3A_116] : memref<128x128xf32, #tpu.memory_space<vmem>> -> memref<64x128xf32, #tpu.memory_space<vmem>>
      %dma_wait3A_118 = arith.constant 0 : i32
      %dma_wait3A_119 = tpu.memref_slice %arg38[%add3A_101, %dma_wait3A_118] : memref<5120x128xf32, #tpu.memory_space<vmem_shared>> -> memref<64x128xf32, #tpu.memory_space<vmem_shared>>
      %dma_wait3A_120 = arith.constant 0 : i32
      %dma_wait3A_121 = arith.constant 0 : i32
      %dma_wait3A_122 = tpu.memref_slice %arg27[%dma_wait3A_120, %dma_wait3A_121] : memref<128x128xf32, #tpu.memory_space<vmem>> -> memref<64x128xf32, #tpu.memory_space<vmem>>
      %dma_wait3A_123 = arith.constant 0 : i32
      %dma_wait3A_124 = tpu.memref_slice %arg38[%add3A_101, %dma_wait3A_123] : memref<5120x128xf32, #tpu.memory_space<vmem_shared>> -> memref<64x128xf32, #tpu.memory_space<vmem_shared>>
      tpu.wait_dma2 semaphore(%run_scoped3A : memref<!tpu.dma_semaphore, #tpu.memory_space<semaphore_mem>>) src(%dma_wait3A_124 : memref<64x128xf32, #tpu.memory_space<vmem_shared>>) dst(%dma_wait3A_122 : memref<64x128xf32, #tpu.memory_space<vmem>>)
      tpu.yield
    }) : () -> ()
    "tpu.region"() ({
      %run_scoped3A = tpu.sem_alloc : memref<!tpu.dma_semaphore, #tpu.memory_space<semaphore_mem>>
      %dma_start3A_106 = arith.constant 0 : i32
      %dma_start3A_107 = arith.constant 0 : i32
      %dma_start3A_108 = tpu.memref_slice %arg27[%dma_start3A_106, %dma_start3A_107] : memref<128x128xf32, #tpu.memory_space<vmem>> -> memref<64x128xf32, #tpu.memory_space<vmem>>
      %dma_start3A_109 = arith.constant 0 : i32
      %dma_start3A_110 = tpu.memref_slice %arg11[%arg0, %add3A_101, %dma_start3A_109] : memref<2x5120x128xf32, #tpu.memory_space<hbm>> -> memref<1x64x128xf32, #tpu.memory_space<hbm>>
      %dma_start3A_111 = tpu.memref_squeeze %dma_start3A_110 : memref<1x64x128xf32, #tpu.memory_space<hbm>> -> memref<64x128xf32, #tpu.memory_space<hbm>>
      %dma_start3A_112 = arith.constant 0 : i32
      %dma_start3A_113 = tpu.memref_slice %arg11[%arg0, %add3A_101, %dma_start3A_112] : memref<2x5120x128xf32, #tpu.memory_space<hbm>> -> memref<1x64x128xf32, #tpu.memory_space<hbm>>
      %dma_start3A_114 = tpu.memref_squeeze %dma_start3A_113 : memref<1x64x128xf32, #tpu.memory_space<hbm>> -> memref<64x128xf32, #tpu.memory_space<hbm>>
      %dma_start3A_115 = arith.constant 0 : i32
      %dma_start3A_116 = arith.constant 0 : i32
      %dma_start3A_117 = tpu.memref_slice %arg27[%dma_start3A_115, %dma_start3A_116] : memref<128x128xf32, #tpu.memory_space<vmem>> -> memref<64x128xf32, #tpu.memory_space<vmem>>
      tpu.enqueue_dma source(%dma_start3A_117 : memref<64x128xf32, #tpu.memory_space<vmem>>) target(%dma_start3A_114 : memref<64x128xf32, #tpu.memory_space<hbm>>) target_semaphore(%run_scoped3A : memref<!tpu.dma_semaphore, #tpu.memory_space<semaphore_mem>>)
      %dma_wait3A = arith.constant 0 : i32
      %dma_wait3A_118 = arith.constant 0 : i32
      %dma_wait3A_119 = tpu.memref_slice %arg27[%dma_wait3A, %dma_wait3A_118] : memref<128x128xf32, #tpu.memory_space<vmem>> -> memref<64x128xf32, #tpu.memory_space<vmem>>
      %dma_wait3A_120 = arith.constant 0 : i32
      %dma_wait3A_121 = tpu.memref_slice %arg11[%arg0, %add3A_101, %dma_wait3A_120] : memref<2x5120x128xf32, #tpu.memory_space<hbm>> -> memref<1x64x128xf32, #tpu.memory_space<hbm>>
      %dma_wait3A_122 = tpu.memref_squeeze %dma_wait3A_121 : memref<1x64x128xf32, #tpu.memory_space<hbm>> -> memref<64x128xf32, #tpu.memory_space<hbm>>
      %dma_wait3A_123 = arith.constant 0 : i32
      %dma_wait3A_124 = tpu.memref_slice %arg11[%arg0, %add3A_101, %dma_wait3A_123] : memref<2x5120x128xf32, #tpu.memory_space<hbm>> -> memref<1x64x128xf32, #tpu.memory_space<hbm>>
      %dma_wait3A_125 = tpu.memref_squeeze %dma_wait3A_124 : memref<1x64x128xf32, #tpu.memory_space<hbm>> -> memref<64x128xf32, #tpu.memory_space<hbm>>
      %dma_wait3A_126 = arith.constant 0 : i32
      %dma_wait3A_127 = arith.constant 0 : i32
      %dma_wait3A_128 = tpu.memref_slice %arg27[%dma_wait3A_126, %dma_wait3A_127] : memref<128x128xf32, #tpu.memory_space<vmem>> -> memref<64x128xf32, #tpu.memory_space<vmem>>
      tpu.wait_dma2 semaphore(%run_scoped3A : memref<!tpu.dma_semaphore, #tpu.memory_space<semaphore_mem>>) src(%dma_wait3A_128 : memref<64x128xf32, #tpu.memory_space<vmem>>) dst(%dma_wait3A_125 : memref<64x128xf32, #tpu.memory_space<hbm>>)
      tpu.yield
    }) : () -> ()
    "tpu.region"() ({
      %run_scoped3A = tpu.sem_alloc : memref<!tpu.dma_semaphore, #tpu.memory_space<semaphore_mem>>
      %dma_start3A_106 = arith.constant 0 : i32
      %dma_start3A_107 = arith.constant 0 : i32
      %dma_start3A_108 = tpu.memref_slice %arg26[%dma_start3A_106, %dma_start3A_107] : memref<128x16xf32, #tpu.memory_space<vmem>> -> memref<64x16xf32, #tpu.memory_space<vmem>>
      %dma_start3A_109 = arith.constant 0 : i32
      %dma_start3A_110 = tpu.memref_slice %arg39[%add3A_101, %dma_start3A_109] : memref<5120x16xf32, #tpu.memory_space<vmem_shared>> -> memref<64x16xf32, #tpu.memory_space<vmem_shared>>
      %dma_start3A_111 = arith.constant 0 : i32
      %dma_start3A_112 = arith.constant 0 : i32
      %dma_start3A_113 = tpu.memref_slice %arg26[%dma_start3A_111, %dma_start3A_112] : memref<128x16xf32, #tpu.memory_space<vmem>> -> memref<64x16xf32, #tpu.memory_space<vmem>>
      %dma_start3A_114 = arith.constant 0 : i32
      %dma_start3A_115 = tpu.memref_slice %arg39[%add3A_101, %dma_start3A_114] : memref<5120x16xf32, #tpu.memory_space<vmem_shared>> -> memref<64x16xf32, #tpu.memory_space<vmem_shared>>
      tpu.enqueue_dma source(%dma_start3A_115 : memref<64x16xf32, #tpu.memory_space<vmem_shared>>) target(%dma_start3A_113 : memref<64x16xf32, #tpu.memory_space<vmem>>) target_semaphore(%run_scoped3A : memref<!tpu.dma_semaphore, #tpu.memory_space<semaphore_mem>>)
      %dma_wait3A = arith.constant 0 : i32
      %dma_wait3A_116 = arith.constant 0 : i32
      %dma_wait3A_117 = tpu.memref_slice %arg26[%dma_wait3A, %dma_wait3A_116] : memref<128x16xf32, #tpu.memory_space<vmem>> -> memref<64x16xf32, #tpu.memory_space<vmem>>
      %dma_wait3A_118 = arith.constant 0 : i32
      %dma_wait3A_119 = tpu.memref_slice %arg39[%add3A_101, %dma_wait3A_118] : memref<5120x16xf32, #tpu.memory_space<vmem_shared>> -> memref<64x16xf32, #tpu.memory_space<vmem_shared>>
      %dma_wait3A_120 = arith.constant 0 : i32
      %dma_wait3A_121 = arith.constant 0 : i32
      %dma_wait3A_122 = tpu.memref_slice %arg26[%dma_wait3A_120, %dma_wait3A_121] : memref<128x16xf32, #tpu.memory_space<vmem>> -> memref<64x16xf32, #tpu.memory_space<vmem>>
      %dma_wait3A_123 = arith.constant 0 : i32
      %dma_wait3A_124 = tpu.memref_slice %arg39[%add3A_101, %dma_wait3A_123] : memref<5120x16xf32, #tpu.memory_space<vmem_shared>> -> memref<64x16xf32, #tpu.memory_space<vmem_shared>>
      tpu.wait_dma2 semaphore(%run_scoped3A : memref<!tpu.dma_semaphore, #tpu.memory_space<semaphore_mem>>) src(%dma_wait3A_124 : memref<64x16xf32, #tpu.memory_space<vmem_shared>>) dst(%dma_wait3A_122 : memref<64x16xf32, #tpu.memory_space<vmem>>)
      tpu.yield
    }) : () -> ()
    "tpu.region"() ({
      %run_scoped3A = tpu.sem_alloc : memref<!tpu.dma_semaphore, #tpu.memory_space<semaphore_mem>>
      %dma_start3A_106 = arith.constant 0 : i32
      %dma_start3A_107 = arith.constant 0 : i32
      %dma_start3A_108 = tpu.memref_slice %arg26[%dma_start3A_106, %dma_start3A_107] : memref<128x16xf32, #tpu.memory_space<vmem>> -> memref<64x16xf32, #tpu.memory_space<vmem>>
      %dma_start3A_109 = arith.constant 0 : i32
      %dma_start3A_110 = tpu.memref_slice %arg12[%arg0, %add3A_101, %dma_start3A_109] : memref<2x5120x16xf32, #tpu.memory_space<hbm>> -> memref<1x64x16xf32, #tpu.memory_space<hbm>>
      %dma_start3A_111 = tpu.memref_squeeze %dma_start3A_110 : memref<1x64x16xf32, #tpu.memory_space<hbm>> -> memref<64x16xf32, #tpu.memory_space<hbm>>
      %dma_start3A_112 = arith.constant 0 : i32
      %dma_start3A_113 = tpu.memref_slice %arg12[%arg0, %add3A_101, %dma_start3A_112] : memref<2x5120x16xf32, #tpu.memory_space<hbm>> -> memref<1x64x16xf32, #tpu.memory_space<hbm>>
      %dma_start3A_114 = tpu.memref_squeeze %dma_start3A_113 : memref<1x64x16xf32, #tpu.memory_space<hbm>> -> memref<64x16xf32, #tpu.memory_space<hbm>>
      %dma_start3A_115 = arith.constant 0 : i32
      %dma_start3A_116 = arith.constant 0 : i32
      %dma_start3A_117 = tpu.memref_slice %arg26[%dma_start3A_115, %dma_start3A_116] : memref<128x16xf32, #tpu.memory_space<vmem>> -> memref<64x16xf32, #tpu.memory_space<vmem>>
      tpu.enqueue_dma source(%dma_start3A_117 : memref<64x16xf32, #tpu.memory_space<vmem>>) target(%dma_start3A_114 : memref<64x16xf32, #tpu.memory_space<hbm>>) target_semaphore(%run_scoped3A : memref<!tpu.dma_semaphore, #tpu.memory_space<semaphore_mem>>)
      %dma_wait3A = arith.constant 0 : i32
      %dma_wait3A_118 = arith.constant 0 : i32
      %dma_wait3A_119 = tpu.memref_slice %arg26[%dma_wait3A, %dma_wait3A_118] : memref<128x16xf32, #tpu.memory_space<vmem>> -> memref<64x16xf32, #tpu.memory_space<vmem>>
      %dma_wait3A_120 = arith.constant 0 : i32
      %dma_wait3A_121 = tpu.memref_slice %arg12[%arg0, %add3A_101, %dma_wait3A_120] : memref<2x5120x16xf32, #tpu.memory_space<hbm>> -> memref<1x64x16xf32, #tpu.memory_space<hbm>>
      %dma_wait3A_122 = tpu.memref_squeeze %dma_wait3A_121 : memref<1x64x16xf32, #tpu.memory_space<hbm>> -> memref<64x16xf32, #tpu.memory_space<hbm>>
      %dma_wait3A_123 = arith.constant 0 : i32
      %dma_wait3A_124 = tpu.memref_slice %arg12[%arg0, %add3A_101, %dma_wait3A_123] : memref<2x5120x16xf32, #tpu.memory_space<hbm>> -> memref<1x64x16xf32, #tpu.memory_space<hbm>>
      %dma_wait3A_125 = tpu.memref_squeeze %dma_wait3A_124 : memref<1x64x16xf32, #tpu.memory_space<hbm>> -> memref<64x16xf32, #tpu.memory_space<hbm>>
      %dma_wait3A_126 = arith.constant 0 : i32
      %dma_wait3A_127 = arith.constant 0 : i32
      %dma_wait3A_128 = tpu.memref_slice %arg26[%dma_wait3A_126, %dma_wait3A_127] : memref<128x16xf32, #tpu.memory_space<vmem>> -> memref<64x16xf32, #tpu.memory_space<vmem>>
      tpu.wait_dma2 semaphore(%run_scoped3A : memref<!tpu.dma_semaphore, #tpu.memory_space<semaphore_mem>>) src(%dma_wait3A_128 : memref<64x16xf32, #tpu.memory_space<vmem>>) dst(%dma_wait3A_125 : memref<64x16xf32, #tpu.memory_space<hbm>>)
      tpu.yield
    }) : () -> ()
    %mul3A_102 = arith.constant 320 : i32
    %mul3A_103 = arith.muli %arg1, %mul3A_102 : i32
    %add3A_104 = arith.constant 256 : i32
    %add3A_105 = arith.addi %mul3A_103, %add3A_104 : i32
    "tpu.region"() ({
      %run_scoped3A = tpu.sem_alloc : memref<!tpu.dma_semaphore, #tpu.memory_space<semaphore_mem>>
      %dma_start3A_106 = arith.constant 0 : i32
      %dma_start3A_107 = arith.constant 0 : i32
      %dma_start3A_108 = tpu.memref_slice %arg27[%dma_start3A_106, %dma_start3A_107] : memref<128x128xf32, #tpu.memory_space<vmem>> -> memref<64x128xf32, #tpu.memory_space<vmem>>
      %dma_start3A_109 = arith.constant 0 : i32
      %dma_start3A_110 = tpu.memref_slice %arg38[%add3A_105, %dma_start3A_109] : memref<5120x128xf32, #tpu.memory_space<vmem_shared>> -> memref<64x128xf32, #tpu.memory_space<vmem_shared>>
      %dma_start3A_111 = arith.constant 0 : i32
      %dma_start3A_112 = arith.constant 0 : i32
      %dma_start3A_113 = tpu.memref_slice %arg27[%dma_start3A_111, %dma_start3A_112] : memref<128x128xf32, #tpu.memory_space<vmem>> -> memref<64x128xf32, #tpu.memory_space<vmem>>
      %dma_start3A_114 = arith.constant 0 : i32
      %dma_start3A_115 = tpu.memref_slice %arg38[%add3A_105, %dma_start3A_114] : memref<5120x128xf32, #tpu.memory_space<vmem_shared>> -> memref<64x128xf32, #tpu.memory_space<vmem_shared>>
      tpu.enqueue_dma source(%dma_start3A_115 : memref<64x128xf32, #tpu.memory_space<vmem_shared>>) target(%dma_start3A_113 : memref<64x128xf32, #tpu.memory_space<vmem>>) target_semaphore(%run_scoped3A : memref<!tpu.dma_semaphore, #tpu.memory_space<semaphore_mem>>)
      %dma_wait3A = arith.constant 0 : i32
      %dma_wait3A_116 = arith.constant 0 : i32
      %dma_wait3A_117 = tpu.memref_slice %arg27[%dma_wait3A, %dma_wait3A_116] : memref<128x128xf32, #tpu.memory_space<vmem>> -> memref<64x128xf32, #tpu.memory_space<vmem>>
      %dma_wait3A_118 = arith.constant 0 : i32
      %dma_wait3A_119 = tpu.memref_slice %arg38[%add3A_105, %dma_wait3A_118] : memref<5120x128xf32, #tpu.memory_space<vmem_shared>> -> memref<64x128xf32, #tpu.memory_space<vmem_shared>>
      %dma_wait3A_120 = arith.constant 0 : i32
      %dma_wait3A_121 = arith.constant 0 : i32
      %dma_wait3A_122 = tpu.memref_slice %arg27[%dma_wait3A_120, %dma_wait3A_121] : memref<128x128xf32, #tpu.memory_space<vmem>> -> memref<64x128xf32, #tpu.memory_space<vmem>>
      %dma_wait3A_123 = arith.constant 0 : i32
      %dma_wait3A_124 = tpu.memref_slice %arg38[%add3A_105, %dma_wait3A_123] : memref<5120x128xf32, #tpu.memory_space<vmem_shared>> -> memref<64x128xf32, #tpu.memory_space<vmem_shared>>
      tpu.wait_dma2 semaphore(%run_scoped3A : memref<!tpu.dma_semaphore, #tpu.memory_space<semaphore_mem>>) src(%dma_wait3A_124 : memref<64x128xf32, #tpu.memory_space<vmem_shared>>) dst(%dma_wait3A_122 : memref<64x128xf32, #tpu.memory_space<vmem>>)
      tpu.yield
    }) : () -> ()
    "tpu.region"() ({
      %run_scoped3A = tpu.sem_alloc : memref<!tpu.dma_semaphore, #tpu.memory_space<semaphore_mem>>
      %dma_start3A_106 = arith.constant 0 : i32
      %dma_start3A_107 = arith.constant 0 : i32
      %dma_start3A_108 = tpu.memref_slice %arg27[%dma_start3A_106, %dma_start3A_107] : memref<128x128xf32, #tpu.memory_space<vmem>> -> memref<64x128xf32, #tpu.memory_space<vmem>>
      %dma_start3A_109 = arith.constant 0 : i32
      %dma_start3A_110 = tpu.memref_slice %arg11[%arg0, %add3A_105, %dma_start3A_109] : memref<2x5120x128xf32, #tpu.memory_space<hbm>> -> memref<1x64x128xf32, #tpu.memory_space<hbm>>
      %dma_start3A_111 = tpu.memref_squeeze %dma_start3A_110 : memref<1x64x128xf32, #tpu.memory_space<hbm>> -> memref<64x128xf32, #tpu.memory_space<hbm>>
      %dma_start3A_112 = arith.constant 0 : i32
      %dma_start3A_113 = tpu.memref_slice %arg11[%arg0, %add3A_105, %dma_start3A_112] : memref<2x5120x128xf32, #tpu.memory_space<hbm>> -> memref<1x64x128xf32, #tpu.memory_space<hbm>>
      %dma_start3A_114 = tpu.memref_squeeze %dma_start3A_113 : memref<1x64x128xf32, #tpu.memory_space<hbm>> -> memref<64x128xf32, #tpu.memory_space<hbm>>
      %dma_start3A_115 = arith.constant 0 : i32
      %dma_start3A_116 = arith.constant 0 : i32
      %dma_start3A_117 = tpu.memref_slice %arg27[%dma_start3A_115, %dma_start3A_116] : memref<128x128xf32, #tpu.memory_space<vmem>> -> memref<64x128xf32, #tpu.memory_space<vmem>>
      tpu.enqueue_dma source(%dma_start3A_117 : memref<64x128xf32, #tpu.memory_space<vmem>>) target(%dma_start3A_114 : memref<64x128xf32, #tpu.memory_space<hbm>>) target_semaphore(%run_scoped3A : memref<!tpu.dma_semaphore, #tpu.memory_space<semaphore_mem>>)
      %dma_wait3A = arith.constant 0 : i32
      %dma_wait3A_118 = arith.constant 0 : i32
      %dma_wait3A_119 = tpu.memref_slice %arg27[%dma_wait3A, %dma_wait3A_118] : memref<128x128xf32, #tpu.memory_space<vmem>> -> memref<64x128xf32, #tpu.memory_space<vmem>>
      %dma_wait3A_120 = arith.constant 0 : i32
      %dma_wait3A_121 = tpu.memref_slice %arg11[%arg0, %add3A_105, %dma_wait3A_120] : memref<2x5120x128xf32, #tpu.memory_space<hbm>> -> memref<1x64x128xf32, #tpu.memory_space<hbm>>
      %dma_wait3A_122 = tpu.memref_squeeze %dma_wait3A_121 : memref<1x64x128xf32, #tpu.memory_space<hbm>> -> memref<64x128xf32, #tpu.memory_space<hbm>>
      %dma_wait3A_123 = arith.constant 0 : i32
      %dma_wait3A_124 = tpu.memref_slice %arg11[%arg0, %add3A_105, %dma_wait3A_123] : memref<2x5120x128xf32, #tpu.memory_space<hbm>> -> memref<1x64x128xf32, #tpu.memory_space<hbm>>
      %dma_wait3A_125 = tpu.memref_squeeze %dma_wait3A_124 : memref<1x64x128xf32, #tpu.memory_space<hbm>> -> memref<64x128xf32, #tpu.memory_space<hbm>>
      %dma_wait3A_126 = arith.constant 0 : i32
      %dma_wait3A_127 = arith.constant 0 : i32
      %dma_wait3A_128 = tpu.memref_slice %arg27[%dma_wait3A_126, %dma_wait3A_127] : memref<128x128xf32, #tpu.memory_space<vmem>> -> memref<64x128xf32, #tpu.memory_space<vmem>>
      tpu.wait_dma2 semaphore(%run_scoped3A : memref<!tpu.dma_semaphore, #tpu.memory_space<semaphore_mem>>) src(%dma_wait3A_128 : memref<64x128xf32, #tpu.memory_space<vmem>>) dst(%dma_wait3A_125 : memref<64x128xf32, #tpu.memory_space<hbm>>)
      tpu.yield
    }) : () -> ()
    "tpu.region"() ({
      %run_scoped3A = tpu.sem_alloc : memref<!tpu.dma_semaphore, #tpu.memory_space<semaphore_mem>>
      %dma_start3A_106 = arith.constant 0 : i32
      %dma_start3A_107 = arith.constant 0 : i32
      %dma_start3A_108 = tpu.memref_slice %arg26[%dma_start3A_106, %dma_start3A_107] : memref<128x16xf32, #tpu.memory_space<vmem>> -> memref<64x16xf32, #tpu.memory_space<vmem>>
      %dma_start3A_109 = arith.constant 0 : i32
      %dma_start3A_110 = tpu.memref_slice %arg39[%add3A_105, %dma_start3A_109] : memref<5120x16xf32, #tpu.memory_space<vmem_shared>> -> memref<64x16xf32, #tpu.memory_space<vmem_shared>>
      %dma_start3A_111 = arith.constant 0 : i32
      %dma_start3A_112 = arith.constant 0 : i32
      %dma_start3A_113 = tpu.memref_slice %arg26[%dma_start3A_111, %dma_start3A_112] : memref<128x16xf32, #tpu.memory_space<vmem>> -> memref<64x16xf32, #tpu.memory_space<vmem>>
      %dma_start3A_114 = arith.constant 0 : i32
      %dma_start3A_115 = tpu.memref_slice %arg39[%add3A_105, %dma_start3A_114] : memref<5120x16xf32, #tpu.memory_space<vmem_shared>> -> memref<64x16xf32, #tpu.memory_space<vmem_shared>>
      tpu.enqueue_dma source(%dma_start3A_115 : memref<64x16xf32, #tpu.memory_space<vmem_shared>>) target(%dma_start3A_113 : memref<64x16xf32, #tpu.memory_space<vmem>>) target_semaphore(%run_scoped3A : memref<!tpu.dma_semaphore, #tpu.memory_space<semaphore_mem>>)
      %dma_wait3A = arith.constant 0 : i32
      %dma_wait3A_116 = arith.constant 0 : i32
      %dma_wait3A_117 = tpu.memref_slice %arg26[%dma_wait3A, %dma_wait3A_116] : memref<128x16xf32, #tpu.memory_space<vmem>> -> memref<64x16xf32, #tpu.memory_space<vmem>>
      %dma_wait3A_118 = arith.constant 0 : i32
      %dma_wait3A_119 = tpu.memref_slice %arg39[%add3A_105, %dma_wait3A_118] : memref<5120x16xf32, #tpu.memory_space<vmem_shared>> -> memref<64x16xf32, #tpu.memory_space<vmem_shared>>
      %dma_wait3A_120 = arith.constant 0 : i32
      %dma_wait3A_121 = arith.constant 0 : i32
      %dma_wait3A_122 = tpu.memref_slice %arg26[%dma_wait3A_120, %dma_wait3A_121] : memref<128x16xf32, #tpu.memory_space<vmem>> -> memref<64x16xf32, #tpu.memory_space<vmem>>
      %dma_wait3A_123 = arith.constant 0 : i32
      %dma_wait3A_124 = tpu.memref_slice %arg39[%add3A_105, %dma_wait3A_123] : memref<5120x16xf32, #tpu.memory_space<vmem_shared>> -> memref<64x16xf32, #tpu.memory_space<vmem_shared>>
      tpu.wait_dma2 semaphore(%run_scoped3A : memref<!tpu.dma_semaphore, #tpu.memory_space<semaphore_mem>>) src(%dma_wait3A_124 : memref<64x16xf32, #tpu.memory_space<vmem_shared>>) dst(%dma_wait3A_122 : memref<64x16xf32, #tpu.memory_space<vmem>>)
      tpu.yield
    }) : () -> ()
    "tpu.region"() ({
      %run_scoped3A = tpu.sem_alloc : memref<!tpu.dma_semaphore, #tpu.memory_space<semaphore_mem>>
      %dma_start3A_106 = arith.constant 0 : i32
      %dma_start3A_107 = arith.constant 0 : i32
      %dma_start3A_108 = tpu.memref_slice %arg26[%dma_start3A_106, %dma_start3A_107] : memref<128x16xf32, #tpu.memory_space<vmem>> -> memref<64x16xf32, #tpu.memory_space<vmem>>
      %dma_start3A_109 = arith.constant 0 : i32
      %dma_start3A_110 = tpu.memref_slice %arg12[%arg0, %add3A_105, %dma_start3A_109] : memref<2x5120x16xf32, #tpu.memory_space<hbm>> -> memref<1x64x16xf32, #tpu.memory_space<hbm>>
      %dma_start3A_111 = tpu.memref_squeeze %dma_start3A_110 : memref<1x64x16xf32, #tpu.memory_space<hbm>> -> memref<64x16xf32, #tpu.memory_space<hbm>>
      %dma_start3A_112 = arith.constant 0 : i32
      %dma_start3A_113 = tpu.memref_slice %arg12[%arg0, %add3A_105, %dma_start3A_112] : memref<2x5120x16xf32, #tpu.memory_space<hbm>> -> memref<1x64x16xf32, #tpu.memory_space<hbm>>
      %dma_start3A_114 = tpu.memref_squeeze %dma_start3A_113 : memref<1x64x16xf32, #tpu.memory_space<hbm>> -> memref<64x16xf32, #tpu.memory_space<hbm>>
      %dma_start3A_115 = arith.constant 0 : i32
      %dma_start3A_116 = arith.constant 0 : i32
      %dma_start3A_117 = tpu.memref_slice %arg26[%dma_start3A_115, %dma_start3A_116] : memref<128x16xf32, #tpu.memory_space<vmem>> -> memref<64x16xf32, #tpu.memory_space<vmem>>
      tpu.enqueue_dma source(%dma_start3A_117 : memref<64x16xf32, #tpu.memory_space<vmem>>) target(%dma_start3A_114 : memref<64x16xf32, #tpu.memory_space<hbm>>) target_semaphore(%run_scoped3A : memref<!tpu.dma_semaphore, #tpu.memory_space<semaphore_mem>>)
      %dma_wait3A = arith.constant 0 : i32
      %dma_wait3A_118 = arith.constant 0 : i32
      %dma_wait3A_119 = tpu.memref_slice %arg26[%dma_wait3A, %dma_wait3A_118] : memref<128x16xf32, #tpu.memory_space<vmem>> -> memref<64x16xf32, #tpu.memory_space<vmem>>
      %dma_wait3A_120 = arith.constant 0 : i32
      %dma_wait3A_121 = tpu.memref_slice %arg12[%arg0, %add3A_105, %dma_wait3A_120] : memref<2x5120x16xf32, #tpu.memory_space<hbm>> -> memref<1x64x16xf32, #tpu.memory_space<hbm>>
      %dma_wait3A_122 = tpu.memref_squeeze %dma_wait3A_121 : memref<1x64x16xf32, #tpu.memory_space<hbm>> -> memref<64x16xf32, #tpu.memory_space<hbm>>
      %dma_wait3A_123 = arith.constant 0 : i32
      %dma_wait3A_124 = tpu.memref_slice %arg12[%arg0, %add3A_105, %dma_wait3A_123] : memref<2x5120x16xf32, #tpu.memory_space<hbm>> -> memref<1x64x16xf32, #tpu.memory_space<hbm>>
      %dma_wait3A_125 = tpu.memref_squeeze %dma_wait3A_124 : memref<1x64x16xf32, #tpu.memory_space<hbm>> -> memref<64x16xf32, #tpu.memory_space<hbm>>
      %dma_wait3A_126 = arith.constant 0 : i32
      %dma_wait3A_127 = arith.constant 0 : i32
      %dma_wait3A_128 = tpu.memref_slice %arg26[%dma_wait3A_126, %dma_wait3A_127] : memref<128x16xf32, #tpu.memory_space<vmem>> -> memref<64x16xf32, #tpu.memory_space<vmem>>
      tpu.wait_dma2 semaphore(%run_scoped3A : memref<!tpu.dma_semaphore, #tpu.memory_space<semaphore_mem>>) src(%dma_wait3A_128 : memref<64x16xf32, #tpu.memory_space<vmem>>) dst(%dma_wait3A_125 : memref<64x16xf32, #tpu.memory_space<hbm>>)
      tpu.yield
    }) : () -> ()
    return
  }
}

module attributes {stable_mosaic.version = 14 : i64} {
  func.func @_node_body(%arg0: i32, %arg1: memref<2048x128xf32, #tpu.memory_space<vmem>>, %arg2: memref<2048x1xi32, #tpu.memory_space<vmem>>, %arg3: memref<3x128x128xf32, #tpu.memory_space<vmem>>, %arg4: memref<3x128xf32, #tpu.memory_space<vmem>>, %arg5: memref<128x128xf32, #tpu.memory_space<vmem>>, %arg6: memref<128x1xf32, #tpu.memory_space<vmem>>, %arg7: memref<128x1xf32, #tpu.memory_space<vmem>>, %arg8: memref<2048x128xf32, #tpu.memory_space<vmem>>, %arg9: memref<2048x128xf32, #tpu.memory_space<vmem>>, %arg10: memref<2048x1xf32, #tpu.memory_space<vmem>>, %arg11: memref<2048x1xf32, #tpu.memory_space<vmem>>) attributes {dimension_semantics = [#tpu.dimension_semantics<arbitrary>], iteration_bounds = array<i64: 5>, scalar_prefetch = 0 : i64, scratch_operands = 0 : i64, tpu.core_type = #tpu.core_type<tc>, window_params = [{transform_indices = @transform_0, window_bounds = array<i64: 2048, 128>}, {transform_indices = @transform_1, window_bounds = array<i64: 2048, 1>}, {pipeline_mode = #tpu.pipeline_mode<synchronous>, transform_indices = @transform_2, window_bounds = array<i64: 3, 128, 128>}, {pipeline_mode = #tpu.pipeline_mode<synchronous>, transform_indices = @transform_3, window_bounds = array<i64: 3, 128>}, {pipeline_mode = #tpu.pipeline_mode<synchronous>, transform_indices = @transform_4, window_bounds = array<i64: 128, 128>}, {pipeline_mode = #tpu.pipeline_mode<synchronous>, transform_indices = @transform_5, window_bounds = array<i64: 128, 1>}, {pipeline_mode = #tpu.pipeline_mode<synchronous>, transform_indices = @transform_6, window_bounds = array<i64: 128, 1>}, {transform_indices = @transform_7, window_bounds = array<i64: 2048, 128>}, {transform_indices = @transform_8, window_bounds = array<i64: 2048, 128>}, {transform_indices = @transform_9, window_bounds = array<i64: 2048, 1>}, {transform_indices = @transform_10, window_bounds = array<i64: 2048, 1>}]} {
    %get3A = arith.constant 0 : index
    %get3A_0 = arith.constant 0 : index
    %get3A_1 = vector.load %arg1[%get3A, %get3A_0] : memref<2048x128xf32, #tpu.memory_space<vmem>>, vector<2048x128xf32>
    %get3A_2 = arith.constant 0 : index
    %get3A_3 = arith.constant 0 : index
    %get3A_4 = vector.load %arg2[%get3A_2, %get3A_3] : memref<2048x1xi32, #tpu.memory_space<vmem>>, vector<2048x1xi32>
    %broadcast_in_dim3A = arith.constant 0.000000e+00 : f32
    %broadcast_in_dim3A_5 = vector.broadcast %broadcast_in_dim3A : f32 to vector<2048x128xf32>
    %get3A_6 = arith.constant 0 : index
    %get3A_7 = arith.constant 0 : index
    %get3A_8 = arith.constant 0 : index
    %get3A_9 = vector.load %arg3[%get3A_6, %get3A_7, %get3A_8] : memref<3x128x128xf32, #tpu.memory_space<vmem>>, vector<1x128x128xf32>
    %get3A_10 = vector.shape_cast %get3A_9 : vector<1x128x128xf32> to vector<128x128xf32>
    %dot_general3A = arith.constant dense<0.000000e+00> : vector<2048x128xf32>
    %dot_general3A_11 = tpu.matmul %get3A_1, %get3A_10, %dot_general3A {dimension_numbers = #tpu.dot_dimension_numbers<[1], [0], [0], [1], [0, 0, 1, 1], [], []>, transpose_lhs_hint = false} : vector<2048x128xf32>, vector<128x128xf32>, vector<2048x128xf32> -> vector<2048x128xf32>
    %get3A_12 = arith.constant 0 : index
    %get3A_13 = arith.constant 0 : index
    %get3A_14 = vector.load %arg4[%get3A_12, %get3A_13] : memref<3x128xf32, #tpu.memory_space<vmem>>, vector<1x128xf32>
    %add3A = vector.broadcast %get3A_14 : vector<1x128xf32> to vector<2048x128xf32>
    %add3A_15 = arith.addf %dot_general3A_11, %add3A : vector<2048x128xf32>
    %eq3A = arith.constant 0 : i32
    %eq3A_16 = vector.broadcast %eq3A : i32 to vector<2048x1xi32>
    %eq3A_17 = arith.cmpi eq, %get3A_4, %eq3A_16 : vector<2048x1xi32>
    %broadcast_in_dim3A_18 = vector.shape_cast %eq3A_17 : vector<2048x1xi1> to vector<2048x1xi1>
    %broadcast_in_dim3A_19 = vector.broadcast %broadcast_in_dim3A_18 : vector<2048x1xi1> to vector<2048x128xi1>
    %select_n3A = arith.select %broadcast_in_dim3A_19, %add3A_15, %broadcast_in_dim3A_5 : vector<2048x128xi1>, vector<2048x128xf32>
    %get3A_20 = arith.constant 1 : index
    %get3A_21 = arith.constant 0 : index
    %get3A_22 = arith.constant 0 : index
    %get3A_23 = vector.load %arg3[%get3A_20, %get3A_21, %get3A_22] : memref<3x128x128xf32, #tpu.memory_space<vmem>>, vector<1x128x128xf32>
    %get3A_24 = vector.shape_cast %get3A_23 : vector<1x128x128xf32> to vector<128x128xf32>
    %dot_general3A_25 = arith.constant dense<0.000000e+00> : vector<2048x128xf32>
    %dot_general3A_26 = tpu.matmul %get3A_1, %get3A_24, %dot_general3A_25 {dimension_numbers = #tpu.dot_dimension_numbers<[1], [0], [0], [1], [0, 0, 1, 1], [], []>, transpose_lhs_hint = false} : vector<2048x128xf32>, vector<128x128xf32>, vector<2048x128xf32> -> vector<2048x128xf32>
    %get3A_27 = arith.constant 1 : index
    %get3A_28 = arith.constant 0 : index
    %get3A_29 = vector.load %arg4[%get3A_27, %get3A_28] : memref<3x128xf32, #tpu.memory_space<vmem>>, vector<1x128xf32>
    %add3A_30 = vector.broadcast %get3A_29 : vector<1x128xf32> to vector<2048x128xf32>
    %add3A_31 = arith.addf %dot_general3A_26, %add3A_30 : vector<2048x128xf32>
    %eq3A_32 = arith.constant 1 : i32
    %eq3A_33 = vector.broadcast %eq3A_32 : i32 to vector<2048x1xi32>
    %eq3A_34 = arith.cmpi eq, %get3A_4, %eq3A_33 : vector<2048x1xi32>
    %broadcast_in_dim3A_35 = vector.shape_cast %eq3A_34 : vector<2048x1xi1> to vector<2048x1xi1>
    %broadcast_in_dim3A_36 = vector.broadcast %broadcast_in_dim3A_35 : vector<2048x1xi1> to vector<2048x128xi1>
    %select_n3A_37 = arith.select %broadcast_in_dim3A_36, %add3A_31, %select_n3A : vector<2048x128xi1>, vector<2048x128xf32>
    %get3A_38 = arith.constant 2 : index
    %get3A_39 = arith.constant 0 : index
    %get3A_40 = arith.constant 0 : index
    %get3A_41 = vector.load %arg3[%get3A_38, %get3A_39, %get3A_40] : memref<3x128x128xf32, #tpu.memory_space<vmem>>, vector<1x128x128xf32>
    %get3A_42 = vector.shape_cast %get3A_41 : vector<1x128x128xf32> to vector<128x128xf32>
    %dot_general3A_43 = arith.constant dense<0.000000e+00> : vector<2048x128xf32>
    %dot_general3A_44 = tpu.matmul %get3A_1, %get3A_42, %dot_general3A_43 {dimension_numbers = #tpu.dot_dimension_numbers<[1], [0], [0], [1], [0, 0, 1, 1], [], []>, transpose_lhs_hint = false} : vector<2048x128xf32>, vector<128x128xf32>, vector<2048x128xf32> -> vector<2048x128xf32>
    %get3A_45 = arith.constant 2 : index
    %get3A_46 = arith.constant 0 : index
    %get3A_47 = vector.load %arg4[%get3A_45, %get3A_46] : memref<3x128xf32, #tpu.memory_space<vmem>>, vector<1x128xf32>
    %add3A_48 = vector.broadcast %get3A_47 : vector<1x128xf32> to vector<2048x128xf32>
    %add3A_49 = arith.addf %dot_general3A_44, %add3A_48 : vector<2048x128xf32>
    %eq3A_50 = arith.constant 2 : i32
    %eq3A_51 = vector.broadcast %eq3A_50 : i32 to vector<2048x1xi32>
    %eq3A_52 = arith.cmpi eq, %get3A_4, %eq3A_51 : vector<2048x1xi32>
    %broadcast_in_dim3A_53 = vector.shape_cast %eq3A_52 : vector<2048x1xi1> to vector<2048x1xi1>
    %broadcast_in_dim3A_54 = vector.broadcast %broadcast_in_dim3A_53 : vector<2048x1xi1> to vector<2048x128xi1>
    %select_n3A_55 = arith.select %broadcast_in_dim3A_54, %add3A_49, %select_n3A_37 : vector<2048x128xi1>, vector<2048x128xf32>
    %swap3A = arith.constant 0 : index
    %swap3A_56 = arith.constant 0 : index
    %swap3A_57 = vector.load %arg8[%swap3A, %swap3A_56] : memref<2048x128xf32, #tpu.memory_space<vmem>>, vector<2048x128xf32>
    tpu.vector_store %arg8[%swap3A, %swap3A_56], %select_n3A_55 {strides = array<i32>} : memref<2048x128xf32, #tpu.memory_space<vmem>>, vector<2048x128xf32>,
    %get3A_58 = arith.constant 0 : index
    %get3A_59 = arith.constant 0 : index
    %get3A_60 = vector.load %arg5[%get3A_58, %get3A_59] : memref<128x128xf32, #tpu.memory_space<vmem>>, vector<128x128xf32>
    %dot_general3A_61 = arith.constant dense<0.000000e+00> : vector<2048x128xf32>
    %dot_general3A_62 = tpu.matmul %select_n3A_55, %get3A_60, %dot_general3A_61 {dimension_numbers = #tpu.dot_dimension_numbers<[1], [0], [0], [1], [0, 0, 1, 1], [], []>, transpose_lhs_hint = false} : vector<2048x128xf32>, vector<128x128xf32>, vector<2048x128xf32> -> vector<2048x128xf32>
    %swap3A_63 = arith.constant 0 : index
    %swap3A_64 = arith.constant 0 : index
    %swap3A_65 = vector.load %arg9[%swap3A_63, %swap3A_64] : memref<2048x128xf32, #tpu.memory_space<vmem>>, vector<2048x128xf32>
    tpu.vector_store %arg9[%swap3A_63, %swap3A_64], %dot_general3A_62 {strides = array<i32>} : memref<2048x128xf32, #tpu.memory_space<vmem>>, vector<2048x128xf32>,
    %get3A_66 = arith.constant 0 : index
    %get3A_67 = arith.constant 0 : index
    %get3A_68 = vector.load %arg6[%get3A_66, %get3A_67] : memref<128x1xf32, #tpu.memory_space<vmem>>, vector<128x1xf32>
    %dot_general3A_69 = arith.constant dense<0.000000e+00> : vector<2048x1xf32>
    %dot_general3A_70 = tpu.matmul %select_n3A_55, %get3A_68, %dot_general3A_69 {dimension_numbers = #tpu.dot_dimension_numbers<[1], [0], [0], [1], [0, 0, 1, 1], [], []>, transpose_lhs_hint = false} : vector<2048x128xf32>, vector<128x1xf32>, vector<2048x1xf32> -> vector<2048x1xf32>
    %swap3A_71 = arith.constant 0 : index
    %swap3A_72 = arith.constant 0 : index
    %swap3A_73 = vector.load %arg10[%swap3A_71, %swap3A_72] : memref<2048x1xf32, #tpu.memory_space<vmem>>, vector<2048x1xf32>
    tpu.vector_store %arg10[%swap3A_71, %swap3A_72], %dot_general3A_70 {strides = array<i32>} : memref<2048x1xf32, #tpu.memory_space<vmem>>, vector<2048x1xf32>,
    %get3A_74 = arith.constant 0 : index
    %get3A_75 = arith.constant 0 : index
    %get3A_76 = vector.load %arg7[%get3A_74, %get3A_75] : memref<128x1xf32, #tpu.memory_space<vmem>>, vector<128x1xf32>
    %dot_general3A_77 = arith.constant dense<0.000000e+00> : vector<2048x1xf32>
    %dot_general3A_78 = tpu.matmul %select_n3A_55, %get3A_76, %dot_general3A_77 {dimension_numbers = #tpu.dot_dimension_numbers<[1], [0], [0], [1], [0, 0, 1, 1], [], []>, transpose_lhs_hint = false} : vector<2048x128xf32>, vector<128x1xf32>, vector<2048x1xf32> -> vector<2048x1xf32>
    %swap3A_79 = arith.constant 0 : index
    %swap3A_80 = arith.constant 0 : index
    %swap3A_81 = vector.load %arg11[%swap3A_79, %swap3A_80] : memref<2048x1xf32, #tpu.memory_space<vmem>>, vector<2048x1xf32>
    tpu.vector_store %arg11[%swap3A_79, %swap3A_80], %dot_general3A_78 {strides = array<i32>} : memref<2048x1xf32, #tpu.memory_space<vmem>>, vector<2048x1xf32>,
    return
  }
  func.func @transform_0(%arg0: i32) -> (i32, i32) {
    %c0_i32 = arith.constant 0 : i32
    %c0_i32_0 = arith.constant 0 : i32
    return %arg0, %c0_i32 : i32, i32
  }
  func.func @transform_1(%arg0: i32) -> (i32, i32) {
    %c0_i32 = arith.constant 0 : i32
    %c0_i32_0 = arith.constant 0 : i32
    return %arg0, %c0_i32 : i32, i32
  }
  func.func @transform_2(%arg0: i32) -> (i32, i32, i32) {
    %c0_i32 = arith.constant 0 : i32
    %c0_i32_0 = arith.constant 0 : i32
    %c0_i32_1 = arith.constant 0 : i32
    %c0_i32_2 = arith.constant 0 : i32
    return %c0_i32, %c0_i32_0, %c0_i32_1 : i32, i32, i32
  }
  func.func @transform_3(%arg0: i32) -> (i32, i32) {
    %c0_i32 = arith.constant 0 : i32
    %c0_i32_0 = arith.constant 0 : i32
    %c0_i32_1 = arith.constant 0 : i32
    return %c0_i32, %c0_i32_0 : i32, i32
  }
  func.func @transform_4(%arg0: i32) -> (i32, i32) {
    %c0_i32 = arith.constant 0 : i32
    %c0_i32_0 = arith.constant 0 : i32
    %c0_i32_1 = arith.constant 0 : i32
    return %c0_i32, %c0_i32_0 : i32, i32
  }
  func.func @transform_5(%arg0: i32) -> (i32, i32) {
    %c0_i32 = arith.constant 0 : i32
    %c0_i32_0 = arith.constant 0 : i32
    %c0_i32_1 = arith.constant 0 : i32
    return %c0_i32, %c0_i32_0 : i32, i32
  }
  func.func @transform_6(%arg0: i32) -> (i32, i32) {
    %c0_i32 = arith.constant 0 : i32
    %c0_i32_0 = arith.constant 0 : i32
    %c0_i32_1 = arith.constant 0 : i32
    return %c0_i32, %c0_i32_0 : i32, i32
  }
  func.func @transform_7(%arg0: i32) -> (i32, i32) {
    %c0_i32 = arith.constant 0 : i32
    %c0_i32_0 = arith.constant 0 : i32
    return %arg0, %c0_i32 : i32, i32
  }
  func.func @transform_8(%arg0: i32) -> (i32, i32) {
    %c0_i32 = arith.constant 0 : i32
    %c0_i32_0 = arith.constant 0 : i32
    return %arg0, %c0_i32 : i32, i32
  }
  func.func @transform_9(%arg0: i32) -> (i32, i32) {
    %c0_i32 = arith.constant 0 : i32
    %c0_i32_0 = arith.constant 0 : i32
    return %arg0, %c0_i32 : i32, i32
  }
  func.func @transform_10(%arg0: i32) -> (i32, i32) {
    %c0_i32 = arith.constant 0 : i32
    %c0_i32_0 = arith.constant 0 : i32
    return %arg0, %c0_i32 : i32, i32
  }
}

module attributes {stable_mosaic.version = 14 : i64} {
  func.func @_edge_body(%arg0: i32, %arg1: memref<1600x128xf32, #tpu.memory_space<vmem>>, %arg2: memref<128x128xf32, #tpu.memory_space<vmem>>, %arg3: memref<128x128xf32, #tpu.memory_space<vmem>>, %arg4: memref<1600x128xf32, #tpu.memory_space<vmem>>, %arg5: memref<1600x128xf32, #tpu.memory_space<vmem>>) attributes {dimension_semantics = [#tpu.dimension_semantics<arbitrary>], iteration_bounds = array<i64: 25>, scalar_prefetch = 0 : i64, scratch_operands = 0 : i64, tpu.core_type = #tpu.core_type<tc>, window_params = [{transform_indices = @transform_0, window_bounds = array<i64: 1600, 128>}, {pipeline_mode = #tpu.pipeline_mode<synchronous>, transform_indices = @transform_1, window_bounds = array<i64: 128, 128>}, {pipeline_mode = #tpu.pipeline_mode<synchronous>, transform_indices = @transform_2, window_bounds = array<i64: 128, 128>}, {transform_indices = @transform_3, window_bounds = array<i64: 1600, 128>}, {transform_indices = @transform_4, window_bounds = array<i64: 1600, 128>}]} {
    %get3A = arith.constant 0 : index
    %get3A_0 = arith.constant 0 : index
    %get3A_1 = vector.load %arg1[%get3A, %get3A_0] : memref<1600x128xf32, #tpu.memory_space<vmem>>, vector<1600x128xf32>
    %get3A_2 = arith.constant 0 : index
    %get3A_3 = arith.constant 0 : index
    %get3A_4 = vector.load %arg2[%get3A_2, %get3A_3] : memref<128x128xf32, #tpu.memory_space<vmem>>, vector<128x128xf32>
    %dot_general3A = arith.constant dense<0.000000e+00> : vector<1600x128xf32>
    %dot_general3A_5 = tpu.matmul %get3A_1, %get3A_4, %dot_general3A {dimension_numbers = #tpu.dot_dimension_numbers<[1], [0], [0], [1], [0, 0, 1, 1], [], []>, transpose_lhs_hint = false} : vector<1600x128xf32>, vector<128x128xf32>, vector<1600x128xf32> -> vector<1600x128xf32>
    %ge3A = arith.constant 0.000000e+00 : f32
    %ge3A_6 = vector.broadcast %ge3A : f32 to vector<1600x128xf32>
    %ge3A_7 = arith.cmpf oge, %dot_general3A_5, %ge3A_6 : vector<1600x128xf32>
    %mul3A = arith.constant 2.000000e-01 : f32
    %mul3A_8 = vector.broadcast %mul3A : f32 to vector<1600x128xf32>
    %mul3A_9 = arith.mulf %mul3A_8, %dot_general3A_5 : vector<1600x128xf32>
    %select_n3A = arith.select %ge3A_7, %dot_general3A_5, %mul3A_9 : vector<1600x128xi1>, vector<1600x128xf32>
    %swap3A = arith.constant 0 : index
    %swap3A_10 = arith.constant 0 : index
    %swap3A_11 = vector.load %arg4[%swap3A, %swap3A_10] : memref<1600x128xf32, #tpu.memory_space<vmem>>, vector<1600x128xf32>
    tpu.vector_store %arg4[%swap3A, %swap3A_10], %select_n3A {strides = array<i32>} : memref<1600x128xf32, #tpu.memory_space<vmem>>, vector<1600x128xf32>,
    %get3A_12 = arith.constant 0 : index
    %get3A_13 = arith.constant 0 : index
    %get3A_14 = vector.load %arg3[%get3A_12, %get3A_13] : memref<128x128xf32, #tpu.memory_space<vmem>>, vector<128x128xf32>
    %dot_general3A_15 = arith.constant dense<0.000000e+00> : vector<1600x128xf32>
    %dot_general3A_16 = tpu.matmul %select_n3A, %get3A_14, %dot_general3A_15 {dimension_numbers = #tpu.dot_dimension_numbers<[1], [0], [0], [1], [0, 0, 1, 1], [], []>, transpose_lhs_hint = false} : vector<1600x128xf32>, vector<128x128xf32>, vector<1600x128xf32> -> vector<1600x128xf32>
    %swap3A_17 = arith.constant 0 : index
    %swap3A_18 = arith.constant 0 : index
    %swap3A_19 = vector.load %arg5[%swap3A_17, %swap3A_18] : memref<1600x128xf32, #tpu.memory_space<vmem>>, vector<1600x128xf32>
    tpu.vector_store %arg5[%swap3A_17, %swap3A_18], %dot_general3A_16 {strides = array<i32>} : memref<1600x128xf32, #tpu.memory_space<vmem>>, vector<1600x128xf32>,
    return
  }
  func.func @transform_0(%arg0: i32) -> (i32, i32) {
    %c0_i32 = arith.constant 0 : i32
    %c0_i32_0 = arith.constant 0 : i32
    return %arg0, %c0_i32 : i32, i32
  }
  func.func @transform_1(%arg0: i32) -> (i32, i32) {
    %c0_i32 = arith.constant 0 : i32
    %c0_i32_0 = arith.constant 0 : i32
    %c0_i32_1 = arith.constant 0 : i32
    return %c0_i32, %c0_i32_0 : i32, i32
  }
  func.func @transform_2(%arg0: i32) -> (i32, i32) {
    %c0_i32 = arith.constant 0 : i32
    %c0_i32_0 = arith.constant 0 : i32
    %c0_i32_1 = arith.constant 0 : i32
    return %c0_i32, %c0_i32_0 : i32, i32
  }
  func.func @transform_3(%arg0: i32) -> (i32, i32) {
    %c0_i32 = arith.constant 0 : i32
    %c0_i32_0 = arith.constant 0 : i32
    return %arg0, %c0_i32 : i32, i32
  }
  func.func @transform_4(%arg0: i32) -> (i32, i32) {
    %c0_i32 = arith.constant 0 : i32
    %c0_i32_0 = arith.constant 0 : i32
    return %arg0, %c0_i32 : i32, i32
  }
}

module attributes {stable_mosaic.version = 14 : i64} {
  func.func @_den_body(%arg0: memref<32x640x16xf32, #tpu.memory_space<vmem>>, %arg1: memref<640x16xf32, #tpu.memory_space<vmem>>, %arg2: memref<640x16xf32, #tpu.memory_space<vmem>>) attributes {dimension_semantics = [], scalar_prefetch = 0 : i64, scratch_operands = 0 : i64, tpu.core_type = #tpu.core_type<tc>} {
    %get3A = arith.constant 0 : index
    %get3A_0 = arith.constant 0 : index
    %get3A_1 = arith.constant 0 : index
    %get3A_2 = vector.load %arg0[%get3A, %get3A_0, %get3A_1] : memref<32x640x16xf32, #tpu.memory_space<vmem>>, vector<32x640x16xf32>
    %reduce_sum3A = arith.constant dense<0.000000e+00> : vector<640x16xf32>
    %reduce_sum3A_3 = vector.multi_reduction <add>, %get3A_2, %reduce_sum3A [0] : vector<32x640x16xf32> to vector<640x16xf32>
    %add3A = arith.constant 1.000000e-16 : f32
    %add3A_4 = vector.broadcast %add3A : f32 to vector<640x16xf32>
    %add3A_5 = arith.addf %reduce_sum3A_3, %add3A_4 : vector<640x16xf32>
    %div3A = arith.constant 1.000000e+00 : f32
    %div3A_6 = vector.broadcast %div3A : f32 to vector<640x16xf32>
    %div3A_7 = arith.divf %div3A_6, %add3A_5 : vector<640x16xf32>
    %swap3A = arith.constant 0 : index
    %swap3A_8 = arith.constant 0 : index
    %swap3A_9 = vector.load %arg1[%swap3A, %swap3A_8] : memref<640x16xf32, #tpu.memory_space<vmem>>, vector<640x16xf32>
    tpu.vector_store %arg1[%swap3A, %swap3A_8], %div3A_7 {strides = array<i32>} : memref<640x16xf32, #tpu.memory_space<vmem>>, vector<640x16xf32>,
    %mul3A = arith.mulf %reduce_sum3A_3, %div3A_7 : vector<640x16xf32>
    %swap3A_10 = arith.constant 0 : index
    %swap3A_11 = arith.constant 0 : index
    %swap3A_12 = vector.load %arg2[%swap3A_10, %swap3A_11] : memref<640x16xf32, #tpu.memory_space<vmem>>, vector<640x16xf32>
    tpu.vector_store %arg2[%swap3A_10, %swap3A_11], %mul3A {strides = array<i32>} : memref<640x16xf32, #tpu.memory_space<vmem>>, vector<640x16xf32>,
    return
  }
}

module attributes {stable_mosaic.version = 14 : i64} {
  func.func @_comb_body(%arg0: i32, %arg1: memref<2000x128xf32, #tpu.memory_space<vmem>>, %arg2: memref<2000x16xf32, #tpu.memory_space<vmem>>, %arg3: memref<2000x128xf32, #tpu.memory_space<vmem>>, %arg4: memref<2000x1xf32, #tpu.memory_space<vmem>>, %arg5: memref<2000x1xf32, #tpu.memory_space<vmem>>, %arg6: memref<16x128xf32, #tpu.memory_space<vmem>>, %arg7: memref<1x128xf32, #tpu.memory_space<vmem>>, %arg8: memref<2000x128xf32, #tpu.memory_space<vmem>>) attributes {dimension_semantics = [#tpu.dimension_semantics<arbitrary>], iteration_bounds = array<i64: 5>, scalar_prefetch = 0 : i64, scratch_operands = 0 : i64, tpu.core_type = #tpu.core_type<tc>, window_params = [{transform_indices = @transform_0, window_bounds = array<i64: 2000, 128>}, {transform_indices = @transform_1, window_bounds = array<i64: 2000, 16>}, {transform_indices = @transform_2, window_bounds = array<i64: 2000, 128>}, {transform_indices = @transform_3, window_bounds = array<i64: 2000, 1>}, {transform_indices = @transform_4, window_bounds = array<i64: 2000, 1>}, {pipeline_mode = #tpu.pipeline_mode<synchronous>, transform_indices = @transform_5, window_bounds = array<i64: 16, 128>}, {pipeline_mode = #tpu.pipeline_mode<synchronous>, transform_indices = @transform_6, window_bounds = array<i64: 1, 128>}, {transform_indices = @transform_7, window_bounds = array<i64: 2000, 128>}]} {
    %get3A = arith.constant 0 : index
    %get3A_0 = arith.constant 0 : index
    %get3A_1 = vector.load %arg1[%get3A, %get3A_0] : memref<2000x128xf32, #tpu.memory_space<vmem>>, vector<2000x128xf32>
    %get3A_2 = arith.constant 0 : index
    %get3A_3 = arith.constant 0 : index
    %get3A_4 = vector.load %arg2[%get3A_2, %get3A_3] : memref<2000x16xf32, #tpu.memory_space<vmem>>, vector<2000x16xf32>
    %get3A_5 = arith.constant 0 : index
    %get3A_6 = arith.constant 0 : index
    %get3A_7 = vector.load %arg6[%get3A_5, %get3A_6] : memref<16x128xf32, #tpu.memory_space<vmem>>, vector<16x128xf32>
    %dot_general3A = arith.constant dense<0.000000e+00> : vector<2000x128xf32>
    %dot_general3A_8 = tpu.matmul %get3A_4, %get3A_7, %dot_general3A {dimension_numbers = #tpu.dot_dimension_numbers<[1], [0], [0], [1], [0, 0, 1, 1], [], []>, transpose_lhs_hint = false} : vector<2000x16xf32>, vector<16x128xf32>, vector<2000x128xf32> -> vector<2000x128xf32>
    %add3A = arith.addf %get3A_1, %dot_general3A_8 : vector<2000x128xf32>
    %get3A_9 = arith.constant 0 : index
    %get3A_10 = arith.constant 0 : index
    %get3A_11 = vector.load %arg4[%get3A_9, %get3A_10] : memref<2000x1xf32, #tpu.memory_space<vmem>>, vector<2000x1xf32>
    %mul3A = vector.broadcast %get3A_11 : vector<2000x1xf32> to vector<2000x128xf32>
    %mul3A_12 = arith.mulf %add3A, %mul3A : vector<2000x128xf32>
    %get3A_13 = arith.constant 0 : index
    %get3A_14 = arith.constant 0 : index
    %get3A_15 = vector.load %arg5[%get3A_13, %get3A_14] : memref<2000x1xf32, #tpu.memory_space<vmem>>, vector<2000x1xf32>
    %get3A_16 = arith.constant 0 : index
    %get3A_17 = arith.constant 0 : index
    %get3A_18 = vector.load %arg7[%get3A_16, %get3A_17] : memref<1x128xf32, #tpu.memory_space<vmem>>, vector<1x128xf32>
    %mul3A_19 = vector.broadcast %get3A_15 : vector<2000x1xf32> to vector<2000x128xf32>
    %mul3A_20 = vector.broadcast %get3A_18 : vector<1x128xf32> to vector<2000x128xf32>
    %mul3A_21 = arith.mulf %mul3A_19, %mul3A_20 : vector<2000x128xf32>
    %add3A_22 = arith.addf %mul3A_12, %mul3A_21 : vector<2000x128xf32>
    %get3A_23 = arith.constant 0 : index
    %get3A_24 = arith.constant 0 : index
    %get3A_25 = vector.load %arg3[%get3A_23, %get3A_24] : memref<2000x128xf32, #tpu.memory_space<vmem>>, vector<2000x128xf32>
    %add3A_26 = arith.addf %add3A_22, %get3A_25 : vector<2000x128xf32>
    %swap3A = arith.constant 0 : index
    %swap3A_27 = arith.constant 0 : index
    %swap3A_28 = vector.load %arg8[%swap3A, %swap3A_27] : memref<2000x128xf32, #tpu.memory_space<vmem>>, vector<2000x128xf32>
    tpu.vector_store %arg8[%swap3A, %swap3A_27], %add3A_26 {strides = array<i32>} : memref<2000x128xf32, #tpu.memory_space<vmem>>, vector<2000x128xf32>,
    return
  }
  func.func @transform_0(%arg0: i32) -> (i32, i32) {
    %c0_i32 = arith.constant 0 : i32
    %c0_i32_0 = arith.constant 0 : i32
    return %arg0, %c0_i32 : i32, i32
  }
  func.func @transform_1(%arg0: i32) -> (i32, i32) {
    %c0_i32 = arith.constant 0 : i32
    %c0_i32_0 = arith.constant 0 : i32
    return %arg0, %c0_i32 : i32, i32
  }
  func.func @transform_2(%arg0: i32) -> (i32, i32) {
    %c0_i32 = arith.constant 0 : i32
    %c0_i32_0 = arith.constant 0 : i32
    return %arg0, %c0_i32 : i32, i32
  }
  func.func @transform_3(%arg0: i32) -> (i32, i32) {
    %c0_i32 = arith.constant 0 : i32
    %c0_i32_0 = arith.constant 0 : i32
    return %arg0, %c0_i32 : i32, i32
  }
  func.func @transform_4(%arg0: i32) -> (i32, i32) {
    %c0_i32 = arith.constant 0 : i32
    %c0_i32_0 = arith.constant 0 : i32
    return %arg0, %c0_i32 : i32, i32
  }
  func.func @transform_5(%arg0: i32) -> (i32, i32) {
    %c0_i32 = arith.constant 0 : i32
    %c0_i32_0 = arith.constant 0 : i32
    %c0_i32_1 = arith.constant 0 : i32
    return %c0_i32, %c0_i32_0 : i32, i32
  }
  func.func @transform_6(%arg0: i32) -> (i32, i32) {
    %c0_i32 = arith.constant 0 : i32
    %c0_i32_0 = arith.constant 0 : i32
    %c0_i32_1 = arith.constant 0 : i32
    return %c0_i32, %c0_i32_0 : i32, i32
  }
  func.func @transform_7(%arg0: i32) -> (i32, i32) {
    %c0_i32 = arith.constant 0 : i32
    %c0_i32_0 = arith.constant 0 : i32
    return %arg0, %c0_i32 : i32, i32
  }
}

</mosaic_0001>

<sc_bundles>
// kernel: kernel.7.cloned.1.call-start
scs
__scs_entry_jumppad:
0x0: {  	(pc) =	sbr.rel $0x88, $3  }
0x1: {  	(tag) =	ssettag $0x0;
	lr =	simm.s32 $0x1  }
0x2: {  	[smem:$0x3F95] =	sst lr;
	_ =	strace $0xD0000000  }
0x3: {  	_ = 	snop  }
0x4: {  	_ = 	snop  }
0x5: {  	_ = 	snop  }
0x6: {  	_ = 	snop  }
0x7: {  	_ = 	snop  }
__scs_overlays_trampoline_lowered:
0x8: {  	[smem:$0x3FA4] =	sst s0  }
0x9: {  	[smem:$0x3FA5] =	sst s1  }
0xa: {  	[smem:$0x3FA6] =	sst s2  }
0xb: {  	[smem:$0x3FA7] =	sst s3  }
0xc: {  	[smem:$0x3FA8] =	sst s4  }
0xd: {  	[smem:$0x3FA9] =	sst s5  }
0xe: {  	[smem:$0x3FAA] =	sst s6  }
0xf: {  	[smem:$0x3FAB] =	sst s7  }
0x10: {  	[smem:$0x3FAC] =	sst s8  }
0x11: {  	[smem:$0x3FAD] =	sst s9;
	s0 =	simm.s32 @!p0 $0x0  }
0x12: {  	s1 =	sld [smem:$0x3F93];
	s0 =	simm.s32 @p0 $0x1  }
0x13: {  	[smem:$0x3FAE] =	sst s0;
	s0 =	simm.s32 @!p1 $0x0  }
0x14: {  	s2 =	sld [smem:$0x3F92];
	s0 =	simm.s32 @p1 $0x1  }
0x15: {  	[smem:$0x3FAF] =	sst s0;
	s0 =	simm.s32 @!p2 $0x0  }
0x16: {  	s3 =	sld [smem:$0x3FDB];
	s0 =	simm.s32 @p2 $0x1  }
0x17: {  	s4 =	simm.s32 $0x1BF5;
	[smem:$0x3FB1] =	sst s0  }
0x18: {  	s0 =	sld [smem:$0x3F94];
	_ =	swait.ge [sflag:s4], $0x0  }
0x19: {  	s7 =	sld [smem:$0x3F95]  }
0x1a: {  	s8 =	sadd.s32 $0xFFFFE003, lr  }
0x1b: {  	s9 =	sadd.s32 $0xFFFFFEF7, lr;
	s5 =	simm.s32 $0xFFFFFFFF;
	p2 =	slt.u32 s8, $0xFFFFF086  }
0x1c: {  	p1 =	slt.u32 s9, $0xF7A;
	s5 =	simm.s32 @!p2 $0x0  }
0x1d: {  	s5 =	simm.s32 @p1 $0x1;
	p0 =	seq.s32 s7, s2  }
0x1e: {  	s7 =	smul.u32 @!p0 $0xF7A, s2;
	p2 =	seq.s32 @!p0 s5, $0x0  }
0x1f: {  	s9 =	smul.u32 $0xF7A, s1;
	s8 =	simm.s32 @!p0 $0x1BF5;
	p2 =	por !p2, p0  }
0x20: {  	[sflag:s8] =	ssyncset.s32 @!p0 $0xFFFFF086;
	s6 =	sadd.s32 @!p0 s3, s7;
	s7 =	simm.s32 @!p0 $0x108  }
0x21: {  	s3 =	sadd.s32 s3, s9;
	s6 =	sadd.s32 @!p0 $0x88, s6;
	s7 =	simm.s32 @p2 $0x1082  }
0x22: {  	[simem:s7], [sflag:s8] =	dma.local @!p0 [hbm:s6], $0xF7A  }
0x23: {  	s9 =	sor.u32 $0xD0000000, s2;
	s6 =	simm.s32 $0x108;
	_ =	swait.ge @!p0 [sflag:s8], $0x0  }
0x24: {  	s3 =	sadd.s32 $0x88, s3;
	s6 =	simm.s32 @!p1 $0x1082;
	[sflag:s4] =	ssyncset.s32 $0xFFFFF086  }
0x25: {  	[simem:s6], [sflag:s4] =	dma.local [hbm:s3], $0xF7A  }
0x26: {  	[smem:$0x3F95] =	sst s1;
	(tag) =	ssettag s2;
	_ =	strace s9  }
0x27: {  	s1 =	sld [smem:$0x3FA5]  }
0x28: {  	s2 =	sld [smem:$0x3FA6]  }
0x29: {  	s4 =	sld [smem:$0x3FA8]  }
0x2a: {  	p0 =	seq.s32 s5, $0x0;
	s5 =	sld [smem:$0x3FA9]  }
0x2b: {  	s6 =	sld [smem:$0x3FAA]  }
0x2c: {  	s7 =	sld [smem:$0x3FAB]  }
0x2d: {  	s3 =	simm.s32 $0x108;
	s8 =	sld [smem:$0x3FAC]  }
0x2e: {  	s3 =	simm.s32 @!p0 $0x1082;
	s9 =	sld [smem:$0x3FAD]  }
0x2f: {  	lr =	sadd.s32 s0, s3;
	s0 =	sld [smem:$0x3FA4]  }
0x30: {  	s3 =	sld [smem:$0x3FA7]  }
0x31: {  	[smem:$0x3FB0] =	sst s10  }
0x32: {  	s10 =	sld [smem:$0x3FAE];
	_ =	sdelay $0x3  }
0x33: {  	p0 =	seq.s32 s10, $0x1;
	s10 =	sld [smem:$0x3FB0];
	_ =	sdelay $0x3  }
0x34: {  	[smem:$0x3FB0] =	sst s10  }
0x35: {  	s10 =	sld [smem:$0x3FAF];
	_ =	sdelay $0x3  }
0x36: {  	p1 =	seq.s32 s10, $0x1;
	s10 =	sld [smem:$0x3FB0];
	_ =	sdelay $0x3  }
0x37: {  	[smem:$0x3FB0] =	sst s10  }
0x38: {  	s10 =	sld [smem:$0x3FB1]  }
0x39: {  	_ = 	snop;
	(pc) =	sbr.ind lr, $3  }
0x3a: {  	_ = 	snop  }
0x3b: {  	_ = 	snop  }
0x3c: {  	p2 =	seq.s32 s10, $0x1;
	s10 =	sld [smem:$0x3FB0]  }
0x3d: {  	_ =	shalt  }
0x3e: {  	_ =	shalt  }
0x3f: {  	_ =	shalt  }
0x40: {  	_ =	shalt  }
0x41: {  	_ =	shalt  }
0x42: {  	_ =	shalt  }
0x43: {  	_ =	shalt  }
0x44: {  	_ =	shalt  }
0x45: {  	_ =	shalt  }
0x46: {  	_ =	shalt  }
0x47: {  	_ =	shalt  }
0x48: {  	_ =	shalt  }
0x49: {  	_ =	shalt  }
0x4a: {  	_ =	shalt  }
0x4b: {  	_ =	shalt  }
0x4c: {  	_ =	shalt  }
0x4d: {  	_ =	shalt  }
0x4e: {  	_ =	shalt  }
0x4f: {  	_ =	shalt  }
0x50: {  	_ =	shalt  }
0x51: {  	_ =	shalt  }
0x52: {  	_ =	shalt  }
0x53: {  	_ =	shalt  }
0x54: {  	_ =	shalt  }
0x55: {  	_ =	shalt  }
0x56: {  	_ =	shalt  }
0x57: {  	_ =	shalt  }
0x58: {  	_ =	shalt  }
0x59: {  	_ =	shalt  }
0x5a: {  	_ =	shalt  }
0x5b: {  	_ =	shalt  }
0x5c: {  	_ =	shalt  }
0x5d: {  	_ =	shalt  }
0x5e: {  	_ =	shalt  }
0x5f: {  	_ =	shalt  }
0x60: {  	_ =	shalt  }
0x61: {  	_ =	shalt  }
0x62: {  	_ =	shalt  }
0x63: {  	_ =	shalt  }
0x64: {  	_ =	shalt  }
0x65: {  	_ =	shalt  }
0x66: {  	_ =	shalt  }
0x67: {  	_ =	shalt  }
0x68: {  	_ =	shalt  }
0x69: {  	_ =	shalt  }
0x6a: {  	_ =	shalt  }
0x6b: {  	_ =	shalt  }
0x6c: {  	_ =	shalt  }
0x6d: {  	_ =	shalt  }
0x6e: {  	_ =	shalt  }
0x6f: {  	_ =	shalt  }
0x70: {  	_ =	shalt  }
0x71: {  	_ =	shalt  }
0x72: {  	_ =	shalt  }
0x73: {  	_ =	shalt  }
0x74: {  	_ =	shalt  }
0x75: {  	_ =	shalt  }
0x76: {  	_ =	shalt  }
0x77: {  	_ =	shalt  }
0x78: {  	_ =	shalt  }
0x79: {  	_ =	shalt  }
0x7a: {  	_ =	shalt  }
0x7b: {  	_ =	shalt  }
0x7c: {  	_ =	shalt  }
0x7d: {  	_ =	shalt  }
0x7e: {  	_ =	shalt  }
0x7f: {  	_ =	shalt  }
0x80: {  	_ =	shalt  }
0x81: {  	_ =	shalt  }
0x82: {  	_ =	shalt  }
0x83: {  	_ =	shalt  }
0x84: {  	_ =	shalt  }
0x85: {  	_ =	shalt  }
0x86: {  	_ =	shalt  }
0x87: {  	_ =	shalt  }
.Lfunc_end0:
.L_simem_size_0:
called_computation_lowered:
.L_overlay_start_0:
0x88: {  	s2 =	sld [smem:$0x3FD9]  }
0x89: {  	s3 =	sld [smem:$0x3FFE];
	_ =	sdelay $0x1  }
0x8a: {  	s1 =	srdreg.scid  }
0x8b: {  	s0 =	sand.u32 $0x1, s1  }
0x8c: {  	s17 =	sshll.u32 s0, $0xA;
	s2 =	sadd.s32 s3, s2  }
0x8d: {  	s2 =	sadd.s32 s2, s17  }
0x8e: {  	[smem:$0x3FBC] =	sst s2  }
0x8f: {  	_ = 	snop  }
0x90: {  	s2 =	sld [smem:$0x3FC6]  }
0x91: {  	s18 =	sld [smem:$0x3FD0];
	(tm) =	ssettm $0x1  }
0x92: {  	s4 =	sld [smem:$0x3FFB];
	_ =	sdelay $0x3  }
0x93: {  	_ =	strace s4  }
0x94: {  	s4 =	sld [smem:$0x3FFC];
	_ =	sdelay $0x3  }
0x95: {  	_ =	strace s4  }
0x96: {  	s4 =	sld [smem:$0x3FFD];
	_ =	sdelay $0x3  }
0x97: {  	_ =	strace s4  }
0x98: {  	_ =	strace $0x8FFFFFFF  }
0x99: {  	s19 =	sld [smem:$0x3FDB];
	_ =	sdelay $0x1  }
0x9a: {  	s5 =	simm.s32 $_scs_section_size  }
0x9b: {  	s6 =	simm.s32 $_size__tile_overlayer_lowered;
	s7 =	simm.s32 $_tile_overlayer_lowered  }
0x9c: {  	s22 =	simm.s32 $0x1BFF;
	s21 =	sshll.u32 s7, $0x1;
	s4 =	sadd.s32 s5, s19  }
0x9d: {  	s8 =	simm.s32 $0x0;
	s20 =	sshll.u32 s6, $0x1;
	s6 =	sadd.s32 s21, s4  }
0x9e: {  	[timem:s8], [sflag:s22] =	dma.local [hbm:s6], s20  }
0x9f: {  	_ =	swait.ge [sflag:s22], s20  }
0xa0: {  	s5 =	ssub.s32 $0x0, s20;
	[sflag:s22] =	ssyncset.done $0x0  }
0xa1: {  	[sflag:s22] =	ssyncadd.s32 s5;
	_ =	sdelay $0x1  }
0xa2: {  	s23 =	simm.s32 $0x1B8B  }
0xa3: {  	_ =	swait.ge [sflag:s23], $0x1  }
0xa4: {  	[sflag:s23] =	ssyncset.done $0x0  }
0xa5: {  	s25 =	simm.s32 $0x1B8E;
	s24 =	sld [smem:$0x3FFE];
	[sflag:s23] =	ssyncadd.s32 $0xFFFFFFFF  }
0xa6: {  	s26 =	simm.s32 $execute0_lowered;
	[smem:$0x3FD2] =	sst s25  }
0xa7: {  	s6 =	sshll.u32 s26, $0x1;
	_ =	strace $0x80000046;
	[dreg:$0x1] =	wrdreg $0xFFFFFFFF  }
0xa8: {  	s28 =	simm.s32 $_size_execute0_lowered;
	s4 =	sadd.s32 s4, s6;
	[dreg:$0x0] =	wrdreg $0x0  }
0xa9: {  	s6 =	sshll.u32 s28, $0x1;
	[dreg:$0x2] =	wrdreg s4  }
0xaa: {  	[dreg:$0x3] =	wrdreg s6  }
0xab: {  	[dreg:$0x4] =	wrdreg $0xC0  }
0xac: {  	_ =	task [dreg:s8], $0x5FFFF  }
0xad: {  	[dreg:$0x1] =	wrdreg $0xFFFFFFFF  }
0xae: {  	[dreg:$0x0] =	wrdreg $0x60  }
0xaf: {  	[dreg:$0x2] =	wrdreg s24  }
0xb0: {  	[dreg:$0x3] =	wrdreg s2  }
0xb1: {  	[dreg:$0x4] =	wrdreg s18  }
0xb2: {  	[dreg:$0x5] =	wrdreg $0x12E100  }
0xb3: {  	[dreg:$0x6] =	wrdreg $0x1CE100  }
0xb4: {  	[dreg:$0x7] =	wrdreg $0x9  }
0xb5: {  	_ =	task.clear_ibuf [dreg:s8], $0x8FFFF;
	_ =	strace $0x90000046  }
0xb6: {  	s29 =	simm.s32 $0x9;
	_ =	strace $0x80000048  }
0xb7: {  	_ =	swait.ge [sflag:s29], $0x1  }
0xb8: {  	[sflag:s29] =	ssyncadd.s32 $0xFFFFFFFF  }
0xb9: {  	_ =	strace $0x90000048  }
0xba: {  	_ =	sfence  }
0xbb: {  	s30 =	sld [smem:$0x0];
	_ =	sdelay $0x2  }
0xbc: {  	s31 =	sshll.u32 s1, $0xD;
	s1 =	sshrl.u32 s1, $0x2  }
0xbd: {  	s3 =	sand.u32 $0x4000, s31;
	s1 =	sadd.s32 s1, s30  }
0xbe: {  	s0 =	sor.u32 s3, s0;
	s1 =	sshll.u32 s1, $0x11  }
0xbf: {  	s0 =	sor.u32 s1, s0  }
0xc0: {  	s0 =	sadd.s32 $0x8F2B, s0  }
0xc1: {  	[sflag:s0] =	ssyncadd.remote.s32 $0x1  }
0xc2: {  	_ =	sfence.sel $0xFFFF  }
0xc3: {  	[dreg:$0x0] =	wrdreg $0xFFFFFFFF;
	(pc) =	sbr.abs _section_cstart, $3  }
0xc4: {  	[dreg:$0x1] =	wrdreg $0xFFFFFFFF  }
0xc5: {  	_ =	task.clear_ibuf [dreg:s8], $0x2FFFF;
	_ =	strace $0x9FFFFFFF  }
0xc6: {  	(tm) =	ssettm $0x7FFFFFFF  }
0xc7: {  	_ =	shalt  }
tec
execute0_lowered:
.L_overlay_start_1:
0x0: {  	(tag) =	ssettag $0x1  }
0x1: {  	s1 =	srdreg.scid  }
0x2: {  	s3 =	rddreg [dreg:$0x0];
	s4 =	sand.u32 $0x1, s1;
	s1 =	stileid.u32  }
0x3: {  	s7 =	rddreg [dreg:$0x2];
	s0 =	simm.s32 $0x0;
	s10 =	smul.u32 $0x140, s1  }
0x4: {  	[smem:$0x7FF] =	sst s0;
	s8 =	sadd.s32 $0x17BE00, s3;
	s17 =	smul.u32 $0xA0000, s4  }
0x5: {  	s2 =	ssub.s32 $0x2, s4;
	s6 =	sshll.u32 s1, $0x1;
	s18 =	smul.u32 $0x14000, s4  }
0x6: {  	s5 =	sshrl.u32 s2, $0x1;
	s11 =	sor.u32 s4, s6;
	s6 =	smul.u32 $0x1400, s1  }
0x7: {  	s9 =	sadd.s32 $0x176E00, s3;
	s2 =	ssub.s32 s2, s5;
	s5 =	smul.u32 $0xA000, s1  }
0x8: {  	s12 =	sadd.s32 $0x40, s10;
	s13 =	sadd.s32 $0x80, s10;
	s16 =	sadd.s32 $0xC0, s10  }
0x9: {  	s11 =	smul.u32 $0x500, s11;
	s10 =	sadd.s32 $0x100, s10;
	s14 =	sshll.u32 s12, $0x7  }
0xa: {  	s12 =	sshll.u32 s12, $0x4;
	s15 =	sshll.u32 s13, $0x7;
	s13 =	sshll.u32 s13, $0x4  }
0xb: {  	s22 =	sshll.u32 s16, $0x7;
	s16 =	sshll.u32 s16, $0x4;
	s23 =	sshll.u32 s10, $0x7  }
0xc: {  	s10 =	sshll.u32 s10, $0x4;
	s21 =	sadd.s32 s6, s18;
	s7 =	sadd.s32 s7, s11  }
0xd: {  	s20 =	sadd.s32 s5, s17;
	s19 =	sadd.s32 s17, s14;
	s24 =	sshrl.u32 s21, $0x3  }
0xe: {  	s26 =	sadd.s32 s18, s12;
	[dreg:$0x6] =	wrdreg s7;
	s7 =	sshrl.u32 s20, $0x3  }
0xf: {  	s29 =	sadd.s32 s17, s15;
	s25 =	sshrl.u32 s19, $0x3;
	s7 =	sadd.s32 s8, s7  }
0x10: {  	s19 =	sshrl.u32 s29, $0x3;
	s11 =	sadd.s32 s8, s25;
	[dreg:$0x7] =	wrdreg s7  }
0x11: {  	s20 =	sadd.s32 s17, s22;
	s19 =	sadd.s32 s8, s19;
	[dreg:$0x8] =	wrdreg s11  }
0x12: {  	s17 =	sadd.s32 s17, s23;
	s20 =	sshrl.u32 s20, $0x3;
	[dreg:$0x9] =	wrdreg s19  }
0x13: {  	s17 =	sshrl.u32 s17, $0x3;
	s19 =	sadd.s32 s8, s20;
	s11 =	rddreg [dreg:$0x1]  }
0x14: {  	s21 =	sadd.s32 s18, s13;
	s8 =	sadd.s32 s8, s17;
	[dreg:$0xa] =	wrdreg s19  }
0x15: {  	s29 =	sadd.s32 s18, s10;
	s7 =	sadd.s32 s9, s24;
	[dreg:$0xb] =	wrdreg s8  }
0x16: {  	s24 =	sshrl.u32 s26, $0x3;
	s26 =	sadd.s32 s18, s16;
	[dreg:$0xc] =	wrdreg s7  }
0x17: {  	s17 =	sadd.s32 $0xBA00, s3;
	s7 =	sadd.s32 s9, s24;
	s24 =	rddreg [dreg:$0x3]  }
0x18: {  	s18 =	sadd.s32 $0x1C00, s3;
	s8 =	sshrl.u32 s21, $0x3;
	[dreg:$0xd] =	wrdreg s7  }
0x19: {  	s25 =	sadd.s32 s9, s8;
	s7 =	sshrl.u32 s26, $0x3;
	s26 =	rddreg [dreg:$0x4]  }
0x1a: {  	s8 =	sshrl.u32 s29, $0x3;
	[dreg:$0xe] =	wrdreg s25;
	s7 =	sadd.s32 s9, s7  }
0x1b: {  	s20 =	sadd.s32 $0xDAA00, s3;
	s8 =	sadd.s32 s9, s8;
	[dreg:$0xf] =	wrdreg s7  }
0x1c: {  	s19 =	sadd.s32 $0x3E600, s3;
	s9 =	sadd.s32 $0x3D800, s3;
	[dreg:$0x10] =	wrdreg s8  }
0x1d: {  	s25 =	sadd.s32 $0x3DE00, s3;
	_ =	strace $0x80000047;
	[dreg:$0x11] =	wrdreg s9  }
0x1e: {  	s21 =	sadd.s32 $0x15800, s3;
	s3 =	sadd.s32 $0x3E400, s3;
	[dreg:$0x12] =	wrdreg s25  }
0x1f: {  	s28 =	simm.s32 $0x8290;
	s5 =	sadd.s32 s5, s24;
	[dreg:$0x13] =	wrdreg s3  }
0x20: {  	s30 =	simm.s32 $0x6;
	s6 =	sadd.s32 s6, s26;
	[dreg:$0x14] =	wrdreg s5  }
0x21: {  	s31 =	simm.s32 $0xDD90;
	s7 =	sadd.s32 s12, s26;
	[dreg:$0x15] =	wrdreg s6  }
0x22: {  	s2 =	smax.u32 s2, $0x1;
	s8 =	sadd.s32 s13, s26;
	[dreg:$0x17] =	wrdreg s7  }
0x23: {  	s29 =	ssub.s32 $0x9D3, s1;
	s13 =	sadd.s32 s10, s26;
	[dreg:$0x19] =	wrdreg s8  }
0x24: {  	s14 =	sadd.s32 s14, s24;
	s15 =	sadd.s32 s15, s24;
	[dreg:$0x1d] =	wrdreg s13  }
0x25: {  	s22 =	sadd.s32 s22, s24;
	s24 =	sadd.s32 s23, s24;
	[smem:$0x7FD] =	sst s2  }
0x26: {  	s12 =	sshll.u32 s1, $0x4;
	s10 =	simm.s32 $0x80;
	[dreg:$0x16] =	wrdreg s14  }
0x27: {  	s3 =	smul.u32 $0x1400, s4;
	s25 =	sshrl.u32 s29, $0x4;
	[dreg:$0x18] =	wrdreg s15  }
0x28: {  	s9 =	sadd.s32 s16, s26;
	s16 =	sadd.s32 s17, s12;
	[dreg:$0x1a] =	wrdreg s22  }
0x29: {  	s23 =	sadd.s32 s18, s12;
	s4 =	sadd.s32 s11, s12;
	[dreg:$0x1c] =	wrdreg s24  }
0x2a: {  	s26 =	sshll.u32 s1, $0x8;
	s6 =	simm.s32 $0x2800;
	[dreg:$0x1b] =	wrdreg s9  }
0x2b: {  	v0 =	vlaneseq.u32;
	s7 =	simm.s32 $0x7800;
	s8 =	simm.s32 $0x7990;
	[dreg:$0x1e] =	wrdreg s16  }
.Ltmp0:
0x2c: {  	v0 =	vmul.u32 $0x10, v0;
	s5 =	simm.s32 $0xD490;
	[dreg:$0x1f] =	wrdreg s23;
	(pc) =	sbr.rel .LBB2_1-.Ltmp0, $4  }
0x2d: {  	v2 =	vimm.f32 $0.0e+00;
	v10 =	vimm.s32 $0x0;
	vm0 =	vcmask $0x300;
	s12 =	simm.s32 $0x0;
	[smem:$0x7FA] =	sst s4;
	s29 =	sadd.s32 s19, s26  }
0x2e: {  	v10 =	vsel vm0, $0x3, v10;
	v3 =	vor.u32 $0x100, v0;
	v4 =	vor.u32 $0x200, v0;
	s4 =	sadd.s32 s20, s26;
	s16 =	sor.u32 $0x2, s25;
	s23 =	simm.s32 $0x9  }
0x2f: {  	v5 =	vor.u32 $0x300, v0;
	v6 =	vor.u32 $0x400, v0;
	v7 =	vor.u32 $0x500, v0;
	s9 =	simm.s32 $0x1;
	s26 =	simm.s32 $0x5000;
	[smem:$0x7FB] =	sst s29  }
0x30: {  	v8 =	vor.u32 $0x600, v0;
	v9 =	vor.u32 $0x700, v0;
	[smem:$0x7FC] =	sst s4;
	v1 =	vmov s3;
	s3 =	simm.s32 $0x5;
	s4 =	simm.s32 $0x2  }
.LBB2_23:
0x31: {  	s2 =	rddreg [dreg:$0x6]  }
0x32: {  	[hbm4b:s2+s0] =	stream.linear.scatter [tilespmem:s26], [sflag:$0x9], $0x2800, $0x38;
	[tilespmem:$0x1E210] =	vst v63  }
0x33: {  	_ =	swait.ge [sflag:s23], $0x2800  }
0x34: {  	[sflag:s23] =	ssyncset.done $0x0  }
0x35: {  	[sflag:s23] =	ssyncadd.s32 $0xFFFFD800  }
0x36: {  	[bflag:$0x0] =	sbarrier.arrive $0xFFFF  }
0x37: {  	s12 =	simm.s32 $0x9310;
	s14 =	rddreg [dreg:$0x14]  }
0x38: {  	[tilespmem:s12], [sflag:$0x9] =	stream.linear.gather [spmem:s14], $0x2000, $0x38;
	[tilespmem:$0x1E210] =	vst v63  }
0x39: {  	_ =	swait.ge [sflag:s23], $0x2000  }
0x3a: {  	[sflag:s23] =	ssyncset.done $0x0  }
0x3b: {  	s15 =	rddreg [dreg:$0x7];
	[sflag:s23] =	ssyncadd.s32 $0xFFFFE000  }
0x3c: {  	[hbm4b:s15+s0] =	stream.linear.scatter [tilespmem:s12], [sflag:$0x9], $0x2000, $0x38;
	[tilespmem:$0x1E210] =	vst v63  }
0x3d: {  	_ =	swait.ge [sflag:s23], $0x2000  }
0x3e: {  	[sflag:s23] =	ssyncset.done $0x0  }
0x3f: {  	s13 =	simm.s32 $0x8B10;
	s22 =	rddreg [dreg:$0x15];
	[sflag:s23] =	ssyncadd.s32 $0xFFFFE000  }
0x40: {  	[tilespmem:s13], [sflag:$0x9] =	stream.linear.gather [spmem:s22], $0x400, $0x38;
	[tilespmem:$0x1E210] =	vst v63  }
0x41: {  	_ =	swait.ge [sflag:s23], $0x400  }
0x42: {  	[sflag:s23] =	ssyncset.done $0x0  }
0x43: {  	s24 =	rddreg [dreg:$0xc];
	[sflag:s23] =	ssyncadd.s32 $0xFFFFFC00  }
0x44: {  	[hbm4b:s24+s0] =	stream.linear.scatter [tilespmem:s13], [sflag:$0x9], $0x400, $0x38;
	[tilespmem:$0x1E210] =	vst v63  }
0x45: {  	_ =	swait.ge [sflag:s23], $0x400  }
0x46: {  	[sflag:s23] =	ssyncset.done $0x0  }
0x47: {  	s14 =	rddreg [dreg:$0x16];
	[sflag:s23] =	ssyncadd.s32 $0xFFFFFC00  }
0x48: {  	[tilespmem:s12], [sflag:$0x9] =	stream.linear.gather [spmem:s14], $0x2000, $0x38;
	[tilespmem:$0x1E210] =	vst v63  }
0x49: {  	_ =	swait.ge [sflag:s23], $0x2000  }
0x4a: {  	[sflag:s23] =	ssyncset.done $0x0  }
0x4b: {  	s29 =	rddreg [dreg:$0x8];
	[sflag:s23] =	ssyncadd.s32 $0xFFFFE000  }
0x4c: {  	[hbm4b:s29+s0] =	stream.linear.scatter [tilespmem:s12], [sflag:$0x9], $0x2000, $0x38;
	[tilespmem:$0x1E210] =	vst v63  }
0x4d: {  	_ =	swait.ge [sflag:s23], $0x2000  }
0x4e: {  	[sflag:s23] =	ssyncset.done $0x0  }
0x4f: {  	s15 =	rddreg [dreg:$0x17];
	[sflag:s23] =	ssyncadd.s32 $0xFFFFE000  }
0x50: {  	[tilespmem:s13], [sflag:$0x9] =	stream.linear.gather [spmem:s15], $0x400, $0x38;
	[tilespmem:$0x1E210] =	vst v63  }
0x51: {  	_ =	swait.ge [sflag:s23], $0x400  }
0x52: {  	[sflag:s23] =	ssyncset.done $0x0  }
0x53: {  	s22 =	rddreg [dreg:$0xd];
	[sflag:s23] =	ssyncadd.s32 $0xFFFFFC00  }
0x54: {  	[hbm4b:s22+s0] =	stream.linear.scatter [tilespmem:s13], [sflag:$0x9], $0x400, $0x38;
	[tilespmem:$0x1E210] =	vst v63  }
0x55: {  	_ =	swait.ge [sflag:s23], $0x400  }
0x56: {  	[sflag:s23] =	ssyncset.done $0x0  }
0x57: {  	s15 =	rddreg [dreg:$0x18];
	[sflag:s23] =	ssyncadd.s32 $0xFFFFFC00  }
0x58: {  	[tilespmem:s12], [sflag:$0x9] =	stream.linear.gather [spmem:s15], $0x2000, $0x38;
	[tilespmem:$0x1E210] =	vst v63  }
0x59: {  	_ =	swait.ge [sflag:s23], $0x2000  }
0x5a: {  	[sflag:s23] =	ssyncset.done $0x0  }
0x5b: {  	s24 =	rddreg [dreg:$0x9];
	[sflag:s23] =	ssyncadd.s32 $0xFFFFE000  }
0x5c: {  	[hbm4b:s24+s0] =	stream.linear.scatter [tilespmem:s12], [sflag:$0x9], $0x2000, $0x38;
	[tilespmem:$0x1E210] =	vst v63  }
0x5d: {  	_ =	swait.ge [sflag:s23], $0x2000  }
0x5e: {  	[sflag:s23] =	ssyncset.done $0x0  }
0x5f: {  	s29 =	rddreg [dreg:$0x19];
	[sflag:s23] =	ssyncadd.s32 $0xFFFFE000  }
0x60: {  	[tilespmem:s13], [sflag:$0x9] =	stream.linear.gather [spmem:s29], $0x400, $0x38;
	[tilespmem:$0x1E210] =	vst v63  }
0x61: {  	_ =	swait.ge [sflag:s23], $0x400  }
0x62: {  	[sflag:s23] =	ssyncset.done $0x0  }
0x63: {  	s22 =	rddreg [dreg:$0xe];
	[sflag:s23] =	ssyncadd.s32 $0xFFFFFC00  }
0x64: {  	[hbm4b:s22+s0] =	stream.linear.scatter [tilespmem:s13], [sflag:$0x9], $0x400, $0x38;
	[tilespmem:$0x1E210] =	vst v63  }
0x65: {  	_ =	swait.ge [sflag:s23], $0x400  }
0x66: {  	[sflag:s23] =	ssyncset.done $0x0  }
0x67: {  	s22 =	rddreg [dreg:$0x1a];
	[sflag:s23] =	ssyncadd.s32 $0xFFFFFC00  }
0x68: {  	[tilespmem:s12], [sflag:$0x9] =	stream.linear.gather [spmem:s22], $0x2000, $0x38;
	[tilespmem:$0x1E210] =	vst v63  }
0x69: {  	_ =	swait.ge [sflag:s23], $0x2000  }
0x6a: {  	[sflag:s23] =	ssyncset.done $0x0  }
0x6b: {  	s24 =	rddreg [dreg:$0xa];
	[sflag:s23] =	ssyncadd.s32 $0xFFFFE000  }
0x6c: {  	[hbm4b:s24+s0] =	stream.linear.scatter [tilespmem:s12], [sflag:$0x9], $0x2000, $0x38;
	[tilespmem:$0x1E210] =	vst v63  }
0x6d: {  	_ =	swait.ge [sflag:s23], $0x2000  }
0x6e: {  	[sflag:s23] =	ssyncset.done $0x0  }
0x6f: {  	s29 =	rddreg [dreg:$0x1b];
	[sflag:s23] =	ssyncadd.s32 $0xFFFFE000  }
0x70: {  	[tilespmem:s13], [sflag:$0x9] =	stream.linear.gather [spmem:s29], $0x400, $0x38;
	[tilespmem:$0x1E210] =	vst v63  }
0x71: {  	_ =	swait.ge [sflag:s23], $0x400  }
0x72: {  	[sflag:s23] =	ssyncset.done $0x0  }
0x73: {  	s24 =	rddreg [dreg:$0xf];
	[sflag:s23] =	ssyncadd.s32 $0xFFFFFC00  }
0x74: {  	[hbm4b:s24+s0] =	stream.linear.scatter [tilespmem:s13], [sflag:$0x9], $0x400, $0x38;
	[tilespmem:$0x1E210] =	vst v63  }
0x75: {  	_ =	swait.ge [sflag:s23], $0x400  }
0x76: {  	[sflag:s23] =	ssyncset.done $0x0  }
0x77: {  	s24 =	rddreg [dreg:$0x1c];
	[sflag:s23] =	ssyncadd.s32 $0xFFFFFC00  }
0x78: {  	[tilespmem:s12], [sflag:$0x9] =	stream.linear.gather [spmem:s24], $0x2000, $0x38;
	[tilespmem:$0x1E210] =	vst v63  }
0x79: {  	_ =	swait.ge [sflag:s23], $0x2000  }
0x7a: {  	[sflag:s23] =	ssyncset.done $0x0  }
0x7b: {  	s29 =	rddreg [dreg:$0xb];
	[sflag:s23] =	ssyncadd.s32 $0xFFFFE000  }
0x7c: {  	[hbm4b:s29+s0] =	stream.linear.scatter [tilespmem:s12], [sflag:$0x9], $0x2000, $0x38;
	[tilespmem:$0x1E210] =	vst v63  }
0x7d: {  	_ =	swait.ge [sflag:s23], $0x2000  }
0x7e: {  	[sflag:s23] =	ssyncset.done $0x0  }
0x7f: {  	s29 =	rddreg [dreg:$0x1d];
	[sflag:s23] =	ssyncadd.s32 $0xFFFFE000  }
0x80: {  	[tilespmem:s13], [sflag:$0x9] =	stream.linear.gather [spmem:s29], $0x400, $0x38;
	[tilespmem:$0x1E210] =	vst v63  }
0x81: {  	_ =	swait.ge [sflag:s23], $0x400  }
0x82: {  	[sflag:s23] =	ssyncset.done $0x0  }
0x83: {  	s12 =	rddreg [dreg:$0x10];
	[sflag:s23] =	ssyncadd.s32 $0xFFFFFC00  }
0x84: {  	[hbm4b:s12+s0] =	stream.linear.scatter [tilespmem:s13], [sflag:$0x9], $0x400, $0x38;
	[tilespmem:$0x1E210] =	vst v63  }
0x85: {  	_ =	swait.ge [sflag:s23], $0x400  }
0x86: {  	s13 =	sld [smem:$0x7F9]  }
0x87: {  	s29 =	sld [smem:$0x7FD];
	_ =	sdelay $0x1  }
0x88: {  	s12 =	sadd.s32 $0x1, s13  }
0x89: {  	p0 =	sne.s32 s12, s29  }
.Ltmp1:
0x8a: {  	_ = 	snop;
	(pc) =	sbr.rel @!p0 .LBB2_24-.Ltmp1, $3  }
0x8b: {  	_ =	sdelay $0x1  }
0x8c: {  	[sflag:s23] =	ssyncset.done $0x0  }
0x8d: {  	[sflag:s23] =	ssyncadd.s32 $0xFFFFFC00  }
.LBB2_1:
0x8e: {  	s2 =	simm.s32 $0x9350  }
0x8f: {  	[tilespmem:s2+$0xFFFFFFD0] =	vst v2  }
0x90: {  	[tilespmem:s2+$0xFFFFFFE0] =	vst v2  }
0x91: {  	[tilespmem:s2+$0xFFFFFFF0] =	vst v2  }
0x92: {  	[tilespmem:s2+$0x0] =	vst v2  }
0x93: {  	[tilespmem:s2+$0x10] =	vst v2  }
0x94: {  	[tilespmem:s2+$0x20] =	vst v2  }
0x95: {  	[tilespmem:s2+$0x30] =	vst v2  }
0x96: {  	[smem:$0x7F9] =	sst s12;
	s13 =	simm.s32 $0x0;
	s12 =	simm.s32 $0x40;
	[tilespmem:s2+$0xFFFFFFC0] =	vst v2  }
.LBB2_2:
0x97: {  	p0 =	sne.s32 s12, $0x1FC0;
	[tilespmem:s13+$0x8B10] =	vst v2;
	s2 =	sadd.s32 $0x80, s2  }
0x98: {  	[tilespmem:s2+$0xFFFFFFD0] =	vst v2  }
0x99: {  	[tilespmem:s2+$0xFFFFFFE0] =	vst v2  }
0x9a: {  	[tilespmem:s2+$0xFFFFFFF0] =	vst v2  }
.Ltmp2:
0x9b: {  	[tilespmem:s2+$0x0] =	vst v2;
	(pc) =	sbr.rel @p0 .LBB2_2-.Ltmp2, $4  }
0x9c: {  	[tilespmem:s2+$0x10] =	vst v2  }
0x9d: {  	[tilespmem:s2+$0x20] =	vst v2  }
0x9e: {  	[tilespmem:s2+$0x30] =	vst v2  }
0x9f: {  	s13 =	sshra.s32 s12, $0x2;
	s12 =	sadd.s32 $0x40, s12;
	[tilespmem:s2+$0xFFFFFFC0] =	vst v2  }
0xa0: {  	[tilespmem:s13+$0x8B10] =	vst v2;
	s2 =	simm.s32 $0x40;
	s12 =	simm.s32 $0x0  }
.LBB2_4:
0xa1: {  	p0 =	sne.s32 s2, $0x9FC0;
	[tilespmem:s12+$0x5000] =	vst v2;
	s12 =	smov.u32 s2;
	s2 =	sadd.s32 $0x40, s2  }
.Ltmp3:
0xa2: {  	(pc) =	sbr.rel @p0 .LBB2_4-.Ltmp3, $2  }
0xa3: {  	_ =	sdelay $0x2  }
0xa4: {  	s12 =	sshra.s32 s12, $0x2  }
0xa5: {  	[tilespmem:s12+$0x5000] =	vst v2;
	s2 =	rddreg [dreg:$0x14];
	s12 =	simm.s32 $0x9310  }
0xa6: {  	[spmem:s2] =	stream.linear.scatter [tilespmem:s12], [sflag:$0x9], $0x2000, $0x38;
	[tilespmem:$0x1E210] =	vst v63  }
0xa7: {  	_ =	swait.ge [sflag:s23], $0x2000  }
0xa8: {  	[sflag:s23] =	ssyncset.done $0x0  }
0xa9: {  	s13 =	simm.s32 $0x8B10;
	s29 =	rddreg [dreg:$0x15];
	[sflag:s23] =	ssyncadd.s32 $0xFFFFE000  }
0xaa: {  	[spmem:s29] =	stream.linear.scatter [tilespmem:s13], [sflag:$0x9], $0x400, $0x38;
	[tilespmem:$0x1E210] =	vst v63  }
0xab: {  	_ =	swait.ge [sflag:s23], $0x400  }
0xac: {  	[sflag:s23] =	ssyncset.done $0x0  }
0xad: {  	[sflag:s23] =	ssyncadd.s32 $0xFFFFFC00  }
0xae: {  	[spmem:s14] =	stream.linear.scatter [tilespmem:s12], [sflag:$0x9], $0x2000, $0x38;
	[tilespmem:$0x1E210] =	vst v63  }
0xaf: {  	_ =	swait.ge [sflag:s23], $0x2000  }
0xb0: {  	[sflag:s23] =	ssyncset.done $0x0  }
0xb1: {  	s14 =	rddreg [dreg:$0x17];
	[sflag:s23] =	ssyncadd.s32 $0xFFFFE000  }
0xb2: {  	[spmem:s14] =	stream.linear.scatter [tilespmem:s13], [sflag:$0x9], $0x400, $0x38;
	[tilespmem:$0x1E210] =	vst v63  }
0xb3: {  	_ =	swait.ge [sflag:s23], $0x400  }
0xb4: {  	[sflag:s23] =	ssyncset.done $0x0  }
0xb5: {  	[sflag:s23] =	ssyncadd.s32 $0xFFFFFC00  }
0xb6: {  	[spmem:s15] =	stream.linear.scatter [tilespmem:s12], [sflag:$0x9], $0x2000, $0x38;
	[tilespmem:$0x1E210] =	vst v63  }
0xb7: {  	_ =	swait.ge [sflag:s23], $0x2000  }
0xb8: {  	[sflag:s23] =	ssyncset.done $0x0  }
0xb9: {  	s15 =	rddreg [dreg:$0x19];
	[sflag:s23] =	ssyncadd.s32 $0xFFFFE000  }
0xba: {  	[spmem:s15] =	stream.linear.scatter [tilespmem:s13], [sflag:$0x9], $0x400, $0x38;
	[tilespmem:$0x1E210] =	vst v63  }
0xbb: {  	_ =	swait.ge [sflag:s23], $0x400  }
0xbc: {  	[sflag:s23] =	ssyncset.done $0x0  }
0xbd: {  	[sflag:s23] =	ssyncadd.s32 $0xFFFFFC00  }
0xbe: {  	[spmem:s22] =	stream.linear.scatter [tilespmem:s12], [sflag:$0x9], $0x2000, $0x38;
	[tilespmem:$0x1E210] =	vst v63  }
0xbf: {  	_ =	swait.ge [sflag:s23], $0x2000  }
0xc0: {  	[sflag:s23] =	ssyncset.done $0x0  }
0xc1: {  	s22 =	rddreg [dreg:$0x1b];
	[sflag:s23] =	ssyncadd.s32 $0xFFFFE000  }
0xc2: {  	[spmem:s22] =	stream.linear.scatter [tilespmem:s13], [sflag:$0x9], $0x400, $0x38;
	[tilespmem:$0x1E210] =	vst v63  }
0xc3: {  	_ =	swait.ge [sflag:s23], $0x400  }
0xc4: {  	[sflag:s23] =	ssyncset.done $0x0  }
0xc5: {  	[sflag:s23] =	ssyncadd.s32 $0xFFFFFC00  }
0xc6: {  	[spmem:s24] =	stream.linear.scatter [tilespmem:s12], [sflag:$0x9], $0x2000, $0x38;
	[tilespmem:$0x1E210] =	vst v63  }
0xc7: {  	_ =	swait.ge [sflag:s23], $0x2000  }
0xc8: {  	[sflag:s23] =	ssyncset.done $0x0  }
0xc9: {  	s24 =	rddreg [dreg:$0x1d];
	[sflag:s23] =	ssyncadd.s32 $0xFFFFE000  }
0xca: {  	[spmem:s24] =	stream.linear.scatter [tilespmem:s13], [sflag:$0x9], $0x400, $0x38;
	[tilespmem:$0x1E210] =	vst v63  }
0xcb: {  	_ =	swait.ge [sflag:s23], $0x400  }
0xcc: {  	[sflag:s23] =	ssyncset.done $0x0  }
0xcd: {  	s15 =	simm.s32 $0x0;
	s29 =	rddreg [dreg:$0x11];
	[sflag:s23] =	ssyncadd.s32 $0xFFFFFC00  }
0xce: {  	[tilespmem:s15], [sflag:$0x9] =	stream.linear.gather [hbm4b:s29+s15], $0x2800, $0x38;
	[tilespmem:$0x1E210] =	vst v63  }
0xcf: {  	_ =	swait.ge [sflag:s23], $0x2800  }
0xd0: {  	[sflag:s23] =	ssyncset.done $0x0  }
0xd1: {  	s12 =	rddreg [dreg:$0x12];
	[sflag:s23] =	ssyncadd.s32 $0xFFFFD800  }
0xd2: {  	[tilespmem:s6], [sflag:$0x9] =	stream.linear.gather [hbm4b:s12+s15], $0x2800, $0x38;
	[tilespmem:$0x1E210] =	vst v63  }
0xd3: {  	_ =	swait.ge [sflag:s23], $0x2800  }
0xd4: {  	[sflag:s23] =	ssyncset.done $0x0  }
0xd5: {  	s13 =	rddreg [dreg:$0x13];
	[sflag:s23] =	ssyncadd.s32 $0xFFFFD800  }
0xd6: {  	[tilespmem:s7], [sflag:$0x9] =	stream.linear.gather [hbm4b:s13+s15], $0x10, $0x38;
	[tilespmem:$0x1E210] =	vst v63  }
0xd7: {  	_ =	swait.ge [sflag:s23], $0x10  }
0xd8: {  	[sflag:s23] =	ssyncset.done $0x0  }
0xd9: {  	[sflag:s23] =	ssyncadd.s32 $0xFFFFFFF0  }
0xda: {  	[bflag:$0x0] =	sbarrier.arrive $0xFFFF  }
0xdb: {  	s14 =	rddreg [dreg:$0x1e]  }
0xdc: {  	s22 =	simm.s32 $0x7810;
	s24 =	rddreg [dreg:$0x1f]  }
0xdd: {  	[tilespmem:s22], [sflag:$0x1] =	stream.linear.gather [hbm4b:s14+s15], $0x80, $0x38;
	[tilespmem:$0x1E210] =	vst v63  }
0xde: {  	s29 =	simm.s32 $0x7890;
	s13 =	sld [smem:$0x7FA]  }
0xdf: {  	[tilespmem:s29], [sflag:$0x1] =	stream.linear.gather [hbm4b:s24+s15], $0x80, $0x38;
	[tilespmem:$0x1E210] =	vst v63  }
0xe0: {  	s14 =	simm.s32 $0x7910;
	s22 =	sld [smem:$0x7FB]  }
0xe1: {  	[tilespmem:s14], [sflag:$0x1] =	stream.linear.gather [hbm4b:s13+s15], $0x80, $0x38;
	[tilespmem:$0x1E210] =	vst v63  }
.Ltmp4:
0xe2: {  	_ = 	snop;
	(pc) =	sbr.rel .LBB2_6-.Ltmp4, $4  }
0xe3: {  	s24 =	sld [smem:$0x7FC]  }
0xe4: {  	[tilespmem:s8], [sflag:$0x1] =	stream.linear.gather [hbm4b:s22+s15], $0x800, $0x38;
	[tilespmem:$0x1E210] =	vst v63  }
0xe5: {  	s29 =	simm.s32 $0x8310  }
0xe6: {  	[tilespmem:s29], [sflag:$0x1] =	stream.linear.gather [hbm4b:s24+s15], $0x800, $0x38;
	[tilespmem:$0x1E210] =	vst v63  }
.LBB2_22:
0xe7: {  	s15 =	sadd.s32 $0x1, s15  }
0xe8: {  	p0 =	sne.s32 s15, $0x50  }
.Ltmp5:
0xe9: {  	_ = 	snop;
	(pc) =	sbr.rel @!p0 .LBB2_23-.Ltmp5, $1  }
0xea: {  	_ =	sdelay $0x3  }
.LBB2_6:
0xeb: {  	s2 =	sshllo.u32 s15, $0x1  }
0xec: {  	p1 =	sge.u32 s2, s25  }
0xed: {  	s2 =	sshll.u32 @!p1 s2, $0x4  }
0xee: {  	s2 =	sor.u32 @!p1 s1, s2  }
0xef: {  	s24 =	sshll.u32 s15, $0x1;
	s12 =	sshll.u32 @!p1 s2, $0x4  }
0xf0: {  	s14 =	simm.s32 @!p1 $0x0;
	s22 =	simm.s32 @!p1 $0xD310;
	s13 =	sadd.s32 @!p1 s17, s12  }
0xf1: {  	[tilespmem:s22], [sflag:$0x5] =	stream.linear.gather @!p1 [hbm4b:s13+s14], $0x80, $0x38;
	[tilespmem:$0x1E210] =	vst v63  }
0xf2: {  	p0 =	seq.s32 s15, $0x0;
	s13 =	sadd.s32 @!p1 s18, s12;
	s22 =	simm.s32 @!p1 $0xD390  }
0xf3: {  	[tilespmem:s22], [sflag:$0x5] =	stream.linear.gather @!p1 [hbm4b:s13+s14], $0x80, $0x38;
	[tilespmem:$0x1E210] =	vst v63  }
0xf4: {  	s2 =	sshll.u32 @!p1 s2, $0x8;
	s12 =	sadd.s32 @!p1 s11, s12;
	s13 =	simm.s32 @!p1 $0xD410  }
0xf5: {  	[tilespmem:s13], [sflag:$0x5] =	stream.linear.gather @!p1 [hbm4b:s12+s14], $0x80, $0x38;
	[tilespmem:$0x1E210] =	vst v63  }
0xf6: {  	p2 =	sge.u32 @!p0 s24, s16;
	s12 =	sadd.s32 @!p1 s19, s2;
	s13 =	simm.s32 @!p1 $0xD490  }
0xf7: {  	[tilespmem:s13], [sflag:$0x5] =	stream.linear.gather @!p1 [hbm4b:s12+s14], $0x800, $0x38;
	[tilespmem:$0x1E210] =	vst v63  }
0xf8: {  	p2 =	por p2, p0;
	s2 =	sadd.s32 @!p1 s20, s2;
	s12 =	simm.s32 @!p1 $0xDE10  }
0xf9: {  	[tilespmem:s12], [sflag:$0x5] =	stream.linear.gather @!p1 [hbm4b:s2+s14], $0x800, $0x38;
	[tilespmem:$0x1E210] =	vst v63  }
0xfa: {  	s2 =	simm.s32 @!p2 $0x3  }
0xfb: {  	p0 =	sge.u32 s24, s25;
	_ =	swait.ge @!p2 [sflag:s2], $0x4000  }
.Ltmp6:
0xfc: {  	[sflag:s2] =	ssyncset.done @!p2 $0x0;
	(pc) =	sbr.rel @p0 .LBB2_10-.Ltmp6, $4  }
0xfd: {  	[sflag:s2] =	ssyncadd.s32 @!p2 $0xFFFFC000;
	s2 =	simm.s32 @!p2 $0x4  }
0xfe: {  	_ =	swait.ge @!p2 [sflag:s2], $0x800  }
0xff: {  	[sflag:s2] =	ssyncset.done @!p2 $0x0  }
0x100: {  	[sflag:s2] =	ssyncadd.s32 @!p2 $0xFFFFF800  }
0x101: {  	_ =	swait.ge [sflag:s9], $0x80  }
0x102: {  	[sflag:s9] =	ssyncset.done $0x0  }
0x103: {  	[sflag:s9] =	ssyncadd.s32 $0xFFFFFF80  }
0x104: {  	_ =	swait.ge [sflag:s9], $0x80  }
0x105: {  	[sflag:s9] =	ssyncset.done $0x0  }
0x106: {  	[sflag:s9] =	ssyncadd.s32 $0xFFFFFF80  }
0x107: {  	_ =	swait.ge [sflag:s9], $0x80  }
0x108: {  	[sflag:s9] =	ssyncset.done $0x0  }
0x109: {  	[sflag:s9] =	ssyncadd.s32 $0xFFFFFF80  }
0x10a: {  	_ =	swait.ge [sflag:s9], $0x800  }
0x10b: {  	[sflag:s9] =	ssyncset.done $0x0  }
0x10c: {  	[sflag:s9] =	ssyncadd.s32 $0xFFFFF800  }
0x10d: {  	_ =	swait.ge [sflag:s9], $0x800  }
0x10e: {  	[sflag:s9] =	ssyncset.done $0x0  }
0x10f: {  	[sflag:s9] =	ssyncadd.s32 $0xFFFFF800  }
0x110: {  	v11 =	vld [tilespmem:$0x7890]  }
0x111: {  	v12 =	vld [tilespmem:$0x7810]  }
0x112: {  	v13 =	vld [tilespmem:$0x78A0]  }
0x113: {  	v14 =	vld [tilespmem:$0x7820]  }
0x114: {  	v15 =	vld [tilespmem:$0x78B0]  }
0x115: {  	v16 =	vld [tilespmem:$0x7830];
	v11 =	vsub.s32 v11, v1  }
0x116: {  	v17 =	vld [tilespmem:$0x78C0];
	vm0 =	vlt.u32 v11, $0x1400  }
0x117: {  	v18 =	vld [tilespmem:$0x7840];
	v13 =	vsub.s32 v13, v1;
	v12 =	vnsel vm0, $0xFFFFFFFF, v12  }
0x118: {  	vm5 =	vlt.u32 v13, $0x1400;
	v11 =	vnsel vm0, $0xFFFFFFFF, v11;
	[tilespmem:$0x8190] =	vst v12;
	v12 =	vld [tilespmem:$0x78D0]  }
0x119: {  	[tilespmem:$0x8210] =	vst v11;
	v11 =	vnsel vm5, $0xFFFFFFFF, v14;
	v14 =	vsub.s32 v15, v1;
	v15 =	vld [tilespmem:$0x7850]  }
0x11a: {  	[tilespmem:$0x81A0] =	vst v11;
	v11 =	vnsel vm5, $0xFFFFFFFF, v13;
	vm6 =	vlt.u32 v14, $0x1400;
	v13 =	vld [tilespmem:$0x78E0]  }
0x11b: {  	v61 =	vld [tilespmem:$0x7860];
	v60 =	vsub.s32 v17, v1;
	[tilespmem:$0x8220] =	vst v11;
	v11 =	vnsel vm6, $0xFFFFFFFF, v16  }
0x11c: {  	vm7 =	vlt.u32 v60, $0x1400;
	[tilespmem:$0x81B0] =	vst v11;
	v11 =	vnsel vm6, $0xFFFFFFFF, v14;
	v14 =	vld [tilespmem:$0x78F0]  }
0x11d: {  	v62 =	vld [tilespmem:$0x7870];
	[tilespmem:$0x8230] =	vst v11;
	v11 =	vnsel vm7, $0xFFFFFFFF, v18;
	v12 =	vsub.s32 v12, v1  }
0x11e: {  	v63 =	vld [tilespmem:$0x7900];
	[tilespmem:$0x81C0] =	vst v11;
	v11 =	vnsel vm7, $0xFFFFFFFF, v60;
	vm8 =	vlt.u32 v12, $0x1400  }
0x11f: {  	[tilespmem:$0x8240] =	vst v11;
	v13 =	vsub.s32 v13, v1;
	v11 =	vnsel vm8, $0xFFFFFFFF, v15  }
0x120: {  	vm9 =	vlt.u32 v13, $0x1400;
	[tilespmem:$0x81D0] =	vst v11;
	v11 =	vnsel vm8, $0xFFFFFFFF, v12;
	v12 =	vld [tilespmem:$0x7880]  }
0x121: {  	v14 =	vsub.s32 v14, v1;
	[tilespmem:$0x8250] =	vst v11;
	v11 =	vnsel vm9, $0xFFFFFFFF, v61  }
0x122: {  	vm10 =	vlt.u32 v14, $0x1400;
	[tilespmem:$0x81E0] =	vst v11;
	v11 =	vnsel vm9, $0xFFFFFFFF, v13  }
0x123: {  	v13 =	vsub.s32 v63, v1;
	[tilespmem:$0x8260] =	vst v11;
	v11 =	vnsel vm10, $0xFFFFFFFF, v62  }
0x124: {  	vm11 =	vlt.u32 v13, $0x1400;
	[tilespmem:$0x81F0] =	vst v11;
	v11 =	vnsel vm10, $0xFFFFFFFF, v14  }
0x125: {  	[tilespmem:$0x8270] =	vst v11;
	v11 =	vnsel vm11, $0xFFFFFFFF, v12  }
0x126: {  	[tilespmem:$0x8200] =	vst v11;
	v11 =	vnsel vm11, $0xFFFFFFFF, v13  }
0x127: {  	[tilespmem:$0x8280] =	vst v11;
	(ifvalue) =	ssetifvalue $0xFFFFFFFF  }
0x128: {  	s2 =	simm.s32 $0x9310;
	s12 =	simm.s32 $0x8190;
	(ifvalue) =	ssetifvalue $0xFFFFFFFF  }
0x129: {  	[tilespmem:s2], [sflag:$0x2] =	stream.indirect.gather [hbm4b:s21+s10], $0x80, s12, s10, $0x40b8;
	[tilespmem:$0x1E210] =	vst v63  }
0x12a: {  	v11 =	vld [tilespmem:$0x7890]  }
0x12b: {  	v12 =	vld [tilespmem:$0x7810];
	_ =	sdelay $0x1  }
0x12c: {  	v13 =	vld [tilespmem:$0x7910];
	_ =	sdelay $0x4  }
0x12d: {  	v14 =	vld.idx.msk [tilespmem:v11+s0+$0x0], $0xffff  }
0x12e: {  	v12 =	vld.idx.msk [tilespmem:v12+s6+$0x0], $0xffff;
	_ =	sdelay $0x1  }
0x12f: {  	v13 =	vld.idx.msk [tilespmem:v13+s7+$0x0], $0xffff;
	_ =	sdelay $0x1  }
0x130: {  	v15 =	vld.idx.msk [tilespmem:v0+s8+$0x0], $0xffff  }
0x131: {  	v12 =	vadd.f32 v12, v14;
	_ =	sdelay $0x1  }
0x132: {  	v12 =	vadd.f32 v13, v12;
	_ =	sdelay $0x1  }
0x133: {  	v12 =	vadd.f32 v12, v15;
	_ =	sdelay $0x1  }
0x134: {  	v13 =	vmul.f32 $2.000000030e-01, v12  }
0x135: {  	vm12 =	vge.f32 v12, $0.0e+00  }
0x136: {  	v12 =	vsel vm12, v12, v13  }
0x137: {  	v12 =	vmul.f32 $1.442695020e+00, v12;
	_ =	sdelay $0x1  }
0x138: {  	(erf) = vpow2.f32 v12;
	_ =	sdelay $0x3  }
0x139: {  	v12 =	vsub.s32 v11, v1  }
0x13a: {  	vm13 =	vlt.u32 v12, $0x1400;
	_ =	sdelay $0x3  }
0x13b: {  	v12 =	vpop (erf)  }
0x13c: {  	[tilespmem:$0x8290] =	vst v12  }
0x13d: {  	[tilespmem:v11+s26+$0x0] =	vst.idx.add.f32.msk vm13, v12  }
0x13e: {  	v11 =	vld [tilespmem:$0x78A0]  }
0x13f: {  	v12 =	vld [tilespmem:$0x7820];
	_ =	sdelay $0x1  }
0x140: {  	v13 =	vld [tilespmem:$0x7920];
	_ =	sdelay $0x4  }
0x141: {  	v14 =	vld.idx.msk [tilespmem:v11+s0+$0x0], $0xffff  }
0x142: {  	v12 =	vld.idx.msk [tilespmem:v12+s6+$0x0], $0xffff;
	_ =	sdelay $0x1  }
0x143: {  	v13 =	vld.idx.msk [tilespmem:v13+s7+$0x0], $0xffff;
	_ =	sdelay $0x1  }
0x144: {  	v15 =	vld.idx.msk [tilespmem:v3+s8+$0x0], $0xffff  }
0x145: {  	v12 =	vadd.f32 v12, v14;
	_ =	sdelay $0x1  }
0x146: {  	v12 =	vadd.f32 v13, v12;
	_ =	sdelay $0x1  }
0x147: {  	v12 =	vadd.f32 v12, v15;
	_ =	sdelay $0x1  }
0x148: {  	v13 =	vmul.f32 $2.000000030e-01, v12  }
0x149: {  	vm14 =	vge.f32 v12, $0.0e+00  }
0x14a: {  	v12 =	vsel vm14, v12, v13  }
0x14b: {  	v12 =	vmul.f32 $1.442695020e+00, v12;
	_ =	sdelay $0x1  }
0x14c: {  	(erf) = vpow2.f32 v12;
	_ =	sdelay $0x3  }
0x14d: {  	v12 =	vsub.s32 v11, v1  }
0x14e: {  	vm15 =	vlt.u32 v12, $0x1400;
	_ =	sdelay $0x3  }
0x14f: {  	v12 =	vpop (erf)  }
0x150: {  	[tilespmem:$0x82A0] =	vst v12  }
0x151: {  	[tilespmem:v11+s26+$0x0] =	vst.idx.add.f32.msk vm15, v12  }
0x152: {  	v11 =	vld [tilespmem:$0x78B0]  }
0x153: {  	v12 =	vld [tilespmem:$0x7830];
	_ =	sdelay $0x1  }
0x154: {  	v13 =	vld [tilespmem:$0x7930];
	_ =	sdelay $0x4  }
0x155: {  	v14 =	vld.idx.msk [tilespmem:v11+s0+$0x0], $0xffff  }
0x156: {  	v12 =	vld.idx.msk [tilespmem:v12+s6+$0x0], $0xffff;
	_ =	sdelay $0x1  }
0x157: {  	v13 =	vld.idx.msk [tilespmem:v13+s7+$0x0], $0xffff;
	_ =	sdelay $0x1  }
0x158: {  	v15 =	vld.idx.msk [tilespmem:v4+s8+$0x0], $0xffff  }
0x159: {  	v12 =	vadd.f32 v12, v14;
	_ =	sdelay $0x1  }
0x15a: {  	v12 =	vadd.f32 v13, v12;
	_ =	sdelay $0x1  }
0x15b: {  	v12 =	vadd.f32 v12, v15;
	_ =	sdelay $0x1  }
0x15c: {  	v13 =	vmul.f32 $2.000000030e-01, v12  }
0x15d: {  	vm4 =	vge.f32 v12, $0.0e+00  }
0x15e: {  	v12 =	vsel vm4, v12, v13  }
0x15f: {  	v12 =	vmul.f32 $1.442695020e+00, v12;
	_ =	sdelay $0x1  }
0x160: {  	(erf) = vpow2.f32 v12;
	_ =	sdelay $0x3  }
0x161: {  	v12 =	vsub.s32 v11, v1  }
0x162: {  	vm5 =	vlt.u32 v12, $0x1400;
	_ =	sdelay $0x3  }
0x163: {  	v12 =	vpop (erf)  }
0x164: {  	[tilespmem:$0x82B0] =	vst v12  }
0x165: {  	[tilespmem:v11+s26+$0x0] =	vst.idx.add.f32.msk vm5, v12  }
0x166: {  	v11 =	vld [tilespmem:$0x78C0]  }
0x167: {  	v12 =	vld [tilespmem:$0x7840];
	_ =	sdelay $0x1  }
0x168: {  	v13 =	vld [tilespmem:$0x7940];
	_ =	sdelay $0x4  }
0x169: {  	v14 =	vld.idx.msk [tilespmem:v11+s0+$0x0], $0xffff  }
0x16a: {  	v12 =	vld.idx.msk [tilespmem:v12+s6+$0x0], $0xffff;
	_ =	sdelay $0x1  }
0x16b: {  	v13 =	vld.idx.msk [tilespmem:v13+s7+$0x0], $0xffff;
	_ =	sdelay $0x1  }
0x16c: {  	v15 =	vld.idx.msk [tilespmem:v5+s8+$0x0], $0xffff  }
0x16d: {  	v12 =	vadd.f32 v12, v14;
	_ =	sdelay $0x1  }
0x16e: {  	v12 =	vadd.f32 v13, v12;
	_ =	sdelay $0x1  }
0x16f: {  	v12 =	vadd.f32 v12, v15;
	_ =	sdelay $0x1  }
0x170: {  	v13 =	vmul.f32 $2.000000030e-01, v12  }
0x171: {  	vm6 =	vge.f32 v12, $0.0e+00  }
0x172: {  	v12 =	vsel vm6, v12, v13  }
0x173: {  	v12 =	vmul.f32 $1.442695020e+00, v12;
	_ =	sdelay $0x1  }
0x174: {  	(erf) = vpow2.f32 v12;
	_ =	sdelay $0x3  }
0x175: {  	v12 =	vsub.s32 v11, v1  }
0x176: {  	vm7 =	vlt.u32 v12, $0x1400;
	_ =	sdelay $0x3  }
0x177: {  	v12 =	vpop (erf)  }
0x178: {  	[tilespmem:$0x82C0] =	vst v12  }
0x179: {  	[tilespmem:v11+s26+$0x0] =	vst.idx.add.f32.msk vm7, v12  }
0x17a: {  	v11 =	vld [tilespmem:$0x78D0]  }
0x17b: {  	v12 =	vld [tilespmem:$0x7850];
	_ =	sdelay $0x1  }
0x17c: {  	v13 =	vld [tilespmem:$0x7950];
	_ =	sdelay $0x4  }
0x17d: {  	v14 =	vld.idx.msk [tilespmem:v11+s0+$0x0], $0xffff  }
0x17e: {  	v12 =	vld.idx.msk [tilespmem:v12+s6+$0x0], $0xffff;
	_ =	sdelay $0x1  }
0x17f: {  	v13 =	vld.idx.msk [tilespmem:v13+s7+$0x0], $0xffff;
	_ =	sdelay $0x1  }
0x180: {  	v15 =	vld.idx.msk [tilespmem:v6+s8+$0x0], $0xffff  }
0x181: {  	v12 =	vadd.f32 v12, v14;
	_ =	sdelay $0x1  }
0x182: {  	v12 =	vadd.f32 v13, v12;
	_ =	sdelay $0x1  }
0x183: {  	v12 =	vadd.f32 v12, v15;
	_ =	sdelay $0x1  }
0x184: {  	v13 =	vmul.f32 $2.000000030e-01, v12  }
0x185: {  	vm8 =	vge.f32 v12, $0.0e+00  }
0x186: {  	v12 =	vsel vm8, v12, v13  }
0x187: {  	v12 =	vmul.f32 $1.442695020e+00, v12;
	_ =	sdelay $0x1  }
0x188: {  	(erf) = vpow2.f32 v12;
	_ =	sdelay $0x3  }
0x189: {  	v12 =	vsub.s32 v11, v1  }
0x18a: {  	vm9 =	vlt.u32 v12, $0x1400;
	_ =	sdelay $0x3  }
0x18b: {  	v12 =	vpop (erf)  }
0x18c: {  	[tilespmem:$0x82D0] =	vst v12  }
0x18d: {  	[tilespmem:v11+s26+$0x0] =	vst.idx.add.f32.msk vm9, v12  }
0x18e: {  	v11 =	vld [tilespmem:$0x78E0]  }
0x18f: {  	v12 =	vld [tilespmem:$0x7860];
	_ =	sdelay $0x1  }
0x190: {  	v13 =	vld [tilespmem:$0x7960];
	_ =	sdelay $0x4  }
0x191: {  	v14 =	vld.idx.msk [tilespmem:v11+s0+$0x0], $0xffff  }
0x192: {  	v12 =	vld.idx.msk [tilespmem:v12+s6+$0x0], $0xffff;
	_ =	sdelay $0x1  }
0x193: {  	v13 =	vld.idx.msk [tilespmem:v13+s7+$0x0], $0xffff;
	_ =	sdelay $0x1  }
0x194: {  	v15 =	vld.idx.msk [tilespmem:v7+s8+$0x0], $0xffff  }
0x195: {  	v12 =	vadd.f32 v12, v14;
	_ =	sdelay $0x1  }
0x196: {  	v12 =	vadd.f32 v13, v12;
	_ =	sdelay $0x1  }
0x197: {  	v12 =	vadd.f32 v12, v15;
	_ =	sdelay $0x1  }
0x198: {  	v13 =	vmul.f32 $2.000000030e-01, v12  }
0x199: {  	vm10 =	vge.f32 v12, $0.0e+00  }
0x19a: {  	v12 =	vsel vm10, v12, v13  }
0x19b: {  	v12 =	vmul.f32 $1.442695020e+00, v12;
	_ =	sdelay $0x1  }
0x19c: {  	(erf) = vpow2.f32 v12;
	_ =	sdelay $0x3  }
0x19d: {  	v12 =	vsub.s32 v11, v1  }
0x19e: {  	vm11 =	vlt.u32 v12, $0x1400;
	_ =	sdelay $0x3  }
0x19f: {  	v12 =	vpop (erf)  }
0x1a0: {  	[tilespmem:$0x82E0] =	vst v12  }
0x1a1: {  	[tilespmem:v11+s26+$0x0] =	vst.idx.add.f32.msk vm11, v12  }
0x1a2: {  	v11 =	vld [tilespmem:$0x78F0]  }
0x1a3: {  	v12 =	vld [tilespmem:$0x7870];
	_ =	sdelay $0x1  }
0x1a4: {  	v13 =	vld [tilespmem:$0x7970];
	_ =	sdelay $0x4  }
0x1a5: {  	v14 =	vld.idx.msk [tilespmem:v11+s0+$0x0], $0xffff  }
0x1a6: {  	v12 =	vld.idx.msk [tilespmem:v12+s6+$0x0], $0xffff;
	_ =	sdelay $0x1  }
0x1a7: {  	v13 =	vld.idx.msk [tilespmem:v13+s7+$0x0], $0xffff;
	_ =	sdelay $0x1  }
0x1a8: {  	v15 =	vld.idx.msk [tilespmem:v8+s8+$0x0], $0xffff  }
0x1a9: {  	v12 =	vadd.f32 v12, v14;
	_ =	sdelay $0x1  }
0x1aa: {  	v12 =	vadd.f32 v13, v12;
	_ =	sdelay $0x1  }
0x1ab: {  	v12 =	vadd.f32 v12, v15;
	_ =	sdelay $0x1  }
0x1ac: {  	v13 =	vmul.f32 $2.000000030e-01, v12  }
0x1ad: {  	vm12 =	vge.f32 v12, $0.0e+00  }
0x1ae: {  	v12 =	vsel vm12, v12, v13  }
0x1af: {  	v12 =	vmul.f32 $1.442695020e+00, v12;
	_ =	sdelay $0x1  }
0x1b0: {  	(erf) = vpow2.f32 v12;
	_ =	sdelay $0x3  }
0x1b1: {  	v12 =	vsub.s32 v11, v1  }
0x1b2: {  	vm13 =	vlt.u32 v12, $0x1400;
	_ =	sdelay $0x3  }
0x1b3: {  	v12 =	vpop (erf)  }
0x1b4: {  	[tilespmem:$0x82F0] =	vst v12  }
0x1b5: {  	[tilespmem:v11+s26+$0x0] =	vst.idx.add.f32.msk vm13, v12  }
0x1b6: {  	v11 =	vld [tilespmem:$0x7900]  }
0x1b7: {  	v12 =	vld [tilespmem:$0x7880];
	_ =	sdelay $0x1  }
0x1b8: {  	v13 =	vld [tilespmem:$0x7980];
	_ =	sdelay $0x4  }
0x1b9: {  	v14 =	vld.idx.msk [tilespmem:v11+s0+$0x0], $0xffff  }
0x1ba: {  	v12 =	vld.idx.msk [tilespmem:v12+s6+$0x0], $0xffff;
	_ =	sdelay $0x1  }
0x1bb: {  	v13 =	vld.idx.msk [tilespmem:v13+s7+$0x0], $0xffff;
	_ =	sdelay $0x1  }
0x1bc: {  	v15 =	vld.idx.msk [tilespmem:v9+s8+$0x0], $0xffff  }
0x1bd: {  	v12 =	vadd.f32 v12, v14;
	_ =	sdelay $0x1  }
0x1be: {  	v12 =	vadd.f32 v13, v12;
	_ =	sdelay $0x1  }
0x1bf: {  	v12 =	vadd.f32 v12, v15;
	_ =	sdelay $0x1  }
0x1c0: {  	v13 =	vmul.f32 $2.000000030e-01, v12  }
0x1c1: {  	vm14 =	vge.f32 v12, $0.0e+00  }
0x1c2: {  	v12 =	vsel vm14, v12, v13  }
0x1c3: {  	v12 =	vmul.f32 $1.442695020e+00, v12;
	_ =	sdelay $0x1  }
0x1c4: {  	(erf) = vpow2.f32 v12;
	_ =	sdelay $0x1  }
0x1c5: {  	s13 =	simm.s32 $0x0  }
0x1c6: {  	v12 =	vmov s13  }
0x1c7: {  	v13 =	vsub.s32 v11, v1;
	v12 =	vshrl.u32 v12, $0x3  }
0x1c8: {  	vm15 =	vlt.u32 v13, $0x1400;
	v12 =	vshll.u32 v12, v10  }
0x1c9: {  	v12 =	vbroadcast v12, $0x0;
	_ =	sdelay $0x2  }
0x1ca: {  	v13 =	vpop (erf)  }
0x1cb: {  	[tilespmem:$0x8300] =	vst v13  }
0x1cc: {  	s14 =	simm.s32 $0x1;
	[tilespmem:v11+s26+$0x0] =	vst.idx.add.f32.msk vm15, v13  }
0x1cd: {  	v11 =	vmov s14;
	s14 =	simm.s32 $0x8350;
	v12 =	vld.idx.msk [tilespmem:v12+s28+$0x0], $0xffff  }
0x1ce: {  	v11 =	vshrl.u32 v11, $0x3;
	v13 =	vld [tilespmem:s14+$0xFFFFFFC0]  }
0x1cf: {  	v11 =	vshll.u32 v11, v10  }
0x1d0: {  	v11 =	vadd.s32 $0x1, v11  }
0x1d1: {  	v11 =	vbroadcast v11, $0x0;
	_ =	sdelay $0x1  }
0x1d2: {  	v12 =	vmul.f32 v13, v12  }
0x1d3: {  	s22 =	simm.s32 $0x2;
	s13 =	simm.s32 $0x8B50  }
0x1d4: {  	[tilespmem:s13+$0xFFFFFFC0] =	vst v12;
	v12 =	vmov s22  }
0x1d5: {  	v12 =	vshrl.u32 v12, $0x3;
	v13 =	vld [tilespmem:s14+$0xFFFFFFD0]  }
0x1d6: {  	v11 =	vld.idx.msk [tilespmem:v11+s28+$0x0], $0xffff;
	v12 =	vshll.u32 v12, v10  }
0x1d7: {  	v12 =	vadd.s32 $0x2, v12  }
0x1d8: {  	v12 =	vbroadcast v12, $0x0;
	_ =	sdelay $0x2  }
0x1d9: {  	v11 =	vmul.f32 v13, v11;
	_ =	sdelay $0x1  }
0x1da: {  	s12 =	simm.s32 $0x3;
	[tilespmem:s13+$0xFFFFFFD0] =	vst v11  }
0x1db: {  	v11 =	vmov s12;
	v12 =	vld.idx.msk [tilespmem:v12+s28+$0x0], $0xffff  }
0x1dc: {  	v11 =	vshrl.u32 v11, $0x3;
	v13 =	vld [tilespmem:s14+$0xFFFFFFE0]  }
0x1dd: {  	v11 =	vshll.u32 v11, v10  }
0x1de: {  	v11 =	vadd.s32 $0x3, v11  }
0x1df: {  	v11 =	vbroadcast v11, $0x0;
	_ =	sdelay $0x1  }
0x1e0: {  	v12 =	vmul.f32 v13, v12  }
0x1e1: {  	s22 =	simm.s32 $0x4  }
0x1e2: {  	[tilespmem:s13+$0xFFFFFFE0] =	vst v12;
	v12 =	vmov s22  }
0x1e3: {  	v12 =	vshrl.u32 v12, $0x3;
	v13 =	vld [tilespmem:s14+$0xFFFFFFF0]  }
0x1e4: {  	v11 =	vld.idx.msk [tilespmem:v11+s28+$0x0], $0xffff;
	v12 =	vshll.u32 v12, v10  }
0x1e5: {  	v12 =	vadd.s32 $0x4, v12  }
0x1e6: {  	v12 =	vbroadcast v12, $0x0;
	_ =	sdelay $0x2  }
0x1e7: {  	v11 =	vmul.f32 v13, v11;
	_ =	sdelay $0x1  }
0x1e8: {  	s12 =	simm.s32 $0x5;
	[tilespmem:s13+$0xFFFFFFF0] =	vst v11  }
0x1e9: {  	v11 =	vmov s12;
	v12 =	vld.idx.msk [tilespmem:v12+s28+$0x0], $0xffff  }
0x1ea: {  	v11 =	vshrl.u32 v11, $0x3;
	v13 =	vld [tilespmem:s14+$0x0]  }
0x1eb: {  	v11 =	vshll.u32 v11, v10  }
0x1ec: {  	v11 =	vadd.s32 $0x5, v11  }
0x1ed: {  	v11 =	vbroadcast v11, $0x0;
	_ =	sdelay $0x1  }
0x1ee: {  	v12 =	vmul.f32 v13, v12  }
0x1ef: {  	s22 =	simm.s32 $0x6  }
0x1f0: {  	[tilespmem:s13+$0x0] =	vst v12;
	v12 =	vmov s22  }
0x1f1: {  	v12 =	vshrl.u32 v12, $0x3;
	v13 =	vld [tilespmem:s14+$0x10]  }
0x1f2: {  	v11 =	vld.idx.msk [tilespmem:v11+s28+$0x0], $0xffff;
	v12 =	vshll.u32 v12, v10  }
0x1f3: {  	v12 =	vadd.s32 $0x6, v12  }
0x1f4: {  	v12 =	vbroadcast v12, $0x0;
	_ =	sdelay $0x2  }
0x1f5: {  	v11 =	vmul.f32 v13, v11  }
0x1f6: {  	s12 =	simm.s32 $0x7  }
0x1f7: {  	[tilespmem:s13+$0x10] =	vst v11;
	v11 =	vmov s12  }
0x1f8: {  	v12 =	vld.idx.msk [tilespmem:v12+s28+$0x0], $0xffff;
	v11 =	vshrl.u32 v11, $0x3  }
0x1f9: {  	v13 =	vld [tilespmem:s14+$0x20];
	v11 =	vshll.u32 v11, v10  }
0x1fa: {  	v11 =	vadd.s32 $0x7, v11  }
0x1fb: {  	v11 =	vbroadcast v11, $0x0;
	_ =	sdelay $0x2  }
0x1fc: {  	v12 =	vmul.f32 v13, v12;
	_ =	sdelay $0x1  }
0x1fd: {  	s22 =	simm.s32 $0x8;
	[tilespmem:s13+$0x20] =	vst v12  }
0x1fe: {  	v12 =	vld.idx.msk [tilespmem:v11+s28+$0x0], $0xffff;
	v11 =	vmov s22  }
0x1ff: {  	v13 =	vld [tilespmem:s14+$0x30];
	v11 =	vshrl.u32 v11, $0x3  }
0x200: {  	v11 =	vshll.u32 v11, v10  }
0x201: {  	v11 =	vbroadcast v11, $0x0;
	_ =	sdelay $0x2  }
0x202: {  	s29 =	simm.s32 $0xF;
	s2 =	simm.s32 $0x9;
	s12 =	simm.s32 $0x17;
	v12 =	vmul.f32 v13, v12  }
.LBB2_8:
0x203: {  	s14 =	sadd.s32 $0x80, s14  }
0x204: {  	v13 =	vmov s2;
	[tilespmem:s13+$0x30] =	vst v12;
	s13 =	sadd.s32 $0x80, s13;
	s2 =	smov.u32 s12;
	s22 =	sadd.s32 $0x8, s12  }
0x205: {  	p2 =	sne.s32 s12, $0x7F;
	v11 =	vld.idx.msk [tilespmem:v11+s28+$0x0], $0xffff;
	v12 =	vshrl.u32 v13, $0x3  }
0x206: {  	v13 =	vld [tilespmem:s14+$0xFFFFFFC0];
	v12 =	vshll.u32 v12, v10  }
0x207: {  	v12 =	vadd.s32 $0x1, v12  }
0x208: {  	v12 =	vbroadcast v12, $0x0;
	_ =	sdelay $0x2  }
0x209: {  	v11 =	vmul.f32 v13, v11  }
0x20a: {  	s12 =	sadd.s32 $0xFFFFFFFB, s29  }
0x20b: {  	[tilespmem:s13+$0xFFFFFFC0] =	vst v11;
	v11 =	vmov s12  }
0x20c: {  	v12 =	vld.idx.msk [tilespmem:v12+s28+$0x0], $0xffff;
	v11 =	vshrl.u32 v11, $0x3  }
0x20d: {  	v13 =	vld [tilespmem:s14+$0xFFFFFFD0];
	v11 =	vshll.u32 v11, v10  }
0x20e: {  	v11 =	vadd.s32 $0x2, v11  }
0x20f: {  	v11 =	vbroadcast v11, $0x0;
	_ =	sdelay $0x2  }
0x210: {  	v12 =	vmul.f32 v13, v12  }
0x211: {  	s12 =	sadd.s32 $0xFFFFFFFC, s29  }
0x212: {  	[tilespmem:s13+$0xFFFFFFD0] =	vst v12;
	v12 =	vmov s12  }
0x213: {  	v11 =	vld.idx.msk [tilespmem:v11+s28+$0x0], $0xffff;
	v12 =	vshrl.u32 v12, $0x3  }
0x214: {  	v13 =	vld [tilespmem:s14+$0xFFFFFFE0];
	v12 =	vshll.u32 v12, v10  }
0x215: {  	v12 =	vadd.s32 $0x3, v12  }
0x216: {  	v12 =	vbroadcast v12, $0x0;
	_ =	sdelay $0x2  }
0x217: {  	v11 =	vmul.f32 v13, v11  }
0x218: {  	s12 =	sadd.s32 $0xFFFFFFFD, s29  }
0x219: {  	[tilespmem:s13+$0xFFFFFFE0] =	vst v11;
	v11 =	vmov s12  }
0x21a: {  	v12 =	vld.idx.msk [tilespmem:v12+s28+$0x0], $0xffff;
	v11 =	vshrl.u32 v11, $0x3  }
0x21b: {  	v13 =	vld [tilespmem:s14+$0xFFFFFFF0];
	v11 =	vshll.u32 v11, v10  }
0x21c: {  	v11 =	vadd.s32 $0x4, v11  }
0x21d: {  	v11 =	vbroadcast v11, $0x0;
	_ =	sdelay $0x2  }
0x21e: {  	v12 =	vmul.f32 v13, v12  }
0x21f: {  	s12 =	sadd.s32 $0xFFFFFFFE, s29  }
0x220: {  	[tilespmem:s13+$0xFFFFFFF0] =	vst v12;
	v12 =	vmov s12  }
0x221: {  	v11 =	vld.idx.msk [tilespmem:v11+s28+$0x0], $0xffff;
	v12 =	vshrl.u32 v12, $0x3  }
0x222: {  	v13 =	vld [tilespmem:s14+$0x0];
	v12 =	vshll.u32 v12, v10  }
0x223: {  	v12 =	vadd.s32 $0x5, v12  }
0x224: {  	v12 =	vbroadcast v12, $0x0;
	_ =	sdelay $0x2  }
0x225: {  	v11 =	vmul.f32 v13, v11  }
0x226: {  	s12 =	sadd.s32 $0xFFFFFFFF, s29  }
0x227: {  	[tilespmem:s13+$0x0] =	vst v11;
	v11 =	vmov s12  }
0x228: {  	v12 =	vld.idx.msk [tilespmem:v12+s28+$0x0], $0xffff;
	v11 =	vshrl.u32 v11, $0x3  }
0x229: {  	v13 =	vld [tilespmem:s14+$0x10];
	v11 =	vshll.u32 v11, v10  }
0x22a: {  	v11 =	vadd.s32 $0x6, v11  }
0x22b: {  	v11 =	vbroadcast v11, $0x0;
	_ =	sdelay $0x2  }
0x22c: {  	v12 =	vmul.f32 v13, v12;
	_ =	sdelay $0x1  }
0x22d: {  	[tilespmem:s13+$0x10] =	vst v12;
	v12 =	vmov s29;
	s29 =	smov.u32 s2  }
0x22e: {  	v11 =	vld.idx.msk [tilespmem:v11+s28+$0x0], $0xffff;
	v12 =	vshrl.u32 v12, $0x3  }
0x22f: {  	v13 =	vld [tilespmem:s14+$0x20];
	v12 =	vshll.u32 v12, v10  }
0x230: {  	v12 =	vadd.s32 $0x7, v12  }
0x231: {  	v12 =	vbroadcast v12, $0x0;
	_ =	sdelay $0x2  }
0x232: {  	v11 =	vmul.f32 v13, v11;
	_ =	sdelay $0x1  }
0x233: {  	s2 =	sadd.s32 $0xFFFFFFF9, s29;
	[tilespmem:s13+$0x20] =	vst v11  }
0x234: {  	v11 =	vmov s2;
	v12 =	vld.idx.msk [tilespmem:v12+s28+$0x0], $0xffff  }
0x235: {  	v11 =	vshrl.u32 v11, $0x3;
	v13 =	vld [tilespmem:s14+$0x30]  }
0x236: {  	v11 =	vshll.u32 v11, v10  }
.Ltmp7:
0x237: {  	v11 =	vbroadcast v11, $0x0;
	(pc) =	sbr.rel @p2 .LBB2_8-.Ltmp7, $3  }
0x238: {  	_ =	sdelay $0x1  }
0x239: {  	v12 =	vmul.f32 v13, v12  }
0x23a: {  	s12 =	smov.u32 s22;
	s2 =	sadd.s32 $0xFFFFFFFA, s29  }
0x23b: {  	_ =	sdelay $0x2  }
0x23c: {  	[tilespmem:s13+$0x30] =	vst v12  }
0x23d: {  	v13 =	vmov s2;
	s2 =	sadd.s32 $0x80, s14;
	v11 =	vld.idx.msk [tilespmem:v11+s28+$0x0], $0xffff  }
0x23e: {  	v52 =	vshrl.u32 v13, $0x3;
	v53 =	vld [tilespmem:s2+$0xFFFFFFC0]  }
0x23f: {  	v12 =	vshll.u32 v52, v10  }
0x240: {  	v12 =	vadd.s32 $0x1, v12  }
0x241: {  	v12 =	vbroadcast v12, $0x0;
	_ =	sdelay $0x1  }
0x242: {  	v11 =	vmul.f32 v53, v11  }
0x243: {  	s12 =	sadd.s32 $0x80, s13;
	s22 =	sadd.s32 $0xFFFFFFFB, s29  }
0x244: {  	[tilespmem:s12+$0xFFFFFFC0] =	vst v11;
	v11 =	vmov s22  }
0x245: {  	v11 =	vshrl.u32 v11, $0x3;
	v54 =	vld [tilespmem:s2+$0xFFFFFFD0]  }
0x246: {  	v12 =	vld.idx.msk [tilespmem:v12+s28+$0x0], $0xffff;
	v11 =	vshll.u32 v11, v10  }
0x247: {  	v11 =	vadd.s32 $0x2, v11  }
0x248: {  	v11 =	vbroadcast v11, $0x0;
	_ =	sdelay $0x2  }
0x249: {  	v12 =	vmul.f32 v54, v12  }
0x24a: {  	s14 =	sadd.s32 $0xFFFFFFFC, s29  }
0x24b: {  	v55 =	vmov s14;
	[tilespmem:s12+$0xFFFFFFD0] =	vst v12  }
0x24c: {  	v12 =	vshrl.u32 v55, $0x3;
	v11 =	vld.idx.msk [tilespmem:v11+s28+$0x0], $0xffff  }
0x24d: {  	v56 =	vld [tilespmem:s2+$0xFFFFFFE0];
	v12 =	vshll.u32 v12, v10  }
0x24e: {  	v12 =	vadd.s32 $0x3, v12  }
0x24f: {  	v12 =	vbroadcast v12, $0x0;
	_ =	sdelay $0x2  }
0x250: {  	v11 =	vmul.f32 v56, v11;
	_ =	sdelay $0x1  }
0x251: {  	s22 =	sadd.s32 $0xFFFFFFFD, s29;
	[tilespmem:s12+$0xFFFFFFE0] =	vst v11  }
0x252: {  	v11 =	vmov s22;
	v12 =	vld.idx.msk [tilespmem:v12+s28+$0x0], $0xffff  }
0x253: {  	v11 =	vshrl.u32 v11, $0x3;
	v57 =	vld [tilespmem:s2+$0xFFFFFFF0]  }
0x254: {  	v11 =	vshll.u32 v11, v10  }
0x255: {  	v11 =	vadd.s32 $0x4, v11  }
0x256: {  	v11 =	vbroadcast v11, $0x0;
	_ =	sdelay $0x1  }
0x257: {  	v12 =	vmul.f32 v57, v12  }
0x258: {  	s14 =	sadd.s32 $0xFFFFFFFE, s29  }
0x259: {  	v58 =	vmov s14;
	[tilespmem:s12+$0xFFFFFFF0] =	vst v12  }
0x25a: {  	v12 =	vshrl.u32 v58, $0x3;
	v59 =	vld [tilespmem:s2+$0x0]  }
0x25b: {  	v12 =	vshll.u32 v12, v10;
	v11 =	vld.idx.msk [tilespmem:v11+s28+$0x0], $0xffff  }
0x25c: {  	v12 =	vadd.s32 $0x5, v12  }
0x25d: {  	v12 =	vbroadcast v12, $0x0;
	_ =	sdelay $0x2  }
0x25e: {  	v11 =	vmul.f32 v59, v11;
	_ =	sdelay $0x1  }
0x25f: {  	s22 =	sadd.s32 $0xFFFFFFFF, s29;
	[tilespmem:s12+$0x0] =	vst v11  }
0x260: {  	v11 =	vmov s22;
	v12 =	vld.idx.msk [tilespmem:v12+s28+$0x0], $0xffff  }
0x261: {  	v11 =	vshrl.u32 v11, $0x3;
	v60 =	vld [tilespmem:s2+$0x10]  }
0x262: {  	v11 =	vshll.u32 v11, v10  }
0x263: {  	v11 =	vadd.s32 $0x6, v11  }
0x264: {  	v11 =	vbroadcast v11, $0x0;
	_ =	sdelay $0x1  }
0x265: {  	v12 =	vmul.f32 v60, v12;
	_ =	sdelay $0x1  }
0x266: {  	v61 =	vmov s29;
	[tilespmem:s12+$0x10] =	vst v12  }
0x267: {  	v12 =	vshrl.u32 v61, $0x3;
	v62 =	vld [tilespmem:s2+$0x20]  }
0x268: {  	v12 =	vshll.u32 v12, v10;
	v11 =	vld.idx.msk [tilespmem:v11+s28+$0x0], $0xffff  }
0x269: {  	v12 =	vadd.s32 $0x7, v12  }
0x26a: {  	v12 =	vbroadcast v12, $0x0;
	_ =	sdelay $0x2  }
0x26b: {  	v11 =	vmul.f32 v62, v11;
	_ =	sdelay $0x1  }
0x26c: {  	[tilespmem:s12+$0x20] =	vst v11  }
0x26d: {  	v11 =	vld.idx.msk [tilespmem:v12+s28+$0x0], $0xffff  }
0x26e: {  	v63 =	vld [tilespmem:s2+$0x30];
	_ =	sdelay $0x4  }
0x26f: {  	v11 =	vmul.f32 v63, v11  }
0x270: {  	s29 =	simm.s32 $0x8210  }
0x271: {  	s22 =	simm.s32 $0x8B10;
	[tilespmem:s12+$0x30] =	vst v11;
	(ifvalue) =	ssetifvalue $0xFFFFFFFF;
	s14 =	rddreg [dreg:$0x4]  }
0x272: {  	[spmem:s14] =	stream.indirect.scatter.add.f32 [tilespmem:s22], [sflag:$0x4], $0x10, s29, s10, $0x40b8;
	[tilespmem:$0x1E210] =	vst v63  }
.LBB2_10:
0x273: {  	p2 =	sne.s32 s15, $0x0;
	p3 =	sle.u32 s24, s25  }
0x274: {  	p2 =	por !p2, !p3  }
0x275: {  	p2 =	por !p2, !p2  }
.Ltmp8:
0x276: {  	_ = 	snop;
	(pc) =	sbr.rel @!p2 .LBB2_14-.Ltmp8, $1  }
0x277: {  	_ =	sdelay $0x3  }
0x278: {  	s14 =	simm.s32 $0x0  }
0x279: {  	v11 =	vmov s14  }
0x27a: {  	v11 =	vand.u32 $0xFFFFFFFC, v11  }
0x27b: {  	v11 =	vbroadcast v11, $0x0;
	_ =	sdelay $0x1  }
0x27c: {  	_ =	swait.ge [sflag:s30], $0x4000  }
0x27d: {  	[sflag:s30] =	ssyncset.done $0x0  }
0x27e: {  	s13 =	simm.s32 $0xEF10;
	[sflag:s30] =	ssyncadd.s32 $0xFFFFC000  }
0x27f: {  	v12 =	vld [tilespmem:s13+$0xFFFFFF70]  }
0x280: {  	v11 =	vld.idx.msk [tilespmem:v11+s31+$0x0], $0xffff  }
0x281: {  	v13 =	vld [tilespmem:s13+$0xFFFFFF00]  }
0x282: {  	v14 =	vld [tilespmem:s13+$0xFFFFFF20]  }
0x283: {  	v15 =	vld [tilespmem:s13+$0xFFFFFF50]  }
0x284: {  	v16 =	vld [tilespmem:s13+$0xFFFFFF40]  }
0x285: {  	v17 =	vld [tilespmem:s13+$0xFFFFFF60];
	v12 =	vmul.f32 v12, v11  }
0x286: {  	s2 =	simm.s32 $0x1;
	v18 =	vld [tilespmem:s13+$0xFFFFFF30];
	v13 =	vmul.f32 v13, v11  }
0x287: {  	v19 =	vld [tilespmem:s13+$0xFFFFFF10];
	v14 =	vmul.f32 v14, v11;
	[tilespmem:s13+$0xFFFFFF70] =	vst v12;
	v12 =	vmov s2  }
0x288: {  	v15 =	vmul.f32 v15, v11;
	[tilespmem:s13+$0xFFFFFF00] =	vst v13;
	v12 =	vand.u32 $0xFFFFFFFD, v12  }
0x289: {  	v13 =	vmul.f32 v16, v11;
	[tilespmem:s13+$0xFFFFFF20] =	vst v14;
	v12 =	vbroadcast v12, $0x0  }
0x28a: {  	v14 =	vmul.f32 v17, v11;
	[tilespmem:s13+$0xFFFFFF50] =	vst v15  }
0x28b: {  	v15 =	vmul.f32 v18, v11;
	[tilespmem:s13+$0xFFFFFF40] =	vst v13  }
0x28c: {  	v11 =	vmul.f32 v19, v11;
	[tilespmem:s13+$0xFFFFFF60] =	vst v14  }
0x28d: {  	[tilespmem:s13+$0xFFFFFF30] =	vst v15  }
0x28e: {  	[tilespmem:s13+$0xFFFFFF10] =	vst v11;
	v11 =	vld [tilespmem:s13+$0xFFFFFF90]  }
0x28f: {  	v13 =	vld.idx.msk [tilespmem:v12+s31+$0x0], $0xffff  }
0x290: {  	v12 =	vld [tilespmem:s13+$0xFFFFFFA0]  }
0x291: {  	v14 =	vld [tilespmem:s13+$0xFFFFFF80]  }
0x292: {  	v15 =	vld [tilespmem:s13+$0xFFFFFFB0]  }
0x293: {  	v16 =	vld [tilespmem:s13+$0xFFFFFFC0]  }
0x294: {  	v17 =	vld [tilespmem:s13+$0xFFFFFFD0];
	v11 =	vmul.f32 v11, v13  }
0x295: {  	s22 =	simm.s32 $0x2;
	v18 =	vld [tilespmem:s13+$0xFFFFFFF0];
	v12 =	vmul.f32 v12, v13  }
0x296: {  	v19 =	vld [tilespmem:s13+$0xFFFFFFE0];
	v14 =	vmul.f32 v14, v13;
	[tilespmem:s13+$0xFFFFFF90] =	vst v11;
	v11 =	vmov s22  }
0x297: {  	v15 =	vmul.f32 v15, v13;
	[tilespmem:s13+$0xFFFFFFA0] =	vst v12;
	v11 =	vand.u32 $0xFFFFFFFE, v11  }
0x298: {  	v12 =	vmul.f32 v16, v13;
	[tilespmem:s13+$0xFFFFFF80] =	vst v14;
	v16 =	vld [tilespmem:s13+$0x60];
	v20 =	vbroadcast v11, $0x0  }
0x299: {  	v14 =	vmul.f32 v17, v13;
	[tilespmem:s13+$0xFFFFFFB0] =	vst v15;
	v17 =	vld [tilespmem:s13+$0x0]  }
0x29a: {  	v15 =	vmul.f32 v18, v13;
	v11 =	vld [tilespmem:s13+$0x20];
	[tilespmem:s13+$0xFFFFFFC0] =	vst v12  }
0x29b: {  	v13 =	vmul.f32 v19, v13;
	v12 =	vld [tilespmem:s13+$0x30];
	[tilespmem:s13+$0xFFFFFFD0] =	vst v14  }
0x29c: {  	[tilespmem:s13+$0xFFFFFFF0] =	vst v15;
	v14 =	vld [tilespmem:s13+$0x40]  }
0x29d: {  	[tilespmem:s13+$0xFFFFFFE0] =	vst v13;
	v15 =	vld [tilespmem:s13+$0x10]  }
0x29e: {  	s29 =	simm.s32 $0x4;
	s12 =	simm.s32 $0xEF10;
	v13 =	vld.idx.msk [tilespmem:v20+s31+$0x0], $0xffff  }
.LBB2_12:
0x29f: {  	p3 =	sne.s32 s29, $0x7C  }
0x2a0: {  	v18 =	vld [tilespmem:s13+$0x50];
	s12 =	sadd.s32 $0x200, s12;
	s2 =	smov.u32 s29;
	s29 =	sadd.s32 $0x4, s29  }
0x2a1: {  	v19 =	vld [tilespmem:s13+$0x70];
	_ =	sdelay $0x1  }
0x2a2: {  	v16 =	vmul.f32 v16, v13;
	v17 =	vmul.f32 v17, v13  }
0x2a3: {  	v14 =	vmul.f32 v14, v13;
	v15 =	vmul.f32 v15, v13  }
0x2a4: {  	v11 =	vmul.f32 v11, v13;
	v12 =	vmul.f32 v12, v13;
	[tilespmem:s13+$0x60] =	vst v16  }
0x2a5: {  	[tilespmem:s13+$0x40] =	vst v14;
	v14 =	vmul.f32 v18, v13;
	v13 =	vmul.f32 v19, v13  }
0x2a6: {  	s22 =	sadd.s32 $0x3, s14;
	s14 =	smov.u32 s2;
	[tilespmem:s13+$0x20] =	vst v11;
	v16 =	vld [tilespmem:s13+$0x80]  }
0x2a7: {  	v11 =	vld [tilespmem:s12+$0x20];
	[tilespmem:s13+$0x0] =	vst v17;
	v17 =	vmov s22  }
0x2a8: {  	[tilespmem:s13+$0x50] =	vst v14;
	v14 =	vld [tilespmem:s13+$0xE0]  }
0x2a9: {  	[tilespmem:s13+$0x30] =	vst v12;
	v18 =	vld [tilespmem:s13+$0xC0]  }
0x2aa: {  	v12 =	vld [tilespmem:s12+$0x30];
	[tilespmem:s13+$0x10] =	vst v15  }
0x2ab: {  	[tilespmem:s13+$0x70] =	vst v13;
	v13 =	vld [tilespmem:s13+$0xA0]  }
0x2ac: {  	v15 =	vld.idx.msk [tilespmem:v17+s31+$0x0], $0xffff  }
0x2ad: {  	v17 =	vld [tilespmem:s13+$0x90]  }
0x2ae: {  	v19 =	vld [tilespmem:s13+$0xB0]  }
0x2af: {  	v20 =	vld [tilespmem:s13+$0xD0]  }
0x2b0: {  	v21 =	vld [tilespmem:s13+$0xF0];
	_ =	sdelay $0x1  }
0x2b1: {  	v16 =	vmul.f32 v16, v15;
	v17 =	vmul.f32 v17, v15  }
0x2b2: {  	v13 =	vmul.f32 v13, v15;
	v19 =	vmul.f32 v19, v15  }
0x2b3: {  	v22 =	vmov s14;
	[tilespmem:s13+$0x80] =	vst v16;
	v16 =	vmul.f32 v18, v15;
	v18 =	vmul.f32 v20, v15  }
0x2b4: {  	v20 =	vand.u32 $0xFFFFFFFC, v22;
	[tilespmem:s13+$0xA0] =	vst v13;
	v13 =	vmul.f32 v14, v15;
	v14 =	vmul.f32 v21, v15  }
0x2b5: {  	v15 =	vbroadcast v20, $0x0;
	[tilespmem:s13+$0xC0] =	vst v16  }
0x2b6: {  	[tilespmem:s13+$0xF0] =	vst v14  }
0x2b7: {  	v14 =	vld [tilespmem:s12+$0xFFFFFF40];
	[tilespmem:s13+$0xE0] =	vst v13  }
0x2b8: {  	v13 =	vld [tilespmem:s12+$0xFFFFFF50];
	[tilespmem:s13+$0x90] =	vst v17  }
0x2b9: {  	v16 =	vld [tilespmem:s12+$0xFFFFFF60];
	[tilespmem:s13+$0xB0] =	vst v19  }
0x2ba: {  	v17 =	vld [tilespmem:s12+$0xFFFFFF70];
	[tilespmem:s13+$0xD0] =	vst v18;
	s13 =	smov.u32 s12  }
0x2bb: {  	v15 =	vld.idx.msk [tilespmem:v15+s31+$0x0], $0xffff  }
0x2bc: {  	v18 =	vld [tilespmem:s12+$0xFFFFFF00]  }
0x2bd: {  	v19 =	vld [tilespmem:s12+$0xFFFFFF20]  }
0x2be: {  	v20 =	vld [tilespmem:s12+$0xFFFFFF10]  }
0x2bf: {  	v21 =	vld [tilespmem:s12+$0xFFFFFF30];
	_ =	sdelay $0x1  }
0x2c0: {  	v17 =	vmul.f32 v17, v15;
	v18 =	vmul.f32 v18, v15  }
0x2c1: {  	s2 =	sadd.s32 $0x1, s14;
	v16 =	vmul.f32 v16, v15;
	v19 =	vmul.f32 v19, v15  }
0x2c2: {  	v13 =	vmul.f32 v13, v15;
	v20 =	vmul.f32 v20, v15;
	[tilespmem:s12+$0xFFFFFF70] =	vst v17;
	v17 =	vmov s2  }
0x2c3: {  	v14 =	vmul.f32 v14, v15;
	[tilespmem:s12+$0xFFFFFF00] =	vst v18;
	v18 =	vmul.f32 v21, v15;
	v15 =	vand.u32 $0xFFFFFFFD, v17  }
0x2c4: {  	[tilespmem:s12+$0xFFFFFF20] =	vst v19;
	v15 =	vbroadcast v15, $0x0  }
0x2c5: {  	[tilespmem:s12+$0xFFFFFF50] =	vst v13  }
0x2c6: {  	[tilespmem:s12+$0xFFFFFF40] =	vst v14;
	v13 =	vld [tilespmem:s12+$0xFFFFFFF0]  }
0x2c7: {  	[tilespmem:s12+$0xFFFFFF60] =	vst v16;
	v14 =	vld [tilespmem:s12+$0xFFFFFFC0]  }
0x2c8: {  	[tilespmem:s12+$0xFFFFFF30] =	vst v18;
	v16 =	vld [tilespmem:s12+$0xFFFFFFD0]  }
0x2c9: {  	[tilespmem:s12+$0xFFFFFF10] =	vst v20;
	v17 =	vld [tilespmem:s12+$0xFFFFFF90]  }
0x2ca: {  	v15 =	vld.idx.msk [tilespmem:v15+s31+$0x0], $0xffff  }
0x2cb: {  	v18 =	vld [tilespmem:s12+$0xFFFFFF80]  }
0x2cc: {  	v19 =	vld [tilespmem:s12+$0xFFFFFFA0]  }
0x2cd: {  	v20 =	vld [tilespmem:s12+$0xFFFFFFB0]  }
0x2ce: {  	v21 =	vld [tilespmem:s12+$0xFFFFFFE0];
	_ =	sdelay $0x1  }
0x2cf: {  	v17 =	vmul.f32 v17, v15;
	v18 =	vmul.f32 v18, v15  }
0x2d0: {  	s2 =	sadd.s32 $0x2, s14;
	v16 =	vmul.f32 v16, v15;
	v19 =	vmul.f32 v19, v15  }
0x2d1: {  	v14 =	vmul.f32 v14, v15;
	[tilespmem:s12+$0xFFFFFF90] =	vst v17;
	v17 =	vmul.f32 v20, v15;
	v20 =	vmov s2  }
0x2d2: {  	v13 =	vmul.f32 v13, v15;
	[tilespmem:s12+$0xFFFFFFA0] =	vst v19;
	v19 =	vmul.f32 v21, v15;
	v15 =	vand.u32 $0xFFFFFFFE, v20  }
0x2d3: {  	[tilespmem:s12+$0xFFFFFF80] =	vst v18;
	v15 =	vbroadcast v15, $0x0  }
0x2d4: {  	[tilespmem:s12+$0xFFFFFFB0] =	vst v17  }
0x2d5: {  	[tilespmem:s12+$0xFFFFFFC0] =	vst v14  }
0x2d6: {  	[tilespmem:s12+$0xFFFFFFD0] =	vst v16  }
.Ltmp9:
0x2d7: {  	[tilespmem:s12+$0xFFFFFFF0] =	vst v13;
	v14 =	vld [tilespmem:s12+$0x40];
	(pc) =	sbr.rel @p3 .LBB2_12-.Ltmp9, $4  }
0x2d8: {  	[tilespmem:s12+$0xFFFFFFE0] =	vst v19;
	v16 =	vld [tilespmem:s12+$0x60]  }
0x2d9: {  	v13 =	vld.idx.msk [tilespmem:v15+s31+$0x0], $0xffff  }
0x2da: {  	v17 =	vld [tilespmem:s12+$0x0]  }
0x2db: {  	v15 =	vld [tilespmem:s12+$0x10]  }
0x2dc: {  	_ =	sdelay $0x1  }
0x2dd: {  	v16 =	vmul.f32 v16, v13  }
0x2de: {  	v18 =	vld [tilespmem:s13+$0x50];
	v14 =	vmul.f32 v14, v13  }
0x2df: {  	v19 =	vld [tilespmem:s13+$0x70];
	v11 =	vmul.f32 v11, v13;
	[tilespmem:s13+$0x60] =	vst v16  }
0x2e0: {  	v47 =	vmul.f32 v17, v13;
	[tilespmem:s13+$0x40] =	vst v14  }
0x2e1: {  	s2 =	sadd.s32 $0x3, s14;
	[tilespmem:s13+$0x20] =	vst v11;
	v11 =	vmul.f32 v12, v13  }
0x2e2: {  	v50 =	vmov s2;
	v15 =	vmul.f32 v15, v13;
	[tilespmem:s13+$0x0] =	vst v47  }
0x2e3: {  	v48 =	vmul.f32 v18, v13;
	[tilespmem:s13+$0x30] =	vst v11  }
0x2e4: {  	v51 =	vmul.f32 v19, v13;
	[tilespmem:s13+$0x10] =	vst v15  }
0x2e5: {  	[tilespmem:s13+$0x50] =	vst v48  }
0x2e6: {  	v49 =	vld [tilespmem:s13+$0x80];
	[tilespmem:s13+$0x70] =	vst v51  }
0x2e7: {  	v11 =	vld.idx.msk [tilespmem:v50+s31+$0x0], $0xffff  }
0x2e8: {  	v52 =	vld [tilespmem:s13+$0xA0]  }
0x2e9: {  	v53 =	vld [tilespmem:s13+$0xC0]  }
0x2ea: {  	v54 =	vld [tilespmem:s13+$0xF0]  }
0x2eb: {  	v55 =	vld [tilespmem:s13+$0xE0]  }
0x2ec: {  	v56 =	vld [tilespmem:s13+$0x90];
	v12 =	vmul.f32 v49, v11  }
0x2ed: {  	v57 =	vld [tilespmem:s13+$0xB0];
	v13 =	vmul.f32 v52, v11  }
0x2ee: {  	v58 =	vld [tilespmem:s13+$0xD0];
	v59 =	vmul.f32 v53, v11;
	[tilespmem:s13+$0x80] =	vst v12  }
0x2ef: {  	v60 =	vmul.f32 v54, v11;
	[tilespmem:s13+$0xA0] =	vst v13  }
0x2f0: {  	v61 =	vmul.f32 v55, v11;
	[tilespmem:s13+$0xC0] =	vst v59  }
0x2f1: {  	v62 =	vmul.f32 v56, v11;
	[tilespmem:s13+$0xF0] =	vst v60  }
0x2f2: {  	v63 =	vmul.f32 v57, v11;
	[tilespmem:s13+$0xE0] =	vst v61  }
0x2f3: {  	v11 =	vmul.f32 v58, v11;
	[tilespmem:s13+$0x90] =	vst v62  }
0x2f4: {  	s12 =	simm.s32 $0xDD10;
	[tilespmem:s13+$0xB0] =	vst v63  }
0x2f5: {  	s29 =	simm.s32 $0xEE10;
	[tilespmem:s13+$0xD0] =	vst v11;
	(ifvalue) =	ssetifvalue $0xFFFFFFFF;
	s22 =	rddreg [dreg:$0x3]  }
0x2f6: {  	[spmem:s22] =	stream.indirect.scatter.add.f32 [tilespmem:s29], [sflag:$0x7], $0x80, s12, s10, $0x40b8;
	[tilespmem:$0x1E210] =	vst v63  }
.LBB2_14:
0x2f7: {  	s2 =	sadd.s32 $0x2, s24  }
0x2f8: {  	p3 =	sge.u32 s2, s25  }
0x2f9: {  	s2 =	sshll.u32 @!p3 s2, $0x4  }
0x2fa: {  	s2 =	sor.u32 @!p3 s1, s2  }
0x2fb: {  	s12 =	sshll.u32 @!p3 s2, $0x4  }
0x2fc: {  	s14 =	simm.s32 @!p3 $0x0;
	s22 =	simm.s32 @!p3 $0x7810;
	s13 =	sadd.s32 @!p3 s17, s12  }
0x2fd: {  	[tilespmem:s22], [sflag:$0x1] =	stream.linear.gather @!p3 [hbm4b:s13+s14], $0x80, $0x38;
	[tilespmem:$0x1E210] =	vst v63  }
0x2fe: {  	s13 =	sadd.s32 @!p3 s18, s12;
	s22 =	simm.s32 @!p3 $0x7890  }
0x2ff: {  	[tilespmem:s22], [sflag:$0x1] =	stream.linear.gather @!p3 [hbm4b:s13+s14], $0x80, $0x38;
	[tilespmem:$0x1E210] =	vst v63  }
0x300: {  	s2 =	sshll.u32 @!p3 s2, $0x8;
	s12 =	sadd.s32 @!p3 s11, s12;
	s13 =	simm.s32 @!p3 $0x7910  }
0x301: {  	[tilespmem:s13], [sflag:$0x1] =	stream.linear.gather @!p3 [hbm4b:s12+s14], $0x80, $0x38;
	[tilespmem:$0x1E210] =	vst v63  }
0x302: {  	s12 =	sadd.s32 @!p3 s19, s2;
	s13 =	simm.s32 @!p3 $0x7990  }
0x303: {  	[tilespmem:s13], [sflag:$0x1] =	stream.linear.gather @!p3 [hbm4b:s12+s14], $0x800, $0x38;
	[tilespmem:$0x1E210] =	vst v63  }
0x304: {  	s2 =	sadd.s32 @!p3 s20, s2;
	s12 =	simm.s32 @!p3 $0x8310  }
0x305: {  	[tilespmem:s12], [sflag:$0x1] =	stream.linear.gather @!p3 [hbm4b:s2+s14], $0x800, $0x38;
	[tilespmem:$0x1E210] =	vst v63  }
0x306: {  	s2 =	simm.s32 @p2 $0x7  }
0x307: {  	_ =	swait.ge @p2 [sflag:s2], $0x4000  }
.Ltmp10:
0x308: {  	[sflag:s2] =	ssyncset.done @p2 $0x0;
	(pc) =	sbr.rel @p1 .LBB2_18-.Ltmp10, $4  }
0x309: {  	[sflag:s2] =	ssyncadd.s32 @p2 $0xFFFFC000;
	s2 =	simm.s32 @p2 $0x8  }
0x30a: {  	_ =	swait.ge @p2 [sflag:s2], $0x800  }
0x30b: {  	[sflag:s2] =	ssyncset.done @p2 $0x0  }
0x30c: {  	[sflag:s2] =	ssyncadd.s32 @p2 $0xFFFFF800  }
0x30d: {  	_ =	swait.ge [sflag:s3], $0x80  }
0x30e: {  	[sflag:s3] =	ssyncset.done $0x0  }
0x30f: {  	[sflag:s3] =	ssyncadd.s32 $0xFFFFFF80  }
0x310: {  	_ =	swait.ge [sflag:s3], $0x80  }
0x311: {  	[sflag:s3] =	ssyncset.done $0x0  }
0x312: {  	[sflag:s3] =	ssyncadd.s32 $0xFFFFFF80  }
0x313: {  	_ =	swait.ge [sflag:s3], $0x80  }
0x314: {  	[sflag:s3] =	ssyncset.done $0x0  }
0x315: {  	[sflag:s3] =	ssyncadd.s32 $0xFFFFFF80  }
0x316: {  	_ =	swait.ge [sflag:s3], $0x800  }
0x317: {  	[sflag:s3] =	ssyncset.done $0x0  }
0x318: {  	[sflag:s3] =	ssyncadd.s32 $0xFFFFF800  }
0x319: {  	_ =	swait.ge [sflag:s3], $0x800  }
0x31a: {  	[sflag:s3] =	ssyncset.done $0x0  }
0x31b: {  	[sflag:s3] =	ssyncadd.s32 $0xFFFFF800  }
0x31c: {  	v11 =	vld [tilespmem:$0xD390]  }
0x31d: {  	v12 =	vld [tilespmem:$0xD310]  }
0x31e: {  	v13 =	vld [tilespmem:$0xD3A0]  }
0x31f: {  	v14 =	vld [tilespmem:$0xD320]  }
0x320: {  	v15 =	vld [tilespmem:$0xD3B0]  }
0x321: {  	v16 =	vld [tilespmem:$0xD330];
	v11 =	vsub.s32 v11, v1  }
0x322: {  	v17 =	vld [tilespmem:$0xD3C0];
	vm0 =	vlt.u32 v11, $0x1400  }
0x323: {  	v18 =	vld [tilespmem:$0xD340];
	v13 =	vsub.s32 v13, v1;
	v12 =	vnsel vm0, $0xFFFFFFFF, v12  }
0x324: {  	vm5 =	vlt.u32 v13, $0x1400;
	v11 =	vnsel vm0, $0xFFFFFFFF, v11;
	[tilespmem:$0xDC90] =	vst v12;
	v12 =	vld [tilespmem:$0xD3D0]  }
0x325: {  	[tilespmem:$0xDD10] =	vst v11;
	v11 =	vnsel vm5, $0xFFFFFFFF, v14;
	v14 =	vsub.s32 v15, v1;
	v15 =	vld [tilespmem:$0xD350]  }
0x326: {  	[tilespmem:$0xDCA0] =	vst v11;
	v11 =	vnsel vm5, $0xFFFFFFFF, v13;
	vm6 =	vlt.u32 v14, $0x1400;
	v13 =	vld [tilespmem:$0xD3E0]  }
0x327: {  	v61 =	vld [tilespmem:$0xD360];
	v60 =	vsub.s32 v17, v1;
	[tilespmem:$0xDD20] =	vst v11;
	v11 =	vnsel vm6, $0xFFFFFFFF, v16  }
0x328: {  	vm7 =	vlt.u32 v60, $0x1400;
	[tilespmem:$0xDCB0] =	vst v11;
	v11 =	vnsel vm6, $0xFFFFFFFF, v14;
	v14 =	vld [tilespmem:$0xD3F0]  }
0x329: {  	v62 =	vld [tilespmem:$0xD370];
	[tilespmem:$0xDD30] =	vst v11;
	v11 =	vnsel vm7, $0xFFFFFFFF, v18;
	v12 =	vsub.s32 v12, v1  }
0x32a: {  	v63 =	vld [tilespmem:$0xD400];
	[tilespmem:$0xDCC0] =	vst v11;
	v11 =	vnsel vm7, $0xFFFFFFFF, v60;
	vm8 =	vlt.u32 v12, $0x1400  }
0x32b: {  	[tilespmem:$0xDD40] =	vst v11;
	v13 =	vsub.s32 v13, v1;
	v11 =	vnsel vm8, $0xFFFFFFFF, v15  }
0x32c: {  	vm9 =	vlt.u32 v13, $0x1400;
	[tilespmem:$0xDCD0] =	vst v11;
	v11 =	vnsel vm8, $0xFFFFFFFF, v12;
	v12 =	vld [tilespmem:$0xD380]  }
0x32d: {  	v14 =	vsub.s32 v14, v1;
	[tilespmem:$0xDD50] =	vst v11;
	v11 =	vnsel vm9, $0xFFFFFFFF, v61  }
0x32e: {  	vm10 =	vlt.u32 v14, $0x1400;
	[tilespmem:$0xDCE0] =	vst v11;
	v11 =	vnsel vm9, $0xFFFFFFFF, v13  }
0x32f: {  	v13 =	vsub.s32 v63, v1;
	[tilespmem:$0xDD60] =	vst v11;
	v11 =	vnsel vm10, $0xFFFFFFFF, v62  }
0x330: {  	vm11 =	vlt.u32 v13, $0x1400;
	[tilespmem:$0xDCF0] =	vst v11;
	v11 =	vnsel vm10, $0xFFFFFFFF, v14  }
0x331: {  	[tilespmem:$0xDD70] =	vst v11;
	v11 =	vnsel vm11, $0xFFFFFFFF, v12  }
0x332: {  	[tilespmem:$0xDD00] =	vst v11;
	v11 =	vnsel vm11, $0xFFFFFFFF, v13  }
0x333: {  	[tilespmem:$0xDD80] =	vst v11;
	(ifvalue) =	ssetifvalue $0xFFFFFFFF  }
0x334: {  	s2 =	simm.s32 $0xEE10;
	s12 =	simm.s32 $0xDC90;
	(ifvalue) =	ssetifvalue $0xFFFFFFFF  }
0x335: {  	[tilespmem:s2], [sflag:$0x6] =	stream.indirect.gather [hbm4b:s21+s10], $0x80, s12, s10, $0x40b8;
	[tilespmem:$0x1E210] =	vst v63  }
0x336: {  	v11 =	vld [tilespmem:$0xD390]  }
0x337: {  	v12 =	vld [tilespmem:$0xD310];
	_ =	sdelay $0x1  }
0x338: {  	v13 =	vld [tilespmem:$0xD410];
	_ =	sdelay $0x4  }
0x339: {  	v14 =	vld.idx.msk [tilespmem:v11+s0+$0x0], $0xffff  }
0x33a: {  	v12 =	vld.idx.msk [tilespmem:v12+s6+$0x0], $0xffff;
	_ =	sdelay $0x1  }
0x33b: {  	v13 =	vld.idx.msk [tilespmem:v13+s7+$0x0], $0xffff;
	_ =	sdelay $0x1  }
0x33c: {  	v15 =	vld.idx.msk [tilespmem:v0+s5+$0x0], $0xffff  }
0x33d: {  	v12 =	vadd.f32 v12, v14;
	_ =	sdelay $0x1  }
0x33e: {  	v12 =	vadd.f32 v13, v12;
	_ =	sdelay $0x1  }
0x33f: {  	v12 =	vadd.f32 v12, v15;
	_ =	sdelay $0x1  }
0x340: {  	v13 =	vmul.f32 $2.000000030e-01, v12  }
0x341: {  	vm12 =	vge.f32 v12, $0.0e+00  }
0x342: {  	v12 =	vsel vm12, v12, v13  }
0x343: {  	v12 =	vmul.f32 $1.442695020e+00, v12;
	_ =	sdelay $0x1  }
0x344: {  	(erf) = vpow2.f32 v12;
	_ =	sdelay $0x3  }
0x345: {  	v12 =	vsub.s32 v11, v1  }
0x346: {  	vm13 =	vlt.u32 v12, $0x1400;
	_ =	sdelay $0x3  }
0x347: {  	v12 =	vpop (erf)  }
0x348: {  	[tilespmem:$0xDD90] =	vst v12  }
0x349: {  	[tilespmem:v11+s26+$0x0] =	vst.idx.add.f32.msk vm13, v12  }
0x34a: {  	v11 =	vld [tilespmem:$0xD3A0]  }
0x34b: {  	v12 =	vld [tilespmem:$0xD320];
	_ =	sdelay $0x1  }
0x34c: {  	v13 =	vld [tilespmem:$0xD420];
	_ =	sdelay $0x4  }
0x34d: {  	v14 =	vld.idx.msk [tilespmem:v11+s0+$0x0], $0xffff  }
0x34e: {  	v12 =	vld.idx.msk [tilespmem:v12+s6+$0x0], $0xffff;
	_ =	sdelay $0x1  }
0x34f: {  	v13 =	vld.idx.msk [tilespmem:v13+s7+$0x0], $0xffff;
	_ =	sdelay $0x1  }
0x350: {  	v15 =	vld.idx.msk [tilespmem:v3+s5+$0x0], $0xffff  }
0x351: {  	v12 =	vadd.f32 v12, v14;
	_ =	sdelay $0x1  }
0x352: {  	v12 =	vadd.f32 v13, v12;
	_ =	sdelay $0x1  }
0x353: {  	v12 =	vadd.f32 v12, v15;
	_ =	sdelay $0x1  }
0x354: {  	v13 =	vmul.f32 $2.000000030e-01, v12  }
0x355: {  	vm14 =	vge.f32 v12, $0.0e+00  }
0x356: {  	v12 =	vsel vm14, v12, v13  }
0x357: {  	v12 =	vmul.f32 $1.442695020e+00, v12;
	_ =	sdelay $0x1  }
0x358: {  	(erf) = vpow2.f32 v12;
	_ =	sdelay $0x3  }
0x359: {  	v12 =	vsub.s32 v11, v1  }
0x35a: {  	vm15 =	vlt.u32 v12, $0x1400;
	_ =	sdelay $0x3  }
0x35b: {  	v12 =	vpop (erf)  }
0x35c: {  	[tilespmem:$0xDDA0] =	vst v12  }
0x35d: {  	[tilespmem:v11+s26+$0x0] =	vst.idx.add.f32.msk vm15, v12  }
0x35e: {  	v11 =	vld [tilespmem:$0xD3B0]  }
0x35f: {  	v12 =	vld [tilespmem:$0xD330];
	_ =	sdelay $0x1  }
0x360: {  	v13 =	vld [tilespmem:$0xD430];
	_ =	sdelay $0x4  }
0x361: {  	v14 =	vld.idx.msk [tilespmem:v11+s0+$0x0], $0xffff  }
0x362: {  	v12 =	vld.idx.msk [tilespmem:v12+s6+$0x0], $0xffff;
	_ =	sdelay $0x1  }
0x363: {  	v13 =	vld.idx.msk [tilespmem:v13+s7+$0x0], $0xffff;
	_ =	sdelay $0x1  }
0x364: {  	v15 =	vld.idx.msk [tilespmem:v4+s5+$0x0], $0xffff  }
0x365: {  	v12 =	vadd.f32 v12, v14;
	_ =	sdelay $0x1  }
0x366: {  	v12 =	vadd.f32 v13, v12;
	_ =	sdelay $0x1  }
0x367: {  	v12 =	vadd.f32 v12, v15;
	_ =	sdelay $0x1  }
0x368: {  	v13 =	vmul.f32 $2.000000030e-01, v12  }
0x369: {  	vm4 =	vge.f32 v12, $0.0e+00  }
0x36a: {  	v12 =	vsel vm4, v12, v13  }
0x36b: {  	v12 =	vmul.f32 $1.442695020e+00, v12;
	_ =	sdelay $0x1  }
0x36c: {  	(erf) = vpow2.f32 v12;
	_ =	sdelay $0x3  }
0x36d: {  	v12 =	vsub.s32 v11, v1  }
0x36e: {  	vm5 =	vlt.u32 v12, $0x1400;
	_ =	sdelay $0x3  }
0x36f: {  	v12 =	vpop (erf)  }
0x370: {  	[tilespmem:$0xDDB0] =	vst v12  }
0x371: {  	[tilespmem:v11+s26+$0x0] =	vst.idx.add.f32.msk vm5, v12  }
0x372: {  	v11 =	vld [tilespmem:$0xD3C0]  }
0x373: {  	v12 =	vld [tilespmem:$0xD340];
	_ =	sdelay $0x1  }
0x374: {  	v13 =	vld [tilespmem:$0xD440];
	_ =	sdelay $0x4  }
0x375: {  	v14 =	vld.idx.msk [tilespmem:v11+s0+$0x0], $0xffff  }
0x376: {  	v12 =	vld.idx.msk [tilespmem:v12+s6+$0x0], $0xffff;
	_ =	sdelay $0x1  }
0x377: {  	v13 =	vld.idx.msk [tilespmem:v13+s7+$0x0], $0xffff;
	_ =	sdelay $0x1  }
0x378: {  	v15 =	vld.idx.msk [tilespmem:v5+s5+$0x0], $0xffff  }
0x379: {  	v12 =	vadd.f32 v12, v14;
	_ =	sdelay $0x1  }
0x37a: {  	v12 =	vadd.f32 v13, v12;
	_ =	sdelay $0x1  }
0x37b: {  	v12 =	vadd.f32 v12, v15;
	_ =	sdelay $0x1  }
0x37c: {  	v13 =	vmul.f32 $2.000000030e-01, v12  }
0x37d: {  	vm6 =	vge.f32 v12, $0.0e+00  }
0x37e: {  	v12 =	vsel vm6, v12, v13  }
0x37f: {  	v12 =	vmul.f32 $1.442695020e+00, v12;
	_ =	sdelay $0x1  }
0x380: {  	(erf) = vpow2.f32 v12;
	_ =	sdelay $0x3  }
0x381: {  	v12 =	vsub.s32 v11, v1  }
0x382: {  	vm7 =	vlt.u32 v12, $0x1400;
	_ =	sdelay $0x3  }
0x383: {  	v12 =	vpop (erf)  }
0x384: {  	[tilespmem:$0xDDC0] =	vst v12  }
0x385: {  	[tilespmem:v11+s26+$0x0] =	vst.idx.add.f32.msk vm7, v12  }
0x386: {  	v11 =	vld [tilespmem:$0xD3D0]  }
0x387: {  	v12 =	vld [tilespmem:$0xD350];
	_ =	sdelay $0x1  }
0x388: {  	v13 =	vld [tilespmem:$0xD450];
	_ =	sdelay $0x4  }
0x389: {  	v14 =	vld.idx.msk [tilespmem:v11+s0+$0x0], $0xffff  }
0x38a: {  	v12 =	vld.idx.msk [tilespmem:v12+s6+$0x0], $0xffff;
	_ =	sdelay $0x1  }
0x38b: {  	v13 =	vld.idx.msk [tilespmem:v13+s7+$0x0], $0xffff;
	_ =	sdelay $0x1  }
0x38c: {  	v15 =	vld.idx.msk [tilespmem:v6+s5+$0x0], $0xffff  }
0x38d: {  	v12 =	vadd.f32 v12, v14;
	_ =	sdelay $0x1  }
0x38e: {  	v12 =	vadd.f32 v13, v12;
	_ =	sdelay $0x1  }
0x38f: {  	v12 =	vadd.f32 v12, v15;
	_ =	sdelay $0x1  }
0x390: {  	v13 =	vmul.f32 $2.000000030e-01, v12  }
0x391: {  	vm8 =	vge.f32 v12, $0.0e+00  }
0x392: {  	v12 =	vsel vm8, v12, v13  }
0x393: {  	v12 =	vmul.f32 $1.442695020e+00, v12;
	_ =	sdelay $0x1  }
0x394: {  	(erf) = vpow2.f32 v12;
	_ =	sdelay $0x3  }
0x395: {  	v12 =	vsub.s32 v11, v1  }
0x396: {  	vm9 =	vlt.u32 v12, $0x1400;
	_ =	sdelay $0x3  }
0x397: {  	v12 =	vpop (erf)  }
0x398: {  	[tilespmem:$0xDDD0] =	vst v12  }
0x399: {  	[tilespmem:v11+s26+$0x0] =	vst.idx.add.f32.msk vm9, v12  }
0x39a: {  	v11 =	vld [tilespmem:$0xD3E0]  }
0x39b: {  	v12 =	vld [tilespmem:$0xD360];
	_ =	sdelay $0x1  }
0x39c: {  	v13 =	vld [tilespmem:$0xD460];
	_ =	sdelay $0x4  }
0x39d: {  	v14 =	vld.idx.msk [tilespmem:v11+s0+$0x0], $0xffff  }
0x39e: {  	v12 =	vld.idx.msk [tilespmem:v12+s6+$0x0], $0xffff;
	_ =	sdelay $0x1  }
0x39f: {  	v13 =	vld.idx.msk [tilespmem:v13+s7+$0x0], $0xffff;
	_ =	sdelay $0x1  }
0x3a0: {  	v15 =	vld.idx.msk [tilespmem:v7+s5+$0x0], $0xffff  }
0x3a1: {  	v12 =	vadd.f32 v12, v14;
	_ =	sdelay $0x1  }
0x3a2: {  	v12 =	vadd.f32 v13, v12;
	_ =	sdelay $0x1  }
0x3a3: {  	v12 =	vadd.f32 v12, v15;
	_ =	sdelay $0x1  }
0x3a4: {  	v13 =	vmul.f32 $2.000000030e-01, v12  }
0x3a5: {  	vm10 =	vge.f32 v12, $0.0e+00  }
0x3a6: {  	v12 =	vsel vm10, v12, v13  }
0x3a7: {  	v12 =	vmul.f32 $1.442695020e+00, v12;
	_ =	sdelay $0x1  }
0x3a8: {  	(erf) = vpow2.f32 v12;
	_ =	sdelay $0x3  }
0x3a9: {  	v12 =	vsub.s32 v11, v1  }
0x3aa: {  	vm11 =	vlt.u32 v12, $0x1400;
	_ =	sdelay $0x3  }
0x3ab: {  	v12 =	vpop (erf)  }
0x3ac: {  	[tilespmem:$0xDDE0] =	vst v12  }
0x3ad: {  	[tilespmem:v11+s26+$0x0] =	vst.idx.add.f32.msk vm11, v12  }
0x3ae: {  	v11 =	vld [tilespmem:$0xD3F0]  }
0x3af: {  	v12 =	vld [tilespmem:$0xD370];
	_ =	sdelay $0x1  }
0x3b0: {  	v13 =	vld [tilespmem:$0xD470];
	_ =	sdelay $0x4  }
0x3b1: {  	v14 =	vld.idx.msk [tilespmem:v11+s0+$0x0], $0xffff  }
0x3b2: {  	v12 =	vld.idx.msk [tilespmem:v12+s6+$0x0], $0xffff;
	_ =	sdelay $0x1  }
0x3b3: {  	v13 =	vld.idx.msk [tilespmem:v13+s7+$0x0], $0xffff;
	_ =	sdelay $0x1  }
0x3b4: {  	v15 =	vld.idx.msk [tilespmem:v8+s5+$0x0], $0xffff  }
0x3b5: {  	v12 =	vadd.f32 v12, v14;
	_ =	sdelay $0x1  }
0x3b6: {  	v12 =	vadd.f32 v13, v12;
	_ =	sdelay $0x1  }
0x3b7: {  	v12 =	vadd.f32 v12, v15;
	_ =	sdelay $0x1  }
0x3b8: {  	v13 =	vmul.f32 $2.000000030e-01, v12  }
0x3b9: {  	vm12 =	vge.f32 v12, $0.0e+00  }
0x3ba: {  	v12 =	vsel vm12, v12, v13  }
0x3bb: {  	v12 =	vmul.f32 $1.442695020e+00, v12;
	_ =	sdelay $0x1  }
0x3bc: {  	(erf) = vpow2.f32 v12;
	_ =	sdelay $0x3  }
0x3bd: {  	v12 =	vsub.s32 v11, v1  }
0x3be: {  	vm13 =	vlt.u32 v12, $0x1400;
	_ =	sdelay $0x3  }
0x3bf: {  	v12 =	vpop (erf)  }
0x3c0: {  	[tilespmem:$0xDDF0] =	vst v12  }
0x3c1: {  	[tilespmem:v11+s26+$0x0] =	vst.idx.add.f32.msk vm13, v12  }
0x3c2: {  	v11 =	vld [tilespmem:$0xD400]  }
0x3c3: {  	v12 =	vld [tilespmem:$0xD380];
	_ =	sdelay $0x1  }
0x3c4: {  	v13 =	vld [tilespmem:$0xD480];
	_ =	sdelay $0x4  }
0x3c5: {  	v14 =	vld.idx.msk [tilespmem:v11+s0+$0x0], $0xffff  }
0x3c6: {  	v12 =	vld.idx.msk [tilespmem:v12+s6+$0x0], $0xffff;
	_ =	sdelay $0x1  }
0x3c7: {  	v13 =	vld.idx.msk [tilespmem:v13+s7+$0x0], $0xffff;
	_ =	sdelay $0x1  }
0x3c8: {  	v15 =	vld.idx.msk [tilespmem:v9+s5+$0x0], $0xffff  }
0x3c9: {  	v12 =	vadd.f32 v12, v14;
	_ =	sdelay $0x1  }
0x3ca: {  	v12 =	vadd.f32 v13, v12;
	_ =	sdelay $0x1  }
0x3cb: {  	v12 =	vadd.f32 v12, v15;
	_ =	sdelay $0x1  }
0x3cc: {  	v13 =	vmul.f32 $2.000000030e-01, v12  }
0x3cd: {  	vm14 =	vge.f32 v12, $0.0e+00  }
0x3ce: {  	v12 =	vsel vm14, v12, v13  }
0x3cf: {  	v12 =	vmul.f32 $1.442695020e+00, v12;
	_ =	sdelay $0x1  }
0x3d0: {  	(erf) = vpow2.f32 v12;
	_ =	sdelay $0x1  }
0x3d1: {  	s13 =	simm.s32 $0x0  }
0x3d2: {  	v12 =	vmov s13  }
0x3d3: {  	v13 =	vsub.s32 v11, v1;
	v12 =	vshrl.u32 v12, $0x3  }
0x3d4: {  	vm15 =	vlt.u32 v13, $0x1400;
	v12 =	vshll.u32 v12, v10  }
0x3d5: {  	v12 =	vbroadcast v12, $0x0;
	_ =	sdelay $0x2  }
0x3d6: {  	v13 =	vpop (erf)  }
0x3d7: {  	[tilespmem:$0xDE00] =	vst v13  }
0x3d8: {  	s14 =	simm.s32 $0x1;
	[tilespmem:v11+s26+$0x0] =	vst.idx.add.f32.msk vm15, v13  }
0x3d9: {  	v11 =	vmov s14;
	s14 =	simm.s32 $0xDE50;
	v12 =	vld.idx.msk [tilespmem:v12+s31+$0x0], $0xffff  }
0x3da: {  	v11 =	vshrl.u32 v11, $0x3;
	v13 =	vld [tilespmem:s14+$0xFFFFFFC0]  }
0x3db: {  	v11 =	vshll.u32 v11, v10  }
0x3dc: {  	v11 =	vadd.s32 $0x1, v11  }
0x3dd: {  	v11 =	vbroadcast v11, $0x0;
	_ =	sdelay $0x1  }
0x3de: {  	v12 =	vmul.f32 v13, v12  }
0x3df: {  	s22 =	simm.s32 $0x2;
	s13 =	simm.s32 $0xE650  }
0x3e0: {  	[tilespmem:s13+$0xFFFFFFC0] =	vst v12;
	v12 =	vmov s22  }
0x3e1: {  	v12 =	vshrl.u32 v12, $0x3;
	v13 =	vld [tilespmem:s14+$0xFFFFFFD0]  }
0x3e2: {  	v11 =	vld.idx.msk [tilespmem:v11+s31+$0x0], $0xffff;
	v12 =	vshll.u32 v12, v10  }
0x3e3: {  	v12 =	vadd.s32 $0x2, v12  }
0x3e4: {  	v12 =	vbroadcast v12, $0x0;
	_ =	sdelay $0x2  }
0x3e5: {  	v11 =	vmul.f32 v13, v11;
	_ =	sdelay $0x1  }
0x3e6: {  	s24 =	simm.s32 $0x3;
	[tilespmem:s13+$0xFFFFFFD0] =	vst v11  }
0x3e7: {  	v11 =	vmov s24;
	v12 =	vld.idx.msk [tilespmem:v12+s31+$0x0], $0xffff  }
0x3e8: {  	v11 =	vshrl.u32 v11, $0x3;
	v13 =	vld [tilespmem:s14+$0xFFFFFFE0]  }
0x3e9: {  	v11 =	vshll.u32 v11, v10  }
0x3ea: {  	v11 =	vadd.s32 $0x3, v11  }
0x3eb: {  	v11 =	vbroadcast v11, $0x0;
	_ =	sdelay $0x1  }
0x3ec: {  	v12 =	vmul.f32 v13, v12  }
0x3ed: {  	s29 =	simm.s32 $0x4  }
0x3ee: {  	[tilespmem:s13+$0xFFFFFFE0] =	vst v12;
	v12 =	vmov s29  }
0x3ef: {  	v12 =	vshrl.u32 v12, $0x3;
	v13 =	vld [tilespmem:s14+$0xFFFFFFF0]  }
0x3f0: {  	v11 =	vld.idx.msk [tilespmem:v11+s31+$0x0], $0xffff;
	v12 =	vshll.u32 v12, v10  }
0x3f1: {  	v12 =	vadd.s32 $0x4, v12  }
0x3f2: {  	v12 =	vbroadcast v12, $0x0;
	_ =	sdelay $0x2  }
0x3f3: {  	v11 =	vmul.f32 v13, v11;
	_ =	sdelay $0x1  }
0x3f4: {  	s12 =	simm.s32 $0x5;
	[tilespmem:s13+$0xFFFFFFF0] =	vst v11  }
0x3f5: {  	v11 =	vmov s12;
	v12 =	vld.idx.msk [tilespmem:v12+s31+$0x0], $0xffff  }
0x3f6: {  	v11 =	vshrl.u32 v11, $0x3;
	v13 =	vld [tilespmem:s14+$0x0]  }
0x3f7: {  	v11 =	vshll.u32 v11, v10  }
0x3f8: {  	v11 =	vadd.s32 $0x5, v11  }
0x3f9: {  	v11 =	vbroadcast v11, $0x0;
	_ =	sdelay $0x1  }
0x3fa: {  	v12 =	vmul.f32 v13, v12  }
0x3fb: {  	s22 =	simm.s32 $0x6  }
0x3fc: {  	[tilespmem:s13+$0x0] =	vst v12;
	v12 =	vmov s22  }
0x3fd: {  	v12 =	vshrl.u32 v12, $0x3;
	v13 =	vld [tilespmem:s14+$0x10]  }
0x3fe: {  	v11 =	vld.idx.msk [tilespmem:v11+s31+$0x0], $0xffff;
	v12 =	vshll.u32 v12, v10  }
0x3ff: {  	v12 =	vadd.s32 $0x6, v12  }
0x400: {  	v12 =	vbroadcast v12, $0x0;
	_ =	sdelay $0x2  }
0x401: {  	v11 =	vmul.f32 v13, v11  }
0x402: {  	s24 =	simm.s32 $0x7  }
0x403: {  	[tilespmem:s13+$0x10] =	vst v11;
	v11 =	vmov s24  }
0x404: {  	v12 =	vld.idx.msk [tilespmem:v12+s31+$0x0], $0xffff;
	v11 =	vshrl.u32 v11, $0x3  }
0x405: {  	v13 =	vld [tilespmem:s14+$0x20];
	v11 =	vshll.u32 v11, v10  }
0x406: {  	v11 =	vadd.s32 $0x7, v11  }
0x407: {  	v11 =	vbroadcast v11, $0x0;
	_ =	sdelay $0x2  }
0x408: {  	v12 =	vmul.f32 v13, v12;
	_ =	sdelay $0x1  }
0x409: {  	s29 =	simm.s32 $0x8;
	[tilespmem:s13+$0x20] =	vst v12  }
0x40a: {  	v12 =	vld.idx.msk [tilespmem:v11+s31+$0x0], $0xffff;
	v11 =	vmov s29  }
0x40b: {  	v13 =	vld [tilespmem:s14+$0x30];
	v11 =	vshrl.u32 v11, $0x3  }
0x40c: {  	v11 =	vshll.u32 v11, v10  }
0x40d: {  	v11 =	vbroadcast v11, $0x0;
	_ =	sdelay $0x2  }
0x40e: {  	s2 =	simm.s32 $0x9;
	s22 =	simm.s32 $0x17;
	s24 =	simm.s32 $0xF;
	v12 =	vmul.f32 v13, v12  }
.LBB2_16:
0x40f: {  	s14 =	sadd.s32 $0x80, s14  }
0x410: {  	v13 =	vmov s2;
	[tilespmem:s13+$0x30] =	vst v12;
	s13 =	sadd.s32 $0x80, s13;
	s2 =	smov.u32 s22;
	s12 =	sadd.s32 $0x8, s22  }
0x411: {  	p1 =	sne.s32 s22, $0x7F;
	v11 =	vld.idx.msk [tilespmem:v11+s31+$0x0], $0xffff;
	v12 =	vshrl.u32 v13, $0x3  }
0x412: {  	v13 =	vld [tilespmem:s14+$0xFFFFFFC0];
	v12 =	vshll.u32 v12, v10  }
0x413: {  	v12 =	vadd.s32 $0x1, v12  }
0x414: {  	v12 =	vbroadcast v12, $0x0;
	_ =	sdelay $0x2  }
0x415: {  	v11 =	vmul.f32 v13, v11  }
0x416: {  	s22 =	sadd.s32 $0xFFFFFFFB, s24  }
0x417: {  	[tilespmem:s13+$0xFFFFFFC0] =	vst v11;
	v11 =	vmov s22  }
0x418: {  	v12 =	vld.idx.msk [tilespmem:v12+s31+$0x0], $0xffff;
	v11 =	vshrl.u32 v11, $0x3  }
0x419: {  	v13 =	vld [tilespmem:s14+$0xFFFFFFD0];
	v11 =	vshll.u32 v11, v10  }
0x41a: {  	v11 =	vadd.s32 $0x2, v11  }
0x41b: {  	v11 =	vbroadcast v11, $0x0;
	_ =	sdelay $0x2  }
0x41c: {  	v12 =	vmul.f32 v13, v12  }
0x41d: {  	s22 =	sadd.s32 $0xFFFFFFFC, s24  }
0x41e: {  	[tilespmem:s13+$0xFFFFFFD0] =	vst v12;
	v12 =	vmov s22  }
0x41f: {  	v11 =	vld.idx.msk [tilespmem:v11+s31+$0x0], $0xffff;
	v12 =	vshrl.u32 v12, $0x3  }
0x420: {  	v13 =	vld [tilespmem:s14+$0xFFFFFFE0];
	v12 =	vshll.u32 v12, v10  }
0x421: {  	v12 =	vadd.s32 $0x3, v12  }
0x422: {  	v12 =	vbroadcast v12, $0x0;
	_ =	sdelay $0x2  }
0x423: {  	v11 =	vmul.f32 v13, v11  }
0x424: {  	s22 =	sadd.s32 $0xFFFFFFFD, s24  }
0x425: {  	[tilespmem:s13+$0xFFFFFFE0] =	vst v11;
	v11 =	vmov s22  }
0x426: {  	v12 =	vld.idx.msk [tilespmem:v12+s31+$0x0], $0xffff;
	v11 =	vshrl.u32 v11, $0x3  }
0x427: {  	v13 =	vld [tilespmem:s14+$0xFFFFFFF0];
	v11 =	vshll.u32 v11, v10  }
0x428: {  	v11 =	vadd.s32 $0x4, v11  }
0x429: {  	v11 =	vbroadcast v11, $0x0;
	_ =	sdelay $0x2  }
0x42a: {  	v12 =	vmul.f32 v13, v12  }
0x42b: {  	s22 =	sadd.s32 $0xFFFFFFFE, s24  }
0x42c: {  	[tilespmem:s13+$0xFFFFFFF0] =	vst v12;
	v12 =	vmov s22  }
0x42d: {  	v11 =	vld.idx.msk [tilespmem:v11+s31+$0x0], $0xffff;
	v12 =	vshrl.u32 v12, $0x3  }
0x42e: {  	v13 =	vld [tilespmem:s14+$0x0];
	v12 =	vshll.u32 v12, v10  }
0x42f: {  	v12 =	vadd.s32 $0x5, v12  }
0x430: {  	v12 =	vbroadcast v12, $0x0;
	_ =	sdelay $0x2  }
0x431: {  	v11 =	vmul.f32 v13, v11  }
0x432: {  	s22 =	sadd.s32 $0xFFFFFFFF, s24  }
0x433: {  	[tilespmem:s13+$0x0] =	vst v11;
	v11 =	vmov s22  }
0x434: {  	v12 =	vld.idx.msk [tilespmem:v12+s31+$0x0], $0xffff;
	v11 =	vshrl.u32 v11, $0x3  }
0x435: {  	v13 =	vld [tilespmem:s14+$0x10];
	v11 =	vshll.u32 v11, v10  }
0x436: {  	v11 =	vadd.s32 $0x6, v11  }
0x437: {  	v11 =	vbroadcast v11, $0x0;
	_ =	sdelay $0x2  }
0x438: {  	v12 =	vmul.f32 v13, v12;
	_ =	sdelay $0x1  }
0x439: {  	[tilespmem:s13+$0x10] =	vst v12;
	v12 =	vmov s24;
	s24 =	smov.u32 s2  }
0x43a: {  	v11 =	vld.idx.msk [tilespmem:v11+s31+$0x0], $0xffff;
	v12 =	vshrl.u32 v12, $0x3  }
0x43b: {  	v13 =	vld [tilespmem:s14+$0x20];
	v12 =	vshll.u32 v12, v10  }
0x43c: {  	v12 =	vadd.s32 $0x7, v12  }
0x43d: {  	v12 =	vbroadcast v12, $0x0;
	_ =	sdelay $0x2  }
0x43e: {  	v11 =	vmul.f32 v13, v11;
	_ =	sdelay $0x1  }
0x43f: {  	s2 =	sadd.s32 $0xFFFFFFF9, s24;
	[tilespmem:s13+$0x20] =	vst v11  }
0x440: {  	v11 =	vmov s2;
	v12 =	vld.idx.msk [tilespmem:v12+s31+$0x0], $0xffff  }
0x441: {  	v11 =	vshrl.u32 v11, $0x3;
	v13 =	vld [tilespmem:s14+$0x30]  }
0x442: {  	v11 =	vshll.u32 v11, v10  }
.Ltmp11:
0x443: {  	v11 =	vbroadcast v11, $0x0;
	(pc) =	sbr.rel @p1 .LBB2_16-.Ltmp11, $3  }
0x444: {  	_ =	sdelay $0x1  }
0x445: {  	v12 =	vmul.f32 v13, v12  }
0x446: {  	s22 =	smov.u32 s12;
	s2 =	sadd.s32 $0xFFFFFFFA, s24  }
0x447: {  	_ =	sdelay $0x2  }
0x448: {  	[tilespmem:s13+$0x30] =	vst v12  }
0x449: {  	v13 =	vmov s2;
	s2 =	sadd.s32 $0x80, s14;
	v11 =	vld.idx.msk [tilespmem:v11+s31+$0x0], $0xffff  }
0x44a: {  	v52 =	vshrl.u32 v13, $0x3;
	v53 =	vld [tilespmem:s2+$0xFFFFFFC0]  }
0x44b: {  	v12 =	vshll.u32 v52, v10  }
0x44c: {  	v12 =	vadd.s32 $0x1, v12  }
0x44d: {  	v12 =	vbroadcast v12, $0x0;
	_ =	sdelay $0x1  }
0x44e: {  	v11 =	vmul.f32 v53, v11  }
0x44f: {  	s12 =	sadd.s32 $0x80, s13;
	s29 =	sadd.s32 $0xFFFFFFFB, s24  }
0x450: {  	[tilespmem:s12+$0xFFFFFFC0] =	vst v11;
	v11 =	vmov s29  }
0x451: {  	v11 =	vshrl.u32 v11, $0x3;
	v54 =	vld [tilespmem:s2+$0xFFFFFFD0]  }
0x452: {  	v12 =	vld.idx.msk [tilespmem:v12+s31+$0x0], $0xffff;
	v11 =	vshll.u32 v11, v10  }
0x453: {  	v11 =	vadd.s32 $0x2, v11  }
0x454: {  	v11 =	vbroadcast v11, $0x0;
	_ =	sdelay $0x2  }
0x455: {  	v12 =	vmul.f32 v54, v12  }
0x456: {  	s14 =	sadd.s32 $0xFFFFFFFC, s24  }
0x457: {  	v55 =	vmov s14;
	[tilespmem:s12+$0xFFFFFFD0] =	vst v12  }
0x458: {  	v12 =	vshrl.u32 v55, $0x3;
	v11 =	vld.idx.msk [tilespmem:v11+s31+$0x0], $0xffff  }
0x459: {  	v56 =	vld [tilespmem:s2+$0xFFFFFFE0];
	v12 =	vshll.u32 v12, v10  }
0x45a: {  	v12 =	vadd.s32 $0x3, v12  }
0x45b: {  	v12 =	vbroadcast v12, $0x0;
	_ =	sdelay $0x2  }
0x45c: {  	v11 =	vmul.f32 v56, v11;
	_ =	sdelay $0x1  }
0x45d: {  	s22 =	sadd.s32 $0xFFFFFFFD, s24;
	[tilespmem:s12+$0xFFFFFFE0] =	vst v11  }
0x45e: {  	v11 =	vmov s22;
	v12 =	vld.idx.msk [tilespmem:v12+s31+$0x0], $0xffff  }
0x45f: {  	v11 =	vshrl.u32 v11, $0x3;
	v57 =	vld [tilespmem:s2+$0xFFFFFFF0]  }
0x460: {  	v11 =	vshll.u32 v11, v10  }
0x461: {  	v11 =	vadd.s32 $0x4, v11  }
0x462: {  	v11 =	vbroadcast v11, $0x0;
	_ =	sdelay $0x1  }
0x463: {  	v12 =	vmul.f32 v57, v12  }
0x464: {  	s29 =	sadd.s32 $0xFFFFFFFE, s24  }
0x465: {  	v58 =	vmov s29;
	[tilespmem:s12+$0xFFFFFFF0] =	vst v12  }
0x466: {  	v12 =	vshrl.u32 v58, $0x3;
	v59 =	vld [tilespmem:s2+$0x0]  }
0x467: {  	v12 =	vshll.u32 v12, v10;
	v11 =	vld.idx.msk [tilespmem:v11+s31+$0x0], $0xffff  }
0x468: {  	v12 =	vadd.s32 $0x5, v12  }
0x469: {  	v12 =	vbroadcast v12, $0x0;
	_ =	sdelay $0x2  }
0x46a: {  	v11 =	vmul.f32 v59, v11;
	_ =	sdelay $0x1  }
0x46b: {  	s14 =	sadd.s32 $0xFFFFFFFF, s24;
	[tilespmem:s12+$0x0] =	vst v11  }
0x46c: {  	v11 =	vmov s14;
	v12 =	vld.idx.msk [tilespmem:v12+s31+$0x0], $0xffff  }
0x46d: {  	v11 =	vshrl.u32 v11, $0x3;
	v60 =	vld [tilespmem:s2+$0x10]  }
0x46e: {  	v11 =	vshll.u32 v11, v10  }
0x46f: {  	v11 =	vadd.s32 $0x6, v11  }
0x470: {  	v11 =	vbroadcast v11, $0x0;
	_ =	sdelay $0x1  }
0x471: {  	v12 =	vmul.f32 v60, v12;
	_ =	sdelay $0x1  }
0x472: {  	v61 =	vmov s24;
	[tilespmem:s12+$0x10] =	vst v12  }
0x473: {  	v12 =	vshrl.u32 v61, $0x3;
	v62 =	vld [tilespmem:s2+$0x20]  }
0x474: {  	v12 =	vshll.u32 v12, v10;
	v11 =	vld.idx.msk [tilespmem:v11+s31+$0x0], $0xffff  }
0x475: {  	v12 =	vadd.s32 $0x7, v12  }
0x476: {  	v12 =	vbroadcast v12, $0x0;
	_ =	sdelay $0x2  }
0x477: {  	v11 =	vmul.f32 v62, v11;
	_ =	sdelay $0x1  }
0x478: {  	[tilespmem:s12+$0x20] =	vst v11  }
0x479: {  	v11 =	vld.idx.msk [tilespmem:v12+s31+$0x0], $0xffff  }
0x47a: {  	v63 =	vld [tilespmem:s2+$0x30];
	_ =	sdelay $0x4  }
0x47b: {  	v11 =	vmul.f32 v63, v11  }
0x47c: {  	s24 =	simm.s32 $0xDD10  }
0x47d: {  	s29 =	simm.s32 $0xE610;
	[tilespmem:s12+$0x30] =	vst v11;
	(ifvalue) =	ssetifvalue $0xFFFFFFFF;
	s22 =	rddreg [dreg:$0x4]  }
0x47e: {  	[spmem:s22] =	stream.indirect.scatter.add.f32 [tilespmem:s29], [sflag:$0x8], $0x10, s24, s10, $0x40b8;
	[tilespmem:$0x1E210] =	vst v63  }
.LBB2_18:
.Ltmp12:
0x47f: {  	(pc) =	sbr.rel @p0 .LBB2_22-.Ltmp12, $1  }
0x480: {  	_ =	sdelay $0x3  }
0x481: {  	s14 =	simm.s32 $0x0  }
0x482: {  	v11 =	vmov s14  }
0x483: {  	v11 =	vand.u32 $0xFFFFFFFC, v11  }
0x484: {  	v11 =	vbroadcast v11, $0x0;
	_ =	sdelay $0x1  }
0x485: {  	_ =	swait.ge [sflag:s4], $0x4000  }
0x486: {  	[sflag:s4] =	ssyncset.done $0x0  }
0x487: {  	s13 =	simm.s32 $0x9410;
	[sflag:s4] =	ssyncadd.s32 $0xFFFFC000  }
0x488: {  	v12 =	vld [tilespmem:s13+$0xFFFFFF70]  }
0x489: {  	v11 =	vld.idx.msk [tilespmem:v11+s28+$0x0], $0xffff  }
0x48a: {  	v13 =	vld [tilespmem:s13+$0xFFFFFF00]  }
0x48b: {  	v14 =	vld [tilespmem:s13+$0xFFFFFF20]  }
0x48c: {  	v15 =	vld [tilespmem:s13+$0xFFFFFF50]  }
0x48d: {  	v16 =	vld [tilespmem:s13+$0xFFFFFF40]  }
0x48e: {  	v17 =	vld [tilespmem:s13+$0xFFFFFF60];
	v12 =	vmul.f32 v12, v11  }
0x48f: {  	s2 =	simm.s32 $0x1;
	v18 =	vld [tilespmem:s13+$0xFFFFFF30];
	v13 =	vmul.f32 v13, v11  }
0x490: {  	v19 =	vld [tilespmem:s13+$0xFFFFFF10];
	v14 =	vmul.f32 v14, v11;
	[tilespmem:s13+$0xFFFFFF70] =	vst v12;
	v12 =	vmov s2  }
0x491: {  	v15 =	vmul.f32 v15, v11;
	[tilespmem:s13+$0xFFFFFF00] =	vst v13;
	v12 =	vand.u32 $0xFFFFFFFD, v12  }
0x492: {  	v13 =	vmul.f32 v16, v11;
	[tilespmem:s13+$0xFFFFFF20] =	vst v14;
	v12 =	vbroadcast v12, $0x0  }
0x493: {  	v14 =	vmul.f32 v17, v11;
	[tilespmem:s13+$0xFFFFFF50] =	vst v15  }
0x494: {  	v15 =	vmul.f32 v18, v11;
	[tilespmem:s13+$0xFFFFFF40] =	vst v13  }
0x495: {  	v11 =	vmul.f32 v19, v11;
	[tilespmem:s13+$0xFFFFFF60] =	vst v14  }
0x496: {  	[tilespmem:s13+$0xFFFFFF30] =	vst v15  }
0x497: {  	[tilespmem:s13+$0xFFFFFF10] =	vst v11;
	v11 =	vld [tilespmem:s13+$0xFFFFFF90]  }
0x498: {  	v13 =	vld.idx.msk [tilespmem:v12+s28+$0x0], $0xffff  }
0x499: {  	v12 =	vld [tilespmem:s13+$0xFFFFFFA0]  }
0x49a: {  	v14 =	vld [tilespmem:s13+$0xFFFFFF80]  }
0x49b: {  	v15 =	vld [tilespmem:s13+$0xFFFFFFB0]  }
0x49c: {  	v16 =	vld [tilespmem:s13+$0xFFFFFFC0]  }
0x49d: {  	v17 =	vld [tilespmem:s13+$0xFFFFFFD0];
	v11 =	vmul.f32 v11, v13  }
0x49e: {  	s29 =	simm.s32 $0x2;
	v18 =	vld [tilespmem:s13+$0xFFFFFFF0];
	v12 =	vmul.f32 v12, v13  }
0x49f: {  	v19 =	vld [tilespmem:s13+$0xFFFFFFE0];
	v14 =	vmul.f32 v14, v13;
	[tilespmem:s13+$0xFFFFFF90] =	vst v11;
	v11 =	vmov s29  }
0x4a0: {  	v15 =	vmul.f32 v15, v13;
	[tilespmem:s13+$0xFFFFFFA0] =	vst v12;
	v11 =	vand.u32 $0xFFFFFFFE, v11  }
0x4a1: {  	v12 =	vmul.f32 v16, v13;
	[tilespmem:s13+$0xFFFFFF80] =	vst v14;
	v16 =	vld [tilespmem:s13+$0x60];
	v20 =	vbroadcast v11, $0x0  }
0x4a2: {  	v14 =	vmul.f32 v17, v13;
	[tilespmem:s13+$0xFFFFFFB0] =	vst v15;
	v17 =	vld [tilespmem:s13+$0x0]  }
0x4a3: {  	v15 =	vmul.f32 v18, v13;
	v11 =	vld [tilespmem:s13+$0x20];
	[tilespmem:s13+$0xFFFFFFC0] =	vst v12  }
0x4a4: {  	v13 =	vmul.f32 v19, v13;
	v12 =	vld [tilespmem:s13+$0x30];
	[tilespmem:s13+$0xFFFFFFD0] =	vst v14  }
0x4a5: {  	[tilespmem:s13+$0xFFFFFFF0] =	vst v15;
	v14 =	vld [tilespmem:s13+$0x40]  }
0x4a6: {  	[tilespmem:s13+$0xFFFFFFE0] =	vst v13;
	v15 =	vld [tilespmem:s13+$0x10]  }
0x4a7: {  	s24 =	simm.s32 $0x4;
	s12 =	simm.s32 $0x9410;
	v13 =	vld.idx.msk [tilespmem:v20+s28+$0x0], $0xffff  }
.LBB2_20:
0x4a8: {  	p0 =	sne.s32 s24, $0x7C  }
0x4a9: {  	v18 =	vld [tilespmem:s13+$0x50];
	s12 =	sadd.s32 $0x200, s12;
	s2 =	smov.u32 s24;
	s24 =	sadd.s32 $0x4, s24  }
0x4aa: {  	v19 =	vld [tilespmem:s13+$0x70];
	_ =	sdelay $0x1  }
0x4ab: {  	v16 =	vmul.f32 v16, v13;
	v17 =	vmul.f32 v17, v13  }
0x4ac: {  	v14 =	vmul.f32 v14, v13;
	v15 =	vmul.f32 v15, v13  }
0x4ad: {  	v11 =	vmul.f32 v11, v13;
	v12 =	vmul.f32 v12, v13;
	[tilespmem:s13+$0x60] =	vst v16  }
0x4ae: {  	[tilespmem:s13+$0x40] =	vst v14;
	v14 =	vmul.f32 v18, v13;
	v13 =	vmul.f32 v19, v13  }
0x4af: {  	s22 =	sadd.s32 $0x3, s14;
	s14 =	smov.u32 s2;
	[tilespmem:s13+$0x20] =	vst v11;
	v16 =	vld [tilespmem:s13+$0x80]  }
0x4b0: {  	v11 =	vld [tilespmem:s12+$0x20];
	[tilespmem:s13+$0x0] =	vst v17;
	v17 =	vmov s22  }
0x4b1: {  	[tilespmem:s13+$0x50] =	vst v14;
	v14 =	vld [tilespmem:s13+$0xE0]  }
0x4b2: {  	[tilespmem:s13+$0x30] =	vst v12;
	v18 =	vld [tilespmem:s13+$0xC0]  }
0x4b3: {  	v12 =	vld [tilespmem:s12+$0x30];
	[tilespmem:s13+$0x10] =	vst v15  }
0x4b4: {  	[tilespmem:s13+$0x70] =	vst v13;
	v13 =	vld [tilespmem:s13+$0xA0]  }
0x4b5: {  	v15 =	vld.idx.msk [tilespmem:v17+s28+$0x0], $0xffff  }
0x4b6: {  	v17 =	vld [tilespmem:s13+$0x90]  }
0x4b7: {  	v19 =	vld [tilespmem:s13+$0xB0]  }
0x4b8: {  	v20 =	vld [tilespmem:s13+$0xD0]  }
0x4b9: {  	v21 =	vld [tilespmem:s13+$0xF0];
	_ =	sdelay $0x1  }
0x4ba: {  	v16 =	vmul.f32 v16, v15;
	v17 =	vmul.f32 v17, v15  }
0x4bb: {  	v13 =	vmul.f32 v13, v15;
	v19 =	vmul.f32 v19, v15  }
0x4bc: {  	v22 =	vmov s14;
	[tilespmem:s13+$0x80] =	vst v16;
	v16 =	vmul.f32 v18, v15;
	v18 =	vmul.f32 v20, v15  }
0x4bd: {  	v20 =	vand.u32 $0xFFFFFFFC, v22;
	[tilespmem:s13+$0xA0] =	vst v13;
	v13 =	vmul.f32 v14, v15;
	v14 =	vmul.f32 v21, v15  }
0x4be: {  	v15 =	vbroadcast v20, $0x0;
	[tilespmem:s13+$0xC0] =	vst v16  }
0x4bf: {  	[tilespmem:s13+$0xF0] =	vst v14  }
0x4c0: {  	v14 =	vld [tilespmem:s12+$0xFFFFFF40];
	[tilespmem:s13+$0xE0] =	vst v13  }
0x4c1: {  	v13 =	vld [tilespmem:s12+$0xFFFFFF50];
	[tilespmem:s13+$0x90] =	vst v17  }
0x4c2: {  	v16 =	vld [tilespmem:s12+$0xFFFFFF60];
	[tilespmem:s13+$0xB0] =	vst v19  }
0x4c3: {  	v17 =	vld [tilespmem:s12+$0xFFFFFF70];
	[tilespmem:s13+$0xD0] =	vst v18;
	s13 =	smov.u32 s12  }
0x4c4: {  	v15 =	vld.idx.msk [tilespmem:v15+s28+$0x0], $0xffff  }
0x4c5: {  	v18 =	vld [tilespmem:s12+$0xFFFFFF00]  }
0x4c6: {  	v19 =	vld [tilespmem:s12+$0xFFFFFF20]  }
0x4c7: {  	v20 =	vld [tilespmem:s12+$0xFFFFFF10]  }
0x4c8: {  	v21 =	vld [tilespmem:s12+$0xFFFFFF30];
	_ =	sdelay $0x1  }
0x4c9: {  	v17 =	vmul.f32 v17, v15;
	v18 =	vmul.f32 v18, v15  }
0x4ca: {  	s2 =	sadd.s32 $0x1, s14;
	v16 =	vmul.f32 v16, v15;
	v19 =	vmul.f32 v19, v15  }
0x4cb: {  	v13 =	vmul.f32 v13, v15;
	v20 =	vmul.f32 v20, v15;
	[tilespmem:s12+$0xFFFFFF70] =	vst v17;
	v17 =	vmov s2  }
0x4cc: {  	v14 =	vmul.f32 v14, v15;
	[tilespmem:s12+$0xFFFFFF00] =	vst v18;
	v18 =	vmul.f32 v21, v15;
	v15 =	vand.u32 $0xFFFFFFFD, v17  }
0x4cd: {  	[tilespmem:s12+$0xFFFFFF20] =	vst v19;
	v15 =	vbroadcast v15, $0x0  }
0x4ce: {  	[tilespmem:s12+$0xFFFFFF50] =	vst v13  }
0x4cf: {  	[tilespmem:s12+$0xFFFFFF40] =	vst v14;
	v13 =	vld [tilespmem:s12+$0xFFFFFFF0]  }
0x4d0: {  	[tilespmem:s12+$0xFFFFFF60] =	vst v16;
	v14 =	vld [tilespmem:s12+$0xFFFFFFC0]  }
0x4d1: {  	[tilespmem:s12+$0xFFFFFF30] =	vst v18;
	v16 =	vld [tilespmem:s12+$0xFFFFFFD0]  }
0x4d2: {  	[tilespmem:s12+$0xFFFFFF10] =	vst v20;
	v17 =	vld [tilespmem:s12+$0xFFFFFF90]  }
0x4d3: {  	v15 =	vld.idx.msk [tilespmem:v15+s28+$0x0], $0xffff  }
0x4d4: {  	v18 =	vld [tilespmem:s12+$0xFFFFFF80]  }
0x4d5: {  	v19 =	vld [tilespmem:s12+$0xFFFFFFA0]  }
0x4d6: {  	v20 =	vld [tilespmem:s12+$0xFFFFFFB0]  }
0x4d7: {  	v21 =	vld [tilespmem:s12+$0xFFFFFFE0];
	_ =	sdelay $0x1  }
0x4d8: {  	v17 =	vmul.f32 v17, v15;
	v18 =	vmul.f32 v18, v15  }
0x4d9: {  	s2 =	sadd.s32 $0x2, s14;
	v16 =	vmul.f32 v16, v15;
	v19 =	vmul.f32 v19, v15  }
0x4da: {  	v14 =	vmul.f32 v14, v15;
	[tilespmem:s12+$0xFFFFFF90] =	vst v17;
	v17 =	vmul.f32 v20, v15;
	v20 =	vmov s2  }
0x4db: {  	v13 =	vmul.f32 v13, v15;
	[tilespmem:s12+$0xFFFFFFA0] =	vst v19;
	v19 =	vmul.f32 v21, v15;
	v15 =	vand.u32 $0xFFFFFFFE, v20  }
0x4dc: {  	[tilespmem:s12+$0xFFFFFF80] =	vst v18;
	v15 =	vbroadcast v15, $0x0  }
0x4dd: {  	[tilespmem:s12+$0xFFFFFFB0] =	vst v17  }
0x4de: {  	[tilespmem:s12+$0xFFFFFFC0] =	vst v14  }
0x4df: {  	[tilespmem:s12+$0xFFFFFFD0] =	vst v16  }
.Ltmp13:
0x4e0: {  	[tilespmem:s12+$0xFFFFFFF0] =	vst v13;
	v14 =	vld [tilespmem:s12+$0x40];
	(pc) =	sbr.rel @p0 .LBB2_20-.Ltmp13, $4  }
0x4e1: {  	[tilespmem:s12+$0xFFFFFFE0] =	vst v19;
	v16 =	vld [tilespmem:s12+$0x60]  }
0x4e2: {  	v13 =	vld.idx.msk [tilespmem:v15+s28+$0x0], $0xffff  }
0x4e3: {  	v17 =	vld [tilespmem:s12+$0x0]  }
0x4e4: {  	v15 =	vld [tilespmem:s12+$0x10]  }
0x4e5: {  	_ =	sdelay $0x1  }
0x4e6: {  	v16 =	vmul.f32 v16, v13  }
0x4e7: {  	v18 =	vld [tilespmem:s13+$0x50];
	v14 =	vmul.f32 v14, v13  }
0x4e8: {  	v19 =	vld [tilespmem:s13+$0x70];
	v11 =	vmul.f32 v11, v13;
	[tilespmem:s13+$0x60] =	vst v16  }
0x4e9: {  	v47 =	vmul.f32 v17, v13;
	[tilespmem:s13+$0x40] =	vst v14  }
0x4ea: {  	s2 =	sadd.s32 $0x3, s14;
	[tilespmem:s13+$0x20] =	vst v11;
	v11 =	vmul.f32 v12, v13  }
0x4eb: {  	v50 =	vmov s2;
	v15 =	vmul.f32 v15, v13;
	[tilespmem:s13+$0x0] =	vst v47  }
0x4ec: {  	v48 =	vmul.f32 v18, v13;
	[tilespmem:s13+$0x30] =	vst v11  }
0x4ed: {  	v51 =	vmul.f32 v19, v13;
	[tilespmem:s13+$0x10] =	vst v15  }
0x4ee: {  	[tilespmem:s13+$0x50] =	vst v48  }
0x4ef: {  	v49 =	vld [tilespmem:s13+$0x80];
	[tilespmem:s13+$0x70] =	vst v51  }
0x4f0: {  	v11 =	vld.idx.msk [tilespmem:v50+s28+$0x0], $0xffff  }
0x4f1: {  	v52 =	vld [tilespmem:s13+$0xA0]  }
0x4f2: {  	v53 =	vld [tilespmem:s13+$0xC0]  }
0x4f3: {  	v54 =	vld [tilespmem:s13+$0xF0]  }
0x4f4: {  	v55 =	vld [tilespmem:s13+$0xE0]  }
0x4f5: {  	v56 =	vld [tilespmem:s13+$0x90];
	v12 =	vmul.f32 v49, v11  }
0x4f6: {  	v57 =	vld [tilespmem:s13+$0xB0];
	v13 =	vmul.f32 v52, v11  }
0x4f7: {  	v58 =	vld [tilespmem:s13+$0xD0];
	v59 =	vmul.f32 v53, v11;
	[tilespmem:s13+$0x80] =	vst v12  }
0x4f8: {  	v60 =	vmul.f32 v54, v11;
	[tilespmem:s13+$0xA0] =	vst v13  }
0x4f9: {  	v61 =	vmul.f32 v55, v11;
	[tilespmem:s13+$0xC0] =	vst v59  }
0x4fa: {  	v62 =	vmul.f32 v56, v11;
	[tilespmem:s13+$0xF0] =	vst v60  }
.Ltmp14:
0x4fb: {  	v63 =	vmul.f32 v57, v11;
	[tilespmem:s13+$0xE0] =	vst v61;
	(pc) =	sbr.rel .LBB2_22-.Ltmp14, $4  }
0x4fc: {  	v11 =	vmul.f32 v58, v11;
	[tilespmem:s13+$0x90] =	vst v62  }
0x4fd: {  	s12 =	simm.s32 $0x9310;
	[tilespmem:s13+$0xB0] =	vst v63  }
0x4fe: {  	s29 =	simm.s32 $0x8210;
	[tilespmem:s13+$0xD0] =	vst v11;
	(ifvalue) =	ssetifvalue $0xFFFFFFFF;
	s24 =	rddreg [dreg:$0x3]  }
0x4ff: {  	[spmem:s24] =	stream.indirect.scatter.add.f32 [tilespmem:s12], [sflag:$0x3], $0x80, s29, s10, $0x40b8;
	[tilespmem:$0x1E210] =	vst v63  }
.LBB2_24:
0x500: {  	_ =	sfence.sel $0x180000  }
0x501: {  	[bflag:$0x0] =	sbarrier.arrive $0xFFFF  }
0x502: {  	_ =	strace $0x90000047  }
0x503: {  	[bflag:$0x2] =	sbarrier.arrive $0xFFFF  }
0x504: {  	p0 =	sne.s32 s1, $0x0;
	s0 =	rddreg [dreg:$0x5]  }
0x505: {  	s0 =	sadd.s32 @!p0 $0x100000, s0  }
0x506: {  	[sflag:s0] =	ssyncadd.tile.s32 @!p0 $0x1;
	_ =	shalt  }
.Lfunc_end2:
_tile_overlayer_lowered:
.L_overlay_start_2:
0x507: {  	(tag) =	ssettag $0x2  }
0x508: {  	s0 =	rddreg [dreg:$0x0];
	s2 =	stileid.u32  }
0x509: {  	s1 =	rddreg [dreg:$0x1];
	p0 =	sne.s32 s2, $0x0  }
0x50a: {  	s3 =	rddreg [dreg:$0x2];
	[bflag:$0x3] =	sbarrier.arrive $0xFFFF;
	s2 =	simm.s32 @!p0 $0x1C09  }
0x50b: {  	[timem:s3], [sflag:s2] =	dma.local @!p0 [hbm:s0], s1  }
0x50c: {  	s0 =	simm.s32 @!p0 $0x9  }
0x50d: {  	_ =	swait.ge @!p0 [sflag:s0], s1  }
0x50e: {  	s1 =	ssub.s32 @!p0 $0x0, s1;
	[sflag:s0] =	ssyncset.done @!p0 $0x0  }
0x50f: {  	[sflag:s0] =	ssyncadd.s32 @!p0 s1  }
0x510: {  	[bflag:$0x3] =	sbarrier.arrive $0xFFFF  }
0x511: {  	_ =	shalt  }

</sc_bundles>
